<compile_context>
chip_gen: v7x
topology: tpu7x:2x2x1
jax: 0.10.2.dev20260603
libtpu: 0.0.44.dev20260713+nightly
codegen_flags: <defaults>
</compile_context>

<pallas_src>
import functools

import jax
import jax.numpy as jnp
from jax import lax
from jax.experimental import pallas as pl
from jax.experimental.pallas import tpu as pltpu
from jax.experimental.pallas import tpu_sc as plsc

NEG_SLOPE = 0.01
NC = 2
NS = 16
CH = 128

BE = 4000
BN = 2000


def _leaky(x):
    return jnp.where(x >= 0, x, NEG_SLOPE * x)


def _sig(x):
    return jax.nn.sigmoid(x)


def _full_spec(shape):
    return pl.BlockSpec(shape, lambda i: tuple(0 for _ in shape))


def _row_spec(rows, cols, off=0):
    return pl.BlockSpec((rows, cols), lambda i, off=off: (i + off, 0))



def _edge_mlp(efr, esc, We1, be1, We2, be2, Wad1, bad1, Wad2, bad2,
              War1, bar1, War2, bar2):
    E_, F = efr.shape

    def body(efr_ref, esc_ref, We1_ref, be1_ref, We2_ref, be2_ref,
             Wad1_ref, bad1_ref, Wad2_ref, bad2_ref,
             War1_ref, bar1_ref, War2_ref, bar2_ref,
             efnn_ref, wd_ref, wr_ref):
        ef = (efr_ref[...] + 0.0001) / esc_ref[...]
        h = _leaky(jnp.dot(ef, We1_ref[...], preferred_element_type=jnp.float32)
                   + be1_ref[...])
        efnn = _leaky(jnp.dot(h, We2_ref[...], preferred_element_type=jnp.float32)
                      + be2_ref[...])
        efnn_ref[...] = efnn
        ad = _leaky(jnp.dot(efnn, Wad1_ref[...], preferred_element_type=jnp.float32)
                    + bad1_ref[...])
        alpha_d = _sig(jnp.dot(ad, Wad2_ref[...], preferred_element_type=jnp.float32)
                       + bad2_ref[...])
        ar = _leaky(jnp.dot(efnn, War1_ref[...], preferred_element_type=jnp.float32)
                    + bar1_ref[...])
        alpha_r = _sig(jnp.dot(ar, War2_ref[...], preferred_element_type=jnp.float32)
                       + bar2_ref[...])
        onehot = (lax.broadcasted_iota(jnp.int32, (1, 16), 1) == 0).astype(jnp.float32)
        wd_ref[...] = alpha_d * onehot
        wr_ref[...] = alpha_r * onehot

    g = E_ // BE
    return pl.pallas_call(
        body,
        grid=(g,),
        in_specs=[
            _row_spec(BE, F),
            _full_spec(esc.shape), _full_spec(We1.shape), _full_spec(be1.shape),
            _full_spec(We2.shape), _full_spec(be2.shape),
            _full_spec(Wad1.shape), _full_spec(bad1.shape),
            _full_spec(Wad2.shape), _full_spec(bad2.shape),
            _full_spec(War1.shape), _full_spec(bar1.shape),
            _full_spec(War2.shape), _full_spec(bar2.shape),
        ],
        out_specs=[_row_spec(BE, 16), _row_spec(BE, 16), _row_spec(BE, 16)],
        out_shape=[jax.ShapeDtypeStruct((E_, 16), jnp.float32)] * 3,
    )(efr, esc, We1, be1, We2, be2, Wad1, bad1, Wad2, bad2,
      War1, bar1, War2, bar2)


def _node_mlp(X, nsc, Wn1, bn1, Wn2, bn2):
    N_, F = X.shape

    def body(X_ref, nsc_ref, W1_ref, b1_ref, W2_ref, b2_ref, out_ref):
        Xs = X_ref[...] / nsc_ref[...]
        h = _leaky(jnp.dot(Xs, W1_ref[...], preferred_element_type=jnp.float32)
                   + b1_ref[...])
        out_ref[...] = _leaky(jnp.dot(h, W2_ref[...], preferred_element_type=jnp.float32)
                              + b2_ref[...])

    g = N_ // BN
    return pl.pallas_call(
        body,
        grid=(g,),
        in_specs=[_row_spec(BN, F), _full_spec(nsc.shape),
                  _full_spec(Wn1.shape), _full_spec(bn1.shape),
                  _full_spec(Wn2.shape), _full_spec(bn2.shape)],
        out_specs=_row_spec(BN, 16),
        out_shape=jax.ShapeDtypeStruct((N_, 16), jnp.float32),
    )(X, nsc, Wn1, bn1, Wn2, bn2)


def _msg_mlp(g2, wd, wr, Wat, Wab, ba, Wb, bb):
    T, D = g2.shape
    E_ = T // 2
    g = E_ // BE

    def body(xs_ref, xd_ref, wd_ref, wr_ref, Wat_ref, Wab_ref, ba_ref,
             Wb_ref, bb_ref, md_ref, mr_ref):
        x1 = xs_ref[...]
        x2 = xd_ref[...]
        d = x2 - x1
        h = _leaky(jnp.dot(x1, Wat_ref[...], preferred_element_type=jnp.float32)
                   + jnp.dot(d, Wab_ref[...], preferred_element_type=jnp.float32)
                   + ba_ref[...])
        m = _leaky(jnp.dot(h, Wb_ref[...], preferred_element_type=jnp.float32)
                   + bb_ref[...])
        md_ref[...] = m * wd_ref[..., 0:1]
        h2 = _leaky(jnp.dot(x2, Wat_ref[...], preferred_element_type=jnp.float32)
                    - jnp.dot(d, Wab_ref[...], preferred_element_type=jnp.float32)
                    + ba_ref[...])
        m2 = _leaky(jnp.dot(h2, Wb_ref[...], preferred_element_type=jnp.float32)
                    + bb_ref[...])
        mr_ref[...] = m2 * wr_ref[..., 0:1]

    return pl.pallas_call(
        body,
        grid=(g,),
        in_specs=[
            _row_spec(BE, D),
            pl.BlockSpec((BE, D), lambda i, _g=g: (i + _g, 0)),
            _row_spec(BE, 16), _row_spec(BE, 16),
            _full_spec(Wat.shape), _full_spec(Wab.shape), _full_spec(ba.shape),
            _full_spec(Wb.shape), _full_spec(bb.shape),
        ],
        out_specs=[_row_spec(BE, 16), _row_spec(BE, 16)],
        out_shape=[jax.ShapeDtypeStruct((E_, 16), jnp.float32)] * 2,
    )(g2, g2, wd, wr, Wat, Wab, ba, Wb, bb)


def _normalize(macc, wacc, e0, Wat, ba, Wb, bb, nfloat):
    TwoN, D = macc.shape
    N_ = TwoN // 2
    g = N_ // BN

    def body(p0_ref, p1_ref, w0_ref, w1_ref, e0_ref, Wat_ref, ba_ref,
             Wb_ref, bb_ref, out_ref):
        agg = p0_ref[...] + p1_ref[...]
        ws = w0_ref[..., 0:1] + w1_ref[..., 0:1]
        h0 = _leaky(jnp.dot(e0_ref[...], Wat_ref[...],
                            preferred_element_type=jnp.float32) + ba_ref[...])
        m0 = _leaky(jnp.dot(h0, Wb_ref[...], preferred_element_type=jnp.float32)
                    + bb_ref[...])
        is0 = ((lax.broadcasted_iota(jnp.int32, (BN, 1), 0) == 0)
               & (pl.program_id(0) == 0)).astype(jnp.float32)
        out_ref[...] = (agg + is0 * (nfloat * m0)) / (ws + is0 * nfloat + 1e-9)

    return pl.pallas_call(
        body,
        grid=(g,),
        in_specs=[
            _row_spec(BN, D),
            pl.BlockSpec((BN, D), lambda i, _g=g: (i + _g, 0)),
            _row_spec(BN, D),
            pl.BlockSpec((BN, D), lambda i, _g=g: (i + _g, 0)),
            _full_spec(e0.shape),
            _full_spec(Wat.shape), _full_spec(ba.shape),
            _full_spec(Wb.shape), _full_spec(bb.shape),
        ],
        out_specs=_row_spec(BN, D),
        out_shape=jax.ShapeDtypeStruct((N_, D), jnp.float32),
    )(macc, macc, wacc, wacc, e0, Wat, ba, Wb, bb)


def _final_mlp(g2, efnn, efr, esc, Ws, Wd, Wen, Wef, ben1, Wen2, ben2,
               Wo1, bo1, Wo2, bo2):
    T, D = g2.shape
    E_ = T // 2
    g = E_ // BE

    def body(gs_ref, gd_ref, efnn_ref, efr_ref, esc_ref,
             Ws_ref, Wd_ref, Wen_ref, Wef_ref, ben1_ref,
             Wen2_ref, ben2_ref, Wo1_ref, bo1_ref, Wo2_ref, bo2_ref,
             out_ref):
        ef = (efr_ref[...] + 0.0001) / esc_ref[...]
        h = _leaky(jnp.dot(gs_ref[...], Ws_ref[...], preferred_element_type=jnp.float32)
                   + jnp.dot(gd_ref[...], Wd_ref[...], preferred_element_type=jnp.float32)
                   + jnp.dot(efnn_ref[...], Wen_ref[...], preferred_element_type=jnp.float32)
                   + jnp.dot(ef, Wef_ref[...], preferred_element_type=jnp.float32)
                   + ben1_ref[...])
        emb = _leaky(jnp.dot(h, Wen2_ref[...], preferred_element_type=jnp.float32)
                     + ben2_ref[...])
        o = _leaky(jnp.dot(emb, Wo1_ref[...], preferred_element_type=jnp.float32)
                   + bo1_ref[...])
        out_ref[...] = _sig(jnp.dot(o, Wo2_ref[...], preferred_element_type=jnp.float32)
                            + bo2_ref[...])

    return pl.pallas_call(
        body,
        grid=(g,),
        in_specs=[
            _row_spec(BE, D),
            pl.BlockSpec((BE, D), lambda i, _g=g: (i + _g, 0)),
            _row_spec(BE, 16), _row_spec(BE, efr.shape[1]),
            _full_spec(esc.shape),
            _full_spec(Ws.shape), _full_spec(Wd.shape), _full_spec(Wen.shape),
            _full_spec(Wef.shape), _full_spec(ben1.shape),
            _full_spec(Wen2.shape), _full_spec(ben2.shape),
            _full_spec(Wo1.shape), _full_spec(bo1.shape),
            _full_spec(Wo2.shape), _full_spec(bo2.shape),
        ],
        out_specs=_row_spec(BE, 1),
        out_shape=jax.ShapeDtypeStruct((E_, 1), jnp.float32),
    )(g2, g2, efnn, efr, esc, Ws, Wd, Wen, Wef, ben1, Wen2, ben2,
      Wo1, bo1, Wo2, bo2)



def _sc_gather(table, src, dst):
    N_, D = table.shape
    E_ = src.shape[0]
    per_w = E_ // NS
    nfull, rem = divmod(per_w, CH)
    mesh = plsc.VectorSubcoreMesh(core_axis_name="c", subcore_axis_name="s",
                                  num_cores=NC)

    @functools.partial(
        pl.kernel, mesh=mesh,
        out_type=jax.ShapeDtypeStruct((2 * E_, D), jnp.float32),
        compiler_params=pltpu.CompilerParams(use_tc_tiling_on_sc=False),
        scratch_types=[
            pltpu.VMEM((CH,), jnp.int32),
            pltpu.VMEM((CH, D), jnp.float32),
            pltpu.VMEM((max(rem, 8),), jnp.int32),
            pltpu.VMEM((max(rem, 8), D), jnp.float32),
        ],
    )
    def k(table_hbm, src_hbm, dst_hbm, out_hbm, idx_v, rows_v, idx_r, rows_r):
        cid = lax.axis_index("c")
        sid = lax.axis_index("s")
        base = sid * per_w
        obase = cid * E_ + base

        def run(ind_hbm):
            @pl.loop(0, nfull)
            def _(t):
                off = base + t * CH
                pltpu.sync_copy(ind_hbm.at[pl.ds(off, CH)], idx_v)
                pltpu.sync_copy(table_hbm.at[idx_v], rows_v)
                pltpu.sync_copy(rows_v, out_hbm.at[pl.ds(obase + t * CH, CH)])
            if rem:
                off = base + nfull * CH
                pltpu.sync_copy(ind_hbm.at[pl.ds(off, rem)],
                                idx_r.at[pl.ds(0, rem)])
                pltpu.sync_copy(table_hbm.at[idx_r.at[pl.ds(0, rem)]],
                                rows_r.at[pl.ds(0, rem)])
                pltpu.sync_copy(rows_r.at[pl.ds(0, rem)],
                                out_hbm.at[pl.ds(obase + nfull * CH, rem)])

        @pl.when(cid == 0)
        def _():
            run(src_hbm)

        @pl.when(cid == 1)
        def _():
            run(dst_hbm)

    return k(table, src, dst)


def _sc_scatter(vd, vr, src, dst, n_out):
    E_, D = vd.shape
    per_w = E_ // NS
    nfull, rem = divmod(per_w, CH)
    rps = n_out // NS
    ZR = 125
    mesh = plsc.VectorSubcoreMesh(core_axis_name="c", subcore_axis_name="s",
                                  num_cores=NC)

    @functools.partial(
        pl.kernel, mesh=mesh,
        out_type=jax.ShapeDtypeStruct((NC * n_out, D), jnp.float32),
        compiler_params=pltpu.CompilerParams(use_tc_tiling_on_sc=False),
        scratch_types=[
            pltpu.VMEM_SHARED((n_out, D), jnp.float32),
            pltpu.VMEM((CH,), jnp.int32),
            pltpu.VMEM((CH, D), jnp.float32),
            pltpu.VMEM((max(rem, 8),), jnp.int32),
            pltpu.VMEM((max(rem, 8), D), jnp.float32),
            pltpu.VMEM((ZR, D), jnp.float32),
        ],
    )
    def k(vd_hbm, vr_hbm, src_hbm, dst_hbm, out_hbm,
          acc, idx_v, val_v, idx_r, val_r, zbuf):
        cid = lax.axis_index("c")
        sid = lax.axis_index("s")

        @pl.loop(0, ZR)
        def _(i):
            zbuf[i, :] = jnp.zeros((D,), jnp.float32)

        @pl.loop(0, rps // ZR)
        def _(j):
            pltpu.sync_copy(zbuf, acc.at[pl.ds(sid * rps + j * ZR, ZR)])

        plsc.subcore_barrier()
        base = sid * per_w

        def run(val_hbm, ind_hbm):
            @pl.loop(0, nfull)
            def _(t):
                off = base + t * CH
                pltpu.sync_copy(ind_hbm.at[pl.ds(off, CH)], idx_v)
                pltpu.sync_copy(val_hbm.at[pl.ds(off, CH)], val_v)
                pltpu.sync_copy(val_v, acc.at[idx_v], add=True)
            if rem:
                off = base + nfull * CH
                pltpu.sync_copy(ind_hbm.at[pl.ds(off, rem)],
                                idx_r.at[pl.ds(0, rem)])
                pltpu.sync_copy(val_hbm.at[pl.ds(off, rem)],
                                val_r.at[pl.ds(0, rem)])
                pltpu.sync_copy(val_r.at[pl.ds(0, rem)],
                                acc.at[idx_r.at[pl.ds(0, rem)]], add=True)

        @pl.when(cid == 0)
        def _():
            run(vd_hbm, src_hbm)

        @pl.when(cid == 1)
        def _():
            run(vr_hbm, dst_hbm)

        plsc.subcore_barrier()
        pltpu.sync_copy(acc.at[pl.ds(sid * rps, rps)],
                        out_hbm.at[pl.ds(cid * n_out + sid * rps, rps)])

    return k(vd, vr, src, dst)



def kernel(X, edge_features, edge_index, params):
    p = params
    N_ = X.shape[0]
    E_ = edge_features.shape[0]
    src = edge_index[:, 0]
    dst = edge_index[:, 1]

    esc = p['edge_scaler'].reshape(1, -1)
    nsc = p['node_scaler'].reshape(1, -1)

    def b(v):
        return v.reshape(1, -1)

    efnn, wd, wr = _edge_mlp(
        edge_features, esc,
        p['We1'], b(p['be1']), p['We2'], b(p['be2']),
        p['Wad1'], b(p['bad1']), p['Wad2'], b(p['bad2']),
        p['War1'], b(p['bar1']), p['War2'], b(p['bar2']))

    emb = _node_mlp(X, nsc, p['Wn1'], b(p['bn1']), p['Wn2'], b(p['bn2']))

    wacc = _sc_scatter(wd, wr, src, dst, N_)

    for i in range(2):
        Wg_a = p['Wg%da' % i]
        Wat, Wab = Wg_a[:16], Wg_a[16:]
        ba = b(p['bg%da' % i])
        Wb = p['Wg%db' % i]
        bb = b(p['bg%db' % i])
        g2 = _sc_gather(emb, src, dst)
        md, mr = _msg_mlp(g2, wd, wr, Wat, Wab, ba, Wb, bb)
        macc = _sc_scatter(md, mr, src, dst, N_)
        e0 = lax.slice(emb, (0, 0), (1, emb.shape[1]))
        emb = _normalize(macc, wacc, e0, Wat, ba, Wb, bb, float(N_))

    g2 = _sc_gather(emb, src, dst)
    Wen1 = p['Wen1']
    pred = _final_mlp(
        g2, efnn, edge_features, esc,
        Wen1[0:16], Wen1[16:32], Wen1[32:48], Wen1[48:60],
        b(p['ben1']), p['Wen2'], b(p['ben2']),
        p['Wo1'], b(p['bo1']), p['Wo2'], b(p['bo2']))
    return pred

# --- scband reference (transcript-rebuilt; emitter-appended) ---
"""Pipeline reference for scband-gnn-track-linking-net-55499567399311 (READ-ONLY COPY).

The authoritative reference and input builder live on the scoring server;
editing this copy changes nothing except your own understanding.
"""

import jax, jax.numpy as jnp
import numpy as np

N = 50000
E = 800000
IN_DIM = 19
HID = 16
E_FEAT = 12
E_HID = 16
NITERS = 2
NEG_SLOPE = 0.01

def _lin(key, fan_in, fan_out):
    k1, k2 = jax.random.split(key)
    lim = 1.0 / np.sqrt(fan_in)
    W = jax.random.uniform(k1, (fan_in, fan_out), minval=-lim, maxval=lim, dtype=jnp.float32)
    b = jax.random.uniform(k2, (fan_out,), minval=-lim, maxval=lim, dtype=jnp.float32)
    return W, b

def _leaky(x):
    return jnp.where(x >= 0, x, NEG_SLOPE * x)

def setup_inputs(seed: int = 0):
    key = jax.random.key(seed)
    ks = jax.random.split(key, 24)
    X = jax.random.normal(ks[0], (N, IN_DIM), dtype=jnp.float32)
    edge_features = jax.random.uniform(ks[1], (E, E_FEAT), dtype=jnp.float32)
    edge_index = jax.random.randint(ks[2], (E, 2), 0, N, dtype=jnp.int32)
    p = {}
    p['node_scaler'] = jnp.ones((IN_DIM,), dtype=jnp.float32)
    p['edge_scaler'] = jnp.ones((E_FEAT,), dtype=jnp.float32)
    p['Wn1'], p['bn1'] = _lin(ks[3], IN_DIM, HID)
    p['Wn2'], p['bn2'] = _lin(ks[4], HID, HID)
    p['We1'], p['be1'] = _lin(ks[5], E_FEAT, E_HID)
    p['We2'], p['be2'] = _lin(ks[6], E_HID, E_HID)
    p['Wad1'], p['bad1'] = _lin(ks[7], E_HID, E_HID)
    p['Wad2'], p['bad2'] = _lin(ks[8], E_HID, 1)
    p['War1'], p['bar1'] = _lin(ks[9], E_HID, E_HID)
    p['War2'], p['bar2'] = _lin(ks[10], E_HID, 1)
    for i in range(NITERS):
        p['Wg%da' % i], p['bg%da' % i] = _lin(ks[11 + 2 * i], 2 * HID, 2 * HID)
        p['Wg%db' % i], p['bg%db' % i] = _lin(ks[12 + 2 * i], 2 * HID, HID)
    p['Wen1'], p['ben1'] = _lin(ks[15], 2 * HID + E_FEAT + E_HID, HID)
    p['Wen2'], p['ben2'] = _lin(ks[16], HID, HID)
    p['Wo1'], p['bo1'] = _lin(ks[17], HID, HID)
    p['Wo2'], p['bo2'] = _lin(ks[18], HID, 1)
    return {'X': X, 'edge_features': edge_features, 'edge_index': edge_index, 'params': p}

def _forward(X, edge_features, edge_index, p):
    ef = (edge_features + 0.0001) / p['edge_scaler']
    Xs = X / p['node_scaler']
    h = _leaky(ef @ p['We1'] + p['be1'])
    ef_nn = _leaky(h @ p['We2'] + p['be2'])
    a = _leaky(ef_nn @ p['Wad1'] + p['bad1'])
    alpha_dir = jax.nn.sigmoid(a @ p['Wad2'] + p['bad2'])
    a = _leaky(ef_nn @ p['War1'] + p['bar1'])
    alpha_rev = jax.nn.sigmoid(a @ p['War2'] + p['bar2'])
    alpha = jnp.concatenate([alpha_dir, alpha_rev], axis=0)
    h = _leaky(Xs @ p['Wn1'] + p['bn1'])
    node_emb = _leaky(h @ p['Wn2'] + p['bn2'])
    n = X.shape[0]
    src = edge_index[:, 0]
    dst = edge_index[:, 1]
    empty = jnp.zeros((n,), dtype=src.dtype)
    ind_p1 = jnp.concatenate([empty, src, dst])
    ind_p2 = jnp.concatenate([empty, dst, src])
    w = jnp.concatenate([jnp.ones((n, 1), dtype=jnp.float32), alpha], axis=0)
    for i in range(NITERS):
        x1 = node_emb[ind_p1]
        x2 = node_emb[ind_p2]
        m = jnp.concatenate([x1, x2 - x1], axis=-1)
        m = _leaky(m @ p['Wg%da' % i] + p['bg%da' % i])
        m = _leaky(m @ p['Wg%db' % i] + p['bg%db' % i])
        m = m * w
        agg = jax.ops.segment_sum(m, ind_p1, num_segments=n)
        wsum = jax.ops.segment_sum(w, ind_p1, num_segments=n)
        node_emb = agg / (wsum + 1e-9)
    src_emb = node_emb[src]
    dst_emb = node_emb[dst]
    edge_emb = jnp.concatenate([src_emb, dst_emb, ef_nn, ef], axis=-1)
    h = _leaky(edge_emb @ p['Wen1'] + p['ben1'])
    emb = _leaky(h @ p['Wen2'] + p['ben2'])
    o = _leaky(emb @ p['Wo1'] + p['bo1'])
    pred = jax.nn.sigmoid(o @ p['Wo2'] + p['bo2'])
    return pred

def reference(X, edge_features, edge_index, params):
    return _forward(X, edge_features, edge_index, params)

if __name__ == "__main__":
    import jax
    _d = setup_inputs()
    print(jax.jit(kernel)(*tuple(_d.values())))

</pallas_src>

<mosaic_0001>
#map = affine_map<(d0, d1) -> (0, 0)>
#map1 = affine_map<(d0, d1) -> (0)>
module attributes {stable_mosaic.version = 14 : i64} {
  func.func @k(%arg0: i32, %arg1: i32, %arg2: memref<50000x16xf32, #tpu.memory_space<hbm>>, %arg3: memref<800000xi32, #tpu.memory_space<hbm>>, %arg4: memref<800000xi32, #tpu.memory_space<hbm>>, %arg5: memref<1600000x16xf32, #tpu.memory_space<hbm>>, %arg6: memref<128xi32, #tpu.memory_space<vmem>>, %arg7: memref<128x16xf32, #tpu.memory_space<vmem>>, %arg8: memref<80xi32, #tpu.memory_space<vmem>>, %arg9: memref<80x16xf32, #tpu.memory_space<vmem>>) attributes {dimension_semantics = [#tpu.dimension_semantics<core_parallel>, #tpu.dimension_semantics<subcore_parallel>], iteration_bounds = array<i64: 2, 16>, scalar_prefetch = 0 : i64, scratch_operands = 4 : i64, tpu.core_type = #tpu.core_type<sc_vector_subcore>, window_params = [{transform_indices = #map}, {transform_indices = #map1}, {transform_indices = #map1}, {transform_indices = #map}]} {
    %mul3A = arith.constant 50000 : i32
    %mul3A_0 = arith.muli %arg1, %mul3A : i32
    %mul3A_1 = arith.constant 800000 : i32
    %mul3A_2 = arith.muli %arg0, %mul3A_1 : i32
    %add3A = arith.addi %mul3A_2, %mul3A_0 : i32
    %eq3A = arith.constant 0 : i32
    %eq3A_3 = arith.cmpi eq, %arg0, %eq3A : i32
    %convert_element_type3A = arith.extui %eq3A_3 : i1 to i32
    %cond3A = arith.constant 0 : i32
    %cond3A_4 = arith.cmpi ne, %convert_element_type3A, %cond3A : i32
    scf.if %cond3A_4 {
      %scan3A = arith.constant 0 : i32
      %scan3A_10 = arith.constant 390 : i32
      %scan3A_11 = arith.addi %scan3A, %scan3A_10 : i32
      %scan3A_12 = arith.constant 1 : i32
      scf.for %scan3A_18 = %scan3A to %scan3A_11 step %scan3A_12  : i32 {
        %mul3A_19 = arith.constant 1 : i32
        %mul3A_20 = arith.muli %scan3A_18, %mul3A_19 : i32
        %add3A_21 = arith.constant 0 : i32
        %add3A_22 = arith.addi %add3A_21, %mul3A_20 : i32
        %mul3A_23 = arith.constant 128 : i32
        %mul3A_24 = arith.muli %add3A_22, %mul3A_23 : i32
        %add3A_25 = arith.addi %mul3A_0, %mul3A_24 : i32
        "tpu.region"() ({
          %run_scoped3A = tpu.sem_alloc : memref<!tpu.dma_semaphore, #tpu.memory_space<semaphore_mem>>
          %dma_start3A = tpu.memref_slice %arg3[%add3A_25] : memref<800000xi32, #tpu.memory_space<hbm>> -> memref<128xi32, #tpu.memory_space<hbm>>
          %dma_start3A_29 = tpu.memref_slice %arg3[%add3A_25] : memref<800000xi32, #tpu.memory_space<hbm>> -> memref<128xi32, #tpu.memory_space<hbm>>
          tpu.enqueue_dma source(%dma_start3A_29 : memref<128xi32, #tpu.memory_space<hbm>>) target(%arg6 : memref<128xi32, #tpu.memory_space<vmem>>) target_semaphore(%run_scoped3A : memref<!tpu.dma_semaphore, #tpu.memory_space<semaphore_mem>>)
          %dma_wait3A = tpu.memref_slice %arg3[%add3A_25] : memref<800000xi32, #tpu.memory_space<hbm>> -> memref<128xi32, #tpu.memory_space<hbm>>
          %dma_wait3A_30 = tpu.memref_slice %arg3[%add3A_25] : memref<800000xi32, #tpu.memory_space<hbm>> -> memref<128xi32, #tpu.memory_space<hbm>>
          tpu.wait_dma2 semaphore(%run_scoped3A : memref<!tpu.dma_semaphore, #tpu.memory_space<semaphore_mem>>) src(%dma_wait3A_30 : memref<128xi32, #tpu.memory_space<hbm>>) dst(%arg6 : memref<128xi32, #tpu.memory_space<vmem>>)
          tpu.yield
        }) : () -> ()
        "tpu.region"() ({
          %run_scoped3A = tpu.sem_alloc : memref<!tpu.dma_semaphore, #tpu.memory_space<semaphore_mem>>
          %dma_start3A = arith.constant 0 : i32
          %dma_start3A_29 = arith.constant 0 : i32
          %dma_start3A_30 = tpu.memref_slice %arg2[%dma_start3A, %dma_start3A_29] : memref<50000x16xf32, #tpu.memory_space<hbm>> -> memref<50000x16xf32, #tpu.memory_space<hbm>>
          tpu.enqueue_indirect_dma source(%dma_start3A_30 : memref<50000x16xf32, #tpu.memory_space<hbm>>) target(%arg7 : memref<128x16xf32, #tpu.memory_space<vmem>>) offsets(%arg6 : memref<128xi32, #tpu.memory_space<vmem>>) semaphore(%run_scoped3A : memref<!tpu.dma_semaphore, #tpu.memory_space<semaphore_mem>>)
          %dma_wait3A = arith.constant 0 : i32
          %dma_wait3A_31 = arith.constant 0 : i32
          %dma_wait3A_32 = tpu.memref_slice %arg2[%dma_wait3A, %dma_wait3A_31] : memref<50000x16xf32, #tpu.memory_space<hbm>> -> memref<50000x16xf32, #tpu.memory_space<hbm>>
          tpu.wait_indirect_dma semaphore(%run_scoped3A : memref<!tpu.dma_semaphore, #tpu.memory_space<semaphore_mem>>) src(%dma_wait3A_32 : memref<50000x16xf32, #tpu.memory_space<hbm>>) dst(%arg7 : memref<128x16xf32, #tpu.memory_space<vmem>>)
          tpu.yield
        }) : () -> ()
        %mul3A_26 = arith.constant 128 : i32
        %mul3A_27 = arith.muli %add3A_22, %mul3A_26 : i32
        %add3A_28 = arith.addi %add3A, %mul3A_27 : i32
        "tpu.region"() ({
          %run_scoped3A = tpu.sem_alloc : memref<!tpu.dma_semaphore, #tpu.memory_space<semaphore_mem>>
          %dma_start3A = arith.constant 0 : i32
          %dma_start3A_29 = tpu.memref_slice %arg5[%add3A_28, %dma_start3A] : memref<1600000x16xf32, #tpu.memory_space<hbm>> -> memref<128x16xf32, #tpu.memory_space<hbm>>
          %dma_start3A_30 = arith.constant 0 : i32
          %dma_start3A_31 = tpu.memref_slice %arg5[%add3A_28, %dma_start3A_30] : memref<1600000x16xf32, #tpu.memory_space<hbm>> -> memref<128x16xf32, #tpu.memory_space<hbm>>
          tpu.enqueue_dma source(%arg7 : memref<128x16xf32, #tpu.memory_space<vmem>>) target(%dma_start3A_31 : memref<128x16xf32, #tpu.memory_space<hbm>>) target_semaphore(%run_scoped3A : memref<!tpu.dma_semaphore, #tpu.memory_space<semaphore_mem>>)
          %dma_wait3A = arith.constant 0 : i32
          %dma_wait3A_32 = tpu.memref_slice %arg5[%add3A_28, %dma_wait3A] : memref<1600000x16xf32, #tpu.memory_space<hbm>> -> memref<128x16xf32, #tpu.memory_space<hbm>>
          %dma_wait3A_33 = arith.constant 0 : i32
          %dma_wait3A_34 = tpu.memref_slice %arg5[%add3A_28, %dma_wait3A_33] : memref<1600000x16xf32, #tpu.memory_space<hbm>> -> memref<128x16xf32, #tpu.memory_space<hbm>>
          tpu.wait_dma2 semaphore(%run_scoped3A : memref<!tpu.dma_semaphore, #tpu.memory_space<semaphore_mem>>) src(%arg7 : memref<128x16xf32, #tpu.memory_space<vmem>>) dst(%dma_wait3A_34 : memref<128x16xf32, #tpu.memory_space<hbm>>)
          tpu.yield
        }) : () -> ()
      }
      %scan3A_13 = arith.constant 390 : i32
      %add3A_14 = arith.constant 49920 : i32
      %add3A_15 = arith.addi %mul3A_0, %add3A_14 : i32
      "tpu.region"() ({
        %run_scoped3A = tpu.sem_alloc : memref<!tpu.dma_semaphore, #tpu.memory_space<semaphore_mem>>
        %dma_start3A = arith.constant 0 : i32
        %dma_start3A_18 = tpu.memref_slice %arg8[%dma_start3A] : memref<80xi32, #tpu.memory_space<vmem>> -> memref<80xi32, #tpu.memory_space<vmem>>
        %dma_start3A_19 = tpu.memref_slice %arg3[%add3A_15] : memref<800000xi32, #tpu.memory_space<hbm>> -> memref<80xi32, #tpu.memory_space<hbm>>
        %dma_start3A_20 = arith.constant 0 : i32
        %dma_start3A_21 = tpu.memref_slice %arg8[%dma_start3A_20] : memref<80xi32, #tpu.memory_space<vmem>> -> memref<80xi32, #tpu.memory_space<vmem>>
        %dma_start3A_22 = tpu.memref_slice %arg3[%add3A_15] : memref<800000xi32, #tpu.memory_space<hbm>> -> memref<80xi32, #tpu.memory_space<hbm>>
        tpu.enqueue_dma source(%dma_start3A_22 : memref<80xi32, #tpu.memory_space<hbm>>) target(%dma_start3A_21 : memref<80xi32, #tpu.memory_space<vmem>>) target_semaphore(%run_scoped3A : memref<!tpu.dma_semaphore, #tpu.memory_space<semaphore_mem>>)
        %dma_wait3A = arith.constant 0 : i32
        %dma_wait3A_23 = tpu.memref_slice %arg8[%dma_wait3A] : memref<80xi32, #tpu.memory_space<vmem>> -> memref<80xi32, #tpu.memory_space<vmem>>
        %dma_wait3A_24 = tpu.memref_slice %arg3[%add3A_15] : memref<800000xi32, #tpu.memory_space<hbm>> -> memref<80xi32, #tpu.memory_space<hbm>>
        %dma_wait3A_25 = arith.constant 0 : i32
        %dma_wait3A_26 = tpu.memref_slice %arg8[%dma_wait3A_25] : memref<80xi32, #tpu.memory_space<vmem>> -> memref<80xi32, #tpu.memory_space<vmem>>
        %dma_wait3A_27 = tpu.memref_slice %arg3[%add3A_15] : memref<800000xi32, #tpu.memory_space<hbm>> -> memref<80xi32, #tpu.memory_space<hbm>>
        tpu.wait_dma2 semaphore(%run_scoped3A : memref<!tpu.dma_semaphore, #tpu.memory_space<semaphore_mem>>) src(%dma_wait3A_27 : memref<80xi32, #tpu.memory_space<hbm>>) dst(%dma_wait3A_26 : memref<80xi32, #tpu.memory_space<vmem>>)
        tpu.yield
      }) : () -> ()
      "tpu.region"() ({
        %run_scoped3A = tpu.sem_alloc : memref<!tpu.dma_semaphore, #tpu.memory_space<semaphore_mem>>
        %dma_start3A = arith.constant 0 : i32
        %dma_start3A_18 = arith.constant 0 : i32
        %dma_start3A_19 = tpu.memref_slice %arg9[%dma_start3A, %dma_start3A_18] : memref<80x16xf32, #tpu.memory_space<vmem>> -> memref<80x16xf32, #tpu.memory_space<vmem>>
        %dma_start3A_20 = arith.constant 0 : i32
        %dma_start3A_21 = tpu.memref_slice %arg8[%dma_start3A_20] : memref<80xi32, #tpu.memory_space<vmem>> -> memref<80xi32, #tpu.memory_space<vmem>>
        %dma_start3A_22 = arith.constant 0 : i32
        %dma_start3A_23 = arith.constant 0 : i32
        %dma_start3A_24 = tpu.memref_slice %arg2[%dma_start3A_22, %dma_start3A_23] : memref<50000x16xf32, #tpu.memory_space<hbm>> -> memref<50000x16xf32, #tpu.memory_space<hbm>>
        tpu.enqueue_indirect_dma source(%dma_start3A_24 : memref<50000x16xf32, #tpu.memory_space<hbm>>) target(%dma_start3A_19 : memref<80x16xf32, #tpu.memory_space<vmem>>) offsets(%dma_start3A_21 : memref<80xi32, #tpu.memory_space<vmem>>) semaphore(%run_scoped3A : memref<!tpu.dma_semaphore, #tpu.memory_space<semaphore_mem>>)
        %dma_wait3A = arith.constant 0 : i32
        %dma_wait3A_25 = arith.constant 0 : i32
        %dma_wait3A_26 = tpu.memref_slice %arg9[%dma_wait3A, %dma_wait3A_25] : memref<80x16xf32, #tpu.memory_space<vmem>> -> memref<80x16xf32, #tpu.memory_space<vmem>>
        %dma_wait3A_27 = arith.constant 0 : i32
        %dma_wait3A_28 = tpu.memref_slice %arg8[%dma_wait3A_27] : memref<80xi32, #tpu.memory_space<vmem>> -> memref<80xi32, #tpu.memory_space<vmem>>
        %dma_wait3A_29 = arith.constant 0 : i32
        %dma_wait3A_30 = arith.constant 0 : i32
        %dma_wait3A_31 = tpu.memref_slice %arg2[%dma_wait3A_29, %dma_wait3A_30] : memref<50000x16xf32, #tpu.memory_space<hbm>> -> memref<50000x16xf32, #tpu.memory_space<hbm>>
        tpu.wait_indirect_dma semaphore(%run_scoped3A : memref<!tpu.dma_semaphore, #tpu.memory_space<semaphore_mem>>) src(%dma_wait3A_31 : memref<50000x16xf32, #tpu.memory_space<hbm>>) dst(%dma_wait3A_26 : memref<80x16xf32, #tpu.memory_space<vmem>>)
        tpu.yield
      }) : () -> ()
      %add3A_16 = arith.constant 49920 : i32
      %add3A_17 = arith.addi %add3A, %add3A_16 : i32
      "tpu.region"() ({
        %run_scoped3A = tpu.sem_alloc : memref<!tpu.dma_semaphore, #tpu.memory_space<semaphore_mem>>
        %dma_start3A = arith.constant 0 : i32
        %dma_start3A_18 = arith.constant 0 : i32
        %dma_start3A_19 = tpu.memref_slice %arg9[%dma_start3A, %dma_start3A_18] : memref<80x16xf32, #tpu.memory_space<vmem>> -> memref<80x16xf32, #tpu.memory_space<vmem>>
        %dma_start3A_20 = arith.constant 0 : i32
        %dma_start3A_21 = tpu.memref_slice %arg5[%add3A_17, %dma_start3A_20] : memref<1600000x16xf32, #tpu.memory_space<hbm>> -> memref<80x16xf32, #tpu.memory_space<hbm>>
        %dma_start3A_22 = arith.constant 0 : i32
        %dma_start3A_23 = tpu.memref_slice %arg5[%add3A_17, %dma_start3A_22] : memref<1600000x16xf32, #tpu.memory_space<hbm>> -> memref<80x16xf32, #tpu.memory_space<hbm>>
        %dma_start3A_24 = arith.constant 0 : i32
        %dma_start3A_25 = arith.constant 0 : i32
        %dma_start3A_26 = tpu.memref_slice %arg9[%dma_start3A_24, %dma_start3A_25] : memref<80x16xf32, #tpu.memory_space<vmem>> -> memref<80x16xf32, #tpu.memory_space<vmem>>
        tpu.enqueue_dma source(%dma_start3A_26 : memref<80x16xf32, #tpu.memory_space<vmem>>) target(%dma_start3A_23 : memref<80x16xf32, #tpu.memory_space<hbm>>) target_semaphore(%run_scoped3A : memref<!tpu.dma_semaphore, #tpu.memory_space<semaphore_mem>>)
        %dma_wait3A = arith.constant 0 : i32
        %dma_wait3A_27 = arith.constant 0 : i32
        %dma_wait3A_28 = tpu.memref_slice %arg9[%dma_wait3A, %dma_wait3A_27] : memref<80x16xf32, #tpu.memory_space<vmem>> -> memref<80x16xf32, #tpu.memory_space<vmem>>
        %dma_wait3A_29 = arith.constant 0 : i32
        %dma_wait3A_30 = tpu.memref_slice %arg5[%add3A_17, %dma_wait3A_29] : memref<1600000x16xf32, #tpu.memory_space<hbm>> -> memref<80x16xf32, #tpu.memory_space<hbm>>
        %dma_wait3A_31 = arith.constant 0 : i32
        %dma_wait3A_32 = tpu.memref_slice %arg5[%add3A_17, %dma_wait3A_31] : memref<1600000x16xf32, #tpu.memory_space<hbm>> -> memref<80x16xf32, #tpu.memory_space<hbm>>
        %dma_wait3A_33 = arith.constant 0 : i32
        %dma_wait3A_34 = arith.constant 0 : i32
        %dma_wait3A_35 = tpu.memref_slice %arg9[%dma_wait3A_33, %dma_wait3A_34] : memref<80x16xf32, #tpu.memory_space<vmem>> -> memref<80x16xf32, #tpu.memory_space<vmem>>
        tpu.wait_dma2 semaphore(%run_scoped3A : memref<!tpu.dma_semaphore, #tpu.memory_space<semaphore_mem>>) src(%dma_wait3A_35 : memref<80x16xf32, #tpu.memory_space<vmem>>) dst(%dma_wait3A_32 : memref<80x16xf32, #tpu.memory_space<hbm>>)
        tpu.yield
      }) : () -> ()
    } else {
    }
    %eq3A_5 = arith.constant 1 : i32
    %eq3A_6 = arith.cmpi eq, %arg0, %eq3A_5 : i32
    %convert_element_type3A_7 = arith.extui %eq3A_6 : i1 to i32
    %cond3A_8 = arith.constant 0 : i32
    %cond3A_9 = arith.cmpi ne, %convert_element_type3A_7, %cond3A_8 : i32
    scf.if %cond3A_9 {
      %scan3A = arith.constant 0 : i32
      %scan3A_10 = arith.constant 390 : i32
      %scan3A_11 = arith.addi %scan3A, %scan3A_10 : i32
      %scan3A_12 = arith.constant 1 : i32
      scf.for %scan3A_18 = %scan3A to %scan3A_11 step %scan3A_12  : i32 {
        %mul3A_19 = arith.constant 1 : i32
        %mul3A_20 = arith.muli %scan3A_18, %mul3A_19 : i32
        %add3A_21 = arith.constant 0 : i32
        %add3A_22 = arith.addi %add3A_21, %mul3A_20 : i32
        %mul3A_23 = arith.constant 128 : i32
        %mul3A_24 = arith.muli %add3A_22, %mul3A_23 : i32
        %add3A_25 = arith.addi %mul3A_0, %mul3A_24 : i32
        "tpu.region"() ({
          %run_scoped3A = tpu.sem_alloc : memref<!tpu.dma_semaphore, #tpu.memory_space<semaphore_mem>>
          %dma_start3A = tpu.memref_slice %arg4[%add3A_25] : memref<800000xi32, #tpu.memory_space<hbm>> -> memref<128xi32, #tpu.memory_space<hbm>>
          %dma_start3A_29 = tpu.memref_slice %arg4[%add3A_25] : memref<800000xi32, #tpu.memory_space<hbm>> -> memref<128xi32, #tpu.memory_space<hbm>>
          tpu.enqueue_dma source(%dma_start3A_29 : memref<128xi32, #tpu.memory_space<hbm>>) target(%arg6 : memref<128xi32, #tpu.memory_space<vmem>>) target_semaphore(%run_scoped3A : memref<!tpu.dma_semaphore, #tpu.memory_space<semaphore_mem>>)
          %dma_wait3A = tpu.memref_slice %arg4[%add3A_25] : memref<800000xi32, #tpu.memory_space<hbm>> -> memref<128xi32, #tpu.memory_space<hbm>>
          %dma_wait3A_30 = tpu.memref_slice %arg4[%add3A_25] : memref<800000xi32, #tpu.memory_space<hbm>> -> memref<128xi32, #tpu.memory_space<hbm>>
          tpu.wait_dma2 semaphore(%run_scoped3A : memref<!tpu.dma_semaphore, #tpu.memory_space<semaphore_mem>>) src(%dma_wait3A_30 : memref<128xi32, #tpu.memory_space<hbm>>) dst(%arg6 : memref<128xi32, #tpu.memory_space<vmem>>)
          tpu.yield
        }) : () -> ()
        "tpu.region"() ({
          %run_scoped3A = tpu.sem_alloc : memref<!tpu.dma_semaphore, #tpu.memory_space<semaphore_mem>>
          %dma_start3A = arith.constant 0 : i32
          %dma_start3A_29 = arith.constant 0 : i32
          %dma_start3A_30 = tpu.memref_slice %arg2[%dma_start3A, %dma_start3A_29] : memref<50000x16xf32, #tpu.memory_space<hbm>> -> memref<50000x16xf32, #tpu.memory_space<hbm>>
          tpu.enqueue_indirect_dma source(%dma_start3A_30 : memref<50000x16xf32, #tpu.memory_space<hbm>>) target(%arg7 : memref<128x16xf32, #tpu.memory_space<vmem>>) offsets(%arg6 : memref<128xi32, #tpu.memory_space<vmem>>) semaphore(%run_scoped3A : memref<!tpu.dma_semaphore, #tpu.memory_space<semaphore_mem>>)
          %dma_wait3A = arith.constant 0 : i32
          %dma_wait3A_31 = arith.constant 0 : i32
          %dma_wait3A_32 = tpu.memref_slice %arg2[%dma_wait3A, %dma_wait3A_31] : memref<50000x16xf32, #tpu.memory_space<hbm>> -> memref<50000x16xf32, #tpu.memory_space<hbm>>
          tpu.wait_indirect_dma semaphore(%run_scoped3A : memref<!tpu.dma_semaphore, #tpu.memory_space<semaphore_mem>>) src(%dma_wait3A_32 : memref<50000x16xf32, #tpu.memory_space<hbm>>) dst(%arg7 : memref<128x16xf32, #tpu.memory_space<vmem>>)
          tpu.yield
        }) : () -> ()
        %mul3A_26 = arith.constant 128 : i32
        %mul3A_27 = arith.muli %add3A_22, %mul3A_26 : i32
        %add3A_28 = arith.addi %add3A, %mul3A_27 : i32
        "tpu.region"() ({
          %run_scoped3A = tpu.sem_alloc : memref<!tpu.dma_semaphore, #tpu.memory_space<semaphore_mem>>
          %dma_start3A = arith.constant 0 : i32
          %dma_start3A_29 = tpu.memref_slice %arg5[%add3A_28, %dma_start3A] : memref<1600000x16xf32, #tpu.memory_space<hbm>> -> memref<128x16xf32, #tpu.memory_space<hbm>>
          %dma_start3A_30 = arith.constant 0 : i32
          %dma_start3A_31 = tpu.memref_slice %arg5[%add3A_28, %dma_start3A_30] : memref<1600000x16xf32, #tpu.memory_space<hbm>> -> memref<128x16xf32, #tpu.memory_space<hbm>>
          tpu.enqueue_dma source(%arg7 : memref<128x16xf32, #tpu.memory_space<vmem>>) target(%dma_start3A_31 : memref<128x16xf32, #tpu.memory_space<hbm>>) target_semaphore(%run_scoped3A : memref<!tpu.dma_semaphore, #tpu.memory_space<semaphore_mem>>)
          %dma_wait3A = arith.constant 0 : i32
          %dma_wait3A_32 = tpu.memref_slice %arg5[%add3A_28, %dma_wait3A] : memref<1600000x16xf32, #tpu.memory_space<hbm>> -> memref<128x16xf32, #tpu.memory_space<hbm>>
          %dma_wait3A_33 = arith.constant 0 : i32
          %dma_wait3A_34 = tpu.memref_slice %arg5[%add3A_28, %dma_wait3A_33] : memref<1600000x16xf32, #tpu.memory_space<hbm>> -> memref<128x16xf32, #tpu.memory_space<hbm>>
          tpu.wait_dma2 semaphore(%run_scoped3A : memref<!tpu.dma_semaphore, #tpu.memory_space<semaphore_mem>>) src(%arg7 : memref<128x16xf32, #tpu.memory_space<vmem>>) dst(%dma_wait3A_34 : memref<128x16xf32, #tpu.memory_space<hbm>>)
          tpu.yield
        }) : () -> ()
      }
      %scan3A_13 = arith.constant 390 : i32
      %add3A_14 = arith.constant 49920 : i32
      %add3A_15 = arith.addi %mul3A_0, %add3A_14 : i32
      "tpu.region"() ({
        %run_scoped3A = tpu.sem_alloc : memref<!tpu.dma_semaphore, #tpu.memory_space<semaphore_mem>>
        %dma_start3A = arith.constant 0 : i32
        %dma_start3A_18 = tpu.memref_slice %arg8[%dma_start3A] : memref<80xi32, #tpu.memory_space<vmem>> -> memref<80xi32, #tpu.memory_space<vmem>>
        %dma_start3A_19 = tpu.memref_slice %arg4[%add3A_15] : memref<800000xi32, #tpu.memory_space<hbm>> -> memref<80xi32, #tpu.memory_space<hbm>>
        %dma_start3A_20 = arith.constant 0 : i32
        %dma_start3A_21 = tpu.memref_slice %arg8[%dma_start3A_20] : memref<80xi32, #tpu.memory_space<vmem>> -> memref<80xi32, #tpu.memory_space<vmem>>
        %dma_start3A_22 = tpu.memref_slice %arg4[%add3A_15] : memref<800000xi32, #tpu.memory_space<hbm>> -> memref<80xi32, #tpu.memory_space<hbm>>
        tpu.enqueue_dma source(%dma_start3A_22 : memref<80xi32, #tpu.memory_space<hbm>>) target(%dma_start3A_21 : memref<80xi32, #tpu.memory_space<vmem>>) target_semaphore(%run_scoped3A : memref<!tpu.dma_semaphore, #tpu.memory_space<semaphore_mem>>)
        %dma_wait3A = arith.constant 0 : i32
        %dma_wait3A_23 = tpu.memref_slice %arg8[%dma_wait3A] : memref<80xi32, #tpu.memory_space<vmem>> -> memref<80xi32, #tpu.memory_space<vmem>>
        %dma_wait3A_24 = tpu.memref_slice %arg4[%add3A_15] : memref<800000xi32, #tpu.memory_space<hbm>> -> memref<80xi32, #tpu.memory_space<hbm>>
        %dma_wait3A_25 = arith.constant 0 : i32
        %dma_wait3A_26 = tpu.memref_slice %arg8[%dma_wait3A_25] : memref<80xi32, #tpu.memory_space<vmem>> -> memref<80xi32, #tpu.memory_space<vmem>>
        %dma_wait3A_27 = tpu.memref_slice %arg4[%add3A_15] : memref<800000xi32, #tpu.memory_space<hbm>> -> memref<80xi32, #tpu.memory_space<hbm>>
        tpu.wait_dma2 semaphore(%run_scoped3A : memref<!tpu.dma_semaphore, #tpu.memory_space<semaphore_mem>>) src(%dma_wait3A_27 : memref<80xi32, #tpu.memory_space<hbm>>) dst(%dma_wait3A_26 : memref<80xi32, #tpu.memory_space<vmem>>)
        tpu.yield
      }) : () -> ()
      "tpu.region"() ({
        %run_scoped3A = tpu.sem_alloc : memref<!tpu.dma_semaphore, #tpu.memory_space<semaphore_mem>>
        %dma_start3A = arith.constant 0 : i32
        %dma_start3A_18 = arith.constant 0 : i32
        %dma_start3A_19 = tpu.memref_slice %arg9[%dma_start3A, %dma_start3A_18] : memref<80x16xf32, #tpu.memory_space<vmem>> -> memref<80x16xf32, #tpu.memory_space<vmem>>
        %dma_start3A_20 = arith.constant 0 : i32
        %dma_start3A_21 = tpu.memref_slice %arg8[%dma_start3A_20] : memref<80xi32, #tpu.memory_space<vmem>> -> memref<80xi32, #tpu.memory_space<vmem>>
        %dma_start3A_22 = arith.constant 0 : i32
        %dma_start3A_23 = arith.constant 0 : i32
        %dma_start3A_24 = tpu.memref_slice %arg2[%dma_start3A_22, %dma_start3A_23] : memref<50000x16xf32, #tpu.memory_space<hbm>> -> memref<50000x16xf32, #tpu.memory_space<hbm>>
        tpu.enqueue_indirect_dma source(%dma_start3A_24 : memref<50000x16xf32, #tpu.memory_space<hbm>>) target(%dma_start3A_19 : memref<80x16xf32, #tpu.memory_space<vmem>>) offsets(%dma_start3A_21 : memref<80xi32, #tpu.memory_space<vmem>>) semaphore(%run_scoped3A : memref<!tpu.dma_semaphore, #tpu.memory_space<semaphore_mem>>)
        %dma_wait3A = arith.constant 0 : i32
        %dma_wait3A_25 = arith.constant 0 : i32
        %dma_wait3A_26 = tpu.memref_slice %arg9[%dma_wait3A, %dma_wait3A_25] : memref<80x16xf32, #tpu.memory_space<vmem>> -> memref<80x16xf32, #tpu.memory_space<vmem>>
        %dma_wait3A_27 = arith.constant 0 : i32
        %dma_wait3A_28 = tpu.memref_slice %arg8[%dma_wait3A_27] : memref<80xi32, #tpu.memory_space<vmem>> -> memref<80xi32, #tpu.memory_space<vmem>>
        %dma_wait3A_29 = arith.constant 0 : i32
        %dma_wait3A_30 = arith.constant 0 : i32
        %dma_wait3A_31 = tpu.memref_slice %arg2[%dma_wait3A_29, %dma_wait3A_30] : memref<50000x16xf32, #tpu.memory_space<hbm>> -> memref<50000x16xf32, #tpu.memory_space<hbm>>
        tpu.wait_indirect_dma semaphore(%run_scoped3A : memref<!tpu.dma_semaphore, #tpu.memory_space<semaphore_mem>>) src(%dma_wait3A_31 : memref<50000x16xf32, #tpu.memory_space<hbm>>) dst(%dma_wait3A_26 : memref<80x16xf32, #tpu.memory_space<vmem>>)
        tpu.yield
      }) : () -> ()
      %add3A_16 = arith.constant 49920 : i32
      %add3A_17 = arith.addi %add3A, %add3A_16 : i32
      "tpu.region"() ({
        %run_scoped3A = tpu.sem_alloc : memref<!tpu.dma_semaphore, #tpu.memory_space<semaphore_mem>>
        %dma_start3A = arith.constant 0 : i32
        %dma_start3A_18 = arith.constant 0 : i32
        %dma_start3A_19 = tpu.memref_slice %arg9[%dma_start3A, %dma_start3A_18] : memref<80x16xf32, #tpu.memory_space<vmem>> -> memref<80x16xf32, #tpu.memory_space<vmem>>
        %dma_start3A_20 = arith.constant 0 : i32
        %dma_start3A_21 = tpu.memref_slice %arg5[%add3A_17, %dma_start3A_20] : memref<1600000x16xf32, #tpu.memory_space<hbm>> -> memref<80x16xf32, #tpu.memory_space<hbm>>
        %dma_start3A_22 = arith.constant 0 : i32
        %dma_start3A_23 = tpu.memref_slice %arg5[%add3A_17, %dma_start3A_22] : memref<1600000x16xf32, #tpu.memory_space<hbm>> -> memref<80x16xf32, #tpu.memory_space<hbm>>
        %dma_start3A_24 = arith.constant 0 : i32
        %dma_start3A_25 = arith.constant 0 : i32
        %dma_start3A_26 = tpu.memref_slice %arg9[%dma_start3A_24, %dma_start3A_25] : memref<80x16xf32, #tpu.memory_space<vmem>> -> memref<80x16xf32, #tpu.memory_space<vmem>>
        tpu.enqueue_dma source(%dma_start3A_26 : memref<80x16xf32, #tpu.memory_space<vmem>>) target(%dma_start3A_23 : memref<80x16xf32, #tpu.memory_space<hbm>>) target_semaphore(%run_scoped3A : memref<!tpu.dma_semaphore, #tpu.memory_space<semaphore_mem>>)
        %dma_wait3A = arith.constant 0 : i32
        %dma_wait3A_27 = arith.constant 0 : i32
        %dma_wait3A_28 = tpu.memref_slice %arg9[%dma_wait3A, %dma_wait3A_27] : memref<80x16xf32, #tpu.memory_space<vmem>> -> memref<80x16xf32, #tpu.memory_space<vmem>>
        %dma_wait3A_29 = arith.constant 0 : i32
        %dma_wait3A_30 = tpu.memref_slice %arg5[%add3A_17, %dma_wait3A_29] : memref<1600000x16xf32, #tpu.memory_space<hbm>> -> memref<80x16xf32, #tpu.memory_space<hbm>>
        %dma_wait3A_31 = arith.constant 0 : i32
        %dma_wait3A_32 = tpu.memref_slice %arg5[%add3A_17, %dma_wait3A_31] : memref<1600000x16xf32, #tpu.memory_space<hbm>> -> memref<80x16xf32, #tpu.memory_space<hbm>>
        %dma_wait3A_33 = arith.constant 0 : i32
        %dma_wait3A_34 = arith.constant 0 : i32
        %dma_wait3A_35 = tpu.memref_slice %arg9[%dma_wait3A_33, %dma_wait3A_34] : memref<80x16xf32, #tpu.memory_space<vmem>> -> memref<80x16xf32, #tpu.memory_space<vmem>>
        tpu.wait_dma2 semaphore(%run_scoped3A : memref<!tpu.dma_semaphore, #tpu.memory_space<semaphore_mem>>) src(%dma_wait3A_35 : memref<80x16xf32, #tpu.memory_space<vmem>>) dst(%dma_wait3A_32 : memref<80x16xf32, #tpu.memory_space<hbm>>)
        tpu.yield
      }) : () -> ()
    } else {
    }
    return
  }
}

#map = affine_map<(d0, d1) -> (0, 0)>
#map1 = affine_map<(d0, d1) -> (0)>
module attributes {stable_mosaic.version = 14 : i64} {
  func.func @k(%arg0: i32, %arg1: i32, %arg2: memref<800000x16xf32, #tpu.memory_space<hbm>>, %arg3: memref<800000x16xf32, #tpu.memory_space<hbm>>, %arg4: memref<800000xi32, #tpu.memory_space<hbm>>, %arg5: memref<800000xi32, #tpu.memory_space<hbm>>, %arg6: memref<100000x16xf32, #tpu.memory_space<hbm>>, %arg7: memref<50000x16xf32, #tpu.memory_space<vmem_shared>>, %arg8: memref<128xi32, #tpu.memory_space<vmem>>, %arg9: memref<128x16xf32, #tpu.memory_space<vmem>>, %arg10: memref<80xi32, #tpu.memory_space<vmem>>, %arg11: memref<80x16xf32, #tpu.memory_space<vmem>>, %arg12: memref<125x16xf32, #tpu.memory_space<vmem>>) attributes {dimension_semantics = [#tpu.dimension_semantics<core_parallel>, #tpu.dimension_semantics<subcore_parallel>], iteration_bounds = array<i64: 2, 16>, scalar_prefetch = 0 : i64, scratch_operands = 6 : i64, tpu.core_type = #tpu.core_type<sc_vector_subcore>, window_params = [{transform_indices = #map}, {transform_indices = #map}, {transform_indices = #map1}, {transform_indices = #map1}, {transform_indices = #map}]} {
    %scan3A = arith.constant 0 : i32
    %scan3A_0 = arith.constant 125 : i32
    %scan3A_1 = arith.addi %scan3A, %scan3A_0 : i32
    %scan3A_2 = arith.constant 1 : i32
    scf.for %scan3A_24 = %scan3A to %scan3A_1 step %scan3A_2  : i32 {
      %mul3A_25 = arith.constant 1 : i32
      %mul3A_26 = arith.muli %scan3A_24, %mul3A_25 : i32
      %add3A_27 = arith.constant 0 : i32
      %add3A_28 = arith.addi %add3A_27, %mul3A_26 : i32
      %broadcast_in_dim3A = arith.constant 0.000000e+00 : f32
      %broadcast_in_dim3A_29 = vector.broadcast %broadcast_in_dim3A : f32 to vector<16xf32>
      %swap3A = arith.index_cast %add3A_28 : i32 to index
      %swap3A_30 = arith.constant 0 : index
      %swap3A_31 = tpu.vector_load %arg12[%swap3A, %swap3A_30] {strides = array<i32>} : memref<125x16xf32, #tpu.memory_space<vmem>>, vector<1x16xf32>,
      %swap3A_32 = vector.shape_cast %swap3A_31 : vector<1x16xf32> to vector<16xf32>
      %swap3A_33 = vector.shape_cast %broadcast_in_dim3A_29 : vector<16xf32> to vector<1x16xf32>
      tpu.vector_store %arg12[%swap3A, %swap3A_30], %swap3A_33 {strides = array<i32>} : memref<125x16xf32, #tpu.memory_space<vmem>>, vector<1x16xf32>,
    }
    %scan3A_3 = arith.constant 125 : i32
    %scan3A_4 = arith.constant 0 : i32
    %scan3A_5 = arith.constant 25 : i32
    %scan3A_6 = arith.addi %scan3A_4, %scan3A_5 : i32
    %scan3A_7 = arith.constant 1 : i32
    scf.for %scan3A_24 = %scan3A_4 to %scan3A_6 step %scan3A_7  : i32 {
      %mul3A_25 = arith.constant 1 : i32
      %mul3A_26 = arith.muli %scan3A_24, %mul3A_25 : i32
      %add3A_27 = arith.constant 0 : i32
      %add3A_28 = arith.addi %add3A_27, %mul3A_26 : i32
      %mul3A_29 = arith.constant 3125 : i32
      %mul3A_30 = arith.muli %arg1, %mul3A_29 : i32
      %mul3A_31 = arith.constant 125 : i32
      %mul3A_32 = arith.muli %add3A_28, %mul3A_31 : i32
      %add3A_33 = arith.addi %mul3A_30, %mul3A_32 : i32
      "tpu.region"() ({
        %run_scoped3A = tpu.sem_alloc : memref<!tpu.dma_semaphore, #tpu.memory_space<semaphore_mem>>
        %dma_start3A = arith.constant 0 : i32
        %dma_start3A_34 = tpu.memref_slice %arg7[%add3A_33, %dma_start3A] : memref<50000x16xf32, #tpu.memory_space<vmem_shared>> -> memref<125x16xf32, #tpu.memory_space<vmem_shared>>
        %dma_start3A_35 = arith.constant 0 : i32
        %dma_start3A_36 = tpu.memref_slice %arg7[%add3A_33, %dma_start3A_35] : memref<50000x16xf32, #tpu.memory_space<vmem_shared>> -> memref<125x16xf32, #tpu.memory_space<vmem_shared>>
        tpu.enqueue_dma source(%arg12 : memref<125x16xf32, #tpu.memory_space<vmem>>) target(%dma_start3A_36 : memref<125x16xf32, #tpu.memory_space<vmem_shared>>) target_semaphore(%run_scoped3A : memref<!tpu.dma_semaphore, #tpu.memory_space<semaphore_mem>>)
        %dma_wait3A = arith.constant 0 : i32
        %dma_wait3A_37 = tpu.memref_slice %arg7[%add3A_33, %dma_wait3A] : memref<50000x16xf32, #tpu.memory_space<vmem_shared>> -> memref<125x16xf32, #tpu.memory_space<vmem_shared>>
        %dma_wait3A_38 = arith.constant 0 : i32
        %dma_wait3A_39 = tpu.memref_slice %arg7[%add3A_33, %dma_wait3A_38] : memref<50000x16xf32, #tpu.memory_space<vmem_shared>> -> memref<125x16xf32, #tpu.memory_space<vmem_shared>>
        tpu.wait_dma2 semaphore(%run_scoped3A : memref<!tpu.dma_semaphore, #tpu.memory_space<semaphore_mem>>) src(%arg12 : memref<125x16xf32, #tpu.memory_space<vmem>>) dst(%dma_wait3A_39 : memref<125x16xf32, #tpu.memory_space<vmem_shared>>)
        tpu.yield
      }) : () -> ()
    }
    %scan3A_8 = arith.constant 25 : i32
    %barrier3A = arith.constant 0 : index
    tpu.barrier barrier_id(%barrier3A)
    %mul3A = arith.constant 50000 : i32
    %mul3A_9 = arith.muli %arg1, %mul3A : i32
    %eq3A = arith.constant 0 : i32
    %eq3A_10 = arith.cmpi eq, %arg0, %eq3A : i32
    %convert_element_type3A = arith.extui %eq3A_10 : i1 to i32
    %cond3A = arith.constant 0 : i32
    %cond3A_11 = arith.cmpi ne, %convert_element_type3A, %cond3A : i32
    scf.if %cond3A_11 {
      %scan3A_24 = arith.constant 0 : i32
      %scan3A_25 = arith.constant 390 : i32
      %scan3A_26 = arith.addi %scan3A_24, %scan3A_25 : i32
      %scan3A_27 = arith.constant 1 : i32
      scf.for %scan3A_31 = %scan3A_24 to %scan3A_26 step %scan3A_27  : i32 {
        %mul3A_32 = arith.constant 1 : i32
        %mul3A_33 = arith.muli %scan3A_31, %mul3A_32 : i32
        %add3A_34 = arith.constant 0 : i32
        %add3A_35 = arith.addi %add3A_34, %mul3A_33 : i32
        %mul3A_36 = arith.constant 128 : i32
        %mul3A_37 = arith.muli %add3A_35, %mul3A_36 : i32
        %add3A_38 = arith.addi %mul3A_9, %mul3A_37 : i32
        "tpu.region"() ({
          %run_scoped3A = tpu.sem_alloc : memref<!tpu.dma_semaphore, #tpu.memory_space<semaphore_mem>>
          %dma_start3A = tpu.memref_slice %arg4[%add3A_38] : memref<800000xi32, #tpu.memory_space<hbm>> -> memref<128xi32, #tpu.memory_space<hbm>>
          %dma_start3A_39 = tpu.memref_slice %arg4[%add3A_38] : memref<800000xi32, #tpu.memory_space<hbm>> -> memref<128xi32, #tpu.memory_space<hbm>>
          tpu.enqueue_dma source(%dma_start3A_39 : memref<128xi32, #tpu.memory_space<hbm>>) target(%arg8 : memref<128xi32, #tpu.memory_space<vmem>>) target_semaphore(%run_scoped3A : memref<!tpu.dma_semaphore, #tpu.memory_space<semaphore_mem>>)
          %dma_wait3A = tpu.memref_slice %arg4[%add3A_38] : memref<800000xi32, #tpu.memory_space<hbm>> -> memref<128xi32, #tpu.memory_space<hbm>>
          %dma_wait3A_40 = tpu.memref_slice %arg4[%add3A_38] : memref<800000xi32, #tpu.memory_space<hbm>> -> memref<128xi32, #tpu.memory_space<hbm>>
          tpu.wait_dma2 semaphore(%run_scoped3A : memref<!tpu.dma_semaphore, #tpu.memory_space<semaphore_mem>>) src(%dma_wait3A_40 : memref<128xi32, #tpu.memory_space<hbm>>) dst(%arg8 : memref<128xi32, #tpu.memory_space<vmem>>)
          tpu.yield
        }) : () -> ()
        "tpu.region"() ({
          %run_scoped3A = tpu.sem_alloc : memref<!tpu.dma_semaphore, #tpu.memory_space<semaphore_mem>>
          %dma_start3A = arith.constant 0 : i32
          %dma_start3A_39 = tpu.memref_slice %arg2[%add3A_38, %dma_start3A] : memref<800000x16xf32, #tpu.memory_space<hbm>> -> memref<128x16xf32, #tpu.memory_space<hbm>>
          %dma_start3A_40 = arith.constant 0 : i32
          %dma_start3A_41 = tpu.memref_slice %arg2[%add3A_38, %dma_start3A_40] : memref<800000x16xf32, #tpu.memory_space<hbm>> -> memref<128x16xf32, #tpu.memory_space<hbm>>
          tpu.enqueue_dma source(%dma_start3A_41 : memref<128x16xf32, #tpu.memory_space<hbm>>) target(%arg9 : memref<128x16xf32, #tpu.memory_space<vmem>>) target_semaphore(%run_scoped3A : memref<!tpu.dma_semaphore, #tpu.memory_space<semaphore_mem>>)
          %dma_wait3A = arith.constant 0 : i32
          %dma_wait3A_42 = tpu.memref_slice %arg2[%add3A_38, %dma_wait3A] : memref<800000x16xf32, #tpu.memory_space<hbm>> -> memref<128x16xf32, #tpu.memory_space<hbm>>
          %dma_wait3A_43 = arith.constant 0 : i32
          %dma_wait3A_44 = tpu.memref_slice %arg2[%add3A_38, %dma_wait3A_43] : memref<800000x16xf32, #tpu.memory_space<hbm>> -> memref<128x16xf32, #tpu.memory_space<hbm>>
          tpu.wait_dma2 semaphore(%run_scoped3A : memref<!tpu.dma_semaphore, #tpu.memory_space<semaphore_mem>>) src(%dma_wait3A_44 : memref<128x16xf32, #tpu.memory_space<hbm>>) dst(%arg9 : memref<128x16xf32, #tpu.memory_space<vmem>>)
          tpu.yield
        }) : () -> ()
        "tpu.region"() ({
          %run_scoped3A = tpu.sem_alloc : memref<!tpu.dma_semaphore, #tpu.memory_space<semaphore_mem>>
          %dma_start3A = arith.constant 0 : i32
          %dma_start3A_39 = arith.constant 0 : i32
          %dma_start3A_40 = tpu.memref_slice %arg7[%dma_start3A, %dma_start3A_39] : memref<50000x16xf32, #tpu.memory_space<vmem_shared>> -> memref<50000x16xf32, #tpu.memory_space<vmem_shared>>
          tpu.enqueue_indirect_dma source(%arg9 : memref<128x16xf32, #tpu.memory_space<vmem>>) target(%dma_start3A_40 : memref<50000x16xf32, #tpu.memory_space<vmem_shared>>) offsets(%arg8 : memref<128xi32, #tpu.memory_space<vmem>>) semaphore(%run_scoped3A : memref<!tpu.dma_semaphore, #tpu.memory_space<semaphore_mem>>) {add = true}
          %dma_wait3A = arith.constant 0 : i32
          %dma_wait3A_41 = arith.constant 0 : i32
          %dma_wait3A_42 = tpu.memref_slice %arg7[%dma_wait3A, %dma_wait3A_41] : memref<50000x16xf32, #tpu.memory_space<vmem_shared>> -> memref<50000x16xf32, #tpu.memory_space<vmem_shared>>
          tpu.wait_indirect_dma semaphore(%run_scoped3A : memref<!tpu.dma_semaphore, #tpu.memory_space<semaphore_mem>>) src(%arg9 : memref<128x16xf32, #tpu.memory_space<vmem>>) dst(%dma_wait3A_42 : memref<50000x16xf32, #tpu.memory_space<vmem_shared>>)
          tpu.yield
        }) : () -> ()
      }
      %scan3A_28 = arith.constant 390 : i32
      %add3A_29 = arith.constant 49920 : i32
      %add3A_30 = arith.addi %mul3A_9, %add3A_29 : i32
      "tpu.region"() ({
        %run_scoped3A = tpu.sem_alloc : memref<!tpu.dma_semaphore, #tpu.memory_space<semaphore_mem>>
        %dma_start3A = arith.constant 0 : i32
        %dma_start3A_31 = tpu.memref_slice %arg10[%dma_start3A] : memref<80xi32, #tpu.memory_space<vmem>> -> memref<80xi32, #tpu.memory_space<vmem>>
        %dma_start3A_32 = tpu.memref_slice %arg4[%add3A_30] : memref<800000xi32, #tpu.memory_space<hbm>> -> memref<80xi32, #tpu.memory_space<hbm>>
        %dma_start3A_33 = arith.constant 0 : i32
        %dma_start3A_34 = tpu.memref_slice %arg10[%dma_start3A_33] : memref<80xi32, #tpu.memory_space<vmem>> -> memref<80xi32, #tpu.memory_space<vmem>>
        %dma_start3A_35 = tpu.memref_slice %arg4[%add3A_30] : memref<800000xi32, #tpu.memory_space<hbm>> -> memref<80xi32, #tpu.memory_space<hbm>>
        tpu.enqueue_dma source(%dma_start3A_35 : memref<80xi32, #tpu.memory_space<hbm>>) target(%dma_start3A_34 : memref<80xi32, #tpu.memory_space<vmem>>) target_semaphore(%run_scoped3A : memref<!tpu.dma_semaphore, #tpu.memory_space<semaphore_mem>>)
        %dma_wait3A = arith.constant 0 : i32
        %dma_wait3A_36 = tpu.memref_slice %arg10[%dma_wait3A] : memref<80xi32, #tpu.memory_space<vmem>> -> memref<80xi32, #tpu.memory_space<vmem>>
        %dma_wait3A_37 = tpu.memref_slice %arg4[%add3A_30] : memref<800000xi32, #tpu.memory_space<hbm>> -> memref<80xi32, #tpu.memory_space<hbm>>
        %dma_wait3A_38 = arith.constant 0 : i32
        %dma_wait3A_39 = tpu.memref_slice %arg10[%dma_wait3A_38] : memref<80xi32, #tpu.memory_space<vmem>> -> memref<80xi32, #tpu.memory_space<vmem>>
        %dma_wait3A_40 = tpu.memref_slice %arg4[%add3A_30] : memref<800000xi32, #tpu.memory_space<hbm>> -> memref<80xi32, #tpu.memory_space<hbm>>
        tpu.wait_dma2 semaphore(%run_scoped3A : memref<!tpu.dma_semaphore, #tpu.memory_space<semaphore_mem>>) src(%dma_wait3A_40 : memref<80xi32, #tpu.memory_space<hbm>>) dst(%dma_wait3A_39 : memref<80xi32, #tpu.memory_space<vmem>>)
        tpu.yield
      }) : () -> ()
      "tpu.region"() ({
        %run_scoped3A = tpu.sem_alloc : memref<!tpu.dma_semaphore, #tpu.memory_space<semaphore_mem>>
        %dma_start3A = arith.constant 0 : i32
        %dma_start3A_31 = arith.constant 0 : i32
        %dma_start3A_32 = tpu.memref_slice %arg11[%dma_start3A, %dma_start3A_31] : memref<80x16xf32, #tpu.memory_space<vmem>> -> memref<80x16xf32, #tpu.memory_space<vmem>>
        %dma_start3A_33 = arith.constant 0 : i32
        %dma_start3A_34 = tpu.memref_slice %arg2[%add3A_30, %dma_start3A_33] : memref<800000x16xf32, #tpu.memory_space<hbm>> -> memref<80x16xf32, #tpu.memory_space<hbm>>
        %dma_start3A_35 = arith.constant 0 : i32
        %dma_start3A_36 = arith.constant 0 : i32
        %dma_start3A_37 = tpu.memref_slice %arg11[%dma_start3A_35, %dma_start3A_36] : memref<80x16xf32, #tpu.memory_space<vmem>> -> memref<80x16xf32, #tpu.memory_space<vmem>>
        %dma_start3A_38 = arith.constant 0 : i32
        %dma_start3A_39 = tpu.memref_slice %arg2[%add3A_30, %dma_start3A_38] : memref<800000x16xf32, #tpu.memory_space<hbm>> -> memref<80x16xf32, #tpu.memory_space<hbm>>
        tpu.enqueue_dma source(%dma_start3A_39 : memref<80x16xf32, #tpu.memory_space<hbm>>) target(%dma_start3A_37 : memref<80x16xf32, #tpu.memory_space<vmem>>) target_semaphore(%run_scoped3A : memref<!tpu.dma_semaphore, #tpu.memory_space<semaphore_mem>>)
        %dma_wait3A = arith.constant 0 : i32
        %dma_wait3A_40 = arith.constant 0 : i32
        %dma_wait3A_41 = tpu.memref_slice %arg11[%dma_wait3A, %dma_wait3A_40] : memref<80x16xf32, #tpu.memory_space<vmem>> -> memref<80x16xf32, #tpu.memory_space<vmem>>
        %dma_wait3A_42 = arith.constant 0 : i32
        %dma_wait3A_43 = tpu.memref_slice %arg2[%add3A_30, %dma_wait3A_42] : memref<800000x16xf32, #tpu.memory_space<hbm>> -> memref<80x16xf32, #tpu.memory_space<hbm>>
        %dma_wait3A_44 = arith.constant 0 : i32
        %dma_wait3A_45 = arith.constant 0 : i32
        %dma_wait3A_46 = tpu.memref_slice %arg11[%dma_wait3A_44, %dma_wait3A_45] : memref<80x16xf32, #tpu.memory_space<vmem>> -> memref<80x16xf32, #tpu.memory_space<vmem>>
        %dma_wait3A_47 = arith.constant 0 : i32
        %dma_wait3A_48 = tpu.memref_slice %arg2[%add3A_30, %dma_wait3A_47] : memref<800000x16xf32, #tpu.memory_space<hbm>> -> memref<80x16xf32, #tpu.memory_space<hbm>>
        tpu.wait_dma2 semaphore(%run_scoped3A : memref<!tpu.dma_semaphore, #tpu.memory_space<semaphore_mem>>) src(%dma_wait3A_48 : memref<80x16xf32, #tpu.memory_space<hbm>>) dst(%dma_wait3A_46 : memref<80x16xf32, #tpu.memory_space<vmem>>)
        tpu.yield
      }) : () -> ()
      "tpu.region"() ({
        %run_scoped3A = tpu.sem_alloc : memref<!tpu.dma_semaphore, #tpu.memory_space<semaphore_mem>>
        %dma_start3A = arith.constant 0 : i32
        %dma_start3A_31 = arith.constant 0 : i32
        %dma_start3A_32 = tpu.memref_slice %arg11[%dma_start3A, %dma_start3A_31] : memref<80x16xf32, #tpu.memory_space<vmem>> -> memref<80x16xf32, #tpu.memory_space<vmem>>
        %dma_start3A_33 = arith.constant 0 : i32
        %dma_start3A_34 = tpu.memref_slice %arg10[%dma_start3A_33] : memref<80xi32, #tpu.memory_space<vmem>> -> memref<80xi32, #tpu.memory_space<vmem>>
        %dma_start3A_35 = arith.constant 0 : i32
        %dma_start3A_36 = arith.constant 0 : i32
        %dma_start3A_37 = tpu.memref_slice %arg7[%dma_start3A_35, %dma_start3A_36] : memref<50000x16xf32, #tpu.memory_space<vmem_shared>> -> memref<50000x16xf32, #tpu.memory_space<vmem_shared>>
        tpu.enqueue_indirect_dma source(%dma_start3A_32 : memref<80x16xf32, #tpu.memory_space<vmem>>) target(%dma_start3A_37 : memref<50000x16xf32, #tpu.memory_space<vmem_shared>>) offsets(%dma_start3A_34 : memref<80xi32, #tpu.memory_space<vmem>>) semaphore(%run_scoped3A : memref<!tpu.dma_semaphore, #tpu.memory_space<semaphore_mem>>) {add = true}
        %dma_wait3A = arith.constant 0 : i32
        %dma_wait3A_38 = arith.constant 0 : i32
        %dma_wait3A_39 = tpu.memref_slice %arg11[%dma_wait3A, %dma_wait3A_38] : memref<80x16xf32, #tpu.memory_space<vmem>> -> memref<80x16xf32, #tpu.memory_space<vmem>>
        %dma_wait3A_40 = arith.constant 0 : i32
        %dma_wait3A_41 = tpu.memref_slice %arg10[%dma_wait3A_40] : memref<80xi32, #tpu.memory_space<vmem>> -> memref<80xi32, #tpu.memory_space<vmem>>
        %dma_wait3A_42 = arith.constant 0 : i32
        %dma_wait3A_43 = arith.constant 0 : i32
        %dma_wait3A_44 = tpu.memref_slice %arg7[%dma_wait3A_42, %dma_wait3A_43] : memref<50000x16xf32, #tpu.memory_space<vmem_shared>> -> memref<50000x16xf32, #tpu.memory_space<vmem_shared>>
        tpu.wait_indirect_dma semaphore(%run_scoped3A : memref<!tpu.dma_semaphore, #tpu.memory_space<semaphore_mem>>) src(%dma_wait3A_39 : memref<80x16xf32, #tpu.memory_space<vmem>>) dst(%dma_wait3A_44 : memref<50000x16xf32, #tpu.memory_space<vmem_shared>>)
        tpu.yield
      }) : () -> ()
    } else {
    }
    %eq3A_12 = arith.constant 1 : i32
    %eq3A_13 = arith.cmpi eq, %arg0, %eq3A_12 : i32
    %convert_element_type3A_14 = arith.extui %eq3A_13 : i1 to i32
    %cond3A_15 = arith.constant 0 : i32
    %cond3A_16 = arith.cmpi ne, %convert_element_type3A_14, %cond3A_15 : i32
    scf.if %cond3A_16 {
      %scan3A_24 = arith.constant 0 : i32
      %scan3A_25 = arith.constant 390 : i32
      %scan3A_26 = arith.addi %scan3A_24, %scan3A_25 : i32
      %scan3A_27 = arith.constant 1 : i32
      scf.for %scan3A_31 = %scan3A_24 to %scan3A_26 step %scan3A_27  : i32 {
        %mul3A_32 = arith.constant 1 : i32
        %mul3A_33 = arith.muli %scan3A_31, %mul3A_32 : i32
        %add3A_34 = arith.constant 0 : i32
        %add3A_35 = arith.addi %add3A_34, %mul3A_33 : i32
        %mul3A_36 = arith.constant 128 : i32
        %mul3A_37 = arith.muli %add3A_35, %mul3A_36 : i32
        %add3A_38 = arith.addi %mul3A_9, %mul3A_37 : i32
        "tpu.region"() ({
          %run_scoped3A = tpu.sem_alloc : memref<!tpu.dma_semaphore, #tpu.memory_space<semaphore_mem>>
          %dma_start3A = tpu.memref_slice %arg5[%add3A_38] : memref<800000xi32, #tpu.memory_space<hbm>> -> memref<128xi32, #tpu.memory_space<hbm>>
          %dma_start3A_39 = tpu.memref_slice %arg5[%add3A_38] : memref<800000xi32, #tpu.memory_space<hbm>> -> memref<128xi32, #tpu.memory_space<hbm>>
          tpu.enqueue_dma source(%dma_start3A_39 : memref<128xi32, #tpu.memory_space<hbm>>) target(%arg8 : memref<128xi32, #tpu.memory_space<vmem>>) target_semaphore(%run_scoped3A : memref<!tpu.dma_semaphore, #tpu.memory_space<semaphore_mem>>)
          %dma_wait3A = tpu.memref_slice %arg5[%add3A_38] : memref<800000xi32, #tpu.memory_space<hbm>> -> memref<128xi32, #tpu.memory_space<hbm>>
          %dma_wait3A_40 = tpu.memref_slice %arg5[%add3A_38] : memref<800000xi32, #tpu.memory_space<hbm>> -> memref<128xi32, #tpu.memory_space<hbm>>
          tpu.wait_dma2 semaphore(%run_scoped3A : memref<!tpu.dma_semaphore, #tpu.memory_space<semaphore_mem>>) src(%dma_wait3A_40 : memref<128xi32, #tpu.memory_space<hbm>>) dst(%arg8 : memref<128xi32, #tpu.memory_space<vmem>>)
          tpu.yield
        }) : () -> ()
        "tpu.region"() ({
          %run_scoped3A = tpu.sem_alloc : memref<!tpu.dma_semaphore, #tpu.memory_space<semaphore_mem>>
          %dma_start3A = arith.constant 0 : i32
          %dma_start3A_39 = tpu.memref_slice %arg3[%add3A_38, %dma_start3A] : memref<800000x16xf32, #tpu.memory_space<hbm>> -> memref<128x16xf32, #tpu.memory_space<hbm>>
          %dma_start3A_40 = arith.constant 0 : i32
          %dma_start3A_41 = tpu.memref_slice %arg3[%add3A_38, %dma_start3A_40] : memref<800000x16xf32, #tpu.memory_space<hbm>> -> memref<128x16xf32, #tpu.memory_space<hbm>>
          tpu.enqueue_dma source(%dma_start3A_41 : memref<128x16xf32, #tpu.memory_space<hbm>>) target(%arg9 : memref<128x16xf32, #tpu.memory_space<vmem>>) target_semaphore(%run_scoped3A : memref<!tpu.dma_semaphore, #tpu.memory_space<semaphore_mem>>)
          %dma_wait3A = arith.constant 0 : i32
          %dma_wait3A_42 = tpu.memref_slice %arg3[%add3A_38, %dma_wait3A] : memref<800000x16xf32, #tpu.memory_space<hbm>> -> memref<128x16xf32, #tpu.memory_space<hbm>>
          %dma_wait3A_43 = arith.constant 0 : i32
          %dma_wait3A_44 = tpu.memref_slice %arg3[%add3A_38, %dma_wait3A_43] : memref<800000x16xf32, #tpu.memory_space<hbm>> -> memref<128x16xf32, #tpu.memory_space<hbm>>
          tpu.wait_dma2 semaphore(%run_scoped3A : memref<!tpu.dma_semaphore, #tpu.memory_space<semaphore_mem>>) src(%dma_wait3A_44 : memref<128x16xf32, #tpu.memory_space<hbm>>) dst(%arg9 : memref<128x16xf32, #tpu.memory_space<vmem>>)
          tpu.yield
        }) : () -> ()
        "tpu.region"() ({
          %run_scoped3A = tpu.sem_alloc : memref<!tpu.dma_semaphore, #tpu.memory_space<semaphore_mem>>
          %dma_start3A = arith.constant 0 : i32
          %dma_start3A_39 = arith.constant 0 : i32
          %dma_start3A_40 = tpu.memref_slice %arg7[%dma_start3A, %dma_start3A_39] : memref<50000x16xf32, #tpu.memory_space<vmem_shared>> -> memref<50000x16xf32, #tpu.memory_space<vmem_shared>>
          tpu.enqueue_indirect_dma source(%arg9 : memref<128x16xf32, #tpu.memory_space<vmem>>) target(%dma_start3A_40 : memref<50000x16xf32, #tpu.memory_space<vmem_shared>>) offsets(%arg8 : memref<128xi32, #tpu.memory_space<vmem>>) semaphore(%run_scoped3A : memref<!tpu.dma_semaphore, #tpu.memory_space<semaphore_mem>>) {add = true}
          %dma_wait3A = arith.constant 0 : i32
          %dma_wait3A_41 = arith.constant 0 : i32
          %dma_wait3A_42 = tpu.memref_slice %arg7[%dma_wait3A, %dma_wait3A_41] : memref<50000x16xf32, #tpu.memory_space<vmem_shared>> -> memref<50000x16xf32, #tpu.memory_space<vmem_shared>>
          tpu.wait_indirect_dma semaphore(%run_scoped3A : memref<!tpu.dma_semaphore, #tpu.memory_space<semaphore_mem>>) src(%arg9 : memref<128x16xf32, #tpu.memory_space<vmem>>) dst(%dma_wait3A_42 : memref<50000x16xf32, #tpu.memory_space<vmem_shared>>)
          tpu.yield
        }) : () -> ()
      }
      %scan3A_28 = arith.constant 390 : i32
      %add3A_29 = arith.constant 49920 : i32
      %add3A_30 = arith.addi %mul3A_9, %add3A_29 : i32
      "tpu.region"() ({
        %run_scoped3A = tpu.sem_alloc : memref<!tpu.dma_semaphore, #tpu.memory_space<semaphore_mem>>
        %dma_start3A = arith.constant 0 : i32
        %dma_start3A_31 = tpu.memref_slice %arg10[%dma_start3A] : memref<80xi32, #tpu.memory_space<vmem>> -> memref<80xi32, #tpu.memory_space<vmem>>
        %dma_start3A_32 = tpu.memref_slice %arg5[%add3A_30] : memref<800000xi32, #tpu.memory_space<hbm>> -> memref<80xi32, #tpu.memory_space<hbm>>
        %dma_start3A_33 = arith.constant 0 : i32
        %dma_start3A_34 = tpu.memref_slice %arg10[%dma_start3A_33] : memref<80xi32, #tpu.memory_space<vmem>> -> memref<80xi32, #tpu.memory_space<vmem>>
        %dma_start3A_35 = tpu.memref_slice %arg5[%add3A_30] : memref<800000xi32, #tpu.memory_space<hbm>> -> memref<80xi32, #tpu.memory_space<hbm>>
        tpu.enqueue_dma source(%dma_start3A_35 : memref<80xi32, #tpu.memory_space<hbm>>) target(%dma_start3A_34 : memref<80xi32, #tpu.memory_space<vmem>>) target_semaphore(%run_scoped3A : memref<!tpu.dma_semaphore, #tpu.memory_space<semaphore_mem>>)
        %dma_wait3A = arith.constant 0 : i32
        %dma_wait3A_36 = tpu.memref_slice %arg10[%dma_wait3A] : memref<80xi32, #tpu.memory_space<vmem>> -> memref<80xi32, #tpu.memory_space<vmem>>
        %dma_wait3A_37 = tpu.memref_slice %arg5[%add3A_30] : memref<800000xi32, #tpu.memory_space<hbm>> -> memref<80xi32, #tpu.memory_space<hbm>>
        %dma_wait3A_38 = arith.constant 0 : i32
        %dma_wait3A_39 = tpu.memref_slice %arg10[%dma_wait3A_38] : memref<80xi32, #tpu.memory_space<vmem>> -> memref<80xi32, #tpu.memory_space<vmem>>
        %dma_wait3A_40 = tpu.memref_slice %arg5[%add3A_30] : memref<800000xi32, #tpu.memory_space<hbm>> -> memref<80xi32, #tpu.memory_space<hbm>>
        tpu.wait_dma2 semaphore(%run_scoped3A : memref<!tpu.dma_semaphore, #tpu.memory_space<semaphore_mem>>) src(%dma_wait3A_40 : memref<80xi32, #tpu.memory_space<hbm>>) dst(%dma_wait3A_39 : memref<80xi32, #tpu.memory_space<vmem>>)
        tpu.yield
      }) : () -> ()
      "tpu.region"() ({
        %run_scoped3A = tpu.sem_alloc : memref<!tpu.dma_semaphore, #tpu.memory_space<semaphore_mem>>
        %dma_start3A = arith.constant 0 : i32
        %dma_start3A_31 = arith.constant 0 : i32
        %dma_start3A_32 = tpu.memref_slice %arg11[%dma_start3A, %dma_start3A_31] : memref<80x16xf32, #tpu.memory_space<vmem>> -> memref<80x16xf32, #tpu.memory_space<vmem>>
        %dma_start3A_33 = arith.constant 0 : i32
        %dma_start3A_34 = tpu.memref_slice %arg3[%add3A_30, %dma_start3A_33] : memref<800000x16xf32, #tpu.memory_space<hbm>> -> memref<80x16xf32, #tpu.memory_space<hbm>>
        %dma_start3A_35 = arith.constant 0 : i32
        %dma_start3A_36 = arith.constant 0 : i32
        %dma_start3A_37 = tpu.memref_slice %arg11[%dma_start3A_35, %dma_start3A_36] : memref<80x16xf32, #tpu.memory_space<vmem>> -> memref<80x16xf32, #tpu.memory_space<vmem>>
        %dma_start3A_38 = arith.constant 0 : i32
        %dma_start3A_39 = tpu.memref_slice %arg3[%add3A_30, %dma_start3A_38] : memref<800000x16xf32, #tpu.memory_space<hbm>> -> memref<80x16xf32, #tpu.memory_space<hbm>>
        tpu.enqueue_dma source(%dma_start3A_39 : memref<80x16xf32, #tpu.memory_space<hbm>>) target(%dma_start3A_37 : memref<80x16xf32, #tpu.memory_space<vmem>>) target_semaphore(%run_scoped3A : memref<!tpu.dma_semaphore, #tpu.memory_space<semaphore_mem>>)
        %dma_wait3A = arith.constant 0 : i32
        %dma_wait3A_40 = arith.constant 0 : i32
        %dma_wait3A_41 = tpu.memref_slice %arg11[%dma_wait3A, %dma_wait3A_40] : memref<80x16xf32, #tpu.memory_space<vmem>> -> memref<80x16xf32, #tpu.memory_space<vmem>>
        %dma_wait3A_42 = arith.constant 0 : i32
        %dma_wait3A_43 = tpu.memref_slice %arg3[%add3A_30, %dma_wait3A_42] : memref<800000x16xf32, #tpu.memory_space<hbm>> -> memref<80x16xf32, #tpu.memory_space<hbm>>
        %dma_wait3A_44 = arith.constant 0 : i32
        %dma_wait3A_45 = arith.constant 0 : i32
        %dma_wait3A_46 = tpu.memref_slice %arg11[%dma_wait3A_44, %dma_wait3A_45] : memref<80x16xf32, #tpu.memory_space<vmem>> -> memref<80x16xf32, #tpu.memory_space<vmem>>
        %dma_wait3A_47 = arith.constant 0 : i32
        %dma_wait3A_48 = tpu.memref_slice %arg3[%add3A_30, %dma_wait3A_47] : memref<800000x16xf32, #tpu.memory_space<hbm>> -> memref<80x16xf32, #tpu.memory_space<hbm>>
        tpu.wait_dma2 semaphore(%run_scoped3A : memref<!tpu.dma_semaphore, #tpu.memory_space<semaphore_mem>>) src(%dma_wait3A_48 : memref<80x16xf32, #tpu.memory_space<hbm>>) dst(%dma_wait3A_46 : memref<80x16xf32, #tpu.memory_space<vmem>>)
        tpu.yield
      }) : () -> ()
      "tpu.region"() ({
        %run_scoped3A = tpu.sem_alloc : memref<!tpu.dma_semaphore, #tpu.memory_space<semaphore_mem>>
        %dma_start3A = arith.constant 0 : i32
        %dma_start3A_31 = arith.constant 0 : i32
        %dma_start3A_32 = tpu.memref_slice %arg11[%dma_start3A, %dma_start3A_31] : memref<80x16xf32, #tpu.memory_space<vmem>> -> memref<80x16xf32, #tpu.memory_space<vmem>>
        %dma_start3A_33 = arith.constant 0 : i32
        %dma_start3A_34 = tpu.memref_slice %arg10[%dma_start3A_33] : memref<80xi32, #tpu.memory_space<vmem>> -> memref<80xi32, #tpu.memory_space<vmem>>
        %dma_start3A_35 = arith.constant 0 : i32
        %dma_start3A_36 = arith.constant 0 : i32
        %dma_start3A_37 = tpu.memref_slice %arg7[%dma_start3A_35, %dma_start3A_36] : memref<50000x16xf32, #tpu.memory_space<vmem_shared>> -> memref<50000x16xf32, #tpu.memory_space<vmem_shared>>
        tpu.enqueue_indirect_dma source(%dma_start3A_32 : memref<80x16xf32, #tpu.memory_space<vmem>>) target(%dma_start3A_37 : memref<50000x16xf32, #tpu.memory_space<vmem_shared>>) offsets(%dma_start3A_34 : memref<80xi32, #tpu.memory_space<vmem>>) semaphore(%run_scoped3A : memref<!tpu.dma_semaphore, #tpu.memory_space<semaphore_mem>>) {add = true}
        %dma_wait3A = arith.constant 0 : i32
        %dma_wait3A_38 = arith.constant 0 : i32
        %dma_wait3A_39 = tpu.memref_slice %arg11[%dma_wait3A, %dma_wait3A_38] : memref<80x16xf32, #tpu.memory_space<vmem>> -> memref<80x16xf32, #tpu.memory_space<vmem>>
        %dma_wait3A_40 = arith.constant 0 : i32
        %dma_wait3A_41 = tpu.memref_slice %arg10[%dma_wait3A_40] : memref<80xi32, #tpu.memory_space<vmem>> -> memref<80xi32, #tpu.memory_space<vmem>>
        %dma_wait3A_42 = arith.constant 0 : i32
        %dma_wait3A_43 = arith.constant 0 : i32
        %dma_wait3A_44 = tpu.memref_slice %arg7[%dma_wait3A_42, %dma_wait3A_43] : memref<50000x16xf32, #tpu.memory_space<vmem_shared>> -> memref<50000x16xf32, #tpu.memory_space<vmem_shared>>
        tpu.wait_indirect_dma semaphore(%run_scoped3A : memref<!tpu.dma_semaphore, #tpu.memory_space<semaphore_mem>>) src(%dma_wait3A_39 : memref<80x16xf32, #tpu.memory_space<vmem>>) dst(%dma_wait3A_44 : memref<50000x16xf32, #tpu.memory_space<vmem_shared>>)
        tpu.yield
      }) : () -> ()
    } else {
    }
    %barrier3A_17 = arith.constant 0 : index
    tpu.barrier barrier_id(%barrier3A_17)
    %mul3A_18 = arith.constant 3125 : i32
    %mul3A_19 = arith.muli %arg1, %mul3A_18 : i32
    %mul3A_20 = arith.constant 50000 : i32
    %mul3A_21 = arith.muli %arg0, %mul3A_20 : i32
    %mul3A_22 = arith.constant 3125 : i32
    %mul3A_23 = arith.muli %arg1, %mul3A_22 : i32
    %add3A = arith.addi %mul3A_21, %mul3A_23 : i32
    "tpu.region"() ({
      %run_scoped3A = tpu.sem_alloc : memref<!tpu.dma_semaphore, #tpu.memory_space<semaphore_mem>>
      %dma_start3A = arith.constant 0 : i32
      %dma_start3A_24 = tpu.memref_slice %arg6[%add3A, %dma_start3A] : memref<100000x16xf32, #tpu.memory_space<hbm>> -> memref<3125x16xf32, #tpu.memory_space<hbm>>
      %dma_start3A_25 = arith.constant 0 : i32
      %dma_start3A_26 = tpu.memref_slice %arg7[%mul3A_19, %dma_start3A_25] : memref<50000x16xf32, #tpu.memory_space<vmem_shared>> -> memref<3125x16xf32, #tpu.memory_space<vmem_shared>>
      tpu.enqueue_dma source(%dma_start3A_26 : memref<3125x16xf32, #tpu.memory_space<vmem_shared>>) target(%dma_start3A_24 : memref<3125x16xf32, #tpu.memory_space<hbm>>) target_semaphore(%run_scoped3A : memref<!tpu.dma_semaphore, #tpu.memory_space<semaphore_mem>>)
      %dma_wait3A = arith.constant 0 : i32
      %dma_wait3A_27 = tpu.memref_slice %arg6[%add3A, %dma_wait3A] : memref<100000x16xf32, #tpu.memory_space<hbm>> -> memref<3125x16xf32, #tpu.memory_space<hbm>>
      %dma_wait3A_28 = arith.constant 0 : i32
      %dma_wait3A_29 = tpu.memref_slice %arg7[%mul3A_19, %dma_wait3A_28] : memref<50000x16xf32, #tpu.memory_space<vmem_shared>> -> memref<3125x16xf32, #tpu.memory_space<vmem_shared>>
      tpu.wait_dma2 semaphore(%run_scoped3A : memref<!tpu.dma_semaphore, #tpu.memory_space<semaphore_mem>>) src(%dma_wait3A_29 : memref<3125x16xf32, #tpu.memory_space<vmem_shared>>) dst(%dma_wait3A_27 : memref<3125x16xf32, #tpu.memory_space<hbm>>)
      tpu.yield
    }) : () -> ()
    return
  }
}

#map = affine_map<(d0, d1) -> (0, 0)>
#map1 = affine_map<(d0, d1) -> (0)>
module attributes {stable_mosaic.version = 14 : i64} {
  func.func @k(%arg0: i32, %arg1: i32, %arg2: memref<800000x16xf32, #tpu.memory_space<hbm>>, %arg3: memref<800000x16xf32, #tpu.memory_space<hbm>>, %arg4: memref<800000xi32, #tpu.memory_space<hbm>>, %arg5: memref<800000xi32, #tpu.memory_space<hbm>>, %arg6: memref<100000x16xf32, #tpu.memory_space<hbm>>, %arg7: memref<50000x16xf32, #tpu.memory_space<vmem_shared>>, %arg8: memref<128xi32, #tpu.memory_space<vmem>>, %arg9: memref<128x16xf32, #tpu.memory_space<vmem>>, %arg10: memref<80xi32, #tpu.memory_space<vmem>>, %arg11: memref<80x16xf32, #tpu.memory_space<vmem>>, %arg12: memref<125x16xf32, #tpu.memory_space<vmem>>) attributes {dimension_semantics = [#tpu.dimension_semantics<core_parallel>, #tpu.dimension_semantics<subcore_parallel>], iteration_bounds = array<i64: 2, 16>, scalar_prefetch = 0 : i64, scratch_operands = 6 : i64, tpu.core_type = #tpu.core_type<sc_vector_subcore>, window_params = [{transform_indices = #map}, {transform_indices = #map}, {transform_indices = #map1}, {transform_indices = #map1}, {transform_indices = #map}]} {
    %scan3A = arith.constant 0 : i32
    %scan3A_0 = arith.constant 125 : i32
    %scan3A_1 = arith.addi %scan3A, %scan3A_0 : i32
    %scan3A_2 = arith.constant 1 : i32
    scf.for %scan3A_24 = %scan3A to %scan3A_1 step %scan3A_2  : i32 {
      %mul3A_25 = arith.constant 1 : i32
      %mul3A_26 = arith.muli %scan3A_24, %mul3A_25 : i32
      %add3A_27 = arith.constant 0 : i32
      %add3A_28 = arith.addi %add3A_27, %mul3A_26 : i32
      %broadcast_in_dim3A = arith.constant 0.000000e+00 : f32
      %broadcast_in_dim3A_29 = vector.broadcast %broadcast_in_dim3A : f32 to vector<16xf32>
      %swap3A = arith.index_cast %add3A_28 : i32 to index
      %swap3A_30 = arith.constant 0 : index
      %swap3A_31 = tpu.vector_load %arg12[%swap3A, %swap3A_30] {strides = array<i32>} : memref<125x16xf32, #tpu.memory_space<vmem>>, vector<1x16xf32>,
      %swap3A_32 = vector.shape_cast %swap3A_31 : vector<1x16xf32> to vector<16xf32>
      %swap3A_33 = vector.shape_cast %broadcast_in_dim3A_29 : vector<16xf32> to vector<1x16xf32>
      tpu.vector_store %arg12[%swap3A, %swap3A_30], %swap3A_33 {strides = array<i32>} : memref<125x16xf32, #tpu.memory_space<vmem>>, vector<1x16xf32>,
    }
    %scan3A_3 = arith.constant 125 : i32
    %scan3A_4 = arith.constant 0 : i32
    %scan3A_5 = arith.constant 25 : i32
    %scan3A_6 = arith.addi %scan3A_4, %scan3A_5 : i32
    %scan3A_7 = arith.constant 1 : i32
    scf.for %scan3A_24 = %scan3A_4 to %scan3A_6 step %scan3A_7  : i32 {
      %mul3A_25 = arith.constant 1 : i32
      %mul3A_26 = arith.muli %scan3A_24, %mul3A_25 : i32
      %add3A_27 = arith.constant 0 : i32
      %add3A_28 = arith.addi %add3A_27, %mul3A_26 : i32
      %mul3A_29 = arith.constant 3125 : i32
      %mul3A_30 = arith.muli %arg1, %mul3A_29 : i32
      %mul3A_31 = arith.constant 125 : i32
      %mul3A_32 = arith.muli %add3A_28, %mul3A_31 : i32
      %add3A_33 = arith.addi %mul3A_30, %mul3A_32 : i32
      "tpu.region"() ({
        %run_scoped3A = tpu.sem_alloc : memref<!tpu.dma_semaphore, #tpu.memory_space<semaphore_mem>>
        %dma_start3A = arith.constant 0 : i32
        %dma_start3A_34 = tpu.memref_slice %arg7[%add3A_33, %dma_start3A] : memref<50000x16xf32, #tpu.memory_space<vmem_shared>> -> memref<125x16xf32, #tpu.memory_space<vmem_shared>>
        %dma_start3A_35 = arith.constant 0 : i32
        %dma_start3A_36 = tpu.memref_slice %arg7[%add3A_33, %dma_start3A_35] : memref<50000x16xf32, #tpu.memory_space<vmem_shared>> -> memref<125x16xf32, #tpu.memory_space<vmem_shared>>
        tpu.enqueue_dma source(%arg12 : memref<125x16xf32, #tpu.memory_space<vmem>>) target(%dma_start3A_36 : memref<125x16xf32, #tpu.memory_space<vmem_shared>>) target_semaphore(%run_scoped3A : memref<!tpu.dma_semaphore, #tpu.memory_space<semaphore_mem>>)
        %dma_wait3A = arith.constant 0 : i32
        %dma_wait3A_37 = tpu.memref_slice %arg7[%add3A_33, %dma_wait3A] : memref<50000x16xf32, #tpu.memory_space<vmem_shared>> -> memref<125x16xf32, #tpu.memory_space<vmem_shared>>
        %dma_wait3A_38 = arith.constant 0 : i32
        %dma_wait3A_39 = tpu.memref_slice %arg7[%add3A_33, %dma_wait3A_38] : memref<50000x16xf32, #tpu.memory_space<vmem_shared>> -> memref<125x16xf32, #tpu.memory_space<vmem_shared>>
        tpu.wait_dma2 semaphore(%run_scoped3A : memref<!tpu.dma_semaphore, #tpu.memory_space<semaphore_mem>>) src(%arg12 : memref<125x16xf32, #tpu.memory_space<vmem>>) dst(%dma_wait3A_39 : memref<125x16xf32, #tpu.memory_space<vmem_shared>>)
        tpu.yield
      }) : () -> ()
    }
    %scan3A_8 = arith.constant 25 : i32
    %barrier3A = arith.constant 0 : index
    tpu.barrier barrier_id(%barrier3A)
    %mul3A = arith.constant 50000 : i32
    %mul3A_9 = arith.muli %arg1, %mul3A : i32
    %eq3A = arith.constant 0 : i32
    %eq3A_10 = arith.cmpi eq, %arg0, %eq3A : i32
    %convert_element_type3A = arith.extui %eq3A_10 : i1 to i32
    %cond3A = arith.constant 0 : i32
    %cond3A_11 = arith.cmpi ne, %convert_element_type3A, %cond3A : i32
    scf.if %cond3A_11 {
      %scan3A_24 = arith.constant 0 : i32
      %scan3A_25 = arith.constant 390 : i32
      %scan3A_26 = arith.addi %scan3A_24, %scan3A_25 : i32
      %scan3A_27 = arith.constant 1 : i32
      scf.for %scan3A_31 = %scan3A_24 to %scan3A_26 step %scan3A_27  : i32 {
        %mul3A_32 = arith.constant 1 : i32
        %mul3A_33 = arith.muli %scan3A_31, %mul3A_32 : i32
        %add3A_34 = arith.constant 0 : i32
        %add3A_35 = arith.addi %add3A_34, %mul3A_33 : i32
        %mul3A_36 = arith.constant 128 : i32
        %mul3A_37 = arith.muli %add3A_35, %mul3A_36 : i32
        %add3A_38 = arith.addi %mul3A_9, %mul3A_37 : i32
        "tpu.region"() ({
          %run_scoped3A = tpu.sem_alloc : memref<!tpu.dma_semaphore, #tpu.memory_space<semaphore_mem>>
          %dma_start3A = tpu.memref_slice %arg4[%add3A_38] : memref<800000xi32, #tpu.memory_space<hbm>> -> memref<128xi32, #tpu.memory_space<hbm>>
          %dma_start3A_39 = tpu.memref_slice %arg4[%add3A_38] : memref<800000xi32, #tpu.memory_space<hbm>> -> memref<128xi32, #tpu.memory_space<hbm>>
          tpu.enqueue_dma source(%dma_start3A_39 : memref<128xi32, #tpu.memory_space<hbm>>) target(%arg8 : memref<128xi32, #tpu.memory_space<vmem>>) target_semaphore(%run_scoped3A : memref<!tpu.dma_semaphore, #tpu.memory_space<semaphore_mem>>)
          %dma_wait3A = tpu.memref_slice %arg4[%add3A_38] : memref<800000xi32, #tpu.memory_space<hbm>> -> memref<128xi32, #tpu.memory_space<hbm>>
          %dma_wait3A_40 = tpu.memref_slice %arg4[%add3A_38] : memref<800000xi32, #tpu.memory_space<hbm>> -> memref<128xi32, #tpu.memory_space<hbm>>
          tpu.wait_dma2 semaphore(%run_scoped3A : memref<!tpu.dma_semaphore, #tpu.memory_space<semaphore_mem>>) src(%dma_wait3A_40 : memref<128xi32, #tpu.memory_space<hbm>>) dst(%arg8 : memref<128xi32, #tpu.memory_space<vmem>>)
          tpu.yield
        }) : () -> ()
        "tpu.region"() ({
          %run_scoped3A = tpu.sem_alloc : memref<!tpu.dma_semaphore, #tpu.memory_space<semaphore_mem>>
          %dma_start3A = arith.constant 0 : i32
          %dma_start3A_39 = tpu.memref_slice %arg2[%add3A_38, %dma_start3A] : memref<800000x16xf32, #tpu.memory_space<hbm>> -> memref<128x16xf32, #tpu.memory_space<hbm>>
          %dma_start3A_40 = arith.constant 0 : i32
          %dma_start3A_41 = tpu.memref_slice %arg2[%add3A_38, %dma_start3A_40] : memref<800000x16xf32, #tpu.memory_space<hbm>> -> memref<128x16xf32, #tpu.memory_space<hbm>>
          tpu.enqueue_dma source(%dma_start3A_41 : memref<128x16xf32, #tpu.memory_space<hbm>>) target(%arg9 : memref<128x16xf32, #tpu.memory_space<vmem>>) target_semaphore(%run_scoped3A : memref<!tpu.dma_semaphore, #tpu.memory_space<semaphore_mem>>)
          %dma_wait3A = arith.constant 0 : i32
          %dma_wait3A_42 = tpu.memref_slice %arg2[%add3A_38, %dma_wait3A] : memref<800000x16xf32, #tpu.memory_space<hbm>> -> memref<128x16xf32, #tpu.memory_space<hbm>>
          %dma_wait3A_43 = arith.constant 0 : i32
          %dma_wait3A_44 = tpu.memref_slice %arg2[%add3A_38, %dma_wait3A_43] : memref<800000x16xf32, #tpu.memory_space<hbm>> -> memref<128x16xf32, #tpu.memory_space<hbm>>
          tpu.wait_dma2 semaphore(%run_scoped3A : memref<!tpu.dma_semaphore, #tpu.memory_space<semaphore_mem>>) src(%dma_wait3A_44 : memref<128x16xf32, #tpu.memory_space<hbm>>) dst(%arg9 : memref<128x16xf32, #tpu.memory_space<vmem>>)
          tpu.yield
        }) : () -> ()
        "tpu.region"() ({
          %run_scoped3A = tpu.sem_alloc : memref<!tpu.dma_semaphore, #tpu.memory_space<semaphore_mem>>
          %dma_start3A = arith.constant 0 : i32
          %dma_start3A_39 = arith.constant 0 : i32
          %dma_start3A_40 = tpu.memref_slice %arg7[%dma_start3A, %dma_start3A_39] : memref<50000x16xf32, #tpu.memory_space<vmem_shared>> -> memref<50000x16xf32, #tpu.memory_space<vmem_shared>>
          tpu.enqueue_indirect_dma source(%arg9 : memref<128x16xf32, #tpu.memory_space<vmem>>) target(%dma_start3A_40 : memref<50000x16xf32, #tpu.memory_space<vmem_shared>>) offsets(%arg8 : memref<128xi32, #tpu.memory_space<vmem>>) semaphore(%run_scoped3A : memref<!tpu.dma_semaphore, #tpu.memory_space<semaphore_mem>>) {add = true}
          %dma_wait3A = arith.constant 0 : i32
          %dma_wait3A_41 = arith.constant 0 : i32
          %dma_wait3A_42 = tpu.memref_slice %arg7[%dma_wait3A, %dma_wait3A_41] : memref<50000x16xf32, #tpu.memory_space<vmem_shared>> -> memref<50000x16xf32, #tpu.memory_space<vmem_shared>>
          tpu.wait_indirect_dma semaphore(%run_scoped3A : memref<!tpu.dma_semaphore, #tpu.memory_space<semaphore_mem>>) src(%arg9 : memref<128x16xf32, #tpu.memory_space<vmem>>) dst(%dma_wait3A_42 : memref<50000x16xf32, #tpu.memory_space<vmem_shared>>)
          tpu.yield
        }) : () -> ()
      }
      %scan3A_28 = arith.constant 390 : i32
      %add3A_29 = arith.constant 49920 : i32
      %add3A_30 = arith.addi %mul3A_9, %add3A_29 : i32
      "tpu.region"() ({
        %run_scoped3A = tpu.sem_alloc : memref<!tpu.dma_semaphore, #tpu.memory_space<semaphore_mem>>
        %dma_start3A = arith.constant 0 : i32
        %dma_start3A_31 = tpu.memref_slice %arg10[%dma_start3A] : memref<80xi32, #tpu.memory_space<vmem>> -> memref<80xi32, #tpu.memory_space<vmem>>
        %dma_start3A_32 = tpu.memref_slice %arg4[%add3A_30] : memref<800000xi32, #tpu.memory_space<hbm>> -> memref<80xi32, #tpu.memory_space<hbm>>
        %dma_start3A_33 = arith.constant 0 : i32
        %dma_start3A_34 = tpu.memref_slice %arg10[%dma_start3A_33] : memref<80xi32, #tpu.memory_space<vmem>> -> memref<80xi32, #tpu.memory_space<vmem>>
        %dma_start3A_35 = tpu.memref_slice %arg4[%add3A_30] : memref<800000xi32, #tpu.memory_space<hbm>> -> memref<80xi32, #tpu.memory_space<hbm>>
        tpu.enqueue_dma source(%dma_start3A_35 : memref<80xi32, #tpu.memory_space<hbm>>) target(%dma_start3A_34 : memref<80xi32, #tpu.memory_space<vmem>>) target_semaphore(%run_scoped3A : memref<!tpu.dma_semaphore, #tpu.memory_space<semaphore_mem>>)
        %dma_wait3A = arith.constant 0 : i32
        %dma_wait3A_36 = tpu.memref_slice %arg10[%dma_wait3A] : memref<80xi32, #tpu.memory_space<vmem>> -> memref<80xi32, #tpu.memory_space<vmem>>
        %dma_wait3A_37 = tpu.memref_slice %arg4[%add3A_30] : memref<800000xi32, #tpu.memory_space<hbm>> -> memref<80xi32, #tpu.memory_space<hbm>>
        %dma_wait3A_38 = arith.constant 0 : i32
        %dma_wait3A_39 = tpu.memref_slice %arg10[%dma_wait3A_38] : memref<80xi32, #tpu.memory_space<vmem>> -> memref<80xi32, #tpu.memory_space<vmem>>
        %dma_wait3A_40 = tpu.memref_slice %arg4[%add3A_30] : memref<800000xi32, #tpu.memory_space<hbm>> -> memref<80xi32, #tpu.memory_space<hbm>>
        tpu.wait_dma2 semaphore(%run_scoped3A : memref<!tpu.dma_semaphore, #tpu.memory_space<semaphore_mem>>) src(%dma_wait3A_40 : memref<80xi32, #tpu.memory_space<hbm>>) dst(%dma_wait3A_39 : memref<80xi32, #tpu.memory_space<vmem>>)
        tpu.yield
      }) : () -> ()
      "tpu.region"() ({
        %run_scoped3A = tpu.sem_alloc : memref<!tpu.dma_semaphore, #tpu.memory_space<semaphore_mem>>
        %dma_start3A = arith.constant 0 : i32
        %dma_start3A_31 = arith.constant 0 : i32
        %dma_start3A_32 = tpu.memref_slice %arg11[%dma_start3A, %dma_start3A_31] : memref<80x16xf32, #tpu.memory_space<vmem>> -> memref<80x16xf32, #tpu.memory_space<vmem>>
        %dma_start3A_33 = arith.constant 0 : i32
        %dma_start3A_34 = tpu.memref_slice %arg2[%add3A_30, %dma_start3A_33] : memref<800000x16xf32, #tpu.memory_space<hbm>> -> memref<80x16xf32, #tpu.memory_space<hbm>>
        %dma_start3A_35 = arith.constant 0 : i32
        %dma_start3A_36 = arith.constant 0 : i32
        %dma_start3A_37 = tpu.memref_slice %arg11[%dma_start3A_35, %dma_start3A_36] : memref<80x16xf32, #tpu.memory_space<vmem>> -> memref<80x16xf32, #tpu.memory_space<vmem>>
        %dma_start3A_38 = arith.constant 0 : i32
        %dma_start3A_39 = tpu.memref_slice %arg2[%add3A_30, %dma_start3A_38] : memref<800000x16xf32, #tpu.memory_space<hbm>> -> memref<80x16xf32, #tpu.memory_space<hbm>>
        tpu.enqueue_dma source(%dma_start3A_39 : memref<80x16xf32, #tpu.memory_space<hbm>>) target(%dma_start3A_37 : memref<80x16xf32, #tpu.memory_space<vmem>>) target_semaphore(%run_scoped3A : memref<!tpu.dma_semaphore, #tpu.memory_space<semaphore_mem>>)
        %dma_wait3A = arith.constant 0 : i32
        %dma_wait3A_40 = arith.constant 0 : i32
        %dma_wait3A_41 = tpu.memref_slice %arg11[%dma_wait3A, %dma_wait3A_40] : memref<80x16xf32, #tpu.memory_space<vmem>> -> memref<80x16xf32, #tpu.memory_space<vmem>>
        %dma_wait3A_42 = arith.constant 0 : i32
        %dma_wait3A_43 = tpu.memref_slice %arg2[%add3A_30, %dma_wait3A_42] : memref<800000x16xf32, #tpu.memory_space<hbm>> -> memref<80x16xf32, #tpu.memory_space<hbm>>
        %dma_wait3A_44 = arith.constant 0 : i32
        %dma_wait3A_45 = arith.constant 0 : i32
        %dma_wait3A_46 = tpu.memref_slice %arg11[%dma_wait3A_44, %dma_wait3A_45] : memref<80x16xf32, #tpu.memory_space<vmem>> -> memref<80x16xf32, #tpu.memory_space<vmem>>
        %dma_wait3A_47 = arith.constant 0 : i32
        %dma_wait3A_48 = tpu.memref_slice %arg2[%add3A_30, %dma_wait3A_47] : memref<800000x16xf32, #tpu.memory_space<hbm>> -> memref<80x16xf32, #tpu.memory_space<hbm>>
        tpu.wait_dma2 semaphore(%run_scoped3A : memref<!tpu.dma_semaphore, #tpu.memory_space<semaphore_mem>>) src(%dma_wait3A_48 : memref<80x16xf32, #tpu.memory_space<hbm>>) dst(%dma_wait3A_46 : memref<80x16xf32, #tpu.memory_space<vmem>>)
        tpu.yield
      }) : () -> ()
      "tpu.region"() ({
        %run_scoped3A = tpu.sem_alloc : memref<!tpu.dma_semaphore, #tpu.memory_space<semaphore_mem>>
        %dma_start3A = arith.constant 0 : i32
        %dma_start3A_31 = arith.constant 0 : i32
        %dma_start3A_32 = tpu.memref_slice %arg11[%dma_start3A, %dma_start3A_31] : memref<80x16xf32, #tpu.memory_space<vmem>> -> memref<80x16xf32, #tpu.memory_space<vmem>>
        %dma_start3A_33 = arith.constant 0 : i32
        %dma_start3A_34 = tpu.memref_slice %arg10[%dma_start3A_33] : memref<80xi32, #tpu.memory_space<vmem>> -> memref<80xi32, #tpu.memory_space<vmem>>
        %dma_start3A_35 = arith.constant 0 : i32
        %dma_start3A_36 = arith.constant 0 : i32
        %dma_start3A_37 = tpu.memref_slice %arg7[%dma_start3A_35, %dma_start3A_36] : memref<50000x16xf32, #tpu.memory_space<vmem_shared>> -> memref<50000x16xf32, #tpu.memory_space<vmem_shared>>
        tpu.enqueue_indirect_dma source(%dma_start3A_32 : memref<80x16xf32, #tpu.memory_space<vmem>>) target(%dma_start3A_37 : memref<50000x16xf32, #tpu.memory_space<vmem_shared>>) offsets(%dma_start3A_34 : memref<80xi32, #tpu.memory_space<vmem>>) semaphore(%run_scoped3A : memref<!tpu.dma_semaphore, #tpu.memory_space<semaphore_mem>>) {add = true}
        %dma_wait3A = arith.constant 0 : i32
        %dma_wait3A_38 = arith.constant 0 : i32
        %dma_wait3A_39 = tpu.memref_slice %arg11[%dma_wait3A, %dma_wait3A_38] : memref<80x16xf32, #tpu.memory_space<vmem>> -> memref<80x16xf32, #tpu.memory_space<vmem>>
        %dma_wait3A_40 = arith.constant 0 : i32
        %dma_wait3A_41 = tpu.memref_slice %arg10[%dma_wait3A_40] : memref<80xi32, #tpu.memory_space<vmem>> -> memref<80xi32, #tpu.memory_space<vmem>>
        %dma_wait3A_42 = arith.constant 0 : i32
        %dma_wait3A_43 = arith.constant 0 : i32
        %dma_wait3A_44 = tpu.memref_slice %arg7[%dma_wait3A_42, %dma_wait3A_43] : memref<50000x16xf32, #tpu.memory_space<vmem_shared>> -> memref<50000x16xf32, #tpu.memory_space<vmem_shared>>
        tpu.wait_indirect_dma semaphore(%run_scoped3A : memref<!tpu.dma_semaphore, #tpu.memory_space<semaphore_mem>>) src(%dma_wait3A_39 : memref<80x16xf32, #tpu.memory_space<vmem>>) dst(%dma_wait3A_44 : memref<50000x16xf32, #tpu.memory_space<vmem_shared>>)
        tpu.yield
      }) : () -> ()
    } else {
    }
    %eq3A_12 = arith.constant 1 : i32
    %eq3A_13 = arith.cmpi eq, %arg0, %eq3A_12 : i32
    %convert_element_type3A_14 = arith.extui %eq3A_13 : i1 to i32
    %cond3A_15 = arith.constant 0 : i32
    %cond3A_16 = arith.cmpi ne, %convert_element_type3A_14, %cond3A_15 : i32
    scf.if %cond3A_16 {
      %scan3A_24 = arith.constant 0 : i32
      %scan3A_25 = arith.constant 390 : i32
      %scan3A_26 = arith.addi %scan3A_24, %scan3A_25 : i32
      %scan3A_27 = arith.constant 1 : i32
      scf.for %scan3A_31 = %scan3A_24 to %scan3A_26 step %scan3A_27  : i32 {
        %mul3A_32 = arith.constant 1 : i32
        %mul3A_33 = arith.muli %scan3A_31, %mul3A_32 : i32
        %add3A_34 = arith.constant 0 : i32
        %add3A_35 = arith.addi %add3A_34, %mul3A_33 : i32
        %mul3A_36 = arith.constant 128 : i32
        %mul3A_37 = arith.muli %add3A_35, %mul3A_36 : i32
        %add3A_38 = arith.addi %mul3A_9, %mul3A_37 : i32
        "tpu.region"() ({
          %run_scoped3A = tpu.sem_alloc : memref<!tpu.dma_semaphore, #tpu.memory_space<semaphore_mem>>
          %dma_start3A = tpu.memref_slice %arg5[%add3A_38] : memref<800000xi32, #tpu.memory_space<hbm>> -> memref<128xi32, #tpu.memory_space<hbm>>
          %dma_start3A_39 = tpu.memref_slice %arg5[%add3A_38] : memref<800000xi32, #tpu.memory_space<hbm>> -> memref<128xi32, #tpu.memory_space<hbm>>
          tpu.enqueue_dma source(%dma_start3A_39 : memref<128xi32, #tpu.memory_space<hbm>>) target(%arg8 : memref<128xi32, #tpu.memory_space<vmem>>) target_semaphore(%run_scoped3A : memref<!tpu.dma_semaphore, #tpu.memory_space<semaphore_mem>>)
          %dma_wait3A = tpu.memref_slice %arg5[%add3A_38] : memref<800000xi32, #tpu.memory_space<hbm>> -> memref<128xi32, #tpu.memory_space<hbm>>
          %dma_wait3A_40 = tpu.memref_slice %arg5[%add3A_38] : memref<800000xi32, #tpu.memory_space<hbm>> -> memref<128xi32, #tpu.memory_space<hbm>>
          tpu.wait_dma2 semaphore(%run_scoped3A : memref<!tpu.dma_semaphore, #tpu.memory_space<semaphore_mem>>) src(%dma_wait3A_40 : memref<128xi32, #tpu.memory_space<hbm>>) dst(%arg8 : memref<128xi32, #tpu.memory_space<vmem>>)
          tpu.yield
        }) : () -> ()
        "tpu.region"() ({
          %run_scoped3A = tpu.sem_alloc : memref<!tpu.dma_semaphore, #tpu.memory_space<semaphore_mem>>
          %dma_start3A = arith.constant 0 : i32
          %dma_start3A_39 = tpu.memref_slice %arg3[%add3A_38, %dma_start3A] : memref<800000x16xf32, #tpu.memory_space<hbm>> -> memref<128x16xf32, #tpu.memory_space<hbm>>
          %dma_start3A_40 = arith.constant 0 : i32
          %dma_start3A_41 = tpu.memref_slice %arg3[%add3A_38, %dma_start3A_40] : memref<800000x16xf32, #tpu.memory_space<hbm>> -> memref<128x16xf32, #tpu.memory_space<hbm>>
          tpu.enqueue_dma source(%dma_start3A_41 : memref<128x16xf32, #tpu.memory_space<hbm>>) target(%arg9 : memref<128x16xf32, #tpu.memory_space<vmem>>) target_semaphore(%run_scoped3A : memref<!tpu.dma_semaphore, #tpu.memory_space<semaphore_mem>>)
          %dma_wait3A = arith.constant 0 : i32
          %dma_wait3A_42 = tpu.memref_slice %arg3[%add3A_38, %dma_wait3A] : memref<800000x16xf32, #tpu.memory_space<hbm>> -> memref<128x16xf32, #tpu.memory_space<hbm>>
          %dma_wait3A_43 = arith.constant 0 : i32
          %dma_wait3A_44 = tpu.memref_slice %arg3[%add3A_38, %dma_wait3A_43] : memref<800000x16xf32, #tpu.memory_space<hbm>> -> memref<128x16xf32, #tpu.memory_space<hbm>>
          tpu.wait_dma2 semaphore(%run_scoped3A : memref<!tpu.dma_semaphore, #tpu.memory_space<semaphore_mem>>) src(%dma_wait3A_44 : memref<128x16xf32, #tpu.memory_space<hbm>>) dst(%arg9 : memref<128x16xf32, #tpu.memory_space<vmem>>)
          tpu.yield
        }) : () -> ()
        "tpu.region"() ({
          %run_scoped3A = tpu.sem_alloc : memref<!tpu.dma_semaphore, #tpu.memory_space<semaphore_mem>>
          %dma_start3A = arith.constant 0 : i32
          %dma_start3A_39 = arith.constant 0 : i32
          %dma_start3A_40 = tpu.memref_slice %arg7[%dma_start3A, %dma_start3A_39] : memref<50000x16xf32, #tpu.memory_space<vmem_shared>> -> memref<50000x16xf32, #tpu.memory_space<vmem_shared>>
          tpu.enqueue_indirect_dma source(%arg9 : memref<128x16xf32, #tpu.memory_space<vmem>>) target(%dma_start3A_40 : memref<50000x16xf32, #tpu.memory_space<vmem_shared>>) offsets(%arg8 : memref<128xi32, #tpu.memory_space<vmem>>) semaphore(%run_scoped3A : memref<!tpu.dma_semaphore, #tpu.memory_space<semaphore_mem>>) {add = true}
          %dma_wait3A = arith.constant 0 : i32
          %dma_wait3A_41 = arith.constant 0 : i32
          %dma_wait3A_42 = tpu.memref_slice %arg7[%dma_wait3A, %dma_wait3A_41] : memref<50000x16xf32, #tpu.memory_space<vmem_shared>> -> memref<50000x16xf32, #tpu.memory_space<vmem_shared>>
          tpu.wait_indirect_dma semaphore(%run_scoped3A : memref<!tpu.dma_semaphore, #tpu.memory_space<semaphore_mem>>) src(%arg9 : memref<128x16xf32, #tpu.memory_space<vmem>>) dst(%dma_wait3A_42 : memref<50000x16xf32, #tpu.memory_space<vmem_shared>>)
          tpu.yield
        }) : () -> ()
      }
      %scan3A_28 = arith.constant 390 : i32
      %add3A_29 = arith.constant 49920 : i32
      %add3A_30 = arith.addi %mul3A_9, %add3A_29 : i32
      "tpu.region"() ({
        %run_scoped3A = tpu.sem_alloc : memref<!tpu.dma_semaphore, #tpu.memory_space<semaphore_mem>>
        %dma_start3A = arith.constant 0 : i32
        %dma_start3A_31 = tpu.memref_slice %arg10[%dma_start3A] : memref<80xi32, #tpu.memory_space<vmem>> -> memref<80xi32, #tpu.memory_space<vmem>>
        %dma_start3A_32 = tpu.memref_slice %arg5[%add3A_30] : memref<800000xi32, #tpu.memory_space<hbm>> -> memref<80xi32, #tpu.memory_space<hbm>>
        %dma_start3A_33 = arith.constant 0 : i32
        %dma_start3A_34 = tpu.memref_slice %arg10[%dma_start3A_33] : memref<80xi32, #tpu.memory_space<vmem>> -> memref<80xi32, #tpu.memory_space<vmem>>
        %dma_start3A_35 = tpu.memref_slice %arg5[%add3A_30] : memref<800000xi32, #tpu.memory_space<hbm>> -> memref<80xi32, #tpu.memory_space<hbm>>
        tpu.enqueue_dma source(%dma_start3A_35 : memref<80xi32, #tpu.memory_space<hbm>>) target(%dma_start3A_34 : memref<80xi32, #tpu.memory_space<vmem>>) target_semaphore(%run_scoped3A : memref<!tpu.dma_semaphore, #tpu.memory_space<semaphore_mem>>)
        %dma_wait3A = arith.constant 0 : i32
        %dma_wait3A_36 = tpu.memref_slice %arg10[%dma_wait3A] : memref<80xi32, #tpu.memory_space<vmem>> -> memref<80xi32, #tpu.memory_space<vmem>>
        %dma_wait3A_37 = tpu.memref_slice %arg5[%add3A_30] : memref<800000xi32, #tpu.memory_space<hbm>> -> memref<80xi32, #tpu.memory_space<hbm>>
        %dma_wait3A_38 = arith.constant 0 : i32
        %dma_wait3A_39 = tpu.memref_slice %arg10[%dma_wait3A_38] : memref<80xi32, #tpu.memory_space<vmem>> -> memref<80xi32, #tpu.memory_space<vmem>>
        %dma_wait3A_40 = tpu.memref_slice %arg5[%add3A_30] : memref<800000xi32, #tpu.memory_space<hbm>> -> memref<80xi32, #tpu.memory_space<hbm>>
        tpu.wait_dma2 semaphore(%run_scoped3A : memref<!tpu.dma_semaphore, #tpu.memory_space<semaphore_mem>>) src(%dma_wait3A_40 : memref<80xi32, #tpu.memory_space<hbm>>) dst(%dma_wait3A_39 : memref<80xi32, #tpu.memory_space<vmem>>)
        tpu.yield
      }) : () -> ()
      "tpu.region"() ({
        %run_scoped3A = tpu.sem_alloc : memref<!tpu.dma_semaphore, #tpu.memory_space<semaphore_mem>>
        %dma_start3A = arith.constant 0 : i32
        %dma_start3A_31 = arith.constant 0 : i32
        %dma_start3A_32 = tpu.memref_slice %arg11[%dma_start3A, %dma_start3A_31] : memref<80x16xf32, #tpu.memory_space<vmem>> -> memref<80x16xf32, #tpu.memory_space<vmem>>
        %dma_start3A_33 = arith.constant 0 : i32
        %dma_start3A_34 = tpu.memref_slice %arg3[%add3A_30, %dma_start3A_33] : memref<800000x16xf32, #tpu.memory_space<hbm>> -> memref<80x16xf32, #tpu.memory_space<hbm>>
        %dma_start3A_35 = arith.constant 0 : i32
        %dma_start3A_36 = arith.constant 0 : i32
        %dma_start3A_37 = tpu.memref_slice %arg11[%dma_start3A_35, %dma_start3A_36] : memref<80x16xf32, #tpu.memory_space<vmem>> -> memref<80x16xf32, #tpu.memory_space<vmem>>
        %dma_start3A_38 = arith.constant 0 : i32
        %dma_start3A_39 = tpu.memref_slice %arg3[%add3A_30, %dma_start3A_38] : memref<800000x16xf32, #tpu.memory_space<hbm>> -> memref<80x16xf32, #tpu.memory_space<hbm>>
        tpu.enqueue_dma source(%dma_start3A_39 : memref<80x16xf32, #tpu.memory_space<hbm>>) target(%dma_start3A_37 : memref<80x16xf32, #tpu.memory_space<vmem>>) target_semaphore(%run_scoped3A : memref<!tpu.dma_semaphore, #tpu.memory_space<semaphore_mem>>)
        %dma_wait3A = arith.constant 0 : i32
        %dma_wait3A_40 = arith.constant 0 : i32
        %dma_wait3A_41 = tpu.memref_slice %arg11[%dma_wait3A, %dma_wait3A_40] : memref<80x16xf32, #tpu.memory_space<vmem>> -> memref<80x16xf32, #tpu.memory_space<vmem>>
        %dma_wait3A_42 = arith.constant 0 : i32
        %dma_wait3A_43 = tpu.memref_slice %arg3[%add3A_30, %dma_wait3A_42] : memref<800000x16xf32, #tpu.memory_space<hbm>> -> memref<80x16xf32, #tpu.memory_space<hbm>>
        %dma_wait3A_44 = arith.constant 0 : i32
        %dma_wait3A_45 = arith.constant 0 : i32
        %dma_wait3A_46 = tpu.memref_slice %arg11[%dma_wait3A_44, %dma_wait3A_45] : memref<80x16xf32, #tpu.memory_space<vmem>> -> memref<80x16xf32, #tpu.memory_space<vmem>>
        %dma_wait3A_47 = arith.constant 0 : i32
        %dma_wait3A_48 = tpu.memref_slice %arg3[%add3A_30, %dma_wait3A_47] : memref<800000x16xf32, #tpu.memory_space<hbm>> -> memref<80x16xf32, #tpu.memory_space<hbm>>
        tpu.wait_dma2 semaphore(%run_scoped3A : memref<!tpu.dma_semaphore, #tpu.memory_space<semaphore_mem>>) src(%dma_wait3A_48 : memref<80x16xf32, #tpu.memory_space<hbm>>) dst(%dma_wait3A_46 : memref<80x16xf32, #tpu.memory_space<vmem>>)
        tpu.yield
      }) : () -> ()
      "tpu.region"() ({
        %run_scoped3A = tpu.sem_alloc : memref<!tpu.dma_semaphore, #tpu.memory_space<semaphore_mem>>
        %dma_start3A = arith.constant 0 : i32
        %dma_start3A_31 = arith.constant 0 : i32
        %dma_start3A_32 = tpu.memref_slice %arg11[%dma_start3A, %dma_start3A_31] : memref<80x16xf32, #tpu.memory_space<vmem>> -> memref<80x16xf32, #tpu.memory_space<vmem>>
        %dma_start3A_33 = arith.constant 0 : i32
        %dma_start3A_34 = tpu.memref_slice %arg10[%dma_start3A_33] : memref<80xi32, #tpu.memory_space<vmem>> -> memref<80xi32, #tpu.memory_space<vmem>>
        %dma_start3A_35 = arith.constant 0 : i32
        %dma_start3A_36 = arith.constant 0 : i32
        %dma_start3A_37 = tpu.memref_slice %arg7[%dma_start3A_35, %dma_start3A_36] : memref<50000x16xf32, #tpu.memory_space<vmem_shared>> -> memref<50000x16xf32, #tpu.memory_space<vmem_shared>>
        tpu.enqueue_indirect_dma source(%dma_start3A_32 : memref<80x16xf32, #tpu.memory_space<vmem>>) target(%dma_start3A_37 : memref<50000x16xf32, #tpu.memory_space<vmem_shared>>) offsets(%dma_start3A_34 : memref<80xi32, #tpu.memory_space<vmem>>) semaphore(%run_scoped3A : memref<!tpu.dma_semaphore, #tpu.memory_space<semaphore_mem>>) {add = true}
        %dma_wait3A = arith.constant 0 : i32
        %dma_wait3A_38 = arith.constant 0 : i32
        %dma_wait3A_39 = tpu.memref_slice %arg11[%dma_wait3A, %dma_wait3A_38] : memref<80x16xf32, #tpu.memory_space<vmem>> -> memref<80x16xf32, #tpu.memory_space<vmem>>
        %dma_wait3A_40 = arith.constant 0 : i32
        %dma_wait3A_41 = tpu.memref_slice %arg10[%dma_wait3A_40] : memref<80xi32, #tpu.memory_space<vmem>> -> memref<80xi32, #tpu.memory_space<vmem>>
        %dma_wait3A_42 = arith.constant 0 : i32
        %dma_wait3A_43 = arith.constant 0 : i32
        %dma_wait3A_44 = tpu.memref_slice %arg7[%dma_wait3A_42, %dma_wait3A_43] : memref<50000x16xf32, #tpu.memory_space<vmem_shared>> -> memref<50000x16xf32, #tpu.memory_space<vmem_shared>>
        tpu.wait_indirect_dma semaphore(%run_scoped3A : memref<!tpu.dma_semaphore, #tpu.memory_space<semaphore_mem>>) src(%dma_wait3A_39 : memref<80x16xf32, #tpu.memory_space<vmem>>) dst(%dma_wait3A_44 : memref<50000x16xf32, #tpu.memory_space<vmem_shared>>)
        tpu.yield
      }) : () -> ()
    } else {
    }
    %barrier3A_17 = arith.constant 0 : index
    tpu.barrier barrier_id(%barrier3A_17)
    %mul3A_18 = arith.constant 3125 : i32
    %mul3A_19 = arith.muli %arg1, %mul3A_18 : i32
    %mul3A_20 = arith.constant 50000 : i32
    %mul3A_21 = arith.muli %arg0, %mul3A_20 : i32
    %mul3A_22 = arith.constant 3125 : i32
    %mul3A_23 = arith.muli %arg1, %mul3A_22 : i32
    %add3A = arith.addi %mul3A_21, %mul3A_23 : i32
    "tpu.region"() ({
      %run_scoped3A = tpu.sem_alloc : memref<!tpu.dma_semaphore, #tpu.memory_space<semaphore_mem>>
      %dma_start3A = arith.constant 0 : i32
      %dma_start3A_24 = tpu.memref_slice %arg6[%add3A, %dma_start3A] : memref<100000x16xf32, #tpu.memory_space<hbm>> -> memref<3125x16xf32, #tpu.memory_space<hbm>>
      %dma_start3A_25 = arith.constant 0 : i32
      %dma_start3A_26 = tpu.memref_slice %arg7[%mul3A_19, %dma_start3A_25] : memref<50000x16xf32, #tpu.memory_space<vmem_shared>> -> memref<3125x16xf32, #tpu.memory_space<vmem_shared>>
      tpu.enqueue_dma source(%dma_start3A_26 : memref<3125x16xf32, #tpu.memory_space<vmem_shared>>) target(%dma_start3A_24 : memref<3125x16xf32, #tpu.memory_space<hbm>>) target_semaphore(%run_scoped3A : memref<!tpu.dma_semaphore, #tpu.memory_space<semaphore_mem>>)
      %dma_wait3A = arith.constant 0 : i32
      %dma_wait3A_27 = tpu.memref_slice %arg6[%add3A, %dma_wait3A] : memref<100000x16xf32, #tpu.memory_space<hbm>> -> memref<3125x16xf32, #tpu.memory_space<hbm>>
      %dma_wait3A_28 = arith.constant 0 : i32
      %dma_wait3A_29 = tpu.memref_slice %arg7[%mul3A_19, %dma_wait3A_28] : memref<50000x16xf32, #tpu.memory_space<vmem_shared>> -> memref<3125x16xf32, #tpu.memory_space<vmem_shared>>
      tpu.wait_dma2 semaphore(%run_scoped3A : memref<!tpu.dma_semaphore, #tpu.memory_space<semaphore_mem>>) src(%dma_wait3A_29 : memref<3125x16xf32, #tpu.memory_space<vmem_shared>>) dst(%dma_wait3A_27 : memref<3125x16xf32, #tpu.memory_space<hbm>>)
      tpu.yield
    }) : () -> ()
    return
  }
}

#map = affine_map<(d0, d1) -> (0, 0)>
#map1 = affine_map<(d0, d1) -> (0)>
module attributes {stable_mosaic.version = 14 : i64} {
  func.func @k(%arg0: i32, %arg1: i32, %arg2: memref<50000x16xf32, #tpu.memory_space<hbm>>, %arg3: memref<800000xi32, #tpu.memory_space<hbm>>, %arg4: memref<800000xi32, #tpu.memory_space<hbm>>, %arg5: memref<1600000x16xf32, #tpu.memory_space<hbm>>, %arg6: memref<128xi32, #tpu.memory_space<vmem>>, %arg7: memref<128x16xf32, #tpu.memory_space<vmem>>, %arg8: memref<80xi32, #tpu.memory_space<vmem>>, %arg9: memref<80x16xf32, #tpu.memory_space<vmem>>) attributes {dimension_semantics = [#tpu.dimension_semantics<core_parallel>, #tpu.dimension_semantics<subcore_parallel>], iteration_bounds = array<i64: 2, 16>, scalar_prefetch = 0 : i64, scratch_operands = 4 : i64, tpu.core_type = #tpu.core_type<sc_vector_subcore>, window_params = [{transform_indices = #map}, {transform_indices = #map1}, {transform_indices = #map1}, {transform_indices = #map}]} {
    %mul3A = arith.constant 50000 : i32
    %mul3A_0 = arith.muli %arg1, %mul3A : i32
    %mul3A_1 = arith.constant 800000 : i32
    %mul3A_2 = arith.muli %arg0, %mul3A_1 : i32
    %add3A = arith.addi %mul3A_2, %mul3A_0 : i32
    %eq3A = arith.constant 0 : i32
    %eq3A_3 = arith.cmpi eq, %arg0, %eq3A : i32
    %convert_element_type3A = arith.extui %eq3A_3 : i1 to i32
    %cond3A = arith.constant 0 : i32
    %cond3A_4 = arith.cmpi ne, %convert_element_type3A, %cond3A : i32
    scf.if %cond3A_4 {
      %scan3A = arith.constant 0 : i32
      %scan3A_10 = arith.constant 390 : i32
      %scan3A_11 = arith.addi %scan3A, %scan3A_10 : i32
      %scan3A_12 = arith.constant 1 : i32
      scf.for %scan3A_18 = %scan3A to %scan3A_11 step %scan3A_12  : i32 {
        %mul3A_19 = arith.constant 1 : i32
        %mul3A_20 = arith.muli %scan3A_18, %mul3A_19 : i32
        %add3A_21 = arith.constant 0 : i32
        %add3A_22 = arith.addi %add3A_21, %mul3A_20 : i32
        %mul3A_23 = arith.constant 128 : i32
        %mul3A_24 = arith.muli %add3A_22, %mul3A_23 : i32
        %add3A_25 = arith.addi %mul3A_0, %mul3A_24 : i32
        "tpu.region"() ({
          %run_scoped3A = tpu.sem_alloc : memref<!tpu.dma_semaphore, #tpu.memory_space<semaphore_mem>>
          %dma_start3A = tpu.memref_slice %arg3[%add3A_25] : memref<800000xi32, #tpu.memory_space<hbm>> -> memref<128xi32, #tpu.memory_space<hbm>>
          %dma_start3A_29 = tpu.memref_slice %arg3[%add3A_25] : memref<800000xi32, #tpu.memory_space<hbm>> -> memref<128xi32, #tpu.memory_space<hbm>>
          tpu.enqueue_dma source(%dma_start3A_29 : memref<128xi32, #tpu.memory_space<hbm>>) target(%arg6 : memref<128xi32, #tpu.memory_space<vmem>>) target_semaphore(%run_scoped3A : memref<!tpu.dma_semaphore, #tpu.memory_space<semaphore_mem>>)
          %dma_wait3A = tpu.memref_slice %arg3[%add3A_25] : memref<800000xi32, #tpu.memory_space<hbm>> -> memref<128xi32, #tpu.memory_space<hbm>>
          %dma_wait3A_30 = tpu.memref_slice %arg3[%add3A_25] : memref<800000xi32, #tpu.memory_space<hbm>> -> memref<128xi32, #tpu.memory_space<hbm>>
          tpu.wait_dma2 semaphore(%run_scoped3A : memref<!tpu.dma_semaphore, #tpu.memory_space<semaphore_mem>>) src(%dma_wait3A_30 : memref<128xi32, #tpu.memory_space<hbm>>) dst(%arg6 : memref<128xi32, #tpu.memory_space<vmem>>)
          tpu.yield
        }) : () -> ()
        "tpu.region"() ({
          %run_scoped3A = tpu.sem_alloc : memref<!tpu.dma_semaphore, #tpu.memory_space<semaphore_mem>>
          %dma_start3A = arith.constant 0 : i32
          %dma_start3A_29 = arith.constant 0 : i32
          %dma_start3A_30 = tpu.memref_slice %arg2[%dma_start3A, %dma_start3A_29] : memref<50000x16xf32, #tpu.memory_space<hbm>> -> memref<50000x16xf32, #tpu.memory_space<hbm>>
          tpu.enqueue_indirect_dma source(%dma_start3A_30 : memref<50000x16xf32, #tpu.memory_space<hbm>>) target(%arg7 : memref<128x16xf32, #tpu.memory_space<vmem>>) offsets(%arg6 : memref<128xi32, #tpu.memory_space<vmem>>) semaphore(%run_scoped3A : memref<!tpu.dma_semaphore, #tpu.memory_space<semaphore_mem>>)
          %dma_wait3A = arith.constant 0 : i32
          %dma_wait3A_31 = arith.constant 0 : i32
          %dma_wait3A_32 = tpu.memref_slice %arg2[%dma_wait3A, %dma_wait3A_31] : memref<50000x16xf32, #tpu.memory_space<hbm>> -> memref<50000x16xf32, #tpu.memory_space<hbm>>
          tpu.wait_indirect_dma semaphore(%run_scoped3A : memref<!tpu.dma_semaphore, #tpu.memory_space<semaphore_mem>>) src(%dma_wait3A_32 : memref<50000x16xf32, #tpu.memory_space<hbm>>) dst(%arg7 : memref<128x16xf32, #tpu.memory_space<vmem>>)
          tpu.yield
        }) : () -> ()
        %mul3A_26 = arith.constant 128 : i32
        %mul3A_27 = arith.muli %add3A_22, %mul3A_26 : i32
        %add3A_28 = arith.addi %add3A, %mul3A_27 : i32
        "tpu.region"() ({
          %run_scoped3A = tpu.sem_alloc : memref<!tpu.dma_semaphore, #tpu.memory_space<semaphore_mem>>
          %dma_start3A = arith.constant 0 : i32
          %dma_start3A_29 = tpu.memref_slice %arg5[%add3A_28, %dma_start3A] : memref<1600000x16xf32, #tpu.memory_space<hbm>> -> memref<128x16xf32, #tpu.memory_space<hbm>>
          %dma_start3A_30 = arith.constant 0 : i32
          %dma_start3A_31 = tpu.memref_slice %arg5[%add3A_28, %dma_start3A_30] : memref<1600000x16xf32, #tpu.memory_space<hbm>> -> memref<128x16xf32, #tpu.memory_space<hbm>>
          tpu.enqueue_dma source(%arg7 : memref<128x16xf32, #tpu.memory_space<vmem>>) target(%dma_start3A_31 : memref<128x16xf32, #tpu.memory_space<hbm>>) target_semaphore(%run_scoped3A : memref<!tpu.dma_semaphore, #tpu.memory_space<semaphore_mem>>)
          %dma_wait3A = arith.constant 0 : i32
          %dma_wait3A_32 = tpu.memref_slice %arg5[%add3A_28, %dma_wait3A] : memref<1600000x16xf32, #tpu.memory_space<hbm>> -> memref<128x16xf32, #tpu.memory_space<hbm>>
          %dma_wait3A_33 = arith.constant 0 : i32
          %dma_wait3A_34 = tpu.memref_slice %arg5[%add3A_28, %dma_wait3A_33] : memref<1600000x16xf32, #tpu.memory_space<hbm>> -> memref<128x16xf32, #tpu.memory_space<hbm>>
          tpu.wait_dma2 semaphore(%run_scoped3A : memref<!tpu.dma_semaphore, #tpu.memory_space<semaphore_mem>>) src(%arg7 : memref<128x16xf32, #tpu.memory_space<vmem>>) dst(%dma_wait3A_34 : memref<128x16xf32, #tpu.memory_space<hbm>>)
          tpu.yield
        }) : () -> ()
      }
      %scan3A_13 = arith.constant 390 : i32
      %add3A_14 = arith.constant 49920 : i32
      %add3A_15 = arith.addi %mul3A_0, %add3A_14 : i32
      "tpu.region"() ({
        %run_scoped3A = tpu.sem_alloc : memref<!tpu.dma_semaphore, #tpu.memory_space<semaphore_mem>>
        %dma_start3A = arith.constant 0 : i32
        %dma_start3A_18 = tpu.memref_slice %arg8[%dma_start3A] : memref<80xi32, #tpu.memory_space<vmem>> -> memref<80xi32, #tpu.memory_space<vmem>>
        %dma_start3A_19 = tpu.memref_slice %arg3[%add3A_15] : memref<800000xi32, #tpu.memory_space<hbm>> -> memref<80xi32, #tpu.memory_space<hbm>>
        %dma_start3A_20 = arith.constant 0 : i32
        %dma_start3A_21 = tpu.memref_slice %arg8[%dma_start3A_20] : memref<80xi32, #tpu.memory_space<vmem>> -> memref<80xi32, #tpu.memory_space<vmem>>
        %dma_start3A_22 = tpu.memref_slice %arg3[%add3A_15] : memref<800000xi32, #tpu.memory_space<hbm>> -> memref<80xi32, #tpu.memory_space<hbm>>
        tpu.enqueue_dma source(%dma_start3A_22 : memref<80xi32, #tpu.memory_space<hbm>>) target(%dma_start3A_21 : memref<80xi32, #tpu.memory_space<vmem>>) target_semaphore(%run_scoped3A : memref<!tpu.dma_semaphore, #tpu.memory_space<semaphore_mem>>)
        %dma_wait3A = arith.constant 0 : i32
        %dma_wait3A_23 = tpu.memref_slice %arg8[%dma_wait3A] : memref<80xi32, #tpu.memory_space<vmem>> -> memref<80xi32, #tpu.memory_space<vmem>>
        %dma_wait3A_24 = tpu.memref_slice %arg3[%add3A_15] : memref<800000xi32, #tpu.memory_space<hbm>> -> memref<80xi32, #tpu.memory_space<hbm>>
        %dma_wait3A_25 = arith.constant 0 : i32
        %dma_wait3A_26 = tpu.memref_slice %arg8[%dma_wait3A_25] : memref<80xi32, #tpu.memory_space<vmem>> -> memref<80xi32, #tpu.memory_space<vmem>>
        %dma_wait3A_27 = tpu.memref_slice %arg3[%add3A_15] : memref<800000xi32, #tpu.memory_space<hbm>> -> memref<80xi32, #tpu.memory_space<hbm>>
        tpu.wait_dma2 semaphore(%run_scoped3A : memref<!tpu.dma_semaphore, #tpu.memory_space<semaphore_mem>>) src(%dma_wait3A_27 : memref<80xi32, #tpu.memory_space<hbm>>) dst(%dma_wait3A_26 : memref<80xi32, #tpu.memory_space<vmem>>)
        tpu.yield
      }) : () -> ()
      "tpu.region"() ({
        %run_scoped3A = tpu.sem_alloc : memref<!tpu.dma_semaphore, #tpu.memory_space<semaphore_mem>>
        %dma_start3A = arith.constant 0 : i32
        %dma_start3A_18 = arith.constant 0 : i32
        %dma_start3A_19 = tpu.memref_slice %arg9[%dma_start3A, %dma_start3A_18] : memref<80x16xf32, #tpu.memory_space<vmem>> -> memref<80x16xf32, #tpu.memory_space<vmem>>
        %dma_start3A_20 = arith.constant 0 : i32
        %dma_start3A_21 = tpu.memref_slice %arg8[%dma_start3A_20] : memref<80xi32, #tpu.memory_space<vmem>> -> memref<80xi32, #tpu.memory_space<vmem>>
        %dma_start3A_22 = arith.constant 0 : i32
        %dma_start3A_23 = arith.constant 0 : i32
        %dma_start3A_24 = tpu.memref_slice %arg2[%dma_start3A_22, %dma_start3A_23] : memref<50000x16xf32, #tpu.memory_space<hbm>> -> memref<50000x16xf32, #tpu.memory_space<hbm>>
        tpu.enqueue_indirect_dma source(%dma_start3A_24 : memref<50000x16xf32, #tpu.memory_space<hbm>>) target(%dma_start3A_19 : memref<80x16xf32, #tpu.memory_space<vmem>>) offsets(%dma_start3A_21 : memref<80xi32, #tpu.memory_space<vmem>>) semaphore(%run_scoped3A : memref<!tpu.dma_semaphore, #tpu.memory_space<semaphore_mem>>)
        %dma_wait3A = arith.constant 0 : i32
        %dma_wait3A_25 = arith.constant 0 : i32
        %dma_wait3A_26 = tpu.memref_slice %arg9[%dma_wait3A, %dma_wait3A_25] : memref<80x16xf32, #tpu.memory_space<vmem>> -> memref<80x16xf32, #tpu.memory_space<vmem>>
        %dma_wait3A_27 = arith.constant 0 : i32
        %dma_wait3A_28 = tpu.memref_slice %arg8[%dma_wait3A_27] : memref<80xi32, #tpu.memory_space<vmem>> -> memref<80xi32, #tpu.memory_space<vmem>>
        %dma_wait3A_29 = arith.constant 0 : i32
        %dma_wait3A_30 = arith.constant 0 : i32
        %dma_wait3A_31 = tpu.memref_slice %arg2[%dma_wait3A_29, %dma_wait3A_30] : memref<50000x16xf32, #tpu.memory_space<hbm>> -> memref<50000x16xf32, #tpu.memory_space<hbm>>
        tpu.wait_indirect_dma semaphore(%run_scoped3A : memref<!tpu.dma_semaphore, #tpu.memory_space<semaphore_mem>>) src(%dma_wait3A_31 : memref<50000x16xf32, #tpu.memory_space<hbm>>) dst(%dma_wait3A_26 : memref<80x16xf32, #tpu.memory_space<vmem>>)
        tpu.yield
      }) : () -> ()
      %add3A_16 = arith.constant 49920 : i32
      %add3A_17 = arith.addi %add3A, %add3A_16 : i32
      "tpu.region"() ({
        %run_scoped3A = tpu.sem_alloc : memref<!tpu.dma_semaphore, #tpu.memory_space<semaphore_mem>>
        %dma_start3A = arith.constant 0 : i32
        %dma_start3A_18 = arith.constant 0 : i32
        %dma_start3A_19 = tpu.memref_slice %arg9[%dma_start3A, %dma_start3A_18] : memref<80x16xf32, #tpu.memory_space<vmem>> -> memref<80x16xf32, #tpu.memory_space<vmem>>
        %dma_start3A_20 = arith.constant 0 : i32
        %dma_start3A_21 = tpu.memref_slice %arg5[%add3A_17, %dma_start3A_20] : memref<1600000x16xf32, #tpu.memory_space<hbm>> -> memref<80x16xf32, #tpu.memory_space<hbm>>
        %dma_start3A_22 = arith.constant 0 : i32
        %dma_start3A_23 = tpu.memref_slice %arg5[%add3A_17, %dma_start3A_22] : memref<1600000x16xf32, #tpu.memory_space<hbm>> -> memref<80x16xf32, #tpu.memory_space<hbm>>
        %dma_start3A_24 = arith.constant 0 : i32
        %dma_start3A_25 = arith.constant 0 : i32
        %dma_start3A_26 = tpu.memref_slice %arg9[%dma_start3A_24, %dma_start3A_25] : memref<80x16xf32, #tpu.memory_space<vmem>> -> memref<80x16xf32, #tpu.memory_space<vmem>>
        tpu.enqueue_dma source(%dma_start3A_26 : memref<80x16xf32, #tpu.memory_space<vmem>>) target(%dma_start3A_23 : memref<80x16xf32, #tpu.memory_space<hbm>>) target_semaphore(%run_scoped3A : memref<!tpu.dma_semaphore, #tpu.memory_space<semaphore_mem>>)
        %dma_wait3A = arith.constant 0 : i32
        %dma_wait3A_27 = arith.constant 0 : i32
        %dma_wait3A_28 = tpu.memref_slice %arg9[%dma_wait3A, %dma_wait3A_27] : memref<80x16xf32, #tpu.memory_space<vmem>> -> memref<80x16xf32, #tpu.memory_space<vmem>>
        %dma_wait3A_29 = arith.constant 0 : i32
        %dma_wait3A_30 = tpu.memref_slice %arg5[%add3A_17, %dma_wait3A_29] : memref<1600000x16xf32, #tpu.memory_space<hbm>> -> memref<80x16xf32, #tpu.memory_space<hbm>>
        %dma_wait3A_31 = arith.constant 0 : i32
        %dma_wait3A_32 = tpu.memref_slice %arg5[%add3A_17, %dma_wait3A_31] : memref<1600000x16xf32, #tpu.memory_space<hbm>> -> memref<80x16xf32, #tpu.memory_space<hbm>>
        %dma_wait3A_33 = arith.constant 0 : i32
        %dma_wait3A_34 = arith.constant 0 : i32
        %dma_wait3A_35 = tpu.memref_slice %arg9[%dma_wait3A_33, %dma_wait3A_34] : memref<80x16xf32, #tpu.memory_space<vmem>> -> memref<80x16xf32, #tpu.memory_space<vmem>>
        tpu.wait_dma2 semaphore(%run_scoped3A : memref<!tpu.dma_semaphore, #tpu.memory_space<semaphore_mem>>) src(%dma_wait3A_35 : memref<80x16xf32, #tpu.memory_space<vmem>>) dst(%dma_wait3A_32 : memref<80x16xf32, #tpu.memory_space<hbm>>)
        tpu.yield
      }) : () -> ()
    } else {
    }
    %eq3A_5 = arith.constant 1 : i32
    %eq3A_6 = arith.cmpi eq, %arg0, %eq3A_5 : i32
    %convert_element_type3A_7 = arith.extui %eq3A_6 : i1 to i32
    %cond3A_8 = arith.constant 0 : i32
    %cond3A_9 = arith.cmpi ne, %convert_element_type3A_7, %cond3A_8 : i32
    scf.if %cond3A_9 {
      %scan3A = arith.constant 0 : i32
      %scan3A_10 = arith.constant 390 : i32
      %scan3A_11 = arith.addi %scan3A, %scan3A_10 : i32
      %scan3A_12 = arith.constant 1 : i32
      scf.for %scan3A_18 = %scan3A to %scan3A_11 step %scan3A_12  : i32 {
        %mul3A_19 = arith.constant 1 : i32
        %mul3A_20 = arith.muli %scan3A_18, %mul3A_19 : i32
        %add3A_21 = arith.constant 0 : i32
        %add3A_22 = arith.addi %add3A_21, %mul3A_20 : i32
        %mul3A_23 = arith.constant 128 : i32
        %mul3A_24 = arith.muli %add3A_22, %mul3A_23 : i32
        %add3A_25 = arith.addi %mul3A_0, %mul3A_24 : i32
        "tpu.region"() ({
          %run_scoped3A = tpu.sem_alloc : memref<!tpu.dma_semaphore, #tpu.memory_space<semaphore_mem>>
          %dma_start3A = tpu.memref_slice %arg4[%add3A_25] : memref<800000xi32, #tpu.memory_space<hbm>> -> memref<128xi32, #tpu.memory_space<hbm>>
          %dma_start3A_29 = tpu.memref_slice %arg4[%add3A_25] : memref<800000xi32, #tpu.memory_space<hbm>> -> memref<128xi32, #tpu.memory_space<hbm>>
          tpu.enqueue_dma source(%dma_start3A_29 : memref<128xi32, #tpu.memory_space<hbm>>) target(%arg6 : memref<128xi32, #tpu.memory_space<vmem>>) target_semaphore(%run_scoped3A : memref<!tpu.dma_semaphore, #tpu.memory_space<semaphore_mem>>)
          %dma_wait3A = tpu.memref_slice %arg4[%add3A_25] : memref<800000xi32, #tpu.memory_space<hbm>> -> memref<128xi32, #tpu.memory_space<hbm>>
          %dma_wait3A_30 = tpu.memref_slice %arg4[%add3A_25] : memref<800000xi32, #tpu.memory_space<hbm>> -> memref<128xi32, #tpu.memory_space<hbm>>
          tpu.wait_dma2 semaphore(%run_scoped3A : memref<!tpu.dma_semaphore, #tpu.memory_space<semaphore_mem>>) src(%dma_wait3A_30 : memref<128xi32, #tpu.memory_space<hbm>>) dst(%arg6 : memref<128xi32, #tpu.memory_space<vmem>>)
          tpu.yield
        }) : () -> ()
        "tpu.region"() ({
          %run_scoped3A = tpu.sem_alloc : memref<!tpu.dma_semaphore, #tpu.memory_space<semaphore_mem>>
          %dma_start3A = arith.constant 0 : i32
          %dma_start3A_29 = arith.constant 0 : i32
          %dma_start3A_30 = tpu.memref_slice %arg2[%dma_start3A, %dma_start3A_29] : memref<50000x16xf32, #tpu.memory_space<hbm>> -> memref<50000x16xf32, #tpu.memory_space<hbm>>
          tpu.enqueue_indirect_dma source(%dma_start3A_30 : memref<50000x16xf32, #tpu.memory_space<hbm>>) target(%arg7 : memref<128x16xf32, #tpu.memory_space<vmem>>) offsets(%arg6 : memref<128xi32, #tpu.memory_space<vmem>>) semaphore(%run_scoped3A : memref<!tpu.dma_semaphore, #tpu.memory_space<semaphore_mem>>)
          %dma_wait3A = arith.constant 0 : i32
          %dma_wait3A_31 = arith.constant 0 : i32
          %dma_wait3A_32 = tpu.memref_slice %arg2[%dma_wait3A, %dma_wait3A_31] : memref<50000x16xf32, #tpu.memory_space<hbm>> -> memref<50000x16xf32, #tpu.memory_space<hbm>>
          tpu.wait_indirect_dma semaphore(%run_scoped3A : memref<!tpu.dma_semaphore, #tpu.memory_space<semaphore_mem>>) src(%dma_wait3A_32 : memref<50000x16xf32, #tpu.memory_space<hbm>>) dst(%arg7 : memref<128x16xf32, #tpu.memory_space<vmem>>)
          tpu.yield
        }) : () -> ()
        %mul3A_26 = arith.constant 128 : i32
        %mul3A_27 = arith.muli %add3A_22, %mul3A_26 : i32
        %add3A_28 = arith.addi %add3A, %mul3A_27 : i32
        "tpu.region"() ({
          %run_scoped3A = tpu.sem_alloc : memref<!tpu.dma_semaphore, #tpu.memory_space<semaphore_mem>>
          %dma_start3A = arith.constant 0 : i32
          %dma_start3A_29 = tpu.memref_slice %arg5[%add3A_28, %dma_start3A] : memref<1600000x16xf32, #tpu.memory_space<hbm>> -> memref<128x16xf32, #tpu.memory_space<hbm>>
          %dma_start3A_30 = arith.constant 0 : i32
          %dma_start3A_31 = tpu.memref_slice %arg5[%add3A_28, %dma_start3A_30] : memref<1600000x16xf32, #tpu.memory_space<hbm>> -> memref<128x16xf32, #tpu.memory_space<hbm>>
          tpu.enqueue_dma source(%arg7 : memref<128x16xf32, #tpu.memory_space<vmem>>) target(%dma_start3A_31 : memref<128x16xf32, #tpu.memory_space<hbm>>) target_semaphore(%run_scoped3A : memref<!tpu.dma_semaphore, #tpu.memory_space<semaphore_mem>>)
          %dma_wait3A = arith.constant 0 : i32
          %dma_wait3A_32 = tpu.memref_slice %arg5[%add3A_28, %dma_wait3A] : memref<1600000x16xf32, #tpu.memory_space<hbm>> -> memref<128x16xf32, #tpu.memory_space<hbm>>
          %dma_wait3A_33 = arith.constant 0 : i32
          %dma_wait3A_34 = tpu.memref_slice %arg5[%add3A_28, %dma_wait3A_33] : memref<1600000x16xf32, #tpu.memory_space<hbm>> -> memref<128x16xf32, #tpu.memory_space<hbm>>
          tpu.wait_dma2 semaphore(%run_scoped3A : memref<!tpu.dma_semaphore, #tpu.memory_space<semaphore_mem>>) src(%arg7 : memref<128x16xf32, #tpu.memory_space<vmem>>) dst(%dma_wait3A_34 : memref<128x16xf32, #tpu.memory_space<hbm>>)
          tpu.yield
        }) : () -> ()
      }
      %scan3A_13 = arith.constant 390 : i32
      %add3A_14 = arith.constant 49920 : i32
      %add3A_15 = arith.addi %mul3A_0, %add3A_14 : i32
      "tpu.region"() ({
        %run_scoped3A = tpu.sem_alloc : memref<!tpu.dma_semaphore, #tpu.memory_space<semaphore_mem>>
        %dma_start3A = arith.constant 0 : i32
        %dma_start3A_18 = tpu.memref_slice %arg8[%dma_start3A] : memref<80xi32, #tpu.memory_space<vmem>> -> memref<80xi32, #tpu.memory_space<vmem>>
        %dma_start3A_19 = tpu.memref_slice %arg4[%add3A_15] : memref<800000xi32, #tpu.memory_space<hbm>> -> memref<80xi32, #tpu.memory_space<hbm>>
        %dma_start3A_20 = arith.constant 0 : i32
        %dma_start3A_21 = tpu.memref_slice %arg8[%dma_start3A_20] : memref<80xi32, #tpu.memory_space<vmem>> -> memref<80xi32, #tpu.memory_space<vmem>>
        %dma_start3A_22 = tpu.memref_slice %arg4[%add3A_15] : memref<800000xi32, #tpu.memory_space<hbm>> -> memref<80xi32, #tpu.memory_space<hbm>>
        tpu.enqueue_dma source(%dma_start3A_22 : memref<80xi32, #tpu.memory_space<hbm>>) target(%dma_start3A_21 : memref<80xi32, #tpu.memory_space<vmem>>) target_semaphore(%run_scoped3A : memref<!tpu.dma_semaphore, #tpu.memory_space<semaphore_mem>>)
        %dma_wait3A = arith.constant 0 : i32
        %dma_wait3A_23 = tpu.memref_slice %arg8[%dma_wait3A] : memref<80xi32, #tpu.memory_space<vmem>> -> memref<80xi32, #tpu.memory_space<vmem>>
        %dma_wait3A_24 = tpu.memref_slice %arg4[%add3A_15] : memref<800000xi32, #tpu.memory_space<hbm>> -> memref<80xi32, #tpu.memory_space<hbm>>
        %dma_wait3A_25 = arith.constant 0 : i32
        %dma_wait3A_26 = tpu.memref_slice %arg8[%dma_wait3A_25] : memref<80xi32, #tpu.memory_space<vmem>> -> memref<80xi32, #tpu.memory_space<vmem>>
        %dma_wait3A_27 = tpu.memref_slice %arg4[%add3A_15] : memref<800000xi32, #tpu.memory_space<hbm>> -> memref<80xi32, #tpu.memory_space<hbm>>
        tpu.wait_dma2 semaphore(%run_scoped3A : memref<!tpu.dma_semaphore, #tpu.memory_space<semaphore_mem>>) src(%dma_wait3A_27 : memref<80xi32, #tpu.memory_space<hbm>>) dst(%dma_wait3A_26 : memref<80xi32, #tpu.memory_space<vmem>>)
        tpu.yield
      }) : () -> ()
      "tpu.region"() ({
        %run_scoped3A = tpu.sem_alloc : memref<!tpu.dma_semaphore, #tpu.memory_space<semaphore_mem>>
        %dma_start3A = arith.constant 0 : i32
        %dma_start3A_18 = arith.constant 0 : i32
        %dma_start3A_19 = tpu.memref_slice %arg9[%dma_start3A, %dma_start3A_18] : memref<80x16xf32, #tpu.memory_space<vmem>> -> memref<80x16xf32, #tpu.memory_space<vmem>>
        %dma_start3A_20 = arith.constant 0 : i32
        %dma_start3A_21 = tpu.memref_slice %arg8[%dma_start3A_20] : memref<80xi32, #tpu.memory_space<vmem>> -> memref<80xi32, #tpu.memory_space<vmem>>
        %dma_start3A_22 = arith.constant 0 : i32
        %dma_start3A_23 = arith.constant 0 : i32
        %dma_start3A_24 = tpu.memref_slice %arg2[%dma_start3A_22, %dma_start3A_23] : memref<50000x16xf32, #tpu.memory_space<hbm>> -> memref<50000x16xf32, #tpu.memory_space<hbm>>
        tpu.enqueue_indirect_dma source(%dma_start3A_24 : memref<50000x16xf32, #tpu.memory_space<hbm>>) target(%dma_start3A_19 : memref<80x16xf32, #tpu.memory_space<vmem>>) offsets(%dma_start3A_21 : memref<80xi32, #tpu.memory_space<vmem>>) semaphore(%run_scoped3A : memref<!tpu.dma_semaphore, #tpu.memory_space<semaphore_mem>>)
        %dma_wait3A = arith.constant 0 : i32
        %dma_wait3A_25 = arith.constant 0 : i32
        %dma_wait3A_26 = tpu.memref_slice %arg9[%dma_wait3A, %dma_wait3A_25] : memref<80x16xf32, #tpu.memory_space<vmem>> -> memref<80x16xf32, #tpu.memory_space<vmem>>
        %dma_wait3A_27 = arith.constant 0 : i32
        %dma_wait3A_28 = tpu.memref_slice %arg8[%dma_wait3A_27] : memref<80xi32, #tpu.memory_space<vmem>> -> memref<80xi32, #tpu.memory_space<vmem>>
        %dma_wait3A_29 = arith.constant 0 : i32
        %dma_wait3A_30 = arith.constant 0 : i32
        %dma_wait3A_31 = tpu.memref_slice %arg2[%dma_wait3A_29, %dma_wait3A_30] : memref<50000x16xf32, #tpu.memory_space<hbm>> -> memref<50000x16xf32, #tpu.memory_space<hbm>>
        tpu.wait_indirect_dma semaphore(%run_scoped3A : memref<!tpu.dma_semaphore, #tpu.memory_space<semaphore_mem>>) src(%dma_wait3A_31 : memref<50000x16xf32, #tpu.memory_space<hbm>>) dst(%dma_wait3A_26 : memref<80x16xf32, #tpu.memory_space<vmem>>)
        tpu.yield
      }) : () -> ()
      %add3A_16 = arith.constant 49920 : i32
      %add3A_17 = arith.addi %add3A, %add3A_16 : i32
      "tpu.region"() ({
        %run_scoped3A = tpu.sem_alloc : memref<!tpu.dma_semaphore, #tpu.memory_space<semaphore_mem>>
        %dma_start3A = arith.constant 0 : i32
        %dma_start3A_18 = arith.constant 0 : i32
        %dma_start3A_19 = tpu.memref_slice %arg9[%dma_start3A, %dma_start3A_18] : memref<80x16xf32, #tpu.memory_space<vmem>> -> memref<80x16xf32, #tpu.memory_space<vmem>>
        %dma_start3A_20 = arith.constant 0 : i32
        %dma_start3A_21 = tpu.memref_slice %arg5[%add3A_17, %dma_start3A_20] : memref<1600000x16xf32, #tpu.memory_space<hbm>> -> memref<80x16xf32, #tpu.memory_space<hbm>>
        %dma_start3A_22 = arith.constant 0 : i32
        %dma_start3A_23 = tpu.memref_slice %arg5[%add3A_17, %dma_start3A_22] : memref<1600000x16xf32, #tpu.memory_space<hbm>> -> memref<80x16xf32, #tpu.memory_space<hbm>>
        %dma_start3A_24 = arith.constant 0 : i32
        %dma_start3A_25 = arith.constant 0 : i32
        %dma_start3A_26 = tpu.memref_slice %arg9[%dma_start3A_24, %dma_start3A_25] : memref<80x16xf32, #tpu.memory_space<vmem>> -> memref<80x16xf32, #tpu.memory_space<vmem>>
        tpu.enqueue_dma source(%dma_start3A_26 : memref<80x16xf32, #tpu.memory_space<vmem>>) target(%dma_start3A_23 : memref<80x16xf32, #tpu.memory_space<hbm>>) target_semaphore(%run_scoped3A : memref<!tpu.dma_semaphore, #tpu.memory_space<semaphore_mem>>)
        %dma_wait3A = arith.constant 0 : i32
        %dma_wait3A_27 = arith.constant 0 : i32
        %dma_wait3A_28 = tpu.memref_slice %arg9[%dma_wait3A, %dma_wait3A_27] : memref<80x16xf32, #tpu.memory_space<vmem>> -> memref<80x16xf32, #tpu.memory_space<vmem>>
        %dma_wait3A_29 = arith.constant 0 : i32
        %dma_wait3A_30 = tpu.memref_slice %arg5[%add3A_17, %dma_wait3A_29] : memref<1600000x16xf32, #tpu.memory_space<hbm>> -> memref<80x16xf32, #tpu.memory_space<hbm>>
        %dma_wait3A_31 = arith.constant 0 : i32
        %dma_wait3A_32 = tpu.memref_slice %arg5[%add3A_17, %dma_wait3A_31] : memref<1600000x16xf32, #tpu.memory_space<hbm>> -> memref<80x16xf32, #tpu.memory_space<hbm>>
        %dma_wait3A_33 = arith.constant 0 : i32
        %dma_wait3A_34 = arith.constant 0 : i32
        %dma_wait3A_35 = tpu.memref_slice %arg9[%dma_wait3A_33, %dma_wait3A_34] : memref<80x16xf32, #tpu.memory_space<vmem>> -> memref<80x16xf32, #tpu.memory_space<vmem>>
        tpu.wait_dma2 semaphore(%run_scoped3A : memref<!tpu.dma_semaphore, #tpu.memory_space<semaphore_mem>>) src(%dma_wait3A_35 : memref<80x16xf32, #tpu.memory_space<vmem>>) dst(%dma_wait3A_32 : memref<80x16xf32, #tpu.memory_space<hbm>>)
        tpu.yield
      }) : () -> ()
    } else {
    }
    return
  }
}

#map = affine_map<(d0, d1) -> (0, 0)>
#map1 = affine_map<(d0, d1) -> (0)>
module attributes {stable_mosaic.version = 14 : i64} {
  func.func @k(%arg0: i32, %arg1: i32, %arg2: memref<800000x16xf32, #tpu.memory_space<hbm>>, %arg3: memref<800000x16xf32, #tpu.memory_space<hbm>>, %arg4: memref<800000xi32, #tpu.memory_space<hbm>>, %arg5: memref<800000xi32, #tpu.memory_space<hbm>>, %arg6: memref<100000x16xf32, #tpu.memory_space<hbm>>, %arg7: memref<50000x16xf32, #tpu.memory_space<vmem_shared>>, %arg8: memref<128xi32, #tpu.memory_space<vmem>>, %arg9: memref<128x16xf32, #tpu.memory_space<vmem>>, %arg10: memref<80xi32, #tpu.memory_space<vmem>>, %arg11: memref<80x16xf32, #tpu.memory_space<vmem>>, %arg12: memref<125x16xf32, #tpu.memory_space<vmem>>) attributes {dimension_semantics = [#tpu.dimension_semantics<core_parallel>, #tpu.dimension_semantics<subcore_parallel>], iteration_bounds = array<i64: 2, 16>, scalar_prefetch = 0 : i64, scratch_operands = 6 : i64, tpu.core_type = #tpu.core_type<sc_vector_subcore>, window_params = [{transform_indices = #map}, {transform_indices = #map}, {transform_indices = #map1}, {transform_indices = #map1}, {transform_indices = #map}]} {
    %scan3A = arith.constant 0 : i32
    %scan3A_0 = arith.constant 125 : i32
    %scan3A_1 = arith.addi %scan3A, %scan3A_0 : i32
    %scan3A_2 = arith.constant 1 : i32
    scf.for %scan3A_24 = %scan3A to %scan3A_1 step %scan3A_2  : i32 {
      %mul3A_25 = arith.constant 1 : i32
      %mul3A_26 = arith.muli %scan3A_24, %mul3A_25 : i32
      %add3A_27 = arith.constant 0 : i32
      %add3A_28 = arith.addi %add3A_27, %mul3A_26 : i32
      %broadcast_in_dim3A = arith.constant 0.000000e+00 : f32
      %broadcast_in_dim3A_29 = vector.broadcast %broadcast_in_dim3A : f32 to vector<16xf32>
      %swap3A = arith.index_cast %add3A_28 : i32 to index
      %swap3A_30 = arith.constant 0 : index
      %swap3A_31 = tpu.vector_load %arg12[%swap3A, %swap3A_30] {strides = array<i32>} : memref<125x16xf32, #tpu.memory_space<vmem>>, vector<1x16xf32>,
      %swap3A_32 = vector.shape_cast %swap3A_31 : vector<1x16xf32> to vector<16xf32>
      %swap3A_33 = vector.shape_cast %broadcast_in_dim3A_29 : vector<16xf32> to vector<1x16xf32>
      tpu.vector_store %arg12[%swap3A, %swap3A_30], %swap3A_33 {strides = array<i32>} : memref<125x16xf32, #tpu.memory_space<vmem>>, vector<1x16xf32>,
    }
    %scan3A_3 = arith.constant 125 : i32
    %scan3A_4 = arith.constant 0 : i32
    %scan3A_5 = arith.constant 25 : i32
    %scan3A_6 = arith.addi %scan3A_4, %scan3A_5 : i32
    %scan3A_7 = arith.constant 1 : i32
    scf.for %scan3A_24 = %scan3A_4 to %scan3A_6 step %scan3A_7  : i32 {
      %mul3A_25 = arith.constant 1 : i32
      %mul3A_26 = arith.muli %scan3A_24, %mul3A_25 : i32
      %add3A_27 = arith.constant 0 : i32
      %add3A_28 = arith.addi %add3A_27, %mul3A_26 : i32
      %mul3A_29 = arith.constant 3125 : i32
      %mul3A_30 = arith.muli %arg1, %mul3A_29 : i32
      %mul3A_31 = arith.constant 125 : i32
      %mul3A_32 = arith.muli %add3A_28, %mul3A_31 : i32
      %add3A_33 = arith.addi %mul3A_30, %mul3A_32 : i32
      "tpu.region"() ({
        %run_scoped3A = tpu.sem_alloc : memref<!tpu.dma_semaphore, #tpu.memory_space<semaphore_mem>>
        %dma_start3A = arith.constant 0 : i32
        %dma_start3A_34 = tpu.memref_slice %arg7[%add3A_33, %dma_start3A] : memref<50000x16xf32, #tpu.memory_space<vmem_shared>> -> memref<125x16xf32, #tpu.memory_space<vmem_shared>>
        %dma_start3A_35 = arith.constant 0 : i32
        %dma_start3A_36 = tpu.memref_slice %arg7[%add3A_33, %dma_start3A_35] : memref<50000x16xf32, #tpu.memory_space<vmem_shared>> -> memref<125x16xf32, #tpu.memory_space<vmem_shared>>
        tpu.enqueue_dma source(%arg12 : memref<125x16xf32, #tpu.memory_space<vmem>>) target(%dma_start3A_36 : memref<125x16xf32, #tpu.memory_space<vmem_shared>>) target_semaphore(%run_scoped3A : memref<!tpu.dma_semaphore, #tpu.memory_space<semaphore_mem>>)
        %dma_wait3A = arith.constant 0 : i32
        %dma_wait3A_37 = tpu.memref_slice %arg7[%add3A_33, %dma_wait3A] : memref<50000x16xf32, #tpu.memory_space<vmem_shared>> -> memref<125x16xf32, #tpu.memory_space<vmem_shared>>
        %dma_wait3A_38 = arith.constant 0 : i32
        %dma_wait3A_39 = tpu.memref_slice %arg7[%add3A_33, %dma_wait3A_38] : memref<50000x16xf32, #tpu.memory_space<vmem_shared>> -> memref<125x16xf32, #tpu.memory_space<vmem_shared>>
        tpu.wait_dma2 semaphore(%run_scoped3A : memref<!tpu.dma_semaphore, #tpu.memory_space<semaphore_mem>>) src(%arg12 : memref<125x16xf32, #tpu.memory_space<vmem>>) dst(%dma_wait3A_39 : memref<125x16xf32, #tpu.memory_space<vmem_shared>>)
        tpu.yield
      }) : () -> ()
    }
    %scan3A_8 = arith.constant 25 : i32
    %barrier3A = arith.constant 0 : index
    tpu.barrier barrier_id(%barrier3A)
    %mul3A = arith.constant 50000 : i32
    %mul3A_9 = arith.muli %arg1, %mul3A : i32
    %eq3A = arith.constant 0 : i32
    %eq3A_10 = arith.cmpi eq, %arg0, %eq3A : i32
    %convert_element_type3A = arith.extui %eq3A_10 : i1 to i32
    %cond3A = arith.constant 0 : i32
    %cond3A_11 = arith.cmpi ne, %convert_element_type3A, %cond3A : i32
    scf.if %cond3A_11 {
      %scan3A_24 = arith.constant 0 : i32
      %scan3A_25 = arith.constant 390 : i32
      %scan3A_26 = arith.addi %scan3A_24, %scan3A_25 : i32
      %scan3A_27 = arith.constant 1 : i32
      scf.for %scan3A_31 = %scan3A_24 to %scan3A_26 step %scan3A_27  : i32 {
        %mul3A_32 = arith.constant 1 : i32
        %mul3A_33 = arith.muli %scan3A_31, %mul3A_32 : i32
        %add3A_34 = arith.constant 0 : i32
        %add3A_35 = arith.addi %add3A_34, %mul3A_33 : i32
        %mul3A_36 = arith.constant 128 : i32
        %mul3A_37 = arith.muli %add3A_35, %mul3A_36 : i32
        %add3A_38 = arith.addi %mul3A_9, %mul3A_37 : i32
        "tpu.region"() ({
          %run_scoped3A = tpu.sem_alloc : memref<!tpu.dma_semaphore, #tpu.memory_space<semaphore_mem>>
          %dma_start3A = tpu.memref_slice %arg4[%add3A_38] : memref<800000xi32, #tpu.memory_space<hbm>> -> memref<128xi32, #tpu.memory_space<hbm>>
          %dma_start3A_39 = tpu.memref_slice %arg4[%add3A_38] : memref<800000xi32, #tpu.memory_space<hbm>> -> memref<128xi32, #tpu.memory_space<hbm>>
          tpu.enqueue_dma source(%dma_start3A_39 : memref<128xi32, #tpu.memory_space<hbm>>) target(%arg8 : memref<128xi32, #tpu.memory_space<vmem>>) target_semaphore(%run_scoped3A : memref<!tpu.dma_semaphore, #tpu.memory_space<semaphore_mem>>)
          %dma_wait3A = tpu.memref_slice %arg4[%add3A_38] : memref<800000xi32, #tpu.memory_space<hbm>> -> memref<128xi32, #tpu.memory_space<hbm>>
          %dma_wait3A_40 = tpu.memref_slice %arg4[%add3A_38] : memref<800000xi32, #tpu.memory_space<hbm>> -> memref<128xi32, #tpu.memory_space<hbm>>
          tpu.wait_dma2 semaphore(%run_scoped3A : memref<!tpu.dma_semaphore, #tpu.memory_space<semaphore_mem>>) src(%dma_wait3A_40 : memref<128xi32, #tpu.memory_space<hbm>>) dst(%arg8 : memref<128xi32, #tpu.memory_space<vmem>>)
          tpu.yield
        }) : () -> ()
        "tpu.region"() ({
          %run_scoped3A = tpu.sem_alloc : memref<!tpu.dma_semaphore, #tpu.memory_space<semaphore_mem>>
          %dma_start3A = arith.constant 0 : i32
          %dma_start3A_39 = tpu.memref_slice %arg2[%add3A_38, %dma_start3A] : memref<800000x16xf32, #tpu.memory_space<hbm>> -> memref<128x16xf32, #tpu.memory_space<hbm>>
          %dma_start3A_40 = arith.constant 0 : i32
          %dma_start3A_41 = tpu.memref_slice %arg2[%add3A_38, %dma_start3A_40] : memref<800000x16xf32, #tpu.memory_space<hbm>> -> memref<128x16xf32, #tpu.memory_space<hbm>>
          tpu.enqueue_dma source(%dma_start3A_41 : memref<128x16xf32, #tpu.memory_space<hbm>>) target(%arg9 : memref<128x16xf32, #tpu.memory_space<vmem>>) target_semaphore(%run_scoped3A : memref<!tpu.dma_semaphore, #tpu.memory_space<semaphore_mem>>)
          %dma_wait3A = arith.constant 0 : i32
          %dma_wait3A_42 = tpu.memref_slice %arg2[%add3A_38, %dma_wait3A] : memref<800000x16xf32, #tpu.memory_space<hbm>> -> memref<128x16xf32, #tpu.memory_space<hbm>>
          %dma_wait3A_43 = arith.constant 0 : i32
          %dma_wait3A_44 = tpu.memref_slice %arg2[%add3A_38, %dma_wait3A_43] : memref<800000x16xf32, #tpu.memory_space<hbm>> -> memref<128x16xf32, #tpu.memory_space<hbm>>
          tpu.wait_dma2 semaphore(%run_scoped3A : memref<!tpu.dma_semaphore, #tpu.memory_space<semaphore_mem>>) src(%dma_wait3A_44 : memref<128x16xf32, #tpu.memory_space<hbm>>) dst(%arg9 : memref<128x16xf32, #tpu.memory_space<vmem>>)
          tpu.yield
        }) : () -> ()
        "tpu.region"() ({
          %run_scoped3A = tpu.sem_alloc : memref<!tpu.dma_semaphore, #tpu.memory_space<semaphore_mem>>
          %dma_start3A = arith.constant 0 : i32
          %dma_start3A_39 = arith.constant 0 : i32
          %dma_start3A_40 = tpu.memref_slice %arg7[%dma_start3A, %dma_start3A_39] : memref<50000x16xf32, #tpu.memory_space<vmem_shared>> -> memref<50000x16xf32, #tpu.memory_space<vmem_shared>>
          tpu.enqueue_indirect_dma source(%arg9 : memref<128x16xf32, #tpu.memory_space<vmem>>) target(%dma_start3A_40 : memref<50000x16xf32, #tpu.memory_space<vmem_shared>>) offsets(%arg8 : memref<128xi32, #tpu.memory_space<vmem>>) semaphore(%run_scoped3A : memref<!tpu.dma_semaphore, #tpu.memory_space<semaphore_mem>>) {add = true}
          %dma_wait3A = arith.constant 0 : i32
          %dma_wait3A_41 = arith.constant 0 : i32
          %dma_wait3A_42 = tpu.memref_slice %arg7[%dma_wait3A, %dma_wait3A_41] : memref<50000x16xf32, #tpu.memory_space<vmem_shared>> -> memref<50000x16xf32, #tpu.memory_space<vmem_shared>>
          tpu.wait_indirect_dma semaphore(%run_scoped3A : memref<!tpu.dma_semaphore, #tpu.memory_space<semaphore_mem>>) src(%arg9 : memref<128x16xf32, #tpu.memory_space<vmem>>) dst(%dma_wait3A_42 : memref<50000x16xf32, #tpu.memory_space<vmem_shared>>)
          tpu.yield
        }) : () -> ()
      }
      %scan3A_28 = arith.constant 390 : i32
      %add3A_29 = arith.constant 49920 : i32
      %add3A_30 = arith.addi %mul3A_9, %add3A_29 : i32
      "tpu.region"() ({
        %run_scoped3A = tpu.sem_alloc : memref<!tpu.dma_semaphore, #tpu.memory_space<semaphore_mem>>
        %dma_start3A = arith.constant 0 : i32
        %dma_start3A_31 = tpu.memref_slice %arg10[%dma_start3A] : memref<80xi32, #tpu.memory_space<vmem>> -> memref<80xi32, #tpu.memory_space<vmem>>
        %dma_start3A_32 = tpu.memref_slice %arg4[%add3A_30] : memref<800000xi32, #tpu.memory_space<hbm>> -> memref<80xi32, #tpu.memory_space<hbm>>
        %dma_start3A_33 = arith.constant 0 : i32
        %dma_start3A_34 = tpu.memref_slice %arg10[%dma_start3A_33] : memref<80xi32, #tpu.memory_space<vmem>> -> memref<80xi32, #tpu.memory_space<vmem>>
        %dma_start3A_35 = tpu.memref_slice %arg4[%add3A_30] : memref<800000xi32, #tpu.memory_space<hbm>> -> memref<80xi32, #tpu.memory_space<hbm>>
        tpu.enqueue_dma source(%dma_start3A_35 : memref<80xi32, #tpu.memory_space<hbm>>) target(%dma_start3A_34 : memref<80xi32, #tpu.memory_space<vmem>>) target_semaphore(%run_scoped3A : memref<!tpu.dma_semaphore, #tpu.memory_space<semaphore_mem>>)
        %dma_wait3A = arith.constant 0 : i32
        %dma_wait3A_36 = tpu.memref_slice %arg10[%dma_wait3A] : memref<80xi32, #tpu.memory_space<vmem>> -> memref<80xi32, #tpu.memory_space<vmem>>
        %dma_wait3A_37 = tpu.memref_slice %arg4[%add3A_30] : memref<800000xi32, #tpu.memory_space<hbm>> -> memref<80xi32, #tpu.memory_space<hbm>>
        %dma_wait3A_38 = arith.constant 0 : i32
        %dma_wait3A_39 = tpu.memref_slice %arg10[%dma_wait3A_38] : memref<80xi32, #tpu.memory_space<vmem>> -> memref<80xi32, #tpu.memory_space<vmem>>
        %dma_wait3A_40 = tpu.memref_slice %arg4[%add3A_30] : memref<800000xi32, #tpu.memory_space<hbm>> -> memref<80xi32, #tpu.memory_space<hbm>>
        tpu.wait_dma2 semaphore(%run_scoped3A : memref<!tpu.dma_semaphore, #tpu.memory_space<semaphore_mem>>) src(%dma_wait3A_40 : memref<80xi32, #tpu.memory_space<hbm>>) dst(%dma_wait3A_39 : memref<80xi32, #tpu.memory_space<vmem>>)
        tpu.yield
      }) : () -> ()
      "tpu.region"() ({
        %run_scoped3A = tpu.sem_alloc : memref<!tpu.dma_semaphore, #tpu.memory_space<semaphore_mem>>
        %dma_start3A = arith.constant 0 : i32
        %dma_start3A_31 = arith.constant 0 : i32
        %dma_start3A_32 = tpu.memref_slice %arg11[%dma_start3A, %dma_start3A_31] : memref<80x16xf32, #tpu.memory_space<vmem>> -> memref<80x16xf32, #tpu.memory_space<vmem>>
        %dma_start3A_33 = arith.constant 0 : i32
        %dma_start3A_34 = tpu.memref_slice %arg2[%add3A_30, %dma_start3A_33] : memref<800000x16xf32, #tpu.memory_space<hbm>> -> memref<80x16xf32, #tpu.memory_space<hbm>>
        %dma_start3A_35 = arith.constant 0 : i32
        %dma_start3A_36 = arith.constant 0 : i32
        %dma_start3A_37 = tpu.memref_slice %arg11[%dma_start3A_35, %dma_start3A_36] : memref<80x16xf32, #tpu.memory_space<vmem>> -> memref<80x16xf32, #tpu.memory_space<vmem>>
        %dma_start3A_38 = arith.constant 0 : i32
        %dma_start3A_39 = tpu.memref_slice %arg2[%add3A_30, %dma_start3A_38] : memref<800000x16xf32, #tpu.memory_space<hbm>> -> memref<80x16xf32, #tpu.memory_space<hbm>>
        tpu.enqueue_dma source(%dma_start3A_39 : memref<80x16xf32, #tpu.memory_space<hbm>>) target(%dma_start3A_37 : memref<80x16xf32, #tpu.memory_space<vmem>>) target_semaphore(%run_scoped3A : memref<!tpu.dma_semaphore, #tpu.memory_space<semaphore_mem>>)
        %dma_wait3A = arith.constant 0 : i32
        %dma_wait3A_40 = arith.constant 0 : i32
        %dma_wait3A_41 = tpu.memref_slice %arg11[%dma_wait3A, %dma_wait3A_40] : memref<80x16xf32, #tpu.memory_space<vmem>> -> memref<80x16xf32, #tpu.memory_space<vmem>>
        %dma_wait3A_42 = arith.constant 0 : i32
        %dma_wait3A_43 = tpu.memref_slice %arg2[%add3A_30, %dma_wait3A_42] : memref<800000x16xf32, #tpu.memory_space<hbm>> -> memref<80x16xf32, #tpu.memory_space<hbm>>
        %dma_wait3A_44 = arith.constant 0 : i32
        %dma_wait3A_45 = arith.constant 0 : i32
        %dma_wait3A_46 = tpu.memref_slice %arg11[%dma_wait3A_44, %dma_wait3A_45] : memref<80x16xf32, #tpu.memory_space<vmem>> -> memref<80x16xf32, #tpu.memory_space<vmem>>
        %dma_wait3A_47 = arith.constant 0 : i32
        %dma_wait3A_48 = tpu.memref_slice %arg2[%add3A_30, %dma_wait3A_47] : memref<800000x16xf32, #tpu.memory_space<hbm>> -> memref<80x16xf32, #tpu.memory_space<hbm>>
        tpu.wait_dma2 semaphore(%run_scoped3A : memref<!tpu.dma_semaphore, #tpu.memory_space<semaphore_mem>>) src(%dma_wait3A_48 : memref<80x16xf32, #tpu.memory_space<hbm>>) dst(%dma_wait3A_46 : memref<80x16xf32, #tpu.memory_space<vmem>>)
        tpu.yield
      }) : () -> ()
      "tpu.region"() ({
        %run_scoped3A = tpu.sem_alloc : memref<!tpu.dma_semaphore, #tpu.memory_space<semaphore_mem>>
        %dma_start3A = arith.constant 0 : i32
        %dma_start3A_31 = arith.constant 0 : i32
        %dma_start3A_32 = tpu.memref_slice %arg11[%dma_start3A, %dma_start3A_31] : memref<80x16xf32, #tpu.memory_space<vmem>> -> memref<80x16xf32, #tpu.memory_space<vmem>>
        %dma_start3A_33 = arith.constant 0 : i32
        %dma_start3A_34 = tpu.memref_slice %arg10[%dma_start3A_33] : memref<80xi32, #tpu.memory_space<vmem>> -> memref<80xi32, #tpu.memory_space<vmem>>
        %dma_start3A_35 = arith.constant 0 : i32
        %dma_start3A_36 = arith.constant 0 : i32
        %dma_start3A_37 = tpu.memref_slice %arg7[%dma_start3A_35, %dma_start3A_36] : memref<50000x16xf32, #tpu.memory_space<vmem_shared>> -> memref<50000x16xf32, #tpu.memory_space<vmem_shared>>
        tpu.enqueue_indirect_dma source(%dma_start3A_32 : memref<80x16xf32, #tpu.memory_space<vmem>>) target(%dma_start3A_37 : memref<50000x16xf32, #tpu.memory_space<vmem_shared>>) offsets(%dma_start3A_34 : memref<80xi32, #tpu.memory_space<vmem>>) semaphore(%run_scoped3A : memref<!tpu.dma_semaphore, #tpu.memory_space<semaphore_mem>>) {add = true}
        %dma_wait3A = arith.constant 0 : i32
        %dma_wait3A_38 = arith.constant 0 : i32
        %dma_wait3A_39 = tpu.memref_slice %arg11[%dma_wait3A, %dma_wait3A_38] : memref<80x16xf32, #tpu.memory_space<vmem>> -> memref<80x16xf32, #tpu.memory_space<vmem>>
        %dma_wait3A_40 = arith.constant 0 : i32
        %dma_wait3A_41 = tpu.memref_slice %arg10[%dma_wait3A_40] : memref<80xi32, #tpu.memory_space<vmem>> -> memref<80xi32, #tpu.memory_space<vmem>>
        %dma_wait3A_42 = arith.constant 0 : i32
        %dma_wait3A_43 = arith.constant 0 : i32
        %dma_wait3A_44 = tpu.memref_slice %arg7[%dma_wait3A_42, %dma_wait3A_43] : memref<50000x16xf32, #tpu.memory_space<vmem_shared>> -> memref<50000x16xf32, #tpu.memory_space<vmem_shared>>
        tpu.wait_indirect_dma semaphore(%run_scoped3A : memref<!tpu.dma_semaphore, #tpu.memory_space<semaphore_mem>>) src(%dma_wait3A_39 : memref<80x16xf32, #tpu.memory_space<vmem>>) dst(%dma_wait3A_44 : memref<50000x16xf32, #tpu.memory_space<vmem_shared>>)
        tpu.yield
      }) : () -> ()
    } else {
    }
    %eq3A_12 = arith.constant 1 : i32
    %eq3A_13 = arith.cmpi eq, %arg0, %eq3A_12 : i32
    %convert_element_type3A_14 = arith.extui %eq3A_13 : i1 to i32
    %cond3A_15 = arith.constant 0 : i32
    %cond3A_16 = arith.cmpi ne, %convert_element_type3A_14, %cond3A_15 : i32
    scf.if %cond3A_16 {
      %scan3A_24 = arith.constant 0 : i32
      %scan3A_25 = arith.constant 390 : i32
      %scan3A_26 = arith.addi %scan3A_24, %scan3A_25 : i32
      %scan3A_27 = arith.constant 1 : i32
      scf.for %scan3A_31 = %scan3A_24 to %scan3A_26 step %scan3A_27  : i32 {
        %mul3A_32 = arith.constant 1 : i32
        %mul3A_33 = arith.muli %scan3A_31, %mul3A_32 : i32
        %add3A_34 = arith.constant 0 : i32
        %add3A_35 = arith.addi %add3A_34, %mul3A_33 : i32
        %mul3A_36 = arith.constant 128 : i32
        %mul3A_37 = arith.muli %add3A_35, %mul3A_36 : i32
        %add3A_38 = arith.addi %mul3A_9, %mul3A_37 : i32
        "tpu.region"() ({
          %run_scoped3A = tpu.sem_alloc : memref<!tpu.dma_semaphore, #tpu.memory_space<semaphore_mem>>
          %dma_start3A = tpu.memref_slice %arg5[%add3A_38] : memref<800000xi32, #tpu.memory_space<hbm>> -> memref<128xi32, #tpu.memory_space<hbm>>
          %dma_start3A_39 = tpu.memref_slice %arg5[%add3A_38] : memref<800000xi32, #tpu.memory_space<hbm>> -> memref<128xi32, #tpu.memory_space<hbm>>
          tpu.enqueue_dma source(%dma_start3A_39 : memref<128xi32, #tpu.memory_space<hbm>>) target(%arg8 : memref<128xi32, #tpu.memory_space<vmem>>) target_semaphore(%run_scoped3A : memref<!tpu.dma_semaphore, #tpu.memory_space<semaphore_mem>>)
          %dma_wait3A = tpu.memref_slice %arg5[%add3A_38] : memref<800000xi32, #tpu.memory_space<hbm>> -> memref<128xi32, #tpu.memory_space<hbm>>
          %dma_wait3A_40 = tpu.memref_slice %arg5[%add3A_38] : memref<800000xi32, #tpu.memory_space<hbm>> -> memref<128xi32, #tpu.memory_space<hbm>>
          tpu.wait_dma2 semaphore(%run_scoped3A : memref<!tpu.dma_semaphore, #tpu.memory_space<semaphore_mem>>) src(%dma_wait3A_40 : memref<128xi32, #tpu.memory_space<hbm>>) dst(%arg8 : memref<128xi32, #tpu.memory_space<vmem>>)
          tpu.yield
        }) : () -> ()
        "tpu.region"() ({
          %run_scoped3A = tpu.sem_alloc : memref<!tpu.dma_semaphore, #tpu.memory_space<semaphore_mem>>
          %dma_start3A = arith.constant 0 : i32
          %dma_start3A_39 = tpu.memref_slice %arg3[%add3A_38, %dma_start3A] : memref<800000x16xf32, #tpu.memory_space<hbm>> -> memref<128x16xf32, #tpu.memory_space<hbm>>
          %dma_start3A_40 = arith.constant 0 : i32
          %dma_start3A_41 = tpu.memref_slice %arg3[%add3A_38, %dma_start3A_40] : memref<800000x16xf32, #tpu.memory_space<hbm>> -> memref<128x16xf32, #tpu.memory_space<hbm>>
          tpu.enqueue_dma source(%dma_start3A_41 : memref<128x16xf32, #tpu.memory_space<hbm>>) target(%arg9 : memref<128x16xf32, #tpu.memory_space<vmem>>) target_semaphore(%run_scoped3A : memref<!tpu.dma_semaphore, #tpu.memory_space<semaphore_mem>>)
          %dma_wait3A = arith.constant 0 : i32
          %dma_wait3A_42 = tpu.memref_slice %arg3[%add3A_38, %dma_wait3A] : memref<800000x16xf32, #tpu.memory_space<hbm>> -> memref<128x16xf32, #tpu.memory_space<hbm>>
          %dma_wait3A_43 = arith.constant 0 : i32
          %dma_wait3A_44 = tpu.memref_slice %arg3[%add3A_38, %dma_wait3A_43] : memref<800000x16xf32, #tpu.memory_space<hbm>> -> memref<128x16xf32, #tpu.memory_space<hbm>>
          tpu.wait_dma2 semaphore(%run_scoped3A : memref<!tpu.dma_semaphore, #tpu.memory_space<semaphore_mem>>) src(%dma_wait3A_44 : memref<128x16xf32, #tpu.memory_space<hbm>>) dst(%arg9 : memref<128x16xf32, #tpu.memory_space<vmem>>)
          tpu.yield
        }) : () -> ()
        "tpu.region"() ({
          %run_scoped3A = tpu.sem_alloc : memref<!tpu.dma_semaphore, #tpu.memory_space<semaphore_mem>>
          %dma_start3A = arith.constant 0 : i32
          %dma_start3A_39 = arith.constant 0 : i32
          %dma_start3A_40 = tpu.memref_slice %arg7[%dma_start3A, %dma_start3A_39] : memref<50000x16xf32, #tpu.memory_space<vmem_shared>> -> memref<50000x16xf32, #tpu.memory_space<vmem_shared>>
          tpu.enqueue_indirect_dma source(%arg9 : memref<128x16xf32, #tpu.memory_space<vmem>>) target(%dma_start3A_40 : memref<50000x16xf32, #tpu.memory_space<vmem_shared>>) offsets(%arg8 : memref<128xi32, #tpu.memory_space<vmem>>) semaphore(%run_scoped3A : memref<!tpu.dma_semaphore, #tpu.memory_space<semaphore_mem>>) {add = true}
          %dma_wait3A = arith.constant 0 : i32
          %dma_wait3A_41 = arith.constant 0 : i32
          %dma_wait3A_42 = tpu.memref_slice %arg7[%dma_wait3A, %dma_wait3A_41] : memref<50000x16xf32, #tpu.memory_space<vmem_shared>> -> memref<50000x16xf32, #tpu.memory_space<vmem_shared>>
          tpu.wait_indirect_dma semaphore(%run_scoped3A : memref<!tpu.dma_semaphore, #tpu.memory_space<semaphore_mem>>) src(%arg9 : memref<128x16xf32, #tpu.memory_space<vmem>>) dst(%dma_wait3A_42 : memref<50000x16xf32, #tpu.memory_space<vmem_shared>>)
          tpu.yield
        }) : () -> ()
      }
      %scan3A_28 = arith.constant 390 : i32
      %add3A_29 = arith.constant 49920 : i32
      %add3A_30 = arith.addi %mul3A_9, %add3A_29 : i32
      "tpu.region"() ({
        %run_scoped3A = tpu.sem_alloc : memref<!tpu.dma_semaphore, #tpu.memory_space<semaphore_mem>>
        %dma_start3A = arith.constant 0 : i32
        %dma_start3A_31 = tpu.memref_slice %arg10[%dma_start3A] : memref<80xi32, #tpu.memory_space<vmem>> -> memref<80xi32, #tpu.memory_space<vmem>>
        %dma_start3A_32 = tpu.memref_slice %arg5[%add3A_30] : memref<800000xi32, #tpu.memory_space<hbm>> -> memref<80xi32, #tpu.memory_space<hbm>>
        %dma_start3A_33 = arith.constant 0 : i32
        %dma_start3A_34 = tpu.memref_slice %arg10[%dma_start3A_33] : memref<80xi32, #tpu.memory_space<vmem>> -> memref<80xi32, #tpu.memory_space<vmem>>
        %dma_start3A_35 = tpu.memref_slice %arg5[%add3A_30] : memref<800000xi32, #tpu.memory_space<hbm>> -> memref<80xi32, #tpu.memory_space<hbm>>
        tpu.enqueue_dma source(%dma_start3A_35 : memref<80xi32, #tpu.memory_space<hbm>>) target(%dma_start3A_34 : memref<80xi32, #tpu.memory_space<vmem>>) target_semaphore(%run_scoped3A : memref<!tpu.dma_semaphore, #tpu.memory_space<semaphore_mem>>)
        %dma_wait3A = arith.constant 0 : i32
        %dma_wait3A_36 = tpu.memref_slice %arg10[%dma_wait3A] : memref<80xi32, #tpu.memory_space<vmem>> -> memref<80xi32, #tpu.memory_space<vmem>>
        %dma_wait3A_37 = tpu.memref_slice %arg5[%add3A_30] : memref<800000xi32, #tpu.memory_space<hbm>> -> memref<80xi32, #tpu.memory_space<hbm>>
        %dma_wait3A_38 = arith.constant 0 : i32
        %dma_wait3A_39 = tpu.memref_slice %arg10[%dma_wait3A_38] : memref<80xi32, #tpu.memory_space<vmem>> -> memref<80xi32, #tpu.memory_space<vmem>>
        %dma_wait3A_40 = tpu.memref_slice %arg5[%add3A_30] : memref<800000xi32, #tpu.memory_space<hbm>> -> memref<80xi32, #tpu.memory_space<hbm>>
        tpu.wait_dma2 semaphore(%run_scoped3A : memref<!tpu.dma_semaphore, #tpu.memory_space<semaphore_mem>>) src(%dma_wait3A_40 : memref<80xi32, #tpu.memory_space<hbm>>) dst(%dma_wait3A_39 : memref<80xi32, #tpu.memory_space<vmem>>)
        tpu.yield
      }) : () -> ()
      "tpu.region"() ({
        %run_scoped3A = tpu.sem_alloc : memref<!tpu.dma_semaphore, #tpu.memory_space<semaphore_mem>>
        %dma_start3A = arith.constant 0 : i32
        %dma_start3A_31 = arith.constant 0 : i32
        %dma_start3A_32 = tpu.memref_slice %arg11[%dma_start3A, %dma_start3A_31] : memref<80x16xf32, #tpu.memory_space<vmem>> -> memref<80x16xf32, #tpu.memory_space<vmem>>
        %dma_start3A_33 = arith.constant 0 : i32
        %dma_start3A_34 = tpu.memref_slice %arg3[%add3A_30, %dma_start3A_33] : memref<800000x16xf32, #tpu.memory_space<hbm>> -> memref<80x16xf32, #tpu.memory_space<hbm>>
        %dma_start3A_35 = arith.constant 0 : i32
        %dma_start3A_36 = arith.constant 0 : i32
        %dma_start3A_37 = tpu.memref_slice %arg11[%dma_start3A_35, %dma_start3A_36] : memref<80x16xf32, #tpu.memory_space<vmem>> -> memref<80x16xf32, #tpu.memory_space<vmem>>
        %dma_start3A_38 = arith.constant 0 : i32
        %dma_start3A_39 = tpu.memref_slice %arg3[%add3A_30, %dma_start3A_38] : memref<800000x16xf32, #tpu.memory_space<hbm>> -> memref<80x16xf32, #tpu.memory_space<hbm>>
        tpu.enqueue_dma source(%dma_start3A_39 : memref<80x16xf32, #tpu.memory_space<hbm>>) target(%dma_start3A_37 : memref<80x16xf32, #tpu.memory_space<vmem>>) target_semaphore(%run_scoped3A : memref<!tpu.dma_semaphore, #tpu.memory_space<semaphore_mem>>)
        %dma_wait3A = arith.constant 0 : i32
        %dma_wait3A_40 = arith.constant 0 : i32
        %dma_wait3A_41 = tpu.memref_slice %arg11[%dma_wait3A, %dma_wait3A_40] : memref<80x16xf32, #tpu.memory_space<vmem>> -> memref<80x16xf32, #tpu.memory_space<vmem>>
        %dma_wait3A_42 = arith.constant 0 : i32
        %dma_wait3A_43 = tpu.memref_slice %arg3[%add3A_30, %dma_wait3A_42] : memref<800000x16xf32, #tpu.memory_space<hbm>> -> memref<80x16xf32, #tpu.memory_space<hbm>>
        %dma_wait3A_44 = arith.constant 0 : i32
        %dma_wait3A_45 = arith.constant 0 : i32
        %dma_wait3A_46 = tpu.memref_slice %arg11[%dma_wait3A_44, %dma_wait3A_45] : memref<80x16xf32, #tpu.memory_space<vmem>> -> memref<80x16xf32, #tpu.memory_space<vmem>>
        %dma_wait3A_47 = arith.constant 0 : i32
        %dma_wait3A_48 = tpu.memref_slice %arg3[%add3A_30, %dma_wait3A_47] : memref<800000x16xf32, #tpu.memory_space<hbm>> -> memref<80x16xf32, #tpu.memory_space<hbm>>
        tpu.wait_dma2 semaphore(%run_scoped3A : memref<!tpu.dma_semaphore, #tpu.memory_space<semaphore_mem>>) src(%dma_wait3A_48 : memref<80x16xf32, #tpu.memory_space<hbm>>) dst(%dma_wait3A_46 : memref<80x16xf32, #tpu.memory_space<vmem>>)
        tpu.yield
      }) : () -> ()
      "tpu.region"() ({
        %run_scoped3A = tpu.sem_alloc : memref<!tpu.dma_semaphore, #tpu.memory_space<semaphore_mem>>
        %dma_start3A = arith.constant 0 : i32
        %dma_start3A_31 = arith.constant 0 : i32
        %dma_start3A_32 = tpu.memref_slice %arg11[%dma_start3A, %dma_start3A_31] : memref<80x16xf32, #tpu.memory_space<vmem>> -> memref<80x16xf32, #tpu.memory_space<vmem>>
        %dma_start3A_33 = arith.constant 0 : i32
        %dma_start3A_34 = tpu.memref_slice %arg10[%dma_start3A_33] : memref<80xi32, #tpu.memory_space<vmem>> -> memref<80xi32, #tpu.memory_space<vmem>>
        %dma_start3A_35 = arith.constant 0 : i32
        %dma_start3A_36 = arith.constant 0 : i32
        %dma_start3A_37 = tpu.memref_slice %arg7[%dma_start3A_35, %dma_start3A_36] : memref<50000x16xf32, #tpu.memory_space<vmem_shared>> -> memref<50000x16xf32, #tpu.memory_space<vmem_shared>>
        tpu.enqueue_indirect_dma source(%dma_start3A_32 : memref<80x16xf32, #tpu.memory_space<vmem>>) target(%dma_start3A_37 : memref<50000x16xf32, #tpu.memory_space<vmem_shared>>) offsets(%dma_start3A_34 : memref<80xi32, #tpu.memory_space<vmem>>) semaphore(%run_scoped3A : memref<!tpu.dma_semaphore, #tpu.memory_space<semaphore_mem>>) {add = true}
        %dma_wait3A = arith.constant 0 : i32
        %dma_wait3A_38 = arith.constant 0 : i32
        %dma_wait3A_39 = tpu.memref_slice %arg11[%dma_wait3A, %dma_wait3A_38] : memref<80x16xf32, #tpu.memory_space<vmem>> -> memref<80x16xf32, #tpu.memory_space<vmem>>
        %dma_wait3A_40 = arith.constant 0 : i32
        %dma_wait3A_41 = tpu.memref_slice %arg10[%dma_wait3A_40] : memref<80xi32, #tpu.memory_space<vmem>> -> memref<80xi32, #tpu.memory_space<vmem>>
        %dma_wait3A_42 = arith.constant 0 : i32
        %dma_wait3A_43 = arith.constant 0 : i32
        %dma_wait3A_44 = tpu.memref_slice %arg7[%dma_wait3A_42, %dma_wait3A_43] : memref<50000x16xf32, #tpu.memory_space<vmem_shared>> -> memref<50000x16xf32, #tpu.memory_space<vmem_shared>>
        tpu.wait_indirect_dma semaphore(%run_scoped3A : memref<!tpu.dma_semaphore, #tpu.memory_space<semaphore_mem>>) src(%dma_wait3A_39 : memref<80x16xf32, #tpu.memory_space<vmem>>) dst(%dma_wait3A_44 : memref<50000x16xf32, #tpu.memory_space<vmem_shared>>)
        tpu.yield
      }) : () -> ()
    } else {
    }
    %barrier3A_17 = arith.constant 0 : index
    tpu.barrier barrier_id(%barrier3A_17)
    %mul3A_18 = arith.constant 3125 : i32
    %mul3A_19 = arith.muli %arg1, %mul3A_18 : i32
    %mul3A_20 = arith.constant 50000 : i32
    %mul3A_21 = arith.muli %arg0, %mul3A_20 : i32
    %mul3A_22 = arith.constant 3125 : i32
    %mul3A_23 = arith.muli %arg1, %mul3A_22 : i32
    %add3A = arith.addi %mul3A_21, %mul3A_23 : i32
    "tpu.region"() ({
      %run_scoped3A = tpu.sem_alloc : memref<!tpu.dma_semaphore, #tpu.memory_space<semaphore_mem>>
      %dma_start3A = arith.constant 0 : i32
      %dma_start3A_24 = tpu.memref_slice %arg6[%add3A, %dma_start3A] : memref<100000x16xf32, #tpu.memory_space<hbm>> -> memref<3125x16xf32, #tpu.memory_space<hbm>>
      %dma_start3A_25 = arith.constant 0 : i32
      %dma_start3A_26 = tpu.memref_slice %arg7[%mul3A_19, %dma_start3A_25] : memref<50000x16xf32, #tpu.memory_space<vmem_shared>> -> memref<3125x16xf32, #tpu.memory_space<vmem_shared>>
      tpu.enqueue_dma source(%dma_start3A_26 : memref<3125x16xf32, #tpu.memory_space<vmem_shared>>) target(%dma_start3A_24 : memref<3125x16xf32, #tpu.memory_space<hbm>>) target_semaphore(%run_scoped3A : memref<!tpu.dma_semaphore, #tpu.memory_space<semaphore_mem>>)
      %dma_wait3A = arith.constant 0 : i32
      %dma_wait3A_27 = tpu.memref_slice %arg6[%add3A, %dma_wait3A] : memref<100000x16xf32, #tpu.memory_space<hbm>> -> memref<3125x16xf32, #tpu.memory_space<hbm>>
      %dma_wait3A_28 = arith.constant 0 : i32
      %dma_wait3A_29 = tpu.memref_slice %arg7[%mul3A_19, %dma_wait3A_28] : memref<50000x16xf32, #tpu.memory_space<vmem_shared>> -> memref<3125x16xf32, #tpu.memory_space<vmem_shared>>
      tpu.wait_dma2 semaphore(%run_scoped3A : memref<!tpu.dma_semaphore, #tpu.memory_space<semaphore_mem>>) src(%dma_wait3A_29 : memref<3125x16xf32, #tpu.memory_space<vmem_shared>>) dst(%dma_wait3A_27 : memref<3125x16xf32, #tpu.memory_space<hbm>>)
      tpu.yield
    }) : () -> ()
    return
  }
}

#map = affine_map<(d0, d1) -> (0, 0)>
#map1 = affine_map<(d0, d1) -> (0)>
module attributes {stable_mosaic.version = 14 : i64} {
  func.func @k(%arg0: i32, %arg1: i32, %arg2: memref<50000x16xf32, #tpu.memory_space<hbm>>, %arg3: memref<800000xi32, #tpu.memory_space<hbm>>, %arg4: memref<800000xi32, #tpu.memory_space<hbm>>, %arg5: memref<1600000x16xf32, #tpu.memory_space<hbm>>, %arg6: memref<128xi32, #tpu.memory_space<vmem>>, %arg7: memref<128x16xf32, #tpu.memory_space<vmem>>, %arg8: memref<80xi32, #tpu.memory_space<vmem>>, %arg9: memref<80x16xf32, #tpu.memory_space<vmem>>) attributes {dimension_semantics = [#tpu.dimension_semantics<core_parallel>, #tpu.dimension_semantics<subcore_parallel>], iteration_bounds = array<i64: 2, 16>, scalar_prefetch = 0 : i64, scratch_operands = 4 : i64, tpu.core_type = #tpu.core_type<sc_vector_subcore>, window_params = [{transform_indices = #map}, {transform_indices = #map1}, {transform_indices = #map1}, {transform_indices = #map}]} {
    %mul3A = arith.constant 50000 : i32
    %mul3A_0 = arith.muli %arg1, %mul3A : i32
    %mul3A_1 = arith.constant 800000 : i32
    %mul3A_2 = arith.muli %arg0, %mul3A_1 : i32
    %add3A = arith.addi %mul3A_2, %mul3A_0 : i32
    %eq3A = arith.constant 0 : i32
    %eq3A_3 = arith.cmpi eq, %arg0, %eq3A : i32
    %convert_element_type3A = arith.extui %eq3A_3 : i1 to i32
    %cond3A = arith.constant 0 : i32
    %cond3A_4 = arith.cmpi ne, %convert_element_type3A, %cond3A : i32
    scf.if %cond3A_4 {
      %scan3A = arith.constant 0 : i32
      %scan3A_10 = arith.constant 390 : i32
      %scan3A_11 = arith.addi %scan3A, %scan3A_10 : i32
      %scan3A_12 = arith.constant 1 : i32
      scf.for %scan3A_18 = %scan3A to %scan3A_11 step %scan3A_12  : i32 {
        %mul3A_19 = arith.constant 1 : i32
        %mul3A_20 = arith.muli %scan3A_18, %mul3A_19 : i32
        %add3A_21 = arith.constant 0 : i32
        %add3A_22 = arith.addi %add3A_21, %mul3A_20 : i32
        %mul3A_23 = arith.constant 128 : i32
        %mul3A_24 = arith.muli %add3A_22, %mul3A_23 : i32
        %add3A_25 = arith.addi %mul3A_0, %mul3A_24 : i32
        "tpu.region"() ({
          %run_scoped3A = tpu.sem_alloc : memref<!tpu.dma_semaphore, #tpu.memory_space<semaphore_mem>>
          %dma_start3A = tpu.memref_slice %arg3[%add3A_25] : memref<800000xi32, #tpu.memory_space<hbm>> -> memref<128xi32, #tpu.memory_space<hbm>>
          %dma_start3A_29 = tpu.memref_slice %arg3[%add3A_25] : memref<800000xi32, #tpu.memory_space<hbm>> -> memref<128xi32, #tpu.memory_space<hbm>>
          tpu.enqueue_dma source(%dma_start3A_29 : memref<128xi32, #tpu.memory_space<hbm>>) target(%arg6 : memref<128xi32, #tpu.memory_space<vmem>>) target_semaphore(%run_scoped3A : memref<!tpu.dma_semaphore, #tpu.memory_space<semaphore_mem>>)
          %dma_wait3A = tpu.memref_slice %arg3[%add3A_25] : memref<800000xi32, #tpu.memory_space<hbm>> -> memref<128xi32, #tpu.memory_space<hbm>>
          %dma_wait3A_30 = tpu.memref_slice %arg3[%add3A_25] : memref<800000xi32, #tpu.memory_space<hbm>> -> memref<128xi32, #tpu.memory_space<hbm>>
          tpu.wait_dma2 semaphore(%run_scoped3A : memref<!tpu.dma_semaphore, #tpu.memory_space<semaphore_mem>>) src(%dma_wait3A_30 : memref<128xi32, #tpu.memory_space<hbm>>) dst(%arg6 : memref<128xi32, #tpu.memory_space<vmem>>)
          tpu.yield
        }) : () -> ()
        "tpu.region"() ({
          %run_scoped3A = tpu.sem_alloc : memref<!tpu.dma_semaphore, #tpu.memory_space<semaphore_mem>>
          %dma_start3A = arith.constant 0 : i32
          %dma_start3A_29 = arith.constant 0 : i32
          %dma_start3A_30 = tpu.memref_slice %arg2[%dma_start3A, %dma_start3A_29] : memref<50000x16xf32, #tpu.memory_space<hbm>> -> memref<50000x16xf32, #tpu.memory_space<hbm>>
          tpu.enqueue_indirect_dma source(%dma_start3A_30 : memref<50000x16xf32, #tpu.memory_space<hbm>>) target(%arg7 : memref<128x16xf32, #tpu.memory_space<vmem>>) offsets(%arg6 : memref<128xi32, #tpu.memory_space<vmem>>) semaphore(%run_scoped3A : memref<!tpu.dma_semaphore, #tpu.memory_space<semaphore_mem>>)
          %dma_wait3A = arith.constant 0 : i32
          %dma_wait3A_31 = arith.constant 0 : i32
          %dma_wait3A_32 = tpu.memref_slice %arg2[%dma_wait3A, %dma_wait3A_31] : memref<50000x16xf32, #tpu.memory_space<hbm>> -> memref<50000x16xf32, #tpu.memory_space<hbm>>
          tpu.wait_indirect_dma semaphore(%run_scoped3A : memref<!tpu.dma_semaphore, #tpu.memory_space<semaphore_mem>>) src(%dma_wait3A_32 : memref<50000x16xf32, #tpu.memory_space<hbm>>) dst(%arg7 : memref<128x16xf32, #tpu.memory_space<vmem>>)
          tpu.yield
        }) : () -> ()
        %mul3A_26 = arith.constant 128 : i32
        %mul3A_27 = arith.muli %add3A_22, %mul3A_26 : i32
        %add3A_28 = arith.addi %add3A, %mul3A_27 : i32
        "tpu.region"() ({
          %run_scoped3A = tpu.sem_alloc : memref<!tpu.dma_semaphore, #tpu.memory_space<semaphore_mem>>
          %dma_start3A = arith.constant 0 : i32
          %dma_start3A_29 = tpu.memref_slice %arg5[%add3A_28, %dma_start3A] : memref<1600000x16xf32, #tpu.memory_space<hbm>> -> memref<128x16xf32, #tpu.memory_space<hbm>>
          %dma_start3A_30 = arith.constant 0 : i32
          %dma_start3A_31 = tpu.memref_slice %arg5[%add3A_28, %dma_start3A_30] : memref<1600000x16xf32, #tpu.memory_space<hbm>> -> memref<128x16xf32, #tpu.memory_space<hbm>>
          tpu.enqueue_dma source(%arg7 : memref<128x16xf32, #tpu.memory_space<vmem>>) target(%dma_start3A_31 : memref<128x16xf32, #tpu.memory_space<hbm>>) target_semaphore(%run_scoped3A : memref<!tpu.dma_semaphore, #tpu.memory_space<semaphore_mem>>)
          %dma_wait3A = arith.constant 0 : i32
          %dma_wait3A_32 = tpu.memref_slice %arg5[%add3A_28, %dma_wait3A] : memref<1600000x16xf32, #tpu.memory_space<hbm>> -> memref<128x16xf32, #tpu.memory_space<hbm>>
          %dma_wait3A_33 = arith.constant 0 : i32
          %dma_wait3A_34 = tpu.memref_slice %arg5[%add3A_28, %dma_wait3A_33] : memref<1600000x16xf32, #tpu.memory_space<hbm>> -> memref<128x16xf32, #tpu.memory_space<hbm>>
          tpu.wait_dma2 semaphore(%run_scoped3A : memref<!tpu.dma_semaphore, #tpu.memory_space<semaphore_mem>>) src(%arg7 : memref<128x16xf32, #tpu.memory_space<vmem>>) dst(%dma_wait3A_34 : memref<128x16xf32, #tpu.memory_space<hbm>>)
          tpu.yield
        }) : () -> ()
      }
      %scan3A_13 = arith.constant 390 : i32
      %add3A_14 = arith.constant 49920 : i32
      %add3A_15 = arith.addi %mul3A_0, %add3A_14 : i32
      "tpu.region"() ({
        %run_scoped3A = tpu.sem_alloc : memref<!tpu.dma_semaphore, #tpu.memory_space<semaphore_mem>>
        %dma_start3A = arith.constant 0 : i32
        %dma_start3A_18 = tpu.memref_slice %arg8[%dma_start3A] : memref<80xi32, #tpu.memory_space<vmem>> -> memref<80xi32, #tpu.memory_space<vmem>>
        %dma_start3A_19 = tpu.memref_slice %arg3[%add3A_15] : memref<800000xi32, #tpu.memory_space<hbm>> -> memref<80xi32, #tpu.memory_space<hbm>>
        %dma_start3A_20 = arith.constant 0 : i32
        %dma_start3A_21 = tpu.memref_slice %arg8[%dma_start3A_20] : memref<80xi32, #tpu.memory_space<vmem>> -> memref<80xi32, #tpu.memory_space<vmem>>
        %dma_start3A_22 = tpu.memref_slice %arg3[%add3A_15] : memref<800000xi32, #tpu.memory_space<hbm>> -> memref<80xi32, #tpu.memory_space<hbm>>
        tpu.enqueue_dma source(%dma_start3A_22 : memref<80xi32, #tpu.memory_space<hbm>>) target(%dma_start3A_21 : memref<80xi32, #tpu.memory_space<vmem>>) target_semaphore(%run_scoped3A : memref<!tpu.dma_semaphore, #tpu.memory_space<semaphore_mem>>)
        %dma_wait3A = arith.constant 0 : i32
        %dma_wait3A_23 = tpu.memref_slice %arg8[%dma_wait3A] : memref<80xi32, #tpu.memory_space<vmem>> -> memref<80xi32, #tpu.memory_space<vmem>>
        %dma_wait3A_24 = tpu.memref_slice %arg3[%add3A_15] : memref<800000xi32, #tpu.memory_space<hbm>> -> memref<80xi32, #tpu.memory_space<hbm>>
        %dma_wait3A_25 = arith.constant 0 : i32
        %dma_wait3A_26 = tpu.memref_slice %arg8[%dma_wait3A_25] : memref<80xi32, #tpu.memory_space<vmem>> -> memref<80xi32, #tpu.memory_space<vmem>>
        %dma_wait3A_27 = tpu.memref_slice %arg3[%add3A_15] : memref<800000xi32, #tpu.memory_space<hbm>> -> memref<80xi32, #tpu.memory_space<hbm>>
        tpu.wait_dma2 semaphore(%run_scoped3A : memref<!tpu.dma_semaphore, #tpu.memory_space<semaphore_mem>>) src(%dma_wait3A_27 : memref<80xi32, #tpu.memory_space<hbm>>) dst(%dma_wait3A_26 : memref<80xi32, #tpu.memory_space<vmem>>)
        tpu.yield
      }) : () -> ()
      "tpu.region"() ({
        %run_scoped3A = tpu.sem_alloc : memref<!tpu.dma_semaphore, #tpu.memory_space<semaphore_mem>>
        %dma_start3A = arith.constant 0 : i32
        %dma_start3A_18 = arith.constant 0 : i32
        %dma_start3A_19 = tpu.memref_slice %arg9[%dma_start3A, %dma_start3A_18] : memref<80x16xf32, #tpu.memory_space<vmem>> -> memref<80x16xf32, #tpu.memory_space<vmem>>
        %dma_start3A_20 = arith.constant 0 : i32
        %dma_start3A_21 = tpu.memref_slice %arg8[%dma_start3A_20] : memref<80xi32, #tpu.memory_space<vmem>> -> memref<80xi32, #tpu.memory_space<vmem>>
        %dma_start3A_22 = arith.constant 0 : i32
        %dma_start3A_23 = arith.constant 0 : i32
        %dma_start3A_24 = tpu.memref_slice %arg2[%dma_start3A_22, %dma_start3A_23] : memref<50000x16xf32, #tpu.memory_space<hbm>> -> memref<50000x16xf32, #tpu.memory_space<hbm>>
        tpu.enqueue_indirect_dma source(%dma_start3A_24 : memref<50000x16xf32, #tpu.memory_space<hbm>>) target(%dma_start3A_19 : memref<80x16xf32, #tpu.memory_space<vmem>>) offsets(%dma_start3A_21 : memref<80xi32, #tpu.memory_space<vmem>>) semaphore(%run_scoped3A : memref<!tpu.dma_semaphore, #tpu.memory_space<semaphore_mem>>)
        %dma_wait3A = arith.constant 0 : i32
        %dma_wait3A_25 = arith.constant 0 : i32
        %dma_wait3A_26 = tpu.memref_slice %arg9[%dma_wait3A, %dma_wait3A_25] : memref<80x16xf32, #tpu.memory_space<vmem>> -> memref<80x16xf32, #tpu.memory_space<vmem>>
        %dma_wait3A_27 = arith.constant 0 : i32
        %dma_wait3A_28 = tpu.memref_slice %arg8[%dma_wait3A_27] : memref<80xi32, #tpu.memory_space<vmem>> -> memref<80xi32, #tpu.memory_space<vmem>>
        %dma_wait3A_29 = arith.constant 0 : i32
        %dma_wait3A_30 = arith.constant 0 : i32
        %dma_wait3A_31 = tpu.memref_slice %arg2[%dma_wait3A_29, %dma_wait3A_30] : memref<50000x16xf32, #tpu.memory_space<hbm>> -> memref<50000x16xf32, #tpu.memory_space<hbm>>
        tpu.wait_indirect_dma semaphore(%run_scoped3A : memref<!tpu.dma_semaphore, #tpu.memory_space<semaphore_mem>>) src(%dma_wait3A_31 : memref<50000x16xf32, #tpu.memory_space<hbm>>) dst(%dma_wait3A_26 : memref<80x16xf32, #tpu.memory_space<vmem>>)
        tpu.yield
      }) : () -> ()
      %add3A_16 = arith.constant 49920 : i32
      %add3A_17 = arith.addi %add3A, %add3A_16 : i32
      "tpu.region"() ({
        %run_scoped3A = tpu.sem_alloc : memref<!tpu.dma_semaphore, #tpu.memory_space<semaphore_mem>>
        %dma_start3A = arith.constant 0 : i32
        %dma_start3A_18 = arith.constant 0 : i32
        %dma_start3A_19 = tpu.memref_slice %arg9[%dma_start3A, %dma_start3A_18] : memref<80x16xf32, #tpu.memory_space<vmem>> -> memref<80x16xf32, #tpu.memory_space<vmem>>
        %dma_start3A_20 = arith.constant 0 : i32
        %dma_start3A_21 = tpu.memref_slice %arg5[%add3A_17, %dma_start3A_20] : memref<1600000x16xf32, #tpu.memory_space<hbm>> -> memref<80x16xf32, #tpu.memory_space<hbm>>
        %dma_start3A_22 = arith.constant 0 : i32
        %dma_start3A_23 = tpu.memref_slice %arg5[%add3A_17, %dma_start3A_22] : memref<1600000x16xf32, #tpu.memory_space<hbm>> -> memref<80x16xf32, #tpu.memory_space<hbm>>
        %dma_start3A_24 = arith.constant 0 : i32
        %dma_start3A_25 = arith.constant 0 : i32
        %dma_start3A_26 = tpu.memref_slice %arg9[%dma_start3A_24, %dma_start3A_25] : memref<80x16xf32, #tpu.memory_space<vmem>> -> memref<80x16xf32, #tpu.memory_space<vmem>>
        tpu.enqueue_dma source(%dma_start3A_26 : memref<80x16xf32, #tpu.memory_space<vmem>>) target(%dma_start3A_23 : memref<80x16xf32, #tpu.memory_space<hbm>>) target_semaphore(%run_scoped3A : memref<!tpu.dma_semaphore, #tpu.memory_space<semaphore_mem>>)
        %dma_wait3A = arith.constant 0 : i32
        %dma_wait3A_27 = arith.constant 0 : i32
        %dma_wait3A_28 = tpu.memref_slice %arg9[%dma_wait3A, %dma_wait3A_27] : memref<80x16xf32, #tpu.memory_space<vmem>> -> memref<80x16xf32, #tpu.memory_space<vmem>>
        %dma_wait3A_29 = arith.constant 0 : i32
        %dma_wait3A_30 = tpu.memref_slice %arg5[%add3A_17, %dma_wait3A_29] : memref<1600000x16xf32, #tpu.memory_space<hbm>> -> memref<80x16xf32, #tpu.memory_space<hbm>>
        %dma_wait3A_31 = arith.constant 0 : i32
        %dma_wait3A_32 = tpu.memref_slice %arg5[%add3A_17, %dma_wait3A_31] : memref<1600000x16xf32, #tpu.memory_space<hbm>> -> memref<80x16xf32, #tpu.memory_space<hbm>>
        %dma_wait3A_33 = arith.constant 0 : i32
        %dma_wait3A_34 = arith.constant 0 : i32
        %dma_wait3A_35 = tpu.memref_slice %arg9[%dma_wait3A_33, %dma_wait3A_34] : memref<80x16xf32, #tpu.memory_space<vmem>> -> memref<80x16xf32, #tpu.memory_space<vmem>>
        tpu.wait_dma2 semaphore(%run_scoped3A : memref<!tpu.dma_semaphore, #tpu.memory_space<semaphore_mem>>) src(%dma_wait3A_35 : memref<80x16xf32, #tpu.memory_space<vmem>>) dst(%dma_wait3A_32 : memref<80x16xf32, #tpu.memory_space<hbm>>)
        tpu.yield
      }) : () -> ()
    } else {
    }
    %eq3A_5 = arith.constant 1 : i32
    %eq3A_6 = arith.cmpi eq, %arg0, %eq3A_5 : i32
    %convert_element_type3A_7 = arith.extui %eq3A_6 : i1 to i32
    %cond3A_8 = arith.constant 0 : i32
    %cond3A_9 = arith.cmpi ne, %convert_element_type3A_7, %cond3A_8 : i32
    scf.if %cond3A_9 {
      %scan3A = arith.constant 0 : i32
      %scan3A_10 = arith.constant 390 : i32
      %scan3A_11 = arith.addi %scan3A, %scan3A_10 : i32
      %scan3A_12 = arith.constant 1 : i32
      scf.for %scan3A_18 = %scan3A to %scan3A_11 step %scan3A_12  : i32 {
        %mul3A_19 = arith.constant 1 : i32
        %mul3A_20 = arith.muli %scan3A_18, %mul3A_19 : i32
        %add3A_21 = arith.constant 0 : i32
        %add3A_22 = arith.addi %add3A_21, %mul3A_20 : i32
        %mul3A_23 = arith.constant 128 : i32
        %mul3A_24 = arith.muli %add3A_22, %mul3A_23 : i32
        %add3A_25 = arith.addi %mul3A_0, %mul3A_24 : i32
        "tpu.region"() ({
          %run_scoped3A = tpu.sem_alloc : memref<!tpu.dma_semaphore, #tpu.memory_space<semaphore_mem>>
          %dma_start3A = tpu.memref_slice %arg4[%add3A_25] : memref<800000xi32, #tpu.memory_space<hbm>> -> memref<128xi32, #tpu.memory_space<hbm>>
          %dma_start3A_29 = tpu.memref_slice %arg4[%add3A_25] : memref<800000xi32, #tpu.memory_space<hbm>> -> memref<128xi32, #tpu.memory_space<hbm>>
          tpu.enqueue_dma source(%dma_start3A_29 : memref<128xi32, #tpu.memory_space<hbm>>) target(%arg6 : memref<128xi32, #tpu.memory_space<vmem>>) target_semaphore(%run_scoped3A : memref<!tpu.dma_semaphore, #tpu.memory_space<semaphore_mem>>)
          %dma_wait3A = tpu.memref_slice %arg4[%add3A_25] : memref<800000xi32, #tpu.memory_space<hbm>> -> memref<128xi32, #tpu.memory_space<hbm>>
          %dma_wait3A_30 = tpu.memref_slice %arg4[%add3A_25] : memref<800000xi32, #tpu.memory_space<hbm>> -> memref<128xi32, #tpu.memory_space<hbm>>
          tpu.wait_dma2 semaphore(%run_scoped3A : memref<!tpu.dma_semaphore, #tpu.memory_space<semaphore_mem>>) src(%dma_wait3A_30 : memref<128xi32, #tpu.memory_space<hbm>>) dst(%arg6 : memref<128xi32, #tpu.memory_space<vmem>>)
          tpu.yield
        }) : () -> ()
        "tpu.region"() ({
          %run_scoped3A = tpu.sem_alloc : memref<!tpu.dma_semaphore, #tpu.memory_space<semaphore_mem>>
          %dma_start3A = arith.constant 0 : i32
          %dma_start3A_29 = arith.constant 0 : i32
          %dma_start3A_30 = tpu.memref_slice %arg2[%dma_start3A, %dma_start3A_29] : memref<50000x16xf32, #tpu.memory_space<hbm>> -> memref<50000x16xf32, #tpu.memory_space<hbm>>
          tpu.enqueue_indirect_dma source(%dma_start3A_30 : memref<50000x16xf32, #tpu.memory_space<hbm>>) target(%arg7 : memref<128x16xf32, #tpu.memory_space<vmem>>) offsets(%arg6 : memref<128xi32, #tpu.memory_space<vmem>>) semaphore(%run_scoped3A : memref<!tpu.dma_semaphore, #tpu.memory_space<semaphore_mem>>)
          %dma_wait3A = arith.constant 0 : i32
          %dma_wait3A_31 = arith.constant 0 : i32
          %dma_wait3A_32 = tpu.memref_slice %arg2[%dma_wait3A, %dma_wait3A_31] : memref<50000x16xf32, #tpu.memory_space<hbm>> -> memref<50000x16xf32, #tpu.memory_space<hbm>>
          tpu.wait_indirect_dma semaphore(%run_scoped3A : memref<!tpu.dma_semaphore, #tpu.memory_space<semaphore_mem>>) src(%dma_wait3A_32 : memref<50000x16xf32, #tpu.memory_space<hbm>>) dst(%arg7 : memref<128x16xf32, #tpu.memory_space<vmem>>)
          tpu.yield
        }) : () -> ()
        %mul3A_26 = arith.constant 128 : i32
        %mul3A_27 = arith.muli %add3A_22, %mul3A_26 : i32
        %add3A_28 = arith.addi %add3A, %mul3A_27 : i32
        "tpu.region"() ({
          %run_scoped3A = tpu.sem_alloc : memref<!tpu.dma_semaphore, #tpu.memory_space<semaphore_mem>>
          %dma_start3A = arith.constant 0 : i32
          %dma_start3A_29 = tpu.memref_slice %arg5[%add3A_28, %dma_start3A] : memref<1600000x16xf32, #tpu.memory_space<hbm>> -> memref<128x16xf32, #tpu.memory_space<hbm>>
          %dma_start3A_30 = arith.constant 0 : i32
          %dma_start3A_31 = tpu.memref_slice %arg5[%add3A_28, %dma_start3A_30] : memref<1600000x16xf32, #tpu.memory_space<hbm>> -> memref<128x16xf32, #tpu.memory_space<hbm>>
          tpu.enqueue_dma source(%arg7 : memref<128x16xf32, #tpu.memory_space<vmem>>) target(%dma_start3A_31 : memref<128x16xf32, #tpu.memory_space<hbm>>) target_semaphore(%run_scoped3A : memref<!tpu.dma_semaphore, #tpu.memory_space<semaphore_mem>>)
          %dma_wait3A = arith.constant 0 : i32
          %dma_wait3A_32 = tpu.memref_slice %arg5[%add3A_28, %dma_wait3A] : memref<1600000x16xf32, #tpu.memory_space<hbm>> -> memref<128x16xf32, #tpu.memory_space<hbm>>
          %dma_wait3A_33 = arith.constant 0 : i32
          %dma_wait3A_34 = tpu.memref_slice %arg5[%add3A_28, %dma_wait3A_33] : memref<1600000x16xf32, #tpu.memory_space<hbm>> -> memref<128x16xf32, #tpu.memory_space<hbm>>
          tpu.wait_dma2 semaphore(%run_scoped3A : memref<!tpu.dma_semaphore, #tpu.memory_space<semaphore_mem>>) src(%arg7 : memref<128x16xf32, #tpu.memory_space<vmem>>) dst(%dma_wait3A_34 : memref<128x16xf32, #tpu.memory_space<hbm>>)
          tpu.yield
        }) : () -> ()
      }
      %scan3A_13 = arith.constant 390 : i32
      %add3A_14 = arith.constant 49920 : i32
      %add3A_15 = arith.addi %mul3A_0, %add3A_14 : i32
      "tpu.region"() ({
        %run_scoped3A = tpu.sem_alloc : memref<!tpu.dma_semaphore, #tpu.memory_space<semaphore_mem>>
        %dma_start3A = arith.constant 0 : i32
        %dma_start3A_18 = tpu.memref_slice %arg8[%dma_start3A] : memref<80xi32, #tpu.memory_space<vmem>> -> memref<80xi32, #tpu.memory_space<vmem>>
        %dma_start3A_19 = tpu.memref_slice %arg4[%add3A_15] : memref<800000xi32, #tpu.memory_space<hbm>> -> memref<80xi32, #tpu.memory_space<hbm>>
        %dma_start3A_20 = arith.constant 0 : i32
        %dma_start3A_21 = tpu.memref_slice %arg8[%dma_start3A_20] : memref<80xi32, #tpu.memory_space<vmem>> -> memref<80xi32, #tpu.memory_space<vmem>>
        %dma_start3A_22 = tpu.memref_slice %arg4[%add3A_15] : memref<800000xi32, #tpu.memory_space<hbm>> -> memref<80xi32, #tpu.memory_space<hbm>>
        tpu.enqueue_dma source(%dma_start3A_22 : memref<80xi32, #tpu.memory_space<hbm>>) target(%dma_start3A_21 : memref<80xi32, #tpu.memory_space<vmem>>) target_semaphore(%run_scoped3A : memref<!tpu.dma_semaphore, #tpu.memory_space<semaphore_mem>>)
        %dma_wait3A = arith.constant 0 : i32
        %dma_wait3A_23 = tpu.memref_slice %arg8[%dma_wait3A] : memref<80xi32, #tpu.memory_space<vmem>> -> memref<80xi32, #tpu.memory_space<vmem>>
        %dma_wait3A_24 = tpu.memref_slice %arg4[%add3A_15] : memref<800000xi32, #tpu.memory_space<hbm>> -> memref<80xi32, #tpu.memory_space<hbm>>
        %dma_wait3A_25 = arith.constant 0 : i32
        %dma_wait3A_26 = tpu.memref_slice %arg8[%dma_wait3A_25] : memref<80xi32, #tpu.memory_space<vmem>> -> memref<80xi32, #tpu.memory_space<vmem>>
        %dma_wait3A_27 = tpu.memref_slice %arg4[%add3A_15] : memref<800000xi32, #tpu.memory_space<hbm>> -> memref<80xi32, #tpu.memory_space<hbm>>
        tpu.wait_dma2 semaphore(%run_scoped3A : memref<!tpu.dma_semaphore, #tpu.memory_space<semaphore_mem>>) src(%dma_wait3A_27 : memref<80xi32, #tpu.memory_space<hbm>>) dst(%dma_wait3A_26 : memref<80xi32, #tpu.memory_space<vmem>>)
        tpu.yield
      }) : () -> ()
      "tpu.region"() ({
        %run_scoped3A = tpu.sem_alloc : memref<!tpu.dma_semaphore, #tpu.memory_space<semaphore_mem>>
        %dma_start3A = arith.constant 0 : i32
        %dma_start3A_18 = arith.constant 0 : i32
        %dma_start3A_19 = tpu.memref_slice %arg9[%dma_start3A, %dma_start3A_18] : memref<80x16xf32, #tpu.memory_space<vmem>> -> memref<80x16xf32, #tpu.memory_space<vmem>>
        %dma_start3A_20 = arith.constant 0 : i32
        %dma_start3A_21 = tpu.memref_slice %arg8[%dma_start3A_20] : memref<80xi32, #tpu.memory_space<vmem>> -> memref<80xi32, #tpu.memory_space<vmem>>
        %dma_start3A_22 = arith.constant 0 : i32
        %dma_start3A_23 = arith.constant 0 : i32
        %dma_start3A_24 = tpu.memref_slice %arg2[%dma_start3A_22, %dma_start3A_23] : memref<50000x16xf32, #tpu.memory_space<hbm>> -> memref<50000x16xf32, #tpu.memory_space<hbm>>
        tpu.enqueue_indirect_dma source(%dma_start3A_24 : memref<50000x16xf32, #tpu.memory_space<hbm>>) target(%dma_start3A_19 : memref<80x16xf32, #tpu.memory_space<vmem>>) offsets(%dma_start3A_21 : memref<80xi32, #tpu.memory_space<vmem>>) semaphore(%run_scoped3A : memref<!tpu.dma_semaphore, #tpu.memory_space<semaphore_mem>>)
        %dma_wait3A = arith.constant 0 : i32
        %dma_wait3A_25 = arith.constant 0 : i32
        %dma_wait3A_26 = tpu.memref_slice %arg9[%dma_wait3A, %dma_wait3A_25] : memref<80x16xf32, #tpu.memory_space<vmem>> -> memref<80x16xf32, #tpu.memory_space<vmem>>
        %dma_wait3A_27 = arith.constant 0 : i32
        %dma_wait3A_28 = tpu.memref_slice %arg8[%dma_wait3A_27] : memref<80xi32, #tpu.memory_space<vmem>> -> memref<80xi32, #tpu.memory_space<vmem>>
        %dma_wait3A_29 = arith.constant 0 : i32
        %dma_wait3A_30 = arith.constant 0 : i32
        %dma_wait3A_31 = tpu.memref_slice %arg2[%dma_wait3A_29, %dma_wait3A_30] : memref<50000x16xf32, #tpu.memory_space<hbm>> -> memref<50000x16xf32, #tpu.memory_space<hbm>>
        tpu.wait_indirect_dma semaphore(%run_scoped3A : memref<!tpu.dma_semaphore, #tpu.memory_space<semaphore_mem>>) src(%dma_wait3A_31 : memref<50000x16xf32, #tpu.memory_space<hbm>>) dst(%dma_wait3A_26 : memref<80x16xf32, #tpu.memory_space<vmem>>)
        tpu.yield
      }) : () -> ()
      %add3A_16 = arith.constant 49920 : i32
      %add3A_17 = arith.addi %add3A, %add3A_16 : i32
      "tpu.region"() ({
        %run_scoped3A = tpu.sem_alloc : memref<!tpu.dma_semaphore, #tpu.memory_space<semaphore_mem>>
        %dma_start3A = arith.constant 0 : i32
        %dma_start3A_18 = arith.constant 0 : i32
        %dma_start3A_19 = tpu.memref_slice %arg9[%dma_start3A, %dma_start3A_18] : memref<80x16xf32, #tpu.memory_space<vmem>> -> memref<80x16xf32, #tpu.memory_space<vmem>>
        %dma_start3A_20 = arith.constant 0 : i32
        %dma_start3A_21 = tpu.memref_slice %arg5[%add3A_17, %dma_start3A_20] : memref<1600000x16xf32, #tpu.memory_space<hbm>> -> memref<80x16xf32, #tpu.memory_space<hbm>>
        %dma_start3A_22 = arith.constant 0 : i32
        %dma_start3A_23 = tpu.memref_slice %arg5[%add3A_17, %dma_start3A_22] : memref<1600000x16xf32, #tpu.memory_space<hbm>> -> memref<80x16xf32, #tpu.memory_space<hbm>>
        %dma_start3A_24 = arith.constant 0 : i32
        %dma_start3A_25 = arith.constant 0 : i32
        %dma_start3A_26 = tpu.memref_slice %arg9[%dma_start3A_24, %dma_start3A_25] : memref<80x16xf32, #tpu.memory_space<vmem>> -> memref<80x16xf32, #tpu.memory_space<vmem>>
        tpu.enqueue_dma source(%dma_start3A_26 : memref<80x16xf32, #tpu.memory_space<vmem>>) target(%dma_start3A_23 : memref<80x16xf32, #tpu.memory_space<hbm>>) target_semaphore(%run_scoped3A : memref<!tpu.dma_semaphore, #tpu.memory_space<semaphore_mem>>)
        %dma_wait3A = arith.constant 0 : i32
        %dma_wait3A_27 = arith.constant 0 : i32
        %dma_wait3A_28 = tpu.memref_slice %arg9[%dma_wait3A, %dma_wait3A_27] : memref<80x16xf32, #tpu.memory_space<vmem>> -> memref<80x16xf32, #tpu.memory_space<vmem>>
        %dma_wait3A_29 = arith.constant 0 : i32
        %dma_wait3A_30 = tpu.memref_slice %arg5[%add3A_17, %dma_wait3A_29] : memref<1600000x16xf32, #tpu.memory_space<hbm>> -> memref<80x16xf32, #tpu.memory_space<hbm>>
        %dma_wait3A_31 = arith.constant 0 : i32
        %dma_wait3A_32 = tpu.memref_slice %arg5[%add3A_17, %dma_wait3A_31] : memref<1600000x16xf32, #tpu.memory_space<hbm>> -> memref<80x16xf32, #tpu.memory_space<hbm>>
        %dma_wait3A_33 = arith.constant 0 : i32
        %dma_wait3A_34 = arith.constant 0 : i32
        %dma_wait3A_35 = tpu.memref_slice %arg9[%dma_wait3A_33, %dma_wait3A_34] : memref<80x16xf32, #tpu.memory_space<vmem>> -> memref<80x16xf32, #tpu.memory_space<vmem>>
        tpu.wait_dma2 semaphore(%run_scoped3A : memref<!tpu.dma_semaphore, #tpu.memory_space<semaphore_mem>>) src(%dma_wait3A_35 : memref<80x16xf32, #tpu.memory_space<vmem>>) dst(%dma_wait3A_32 : memref<80x16xf32, #tpu.memory_space<hbm>>)
        tpu.yield
      }) : () -> ()
    } else {
    }
    return
  }
}

module attributes {stable_mosaic.version = 14 : i64} {
  func.func @body(%arg0: i32, %arg1: memref<2000x19xf32, #tpu.memory_space<vmem>>, %arg2: memref<1x19xf32, #tpu.memory_space<vmem>>, %arg3: memref<19x16xf32, #tpu.memory_space<vmem>>, %arg4: memref<1x16xf32, #tpu.memory_space<vmem>>, %arg5: memref<16x16xf32, #tpu.memory_space<vmem>>, %arg6: memref<1x16xf32, #tpu.memory_space<vmem>>, %arg7: memref<2000x16xf32, #tpu.memory_space<vmem>>) attributes {dimension_semantics = [#tpu.dimension_semantics<arbitrary>], iteration_bounds = array<i64: 25>, scalar_prefetch = 0 : i64, scratch_operands = 0 : i64, tpu.core_type = #tpu.core_type<tc>, window_params = [{transform_indices = @transform_0, window_bounds = array<i64: 2000, 19>}, {pipeline_mode = #tpu.pipeline_mode<synchronous>, transform_indices = @transform_1, window_bounds = array<i64: 1, 19>}, {pipeline_mode = #tpu.pipeline_mode<synchronous>, transform_indices = @transform_2, window_bounds = array<i64: 19, 16>}, {pipeline_mode = #tpu.pipeline_mode<synchronous>, transform_indices = @transform_3, window_bounds = array<i64: 1, 16>}, {pipeline_mode = #tpu.pipeline_mode<synchronous>, transform_indices = @transform_4, window_bounds = array<i64: 16, 16>}, {pipeline_mode = #tpu.pipeline_mode<synchronous>, transform_indices = @transform_5, window_bounds = array<i64: 1, 16>}, {transform_indices = @transform_6, window_bounds = array<i64: 2000, 16>}]} {
    %get3A = arith.constant 0 : index
    %get3A_0 = arith.constant 0 : index
    %get3A_1 = vector.load %arg1[%get3A, %get3A_0] : memref<2000x19xf32, #tpu.memory_space<vmem>>, vector<2000x19xf32>
    %get3A_2 = arith.constant 0 : index
    %get3A_3 = arith.constant 0 : index
    %get3A_4 = vector.load %arg2[%get3A_2, %get3A_3] : memref<1x19xf32, #tpu.memory_space<vmem>>, vector<1x19xf32>
    %div3A = vector.broadcast %get3A_4 : vector<1x19xf32> to vector<2000x19xf32>
    %div3A_5 = arith.divf %get3A_1, %div3A : vector<2000x19xf32>
    %get3A_6 = arith.constant 0 : index
    %get3A_7 = arith.constant 0 : index
    %get3A_8 = vector.load %arg3[%get3A_6, %get3A_7] : memref<19x16xf32, #tpu.memory_space<vmem>>, vector<19x16xf32>
    %dot_general3A = arith.constant dense<0.000000e+00> : vector<2000x16xf32>
    %dot_general3A_9 = tpu.matmul %div3A_5, %get3A_8, %dot_general3A {dimension_numbers = #tpu.dot_dimension_numbers<[1], [0], [0], [1], [0, 0, 1, 1], [], []>, transpose_lhs_hint = false} : vector<2000x19xf32>, vector<19x16xf32>, vector<2000x16xf32> -> vector<2000x16xf32>
    %get3A_10 = arith.constant 0 : index
    %get3A_11 = arith.constant 0 : index
    %get3A_12 = vector.load %arg4[%get3A_10, %get3A_11] : memref<1x16xf32, #tpu.memory_space<vmem>>, vector<1x16xf32>
    %add3A = vector.broadcast %get3A_12 : vector<1x16xf32> to vector<2000x16xf32>
    %add3A_13 = arith.addf %dot_general3A_9, %add3A : vector<2000x16xf32>
    %ge3A = arith.constant 0.000000e+00 : f32
    %ge3A_14 = vector.broadcast %ge3A : f32 to vector<2000x16xf32>
    %ge3A_15 = arith.cmpf oge, %add3A_13, %ge3A_14 : vector<2000x16xf32>
    %mul3A = arith.constant 0.00999999977 : f32
    %mul3A_16 = vector.broadcast %mul3A : f32 to vector<2000x16xf32>
    %mul3A_17 = arith.mulf %mul3A_16, %add3A_13 : vector<2000x16xf32>
    %select_n3A = arith.select %ge3A_15, %add3A_13, %mul3A_17 : vector<2000x16xi1>, vector<2000x16xf32>
    %get3A_18 = arith.constant 0 : index
    %get3A_19 = arith.constant 0 : index
    %get3A_20 = vector.load %arg5[%get3A_18, %get3A_19] : memref<16x16xf32, #tpu.memory_space<vmem>>, vector<16x16xf32>
    %dot_general3A_21 = arith.constant dense<0.000000e+00> : vector<2000x16xf32>
    %dot_general3A_22 = tpu.matmul %select_n3A, %get3A_20, %dot_general3A_21 {dimension_numbers = #tpu.dot_dimension_numbers<[1], [0], [0], [1], [0, 0, 1, 1], [], []>, transpose_lhs_hint = false} : vector<2000x16xf32>, vector<16x16xf32>, vector<2000x16xf32> -> vector<2000x16xf32>
    %get3A_23 = arith.constant 0 : index
    %get3A_24 = arith.constant 0 : index
    %get3A_25 = vector.load %arg6[%get3A_23, %get3A_24] : memref<1x16xf32, #tpu.memory_space<vmem>>, vector<1x16xf32>
    %add3A_26 = vector.broadcast %get3A_25 : vector<1x16xf32> to vector<2000x16xf32>
    %add3A_27 = arith.addf %dot_general3A_22, %add3A_26 : vector<2000x16xf32>
    %ge3A_28 = arith.constant 0.000000e+00 : f32
    %ge3A_29 = vector.broadcast %ge3A_28 : f32 to vector<2000x16xf32>
    %ge3A_30 = arith.cmpf oge, %add3A_27, %ge3A_29 : vector<2000x16xf32>
    %mul3A_31 = arith.constant 0.00999999977 : f32
    %mul3A_32 = vector.broadcast %mul3A_31 : f32 to vector<2000x16xf32>
    %mul3A_33 = arith.mulf %mul3A_32, %add3A_27 : vector<2000x16xf32>
    %select_n3A_34 = arith.select %ge3A_30, %add3A_27, %mul3A_33 : vector<2000x16xi1>, vector<2000x16xf32>
    %swap3A = arith.constant 0 : index
    %swap3A_35 = arith.constant 0 : index
    %swap3A_36 = vector.load %arg7[%swap3A, %swap3A_35] : memref<2000x16xf32, #tpu.memory_space<vmem>>, vector<2000x16xf32>
    tpu.vector_store %arg7[%swap3A, %swap3A_35], %select_n3A_34 {strides = array<i32>} : memref<2000x16xf32, #tpu.memory_space<vmem>>, vector<2000x16xf32>,
    return
  }
  func.func @transform_0(%arg0: i32) -> (i32, i32) {
    %add3A = arith.constant 0 : i32
    %add3A_0 = arith.addi %arg0, %add3A : i32
    %c0_i32 = arith.constant 0 : i32
    %c0_i32_1 = arith.constant 0 : i32
    return %add3A_0, %c0_i32 : i32, i32
  }
  func.func @transform_1(%arg0: i32) -> (i32, i32) {
    %c0_i32 = arith.constant 0 : i32
    %c0_i32_0 = arith.constant 0 : i32
    %c0_i32_1 = arith.constant 0 : i32
    return %c0_i32, %c0_i32_0 : i32, i32
  }
  func.func @transform_2(%arg0: i32) -> (i32, i32) {
    %c0_i32 = arith.constant 0 : i32
    %c0_i32_0 = arith.constant 0 : i32
    %c0_i32_1 = arith.constant 0 : i32
    return %c0_i32, %c0_i32_0 : i32, i32
  }
  func.func @transform_3(%arg0: i32) -> (i32, i32) {
    %c0_i32 = arith.constant 0 : i32
    %c0_i32_0 = arith.constant 0 : i32
    %c0_i32_1 = arith.constant 0 : i32
    return %c0_i32, %c0_i32_0 : i32, i32
  }
  func.func @transform_4(%arg0: i32) -> (i32, i32) {
    %c0_i32 = arith.constant 0 : i32
    %c0_i32_0 = arith.constant 0 : i32
    %c0_i32_1 = arith.constant 0 : i32
    return %c0_i32, %c0_i32_0 : i32, i32
  }
  func.func @transform_5(%arg0: i32) -> (i32, i32) {
    %c0_i32 = arith.constant 0 : i32
    %c0_i32_0 = arith.constant 0 : i32
    %c0_i32_1 = arith.constant 0 : i32
    return %c0_i32, %c0_i32_0 : i32, i32
  }
  func.func @transform_6(%arg0: i32) -> (i32, i32) {
    %add3A = arith.constant 0 : i32
    %add3A_0 = arith.addi %arg0, %add3A : i32
    %c0_i32 = arith.constant 0 : i32
    %c0_i32_1 = arith.constant 0 : i32
    return %add3A_0, %c0_i32 : i32, i32
  }
}

module attributes {stable_mosaic.version = 14 : i64} {
  func.func @body(%arg0: i32, %arg1: memref<4000x12xf32, #tpu.memory_space<vmem>>, %arg2: memref<1x12xf32, #tpu.memory_space<vmem>>, %arg3: memref<12x16xf32, #tpu.memory_space<vmem>>, %arg4: memref<1x16xf32, #tpu.memory_space<vmem>>, %arg5: memref<16x16xf32, #tpu.memory_space<vmem>>, %arg6: memref<1x16xf32, #tpu.memory_space<vmem>>, %arg7: memref<16x16xf32, #tpu.memory_space<vmem>>, %arg8: memref<1x16xf32, #tpu.memory_space<vmem>>, %arg9: memref<16x1xf32, #tpu.memory_space<vmem>>, %arg10: memref<1x1xf32, #tpu.memory_space<vmem>>, %arg11: memref<16x16xf32, #tpu.memory_space<vmem>>, %arg12: memref<1x16xf32, #tpu.memory_space<vmem>>, %arg13: memref<16x1xf32, #tpu.memory_space<vmem>>, %arg14: memref<1x1xf32, #tpu.memory_space<vmem>>, %arg15: memref<4000x16xf32, #tpu.memory_space<vmem>>, %arg16: memref<4000x16xf32, #tpu.memory_space<vmem>>, %arg17: memref<4000x16xf32, #tpu.memory_space<vmem>>) attributes {dimension_semantics = [#tpu.dimension_semantics<arbitrary>], iteration_bounds = array<i64: 200>, scalar_prefetch = 0 : i64, scratch_operands = 0 : i64, tpu.core_type = #tpu.core_type<tc>, window_params = [{transform_indices = @transform_0, window_bounds = array<i64: 4000, 12>}, {pipeline_mode = #tpu.pipeline_mode<synchronous>, transform_indices = @transform_1, window_bounds = array<i64: 1, 12>}, {pipeline_mode = #tpu.pipeline_mode<synchronous>, transform_indices = @transform_2, window_bounds = array<i64: 12, 16>}, {pipeline_mode = #tpu.pipeline_mode<synchronous>, transform_indices = @transform_3, window_bounds = array<i64: 1, 16>}, {pipeline_mode = #tpu.pipeline_mode<synchronous>, transform_indices = @transform_4, window_bounds = array<i64: 16, 16>}, {pipeline_mode = #tpu.pipeline_mode<synchronous>, transform_indices = @transform_5, window_bounds = array<i64: 1, 16>}, {pipeline_mode = #tpu.pipeline_mode<synchronous>, transform_indices = @transform_6, window_bounds = array<i64: 16, 16>}, {pipeline_mode = #tpu.pipeline_mode<synchronous>, transform_indices = @transform_7, window_bounds = array<i64: 1, 16>}, {pipeline_mode = #tpu.pipeline_mode<synchronous>, transform_indices = @transform_8, window_bounds = array<i64: 16, 1>}, {pipeline_mode = #tpu.pipeline_mode<synchronous>, transform_indices = @transform_9, window_bounds = array<i64: 1, 1>}, {pipeline_mode = #tpu.pipeline_mode<synchronous>, transform_indices = @transform_10, window_bounds = array<i64: 16, 16>}, {pipeline_mode = #tpu.pipeline_mode<synchronous>, transform_indices = @transform_11, window_bounds = array<i64: 1, 16>}, {pipeline_mode = #tpu.pipeline_mode<synchronous>, transform_indices = @transform_12, window_bounds = array<i64: 16, 1>}, {pipeline_mode = #tpu.pipeline_mode<synchronous>, transform_indices = @transform_13, window_bounds = array<i64: 1, 1>}, {transform_indices = @transform_14, window_bounds = array<i64: 4000, 16>}, {transform_indices = @transform_15, window_bounds = array<i64: 4000, 16>}, {transform_indices = @transform_16, window_bounds = array<i64: 4000, 16>}]} {
    %get3A = arith.constant 0 : index
    %get3A_0 = arith.constant 0 : index
    %get3A_1 = vector.load %arg1[%get3A, %get3A_0] : memref<4000x12xf32, #tpu.memory_space<vmem>>, vector<4000x12xf32>
    %add3A = arith.constant 9.99999974E-5 : f32
    %add3A_2 = vector.broadcast %add3A : f32 to vector<4000x12xf32>
    %add3A_3 = arith.addf %get3A_1, %add3A_2 : vector<4000x12xf32>
    %get3A_4 = arith.constant 0 : index
    %get3A_5 = arith.constant 0 : index
    %get3A_6 = vector.load %arg2[%get3A_4, %get3A_5] : memref<1x12xf32, #tpu.memory_space<vmem>>, vector<1x12xf32>
    %div3A = vector.broadcast %get3A_6 : vector<1x12xf32> to vector<4000x12xf32>
    %div3A_7 = arith.divf %add3A_3, %div3A : vector<4000x12xf32>
    %get3A_8 = arith.constant 0 : index
    %get3A_9 = arith.constant 0 : index
    %get3A_10 = vector.load %arg3[%get3A_8, %get3A_9] : memref<12x16xf32, #tpu.memory_space<vmem>>, vector<12x16xf32>
    %dot_general3A = arith.constant dense<0.000000e+00> : vector<4000x16xf32>
    %dot_general3A_11 = tpu.matmul %div3A_7, %get3A_10, %dot_general3A {dimension_numbers = #tpu.dot_dimension_numbers<[1], [0], [0], [1], [0, 0, 1, 1], [], []>, transpose_lhs_hint = false} : vector<4000x12xf32>, vector<12x16xf32>, vector<4000x16xf32> -> vector<4000x16xf32>
    %get3A_12 = arith.constant 0 : index
    %get3A_13 = arith.constant 0 : index
    %get3A_14 = vector.load %arg4[%get3A_12, %get3A_13] : memref<1x16xf32, #tpu.memory_space<vmem>>, vector<1x16xf32>
    %add3A_15 = vector.broadcast %get3A_14 : vector<1x16xf32> to vector<4000x16xf32>
    %add3A_16 = arith.addf %dot_general3A_11, %add3A_15 : vector<4000x16xf32>
    %ge3A = arith.constant 0.000000e+00 : f32
    %ge3A_17 = vector.broadcast %ge3A : f32 to vector<4000x16xf32>
    %ge3A_18 = arith.cmpf oge, %add3A_16, %ge3A_17 : vector<4000x16xf32>
    %mul3A = arith.constant 0.00999999977 : f32
    %mul3A_19 = vector.broadcast %mul3A : f32 to vector<4000x16xf32>
    %mul3A_20 = arith.mulf %mul3A_19, %add3A_16 : vector<4000x16xf32>
    %select_n3A = arith.select %ge3A_18, %add3A_16, %mul3A_20 : vector<4000x16xi1>, vector<4000x16xf32>
    %get3A_21 = arith.constant 0 : index
    %get3A_22 = arith.constant 0 : index
    %get3A_23 = vector.load %arg5[%get3A_21, %get3A_22] : memref<16x16xf32, #tpu.memory_space<vmem>>, vector<16x16xf32>
    %dot_general3A_24 = arith.constant dense<0.000000e+00> : vector<4000x16xf32>
    %dot_general3A_25 = tpu.matmul %select_n3A, %get3A_23, %dot_general3A_24 {dimension_numbers = #tpu.dot_dimension_numbers<[1], [0], [0], [1], [0, 0, 1, 1], [], []>, transpose_lhs_hint = false} : vector<4000x16xf32>, vector<16x16xf32>, vector<4000x16xf32> -> vector<4000x16xf32>
    %get3A_26 = arith.constant 0 : index
    %get3A_27 = arith.constant 0 : index
    %get3A_28 = vector.load %arg6[%get3A_26, %get3A_27] : memref<1x16xf32, #tpu.memory_space<vmem>>, vector<1x16xf32>
    %add3A_29 = vector.broadcast %get3A_28 : vector<1x16xf32> to vector<4000x16xf32>
    %add3A_30 = arith.addf %dot_general3A_25, %add3A_29 : vector<4000x16xf32>
    %ge3A_31 = arith.constant 0.000000e+00 : f32
    %ge3A_32 = vector.broadcast %ge3A_31 : f32 to vector<4000x16xf32>
    %ge3A_33 = arith.cmpf oge, %add3A_30, %ge3A_32 : vector<4000x16xf32>
    %mul3A_34 = arith.constant 0.00999999977 : f32
    %mul3A_35 = vector.broadcast %mul3A_34 : f32 to vector<4000x16xf32>
    %mul3A_36 = arith.mulf %mul3A_35, %add3A_30 : vector<4000x16xf32>
    %select_n3A_37 = arith.select %ge3A_33, %add3A_30, %mul3A_36 : vector<4000x16xi1>, vector<4000x16xf32>
    %swap3A = arith.constant 0 : index
    %swap3A_38 = arith.constant 0 : index
    %swap3A_39 = vector.load %arg15[%swap3A, %swap3A_38] : memref<4000x16xf32, #tpu.memory_space<vmem>>, vector<4000x16xf32>
    tpu.vector_store %arg15[%swap3A, %swap3A_38], %select_n3A_37 {strides = array<i32>} : memref<4000x16xf32, #tpu.memory_space<vmem>>, vector<4000x16xf32>,
    %get3A_40 = arith.constant 0 : index
    %get3A_41 = arith.constant 0 : index
    %get3A_42 = vector.load %arg7[%get3A_40, %get3A_41] : memref<16x16xf32, #tpu.memory_space<vmem>>, vector<16x16xf32>
    %dot_general3A_43 = arith.constant dense<0.000000e+00> : vector<4000x16xf32>
    %dot_general3A_44 = tpu.matmul %select_n3A_37, %get3A_42, %dot_general3A_43 {dimension_numbers = #tpu.dot_dimension_numbers<[1], [0], [0], [1], [0, 0, 1, 1], [], []>, transpose_lhs_hint = false} : vector<4000x16xf32>, vector<16x16xf32>, vector<4000x16xf32> -> vector<4000x16xf32>
    %get3A_45 = arith.constant 0 : index
    %get3A_46 = arith.constant 0 : index
    %get3A_47 = vector.load %arg8[%get3A_45, %get3A_46] : memref<1x16xf32, #tpu.memory_space<vmem>>, vector<1x16xf32>
    %add3A_48 = vector.broadcast %get3A_47 : vector<1x16xf32> to vector<4000x16xf32>
    %add3A_49 = arith.addf %dot_general3A_44, %add3A_48 : vector<4000x16xf32>
    %ge3A_50 = arith.constant 0.000000e+00 : f32
    %ge3A_51 = vector.broadcast %ge3A_50 : f32 to vector<4000x16xf32>
    %ge3A_52 = arith.cmpf oge, %add3A_49, %ge3A_51 : vector<4000x16xf32>
    %mul3A_53 = arith.constant 0.00999999977 : f32
    %mul3A_54 = vector.broadcast %mul3A_53 : f32 to vector<4000x16xf32>
    %mul3A_55 = arith.mulf %mul3A_54, %add3A_49 : vector<4000x16xf32>
    %select_n3A_56 = arith.select %ge3A_52, %add3A_49, %mul3A_55 : vector<4000x16xi1>, vector<4000x16xf32>
    %get3A_57 = arith.constant 0 : index
    %get3A_58 = arith.constant 0 : index
    %get3A_59 = vector.load %arg9[%get3A_57, %get3A_58] : memref<16x1xf32, #tpu.memory_space<vmem>>, vector<16x1xf32>
    %dot_general3A_60 = arith.constant dense<0.000000e+00> : vector<4000x1xf32>
    %dot_general3A_61 = tpu.matmul %select_n3A_56, %get3A_59, %dot_general3A_60 {dimension_numbers = #tpu.dot_dimension_numbers<[1], [0], [0], [1], [0, 0, 1, 1], [], []>, transpose_lhs_hint = false} : vector<4000x16xf32>, vector<16x1xf32>, vector<4000x1xf32> -> vector<4000x1xf32>
    %get3A_62 = arith.constant 0 : index
    %get3A_63 = arith.constant 0 : index
    %get3A_64 = vector.load %arg10[%get3A_62, %get3A_63] : memref<1x1xf32, #tpu.memory_space<vmem>>, vector<1x1xf32>
    %add3A_65 = vector.broadcast %get3A_64 : vector<1x1xf32> to vector<4000x1xf32>
    %add3A_66 = arith.addf %dot_general3A_61, %add3A_65 : vector<4000x1xf32>
    %logistic3A = arith.negf %add3A_66 : vector<4000x1xf32>
    %logistic3A_67 = math.exp %logistic3A : vector<4000x1xf32>
    %logistic3A_68 = arith.constant 1.000000e+00 : f32
    %logistic3A_69 = vector.broadcast %logistic3A_68 : f32 to vector<4000x1xf32>
    %logistic3A_70 = arith.addf %logistic3A_69, %logistic3A_67 : vector<4000x1xf32>
    %logistic3A_71 = arith.divf %logistic3A_69, %logistic3A_70 : vector<4000x1xf32>
    %get3A_72 = arith.constant 0 : index
    %get3A_73 = arith.constant 0 : index
    %get3A_74 = vector.load %arg11[%get3A_72, %get3A_73] : memref<16x16xf32, #tpu.memory_space<vmem>>, vector<16x16xf32>
    %dot_general3A_75 = arith.constant dense<0.000000e+00> : vector<4000x16xf32>
    %dot_general3A_76 = tpu.matmul %select_n3A_37, %get3A_74, %dot_general3A_75 {dimension_numbers = #tpu.dot_dimension_numbers<[1], [0], [0], [1], [0, 0, 1, 1], [], []>, transpose_lhs_hint = false} : vector<4000x16xf32>, vector<16x16xf32>, vector<4000x16xf32> -> vector<4000x16xf32>
    %get3A_77 = arith.constant 0 : index
    %get3A_78 = arith.constant 0 : index
    %get3A_79 = vector.load %arg12[%get3A_77, %get3A_78] : memref<1x16xf32, #tpu.memory_space<vmem>>, vector<1x16xf32>
    %add3A_80 = vector.broadcast %get3A_79 : vector<1x16xf32> to vector<4000x16xf32>
    %add3A_81 = arith.addf %dot_general3A_76, %add3A_80 : vector<4000x16xf32>
    %ge3A_82 = arith.constant 0.000000e+00 : f32
    %ge3A_83 = vector.broadcast %ge3A_82 : f32 to vector<4000x16xf32>
    %ge3A_84 = arith.cmpf oge, %add3A_81, %ge3A_83 : vector<4000x16xf32>
    %mul3A_85 = arith.constant 0.00999999977 : f32
    %mul3A_86 = vector.broadcast %mul3A_85 : f32 to vector<4000x16xf32>
    %mul3A_87 = arith.mulf %mul3A_86, %add3A_81 : vector<4000x16xf32>
    %select_n3A_88 = arith.select %ge3A_84, %add3A_81, %mul3A_87 : vector<4000x16xi1>, vector<4000x16xf32>
    %get3A_89 = arith.constant 0 : index
    %get3A_90 = arith.constant 0 : index
    %get3A_91 = vector.load %arg13[%get3A_89, %get3A_90] : memref<16x1xf32, #tpu.memory_space<vmem>>, vector<16x1xf32>
    %dot_general3A_92 = arith.constant dense<0.000000e+00> : vector<4000x1xf32>
    %dot_general3A_93 = tpu.matmul %select_n3A_88, %get3A_91, %dot_general3A_92 {dimension_numbers = #tpu.dot_dimension_numbers<[1], [0], [0], [1], [0, 0, 1, 1], [], []>, transpose_lhs_hint = false} : vector<4000x16xf32>, vector<16x1xf32>, vector<4000x1xf32> -> vector<4000x1xf32>
    %get3A_94 = arith.constant 0 : index
    %get3A_95 = arith.constant 0 : index
    %get3A_96 = vector.load %arg14[%get3A_94, %get3A_95] : memref<1x1xf32, #tpu.memory_space<vmem>>, vector<1x1xf32>
    %add3A_97 = vector.broadcast %get3A_96 : vector<1x1xf32> to vector<4000x1xf32>
    %add3A_98 = arith.addf %dot_general3A_93, %add3A_97 : vector<4000x1xf32>
    %logistic3A_99 = arith.negf %add3A_98 : vector<4000x1xf32>
    %logistic3A_100 = math.exp %logistic3A_99 : vector<4000x1xf32>
    %logistic3A_101 = arith.constant 1.000000e+00 : f32
    %logistic3A_102 = vector.broadcast %logistic3A_101 : f32 to vector<4000x1xf32>
    %logistic3A_103 = arith.addf %logistic3A_102, %logistic3A_100 : vector<4000x1xf32>
    %logistic3A_104 = arith.divf %logistic3A_102, %logistic3A_103 : vector<4000x1xf32>
    %iota3A = tpu.iota {dimensions = array<i32: 1>} : vector<1x16xi32>
    %eq3A = arith.constant 0 : i32
    %eq3A_105 = vector.broadcast %eq3A : i32 to vector<1x16xi32>
    %eq3A_106 = arith.cmpi eq, %iota3A, %eq3A_105 : vector<1x16xi32>
    %convert_element_type3A = arith.extui %eq3A_106 : vector<1x16xi1> to vector<1x16xi32>
    %convert_element_type3A_107 = arith.sitofp %convert_element_type3A : vector<1x16xi32> to vector<1x16xf32>
    %mul3A_108 = vector.broadcast %logistic3A_71 : vector<4000x1xf32> to vector<4000x16xf32>
    %mul3A_109 = vector.broadcast %convert_element_type3A_107 : vector<1x16xf32> to vector<4000x16xf32>
    %mul3A_110 = arith.mulf %mul3A_108, %mul3A_109 : vector<4000x16xf32>
    %swap3A_111 = arith.constant 0 : index
    %swap3A_112 = arith.constant 0 : index
    %swap3A_113 = vector.load %arg16[%swap3A_111, %swap3A_112] : memref<4000x16xf32, #tpu.memory_space<vmem>>, vector<4000x16xf32>
    tpu.vector_store %arg16[%swap3A_111, %swap3A_112], %mul3A_110 {strides = array<i32>} : memref<4000x16xf32, #tpu.memory_space<vmem>>, vector<4000x16xf32>,
    %mul3A_114 = vector.broadcast %logistic3A_104 : vector<4000x1xf32> to vector<4000x16xf32>
    %mul3A_115 = vector.broadcast %convert_element_type3A_107 : vector<1x16xf32> to vector<4000x16xf32>
    %mul3A_116 = arith.mulf %mul3A_114, %mul3A_115 : vector<4000x16xf32>
    %swap3A_117 = arith.constant 0 : index
    %swap3A_118 = arith.constant 0 : index
    %swap3A_119 = vector.load %arg17[%swap3A_117, %swap3A_118] : memref<4000x16xf32, #tpu.memory_space<vmem>>, vector<4000x16xf32>
    tpu.vector_store %arg17[%swap3A_117, %swap3A_118], %mul3A_116 {strides = array<i32>} : memref<4000x16xf32, #tpu.memory_space<vmem>>, vector<4000x16xf32>,
    return
  }
  func.func @transform_0(%arg0: i32) -> (i32, i32) {
    %add3A = arith.constant 0 : i32
    %add3A_0 = arith.addi %arg0, %add3A : i32
    %c0_i32 = arith.constant 0 : i32
    %c0_i32_1 = arith.constant 0 : i32
    return %add3A_0, %c0_i32 : i32, i32
  }
  func.func @transform_1(%arg0: i32) -> (i32, i32) {
    %c0_i32 = arith.constant 0 : i32
    %c0_i32_0 = arith.constant 0 : i32
    %c0_i32_1 = arith.constant 0 : i32
    return %c0_i32, %c0_i32_0 : i32, i32
  }
  func.func @transform_2(%arg0: i32) -> (i32, i32) {
    %c0_i32 = arith.constant 0 : i32
    %c0_i32_0 = arith.constant 0 : i32
    %c0_i32_1 = arith.constant 0 : i32
    return %c0_i32, %c0_i32_0 : i32, i32
  }
  func.func @transform_3(%arg0: i32) -> (i32, i32) {
    %c0_i32 = arith.constant 0 : i32
    %c0_i32_0 = arith.constant 0 : i32
    %c0_i32_1 = arith.constant 0 : i32
    return %c0_i32, %c0_i32_0 : i32, i32
  }
  func.func @transform_4(%arg0: i32) -> (i32, i32) {
    %c0_i32 = arith.constant 0 : i32
    %c0_i32_0 = arith.constant 0 : i32
    %c0_i32_1 = arith.constant 0 : i32
    return %c0_i32, %c0_i32_0 : i32, i32
  }
  func.func @transform_5(%arg0: i32) -> (i32, i32) {
    %c0_i32 = arith.constant 0 : i32
    %c0_i32_0 = arith.constant 0 : i32
    %c0_i32_1 = arith.constant 0 : i32
    return %c0_i32, %c0_i32_0 : i32, i32
  }
  func.func @transform_6(%arg0: i32) -> (i32, i32) {
    %c0_i32 = arith.constant 0 : i32
    %c0_i32_0 = arith.constant 0 : i32
    %c0_i32_1 = arith.constant 0 : i32
    return %c0_i32, %c0_i32_0 : i32, i32
  }
  func.func @transform_7(%arg0: i32) -> (i32, i32) {
    %c0_i32 = arith.constant 0 : i32
    %c0_i32_0 = arith.constant 0 : i32
    %c0_i32_1 = arith.constant 0 : i32
    return %c0_i32, %c0_i32_0 : i32, i32
  }
  func.func @transform_8(%arg0: i32) -> (i32, i32) {
    %c0_i32 = arith.constant 0 : i32
    %c0_i32_0 = arith.constant 0 : i32
    %c0_i32_1 = arith.constant 0 : i32
    return %c0_i32, %c0_i32_0 : i32, i32
  }
  func.func @transform_9(%arg0: i32) -> (i32, i32) {
    %c0_i32 = arith.constant 0 : i32
    %c0_i32_0 = arith.constant 0 : i32
    %c0_i32_1 = arith.constant 0 : i32
    return %c0_i32, %c0_i32_0 : i32, i32
  }
  func.func @transform_10(%arg0: i32) -> (i32, i32) {
    %c0_i32 = arith.constant 0 : i32
    %c0_i32_0 = arith.constant 0 : i32
    %c0_i32_1 = arith.constant 0 : i32
    return %c0_i32, %c0_i32_0 : i32, i32
  }
  func.func @transform_11(%arg0: i32) -> (i32, i32) {
    %c0_i32 = arith.constant 0 : i32
    %c0_i32_0 = arith.constant 0 : i32
    %c0_i32_1 = arith.constant 0 : i32
    return %c0_i32, %c0_i32_0 : i32, i32
  }
  func.func @transform_12(%arg0: i32) -> (i32, i32) {
    %c0_i32 = arith.constant 0 : i32
    %c0_i32_0 = arith.constant 0 : i32
    %c0_i32_1 = arith.constant 0 : i32
    return %c0_i32, %c0_i32_0 : i32, i32
  }
  func.func @transform_13(%arg0: i32) -> (i32, i32) {
    %c0_i32 = arith.constant 0 : i32
    %c0_i32_0 = arith.constant 0 : i32
    %c0_i32_1 = arith.constant 0 : i32
    return %c0_i32, %c0_i32_0 : i32, i32
  }
  func.func @transform_14(%arg0: i32) -> (i32, i32) {
    %add3A = arith.constant 0 : i32
    %add3A_0 = arith.addi %arg0, %add3A : i32
    %c0_i32 = arith.constant 0 : i32
    %c0_i32_1 = arith.constant 0 : i32
    return %add3A_0, %c0_i32 : i32, i32
  }
  func.func @transform_15(%arg0: i32) -> (i32, i32) {
    %add3A = arith.constant 0 : i32
    %add3A_0 = arith.addi %arg0, %add3A : i32
    %c0_i32 = arith.constant 0 : i32
    %c0_i32_1 = arith.constant 0 : i32
    return %add3A_0, %c0_i32 : i32, i32
  }
  func.func @transform_16(%arg0: i32) -> (i32, i32) {
    %add3A = arith.constant 0 : i32
    %add3A_0 = arith.addi %arg0, %add3A : i32
    %c0_i32 = arith.constant 0 : i32
    %c0_i32_1 = arith.constant 0 : i32
    return %add3A_0, %c0_i32 : i32, i32
  }
}

module attributes {stable_mosaic.version = 14 : i64} {
  func.func @body(%arg0: i32, %arg1: memref<4000x16xf32, #tpu.memory_space<vmem>>, %arg2: memref<4000x16xf32, #tpu.memory_space<vmem>>, %arg3: memref<4000x16xf32, #tpu.memory_space<vmem>>, %arg4: memref<4000x16xf32, #tpu.memory_space<vmem>>, %arg5: memref<16x32xf32, #tpu.memory_space<vmem>>, %arg6: memref<16x32xf32, #tpu.memory_space<vmem>>, %arg7: memref<1x32xf32, #tpu.memory_space<vmem>>, %arg8: memref<32x16xf32, #tpu.memory_space<vmem>>, %arg9: memref<1x16xf32, #tpu.memory_space<vmem>>, %arg10: memref<4000x16xf32, #tpu.memory_space<vmem>>, %arg11: memref<4000x16xf32, #tpu.memory_space<vmem>>) attributes {dimension_semantics = [#tpu.dimension_semantics<arbitrary>], iteration_bounds = array<i64: 200>, scalar_prefetch = 0 : i64, scratch_operands = 0 : i64, tpu.core_type = #tpu.core_type<tc>, window_params = [{transform_indices = @transform_0, window_bounds = array<i64: 4000, 16>}, {transform_indices = @transform_1, window_bounds = array<i64: 4000, 16>}, {transform_indices = @transform_2, window_bounds = array<i64: 4000, 16>}, {transform_indices = @transform_3, window_bounds = array<i64: 4000, 16>}, {pipeline_mode = #tpu.pipeline_mode<synchronous>, transform_indices = @transform_4, window_bounds = array<i64: 16, 32>}, {pipeline_mode = #tpu.pipeline_mode<synchronous>, transform_indices = @transform_5, window_bounds = array<i64: 16, 32>}, {pipeline_mode = #tpu.pipeline_mode<synchronous>, transform_indices = @transform_6, window_bounds = array<i64: 1, 32>}, {pipeline_mode = #tpu.pipeline_mode<synchronous>, transform_indices = @transform_7, window_bounds = array<i64: 32, 16>}, {pipeline_mode = #tpu.pipeline_mode<synchronous>, transform_indices = @transform_8, window_bounds = array<i64: 1, 16>}, {transform_indices = @transform_9, window_bounds = array<i64: 4000, 16>}, {transform_indices = @transform_10, window_bounds = array<i64: 4000, 16>}]} {
    %get3A = arith.constant 0 : index
    %get3A_0 = arith.constant 0 : index
    %get3A_1 = vector.load %arg1[%get3A, %get3A_0] : memref<4000x16xf32, #tpu.memory_space<vmem>>, vector<4000x16xf32>
    %get3A_2 = arith.constant 0 : index
    %get3A_3 = arith.constant 0 : index
    %get3A_4 = vector.load %arg2[%get3A_2, %get3A_3] : memref<4000x16xf32, #tpu.memory_space<vmem>>, vector<4000x16xf32>
    %sub3A = arith.subf %get3A_4, %get3A_1 : vector<4000x16xf32>
    %get3A_5 = arith.constant 0 : index
    %get3A_6 = arith.constant 0 : index
    %get3A_7 = vector.load %arg5[%get3A_5, %get3A_6] : memref<16x32xf32, #tpu.memory_space<vmem>>, vector<16x32xf32>
    %dot_general3A = arith.constant dense<0.000000e+00> : vector<4000x32xf32>
    %dot_general3A_8 = tpu.matmul %get3A_1, %get3A_7, %dot_general3A {dimension_numbers = #tpu.dot_dimension_numbers<[1], [0], [0], [1], [0, 0, 1, 1], [], []>, transpose_lhs_hint = false} : vector<4000x16xf32>, vector<16x32xf32>, vector<4000x32xf32> -> vector<4000x32xf32>
    %get3A_9 = arith.constant 0 : index
    %get3A_10 = arith.constant 0 : index
    %get3A_11 = vector.load %arg6[%get3A_9, %get3A_10] : memref<16x32xf32, #tpu.memory_space<vmem>>, vector<16x32xf32>
    %dot_general3A_12 = arith.constant dense<0.000000e+00> : vector<4000x32xf32>
    %dot_general3A_13 = tpu.matmul %sub3A, %get3A_11, %dot_general3A_12 {dimension_numbers = #tpu.dot_dimension_numbers<[1], [0], [0], [1], [0, 0, 1, 1], [], []>, transpose_lhs_hint = false} : vector<4000x16xf32>, vector<16x32xf32>, vector<4000x32xf32> -> vector<4000x32xf32>
    %add3A = arith.addf %dot_general3A_8, %dot_general3A_13 : vector<4000x32xf32>
    %get3A_14 = arith.constant 0 : index
    %get3A_15 = arith.constant 0 : index
    %get3A_16 = vector.load %arg7[%get3A_14, %get3A_15] : memref<1x32xf32, #tpu.memory_space<vmem>>, vector<1x32xf32>
    %add3A_17 = vector.broadcast %get3A_16 : vector<1x32xf32> to vector<4000x32xf32>
    %add3A_18 = arith.addf %add3A, %add3A_17 : vector<4000x32xf32>
    %ge3A = arith.constant 0.000000e+00 : f32
    %ge3A_19 = vector.broadcast %ge3A : f32 to vector<4000x32xf32>
    %ge3A_20 = arith.cmpf oge, %add3A_18, %ge3A_19 : vector<4000x32xf32>
    %mul3A = arith.constant 0.00999999977 : f32
    %mul3A_21 = vector.broadcast %mul3A : f32 to vector<4000x32xf32>
    %mul3A_22 = arith.mulf %mul3A_21, %add3A_18 : vector<4000x32xf32>
    %select_n3A = arith.select %ge3A_20, %add3A_18, %mul3A_22 : vector<4000x32xi1>, vector<4000x32xf32>
    %get3A_23 = arith.constant 0 : index
    %get3A_24 = arith.constant 0 : index
    %get3A_25 = vector.load %arg8[%get3A_23, %get3A_24] : memref<32x16xf32, #tpu.memory_space<vmem>>, vector<32x16xf32>
    %dot_general3A_26 = arith.constant dense<0.000000e+00> : vector<4000x16xf32>
    %dot_general3A_27 = tpu.matmul %select_n3A, %get3A_25, %dot_general3A_26 {dimension_numbers = #tpu.dot_dimension_numbers<[1], [0], [0], [1], [0, 0, 1, 1], [], []>, transpose_lhs_hint = false} : vector<4000x32xf32>, vector<32x16xf32>, vector<4000x16xf32> -> vector<4000x16xf32>
    %get3A_28 = arith.constant 0 : index
    %get3A_29 = arith.constant 0 : index
    %get3A_30 = vector.load %arg9[%get3A_28, %get3A_29] : memref<1x16xf32, #tpu.memory_space<vmem>>, vector<1x16xf32>
    %add3A_31 = vector.broadcast %get3A_30 : vector<1x16xf32> to vector<4000x16xf32>
    %add3A_32 = arith.addf %dot_general3A_27, %add3A_31 : vector<4000x16xf32>
    %ge3A_33 = arith.constant 0.000000e+00 : f32
    %ge3A_34 = vector.broadcast %ge3A_33 : f32 to vector<4000x16xf32>
    %ge3A_35 = arith.cmpf oge, %add3A_32, %ge3A_34 : vector<4000x16xf32>
    %mul3A_36 = arith.constant 0.00999999977 : f32
    %mul3A_37 = vector.broadcast %mul3A_36 : f32 to vector<4000x16xf32>
    %mul3A_38 = arith.mulf %mul3A_37, %add3A_32 : vector<4000x16xf32>
    %select_n3A_39 = arith.select %ge3A_35, %add3A_32, %mul3A_38 : vector<4000x16xi1>, vector<4000x16xf32>
    %get3A_40 = arith.constant 0 : index
    %get3A_41 = arith.constant 0 : index
    %get3A_42 = vector.load %arg3[%get3A_40, %get3A_41] : memref<4000x16xf32, #tpu.memory_space<vmem>>, vector<4000x1xf32>
    %mul3A_43 = vector.broadcast %get3A_42 : vector<4000x1xf32> to vector<4000x16xf32>
    %mul3A_44 = arith.mulf %select_n3A_39, %mul3A_43 : vector<4000x16xf32>
    %swap3A = arith.constant 0 : index
    %swap3A_45 = arith.constant 0 : index
    %swap3A_46 = vector.load %arg10[%swap3A, %swap3A_45] : memref<4000x16xf32, #tpu.memory_space<vmem>>, vector<4000x16xf32>
    tpu.vector_store %arg10[%swap3A, %swap3A_45], %mul3A_44 {strides = array<i32>} : memref<4000x16xf32, #tpu.memory_space<vmem>>, vector<4000x16xf32>,
    %get3A_47 = arith.constant 0 : index
    %get3A_48 = arith.constant 0 : index
    %get3A_49 = vector.load %arg5[%get3A_47, %get3A_48] : memref<16x32xf32, #tpu.memory_space<vmem>>, vector<16x32xf32>
    %dot_general3A_50 = arith.constant dense<0.000000e+00> : vector<4000x32xf32>
    %dot_general3A_51 = tpu.matmul %get3A_4, %get3A_49, %dot_general3A_50 {dimension_numbers = #tpu.dot_dimension_numbers<[1], [0], [0], [1], [0, 0, 1, 1], [], []>, transpose_lhs_hint = false} : vector<4000x16xf32>, vector<16x32xf32>, vector<4000x32xf32> -> vector<4000x32xf32>
    %get3A_52 = arith.constant 0 : index
    %get3A_53 = arith.constant 0 : index
    %get3A_54 = vector.load %arg6[%get3A_52, %get3A_53] : memref<16x32xf32, #tpu.memory_space<vmem>>, vector<16x32xf32>
    %dot_general3A_55 = arith.constant dense<0.000000e+00> : vector<4000x32xf32>
    %dot_general3A_56 = tpu.matmul %sub3A, %get3A_54, %dot_general3A_55 {dimension_numbers = #tpu.dot_dimension_numbers<[1], [0], [0], [1], [0, 0, 1, 1], [], []>, transpose_lhs_hint = false} : vector<4000x16xf32>, vector<16x32xf32>, vector<4000x32xf32> -> vector<4000x32xf32>
    %sub3A_57 = arith.subf %dot_general3A_51, %dot_general3A_56 : vector<4000x32xf32>
    %get3A_58 = arith.constant 0 : index
    %get3A_59 = arith.constant 0 : index
    %get3A_60 = vector.load %arg7[%get3A_58, %get3A_59] : memref<1x32xf32, #tpu.memory_space<vmem>>, vector<1x32xf32>
    %add3A_61 = vector.broadcast %get3A_60 : vector<1x32xf32> to vector<4000x32xf32>
    %add3A_62 = arith.addf %sub3A_57, %add3A_61 : vector<4000x32xf32>
    %ge3A_63 = arith.constant 0.000000e+00 : f32
    %ge3A_64 = vector.broadcast %ge3A_63 : f32 to vector<4000x32xf32>
    %ge3A_65 = arith.cmpf oge, %add3A_62, %ge3A_64 : vector<4000x32xf32>
    %mul3A_66 = arith.constant 0.00999999977 : f32
    %mul3A_67 = vector.broadcast %mul3A_66 : f32 to vector<4000x32xf32>
    %mul3A_68 = arith.mulf %mul3A_67, %add3A_62 : vector<4000x32xf32>
    %select_n3A_69 = arith.select %ge3A_65, %add3A_62, %mul3A_68 : vector<4000x32xi1>, vector<4000x32xf32>
    %get3A_70 = arith.constant 0 : index
    %get3A_71 = arith.constant 0 : index
    %get3A_72 = vector.load %arg8[%get3A_70, %get3A_71] : memref<32x16xf32, #tpu.memory_space<vmem>>, vector<32x16xf32>
    %dot_general3A_73 = arith.constant dense<0.000000e+00> : vector<4000x16xf32>
    %dot_general3A_74 = tpu.matmul %select_n3A_69, %get3A_72, %dot_general3A_73 {dimension_numbers = #tpu.dot_dimension_numbers<[1], [0], [0], [1], [0, 0, 1, 1], [], []>, transpose_lhs_hint = false} : vector<4000x32xf32>, vector<32x16xf32>, vector<4000x16xf32> -> vector<4000x16xf32>
    %get3A_75 = arith.constant 0 : index
    %get3A_76 = arith.constant 0 : index
    %get3A_77 = vector.load %arg9[%get3A_75, %get3A_76] : memref<1x16xf32, #tpu.memory_space<vmem>>, vector<1x16xf32>
    %add3A_78 = vector.broadcast %get3A_77 : vector<1x16xf32> to vector<4000x16xf32>
    %add3A_79 = arith.addf %dot_general3A_74, %add3A_78 : vector<4000x16xf32>
    %ge3A_80 = arith.constant 0.000000e+00 : f32
    %ge3A_81 = vector.broadcast %ge3A_80 : f32 to vector<4000x16xf32>
    %ge3A_82 = arith.cmpf oge, %add3A_79, %ge3A_81 : vector<4000x16xf32>
    %mul3A_83 = arith.constant 0.00999999977 : f32
    %mul3A_84 = vector.broadcast %mul3A_83 : f32 to vector<4000x16xf32>
    %mul3A_85 = arith.mulf %mul3A_84, %add3A_79 : vector<4000x16xf32>
    %select_n3A_86 = arith.select %ge3A_82, %add3A_79, %mul3A_85 : vector<4000x16xi1>, vector<4000x16xf32>
    %get3A_87 = arith.constant 0 : index
    %get3A_88 = arith.constant 0 : index
    %get3A_89 = vector.load %arg4[%get3A_87, %get3A_88] : memref<4000x16xf32, #tpu.memory_space<vmem>>, vector<4000x1xf32>
    %mul3A_90 = vector.broadcast %get3A_89 : vector<4000x1xf32> to vector<4000x16xf32>
    %mul3A_91 = arith.mulf %select_n3A_86, %mul3A_90 : vector<4000x16xf32>
    %swap3A_92 = arith.constant 0 : index
    %swap3A_93 = arith.constant 0 : index
    %swap3A_94 = vector.load %arg11[%swap3A_92, %swap3A_93] : memref<4000x16xf32, #tpu.memory_space<vmem>>, vector<4000x16xf32>
    tpu.vector_store %arg11[%swap3A_92, %swap3A_93], %mul3A_91 {strides = array<i32>} : memref<4000x16xf32, #tpu.memory_space<vmem>>, vector<4000x16xf32>,
    return
  }
  func.func @transform_0(%arg0: i32) -> (i32, i32) {
    %add3A = arith.constant 0 : i32
    %add3A_0 = arith.addi %arg0, %add3A : i32
    %c0_i32 = arith.constant 0 : i32
    %c0_i32_1 = arith.constant 0 : i32
    return %add3A_0, %c0_i32 : i32, i32
  }
  func.func @transform_1(%arg0: i32) -> (i32, i32) {
    %add3A = arith.constant 200 : i32
    %add3A_0 = arith.addi %arg0, %add3A : i32
    %c0_i32 = arith.constant 0 : i32
    %c0_i32_1 = arith.constant 0 : i32
    return %add3A_0, %c0_i32 : i32, i32
  }
  func.func @transform_2(%arg0: i32) -> (i32, i32) {
    %add3A = arith.constant 0 : i32
    %add3A_0 = arith.addi %arg0, %add3A : i32
    %c0_i32 = arith.constant 0 : i32
    %c0_i32_1 = arith.constant 0 : i32
    return %add3A_0, %c0_i32 : i32, i32
  }
  func.func @transform_3(%arg0: i32) -> (i32, i32) {
    %add3A = arith.constant 0 : i32
    %add3A_0 = arith.addi %arg0, %add3A : i32
    %c0_i32 = arith.constant 0 : i32
    %c0_i32_1 = arith.constant 0 : i32
    return %add3A_0, %c0_i32 : i32, i32
  }
  func.func @transform_4(%arg0: i32) -> (i32, i32) {
    %c0_i32 = arith.constant 0 : i32
    %c0_i32_0 = arith.constant 0 : i32
    %c0_i32_1 = arith.constant 0 : i32
    return %c0_i32, %c0_i32_0 : i32, i32
  }
  func.func @transform_5(%arg0: i32) -> (i32, i32) {
    %c0_i32 = arith.constant 0 : i32
    %c0_i32_0 = arith.constant 0 : i32
    %c0_i32_1 = arith.constant 0 : i32
    return %c0_i32, %c0_i32_0 : i32, i32
  }
  func.func @transform_6(%arg0: i32) -> (i32, i32) {
    %c0_i32 = arith.constant 0 : i32
    %c0_i32_0 = arith.constant 0 : i32
    %c0_i32_1 = arith.constant 0 : i32
    return %c0_i32, %c0_i32_0 : i32, i32
  }
  func.func @transform_7(%arg0: i32) -> (i32, i32) {
    %c0_i32 = arith.constant 0 : i32
    %c0_i32_0 = arith.constant 0 : i32
    %c0_i32_1 = arith.constant 0 : i32
    return %c0_i32, %c0_i32_0 : i32, i32
  }
  func.func @transform_8(%arg0: i32) -> (i32, i32) {
    %c0_i32 = arith.constant 0 : i32
    %c0_i32_0 = arith.constant 0 : i32
    %c0_i32_1 = arith.constant 0 : i32
    return %c0_i32, %c0_i32_0 : i32, i32
  }
  func.func @transform_9(%arg0: i32) -> (i32, i32) {
    %add3A = arith.constant 0 : i32
    %add3A_0 = arith.addi %arg0, %add3A : i32
    %c0_i32 = arith.constant 0 : i32
    %c0_i32_1 = arith.constant 0 : i32
    return %add3A_0, %c0_i32 : i32, i32
  }
  func.func @transform_10(%arg0: i32) -> (i32, i32) {
    %add3A = arith.constant 0 : i32
    %add3A_0 = arith.addi %arg0, %add3A : i32
    %c0_i32 = arith.constant 0 : i32
    %c0_i32_1 = arith.constant 0 : i32
    return %add3A_0, %c0_i32 : i32, i32
  }
}

module attributes {stable_mosaic.version = 14 : i64} {
  func.func @body(%arg0: i32, %arg1: memref<2000x16xf32, #tpu.memory_space<vmem>>, %arg2: memref<2000x16xf32, #tpu.memory_space<vmem>>, %arg3: memref<2000x16xf32, #tpu.memory_space<vmem>>, %arg4: memref<2000x16xf32, #tpu.memory_space<vmem>>, %arg5: memref<1x16xf32, #tpu.memory_space<vmem>>, %arg6: memref<16x32xf32, #tpu.memory_space<vmem>>, %arg7: memref<1x32xf32, #tpu.memory_space<vmem>>, %arg8: memref<32x16xf32, #tpu.memory_space<vmem>>, %arg9: memref<1x16xf32, #tpu.memory_space<vmem>>, %arg10: memref<2000x16xf32, #tpu.memory_space<vmem>>) attributes {dimension_semantics = [#tpu.dimension_semantics<arbitrary>], iteration_bounds = array<i64: 25>, scalar_prefetch = 0 : i64, scratch_operands = 0 : i64, tpu.core_type = #tpu.core_type<tc>, window_params = [{transform_indices = @transform_0, window_bounds = array<i64: 2000, 16>}, {transform_indices = @transform_1, window_bounds = array<i64: 2000, 16>}, {transform_indices = @transform_2, window_bounds = array<i64: 2000, 16>}, {transform_indices = @transform_3, window_bounds = array<i64: 2000, 16>}, {pipeline_mode = #tpu.pipeline_mode<synchronous>, transform_indices = @transform_4, window_bounds = array<i64: 1, 16>}, {pipeline_mode = #tpu.pipeline_mode<synchronous>, transform_indices = @transform_5, window_bounds = array<i64: 16, 32>}, {pipeline_mode = #tpu.pipeline_mode<synchronous>, transform_indices = @transform_6, window_bounds = array<i64: 1, 32>}, {pipeline_mode = #tpu.pipeline_mode<synchronous>, transform_indices = @transform_7, window_bounds = array<i64: 32, 16>}, {pipeline_mode = #tpu.pipeline_mode<synchronous>, transform_indices = @transform_8, window_bounds = array<i64: 1, 16>}, {transform_indices = @transform_9, window_bounds = array<i64: 2000, 16>}]} {
    %get3A = arith.constant 0 : index
    %get3A_0 = arith.constant 0 : index
    %get3A_1 = vector.load %arg1[%get3A, %get3A_0] : memref<2000x16xf32, #tpu.memory_space<vmem>>, vector<2000x16xf32>
    %get3A_2 = arith.constant 0 : index
    %get3A_3 = arith.constant 0 : index
    %get3A_4 = vector.load %arg2[%get3A_2, %get3A_3] : memref<2000x16xf32, #tpu.memory_space<vmem>>, vector<2000x16xf32>
    %add3A = arith.addf %get3A_1, %get3A_4 : vector<2000x16xf32>
    %get3A_5 = arith.constant 0 : index
    %get3A_6 = arith.constant 0 : index
    %get3A_7 = vector.load %arg3[%get3A_5, %get3A_6] : memref<2000x16xf32, #tpu.memory_space<vmem>>, vector<2000x1xf32>
    %get3A_8 = arith.constant 0 : index
    %get3A_9 = arith.constant 0 : index
    %get3A_10 = vector.load %arg4[%get3A_8, %get3A_9] : memref<2000x16xf32, #tpu.memory_space<vmem>>, vector<2000x1xf32>
    %add3A_11 = arith.addf %get3A_7, %get3A_10 : vector<2000x1xf32>
    %get3A_12 = arith.constant 0 : index
    %get3A_13 = arith.constant 0 : index
    %get3A_14 = vector.load %arg5[%get3A_12, %get3A_13] : memref<1x16xf32, #tpu.memory_space<vmem>>, vector<1x16xf32>
    %get3A_15 = arith.constant 0 : index
    %get3A_16 = arith.constant 0 : index
    %get3A_17 = vector.load %arg6[%get3A_15, %get3A_16] : memref<16x32xf32, #tpu.memory_space<vmem>>, vector<16x32xf32>
    %dot_general3A = arith.constant dense<0.000000e+00> : vector<1x32xf32>
    %dot_general3A_18 = tpu.matmul %get3A_14, %get3A_17, %dot_general3A {dimension_numbers = #tpu.dot_dimension_numbers<[1], [0], [0], [1], [0, 0, 1, 1], [], []>, transpose_lhs_hint = false} : vector<1x16xf32>, vector<16x32xf32>, vector<1x32xf32> -> vector<1x32xf32>
    %get3A_19 = arith.constant 0 : index
    %get3A_20 = arith.constant 0 : index
    %get3A_21 = vector.load %arg7[%get3A_19, %get3A_20] : memref<1x32xf32, #tpu.memory_space<vmem>>, vector<1x32xf32>
    %add3A_22 = arith.addf %dot_general3A_18, %get3A_21 : vector<1x32xf32>
    %ge3A = arith.constant 0.000000e+00 : f32
    %ge3A_23 = vector.broadcast %ge3A : f32 to vector<1x32xf32>
    %ge3A_24 = arith.cmpf oge, %add3A_22, %ge3A_23 : vector<1x32xf32>
    %mul3A = arith.constant 0.00999999977 : f32
    %mul3A_25 = vector.broadcast %mul3A : f32 to vector<1x32xf32>
    %mul3A_26 = arith.mulf %mul3A_25, %add3A_22 : vector<1x32xf32>
    %select_n3A = arith.select %ge3A_24, %add3A_22, %mul3A_26 : vector<1x32xi1>, vector<1x32xf32>
    %get3A_27 = arith.constant 0 : index
    %get3A_28 = arith.constant 0 : index
    %get3A_29 = vector.load %arg8[%get3A_27, %get3A_28] : memref<32x16xf32, #tpu.memory_space<vmem>>, vector<32x16xf32>
    %dot_general3A_30 = arith.constant dense<0.000000e+00> : vector<1x16xf32>
    %dot_general3A_31 = tpu.matmul %select_n3A, %get3A_29, %dot_general3A_30 {dimension_numbers = #tpu.dot_dimension_numbers<[1], [0], [0], [1], [0, 0, 1, 1], [], []>, transpose_lhs_hint = false} : vector<1x32xf32>, vector<32x16xf32>, vector<1x16xf32> -> vector<1x16xf32>
    %get3A_32 = arith.constant 0 : index
    %get3A_33 = arith.constant 0 : index
    %get3A_34 = vector.load %arg9[%get3A_32, %get3A_33] : memref<1x16xf32, #tpu.memory_space<vmem>>, vector<1x16xf32>
    %add3A_35 = arith.addf %dot_general3A_31, %get3A_34 : vector<1x16xf32>
    %ge3A_36 = arith.constant 0.000000e+00 : f32
    %ge3A_37 = vector.broadcast %ge3A_36 : f32 to vector<1x16xf32>
    %ge3A_38 = arith.cmpf oge, %add3A_35, %ge3A_37 : vector<1x16xf32>
    %mul3A_39 = arith.constant 0.00999999977 : f32
    %mul3A_40 = vector.broadcast %mul3A_39 : f32 to vector<1x16xf32>
    %mul3A_41 = arith.mulf %mul3A_40, %add3A_35 : vector<1x16xf32>
    %select_n3A_42 = arith.select %ge3A_38, %add3A_35, %mul3A_41 : vector<1x16xi1>, vector<1x16xf32>
    %iota3A = tpu.iota {dimensions = array<i32: 0>} : vector<2000x1xi32>
    %eq3A = arith.constant 0 : i32
    %eq3A_43 = vector.broadcast %eq3A : i32 to vector<2000x1xi32>
    %eq3A_44 = arith.cmpi eq, %iota3A, %eq3A_43 : vector<2000x1xi32>
    %eq3A_45 = arith.constant 0 : i32
    %eq3A_46 = arith.cmpi eq, %arg0, %eq3A_45 : i32
    %and3A = vector.broadcast %eq3A_46 : i1 to vector<2000x1xi1>
    %and3A_47 = arith.andi %eq3A_44, %and3A : vector<2000x1xi1>
    %convert_element_type3A = arith.extui %and3A_47 : vector<2000x1xi1> to vector<2000x1xi32>
    %convert_element_type3A_48 = arith.sitofp %convert_element_type3A : vector<2000x1xi32> to vector<2000x1xf32>
    %mul3A_49 = arith.constant 5.000000e+04 : f32
    %mul3A_50 = vector.broadcast %mul3A_49 : f32 to vector<1x16xf32>
    %mul3A_51 = arith.mulf %mul3A_50, %select_n3A_42 : vector<1x16xf32>
    %mul3A_52 = vector.broadcast %convert_element_type3A_48 : vector<2000x1xf32> to vector<2000x16xf32>
    %mul3A_53 = vector.broadcast %mul3A_51 : vector<1x16xf32> to vector<2000x16xf32>
    %mul3A_54 = arith.mulf %mul3A_52, %mul3A_53 : vector<2000x16xf32>
    %add3A_55 = arith.addf %add3A, %mul3A_54 : vector<2000x16xf32>
    %mul3A_56 = arith.constant 5.000000e+04 : f32
    %mul3A_57 = vector.broadcast %mul3A_56 : f32 to vector<2000x1xf32>
    %mul3A_58 = arith.mulf %convert_element_type3A_48, %mul3A_57 : vector<2000x1xf32>
    %add3A_59 = arith.addf %add3A_11, %mul3A_58 : vector<2000x1xf32>
    %add3A_60 = arith.constant 9.99999971E-10 : f32
    %add3A_61 = vector.broadcast %add3A_60 : f32 to vector<2000x1xf32>
    %add3A_62 = arith.addf %add3A_59, %add3A_61 : vector<2000x1xf32>
    %div3A = vector.broadcast %add3A_62 : vector<2000x1xf32> to vector<2000x16xf32>
    %div3A_63 = arith.divf %add3A_55, %div3A : vector<2000x16xf32>
    %swap3A = arith.constant 0 : index
    %swap3A_64 = arith.constant 0 : index
    %swap3A_65 = vector.load %arg10[%swap3A, %swap3A_64] : memref<2000x16xf32, #tpu.memory_space<vmem>>, vector<2000x16xf32>
    tpu.vector_store %arg10[%swap3A, %swap3A_64], %div3A_63 {strides = array<i32>} : memref<2000x16xf32, #tpu.memory_space<vmem>>, vector<2000x16xf32>,
    return
  }
  func.func @transform_0(%arg0: i32) -> (i32, i32) {
    %add3A = arith.constant 0 : i32
    %add3A_0 = arith.addi %arg0, %add3A : i32
    %c0_i32 = arith.constant 0 : i32
    %c0_i32_1 = arith.constant 0 : i32
    return %add3A_0, %c0_i32 : i32, i32
  }
  func.func @transform_1(%arg0: i32) -> (i32, i32) {
    %add3A = arith.constant 25 : i32
    %add3A_0 = arith.addi %arg0, %add3A : i32
    %c0_i32 = arith.constant 0 : i32
    %c0_i32_1 = arith.constant 0 : i32
    return %add3A_0, %c0_i32 : i32, i32
  }
  func.func @transform_2(%arg0: i32) -> (i32, i32) {
    %add3A = arith.constant 0 : i32
    %add3A_0 = arith.addi %arg0, %add3A : i32
    %c0_i32 = arith.constant 0 : i32
    %c0_i32_1 = arith.constant 0 : i32
    return %add3A_0, %c0_i32 : i32, i32
  }
  func.func @transform_3(%arg0: i32) -> (i32, i32) {
    %add3A = arith.constant 25 : i32
    %add3A_0 = arith.addi %arg0, %add3A : i32
    %c0_i32 = arith.constant 0 : i32
    %c0_i32_1 = arith.constant 0 : i32
    return %add3A_0, %c0_i32 : i32, i32
  }
  func.func @transform_4(%arg0: i32) -> (i32, i32) {
    %c0_i32 = arith.constant 0 : i32
    %c0_i32_0 = arith.constant 0 : i32
    %c0_i32_1 = arith.constant 0 : i32
    return %c0_i32, %c0_i32_0 : i32, i32
  }
  func.func @transform_5(%arg0: i32) -> (i32, i32) {
    %c0_i32 = arith.constant 0 : i32
    %c0_i32_0 = arith.constant 0 : i32
    %c0_i32_1 = arith.constant 0 : i32
    return %c0_i32, %c0_i32_0 : i32, i32
  }
  func.func @transform_6(%arg0: i32) -> (i32, i32) {
    %c0_i32 = arith.constant 0 : i32
    %c0_i32_0 = arith.constant 0 : i32
    %c0_i32_1 = arith.constant 0 : i32
    return %c0_i32, %c0_i32_0 : i32, i32
  }
  func.func @transform_7(%arg0: i32) -> (i32, i32) {
    %c0_i32 = arith.constant 0 : i32
    %c0_i32_0 = arith.constant 0 : i32
    %c0_i32_1 = arith.constant 0 : i32
    return %c0_i32, %c0_i32_0 : i32, i32
  }
  func.func @transform_8(%arg0: i32) -> (i32, i32) {
    %c0_i32 = arith.constant 0 : i32
    %c0_i32_0 = arith.constant 0 : i32
    %c0_i32_1 = arith.constant 0 : i32
    return %c0_i32, %c0_i32_0 : i32, i32
  }
  func.func @transform_9(%arg0: i32) -> (i32, i32) {
    %add3A = arith.constant 0 : i32
    %add3A_0 = arith.addi %arg0, %add3A : i32
    %c0_i32 = arith.constant 0 : i32
    %c0_i32_1 = arith.constant 0 : i32
    return %add3A_0, %c0_i32 : i32, i32
  }
}

module attributes {stable_mosaic.version = 14 : i64} {
  func.func @body(%arg0: i32, %arg1: memref<4000x16xf32, #tpu.memory_space<vmem>>, %arg2: memref<4000x16xf32, #tpu.memory_space<vmem>>, %arg3: memref<4000x16xf32, #tpu.memory_space<vmem>>, %arg4: memref<4000x12xf32, #tpu.memory_space<vmem>>, %arg5: memref<1x12xf32, #tpu.memory_space<vmem>>, %arg6: memref<16x16xf32, #tpu.memory_space<vmem>>, %arg7: memref<16x16xf32, #tpu.memory_space<vmem>>, %arg8: memref<16x16xf32, #tpu.memory_space<vmem>>, %arg9: memref<12x16xf32, #tpu.memory_space<vmem>>, %arg10: memref<1x16xf32, #tpu.memory_space<vmem>>, %arg11: memref<16x16xf32, #tpu.memory_space<vmem>>, %arg12: memref<1x16xf32, #tpu.memory_space<vmem>>, %arg13: memref<16x16xf32, #tpu.memory_space<vmem>>, %arg14: memref<1x16xf32, #tpu.memory_space<vmem>>, %arg15: memref<16x1xf32, #tpu.memory_space<vmem>>, %arg16: memref<1x1xf32, #tpu.memory_space<vmem>>, %arg17: memref<4000x1xf32, #tpu.memory_space<vmem>>) attributes {dimension_semantics = [#tpu.dimension_semantics<arbitrary>], iteration_bounds = array<i64: 200>, scalar_prefetch = 0 : i64, scratch_operands = 0 : i64, tpu.core_type = #tpu.core_type<tc>, window_params = [{transform_indices = @transform_0, window_bounds = array<i64: 4000, 16>}, {transform_indices = @transform_1, window_bounds = array<i64: 4000, 16>}, {transform_indices = @transform_2, window_bounds = array<i64: 4000, 16>}, {transform_indices = @transform_3, window_bounds = array<i64: 4000, 12>}, {pipeline_mode = #tpu.pipeline_mode<synchronous>, transform_indices = @transform_4, window_bounds = array<i64: 1, 12>}, {pipeline_mode = #tpu.pipeline_mode<synchronous>, transform_indices = @transform_5, window_bounds = array<i64: 16, 16>}, {pipeline_mode = #tpu.pipeline_mode<synchronous>, transform_indices = @transform_6, window_bounds = array<i64: 16, 16>}, {pipeline_mode = #tpu.pipeline_mode<synchronous>, transform_indices = @transform_7, window_bounds = array<i64: 16, 16>}, {pipeline_mode = #tpu.pipeline_mode<synchronous>, transform_indices = @transform_8, window_bounds = array<i64: 12, 16>}, {pipeline_mode = #tpu.pipeline_mode<synchronous>, transform_indices = @transform_9, window_bounds = array<i64: 1, 16>}, {pipeline_mode = #tpu.pipeline_mode<synchronous>, transform_indices = @transform_10, window_bounds = array<i64: 16, 16>}, {pipeline_mode = #tpu.pipeline_mode<synchronous>, transform_indices = @transform_11, window_bounds = array<i64: 1, 16>}, {pipeline_mode = #tpu.pipeline_mode<synchronous>, transform_indices = @transform_12, window_bounds = array<i64: 16, 16>}, {pipeline_mode = #tpu.pipeline_mode<synchronous>, transform_indices = @transform_13, window_bounds = array<i64: 1, 16>}, {pipeline_mode = #tpu.pipeline_mode<synchronous>, transform_indices = @transform_14, window_bounds = array<i64: 16, 1>}, {pipeline_mode = #tpu.pipeline_mode<synchronous>, transform_indices = @transform_15, window_bounds = array<i64: 1, 1>}, {transform_indices = @transform_16, window_bounds = array<i64: 4000, 1>}]} {
    %get3A = arith.constant 0 : index
    %get3A_0 = arith.constant 0 : index
    %get3A_1 = vector.load %arg4[%get3A, %get3A_0] : memref<4000x12xf32, #tpu.memory_space<vmem>>, vector<4000x12xf32>
    %add3A = arith.constant 9.99999974E-5 : f32
    %add3A_2 = vector.broadcast %add3A : f32 to vector<4000x12xf32>
    %add3A_3 = arith.addf %get3A_1, %add3A_2 : vector<4000x12xf32>
    %get3A_4 = arith.constant 0 : index
    %get3A_5 = arith.constant 0 : index
    %get3A_6 = vector.load %arg5[%get3A_4, %get3A_5] : memref<1x12xf32, #tpu.memory_space<vmem>>, vector<1x12xf32>
    %div3A = vector.broadcast %get3A_6 : vector<1x12xf32> to vector<4000x12xf32>
    %div3A_7 = arith.divf %add3A_3, %div3A : vector<4000x12xf32>
    %get3A_8 = arith.constant 0 : index
    %get3A_9 = arith.constant 0 : index
    %get3A_10 = vector.load %arg1[%get3A_8, %get3A_9] : memref<4000x16xf32, #tpu.memory_space<vmem>>, vector<4000x16xf32>
    %get3A_11 = arith.constant 0 : index
    %get3A_12 = arith.constant 0 : index
    %get3A_13 = vector.load %arg6[%get3A_11, %get3A_12] : memref<16x16xf32, #tpu.memory_space<vmem>>, vector<16x16xf32>
    %dot_general3A = arith.constant dense<0.000000e+00> : vector<4000x16xf32>
    %dot_general3A_14 = tpu.matmul %get3A_10, %get3A_13, %dot_general3A {dimension_numbers = #tpu.dot_dimension_numbers<[1], [0], [0], [1], [0, 0, 1, 1], [], []>, transpose_lhs_hint = false} : vector<4000x16xf32>, vector<16x16xf32>, vector<4000x16xf32> -> vector<4000x16xf32>
    %get3A_15 = arith.constant 0 : index
    %get3A_16 = arith.constant 0 : index
    %get3A_17 = vector.load %arg2[%get3A_15, %get3A_16] : memref<4000x16xf32, #tpu.memory_space<vmem>>, vector<4000x16xf32>
    %get3A_18 = arith.constant 0 : index
    %get3A_19 = arith.constant 0 : index
    %get3A_20 = vector.load %arg7[%get3A_18, %get3A_19] : memref<16x16xf32, #tpu.memory_space<vmem>>, vector<16x16xf32>
    %dot_general3A_21 = arith.constant dense<0.000000e+00> : vector<4000x16xf32>
    %dot_general3A_22 = tpu.matmul %get3A_17, %get3A_20, %dot_general3A_21 {dimension_numbers = #tpu.dot_dimension_numbers<[1], [0], [0], [1], [0, 0, 1, 1], [], []>, transpose_lhs_hint = false} : vector<4000x16xf32>, vector<16x16xf32>, vector<4000x16xf32> -> vector<4000x16xf32>
    %add3A_23 = arith.addf %dot_general3A_14, %dot_general3A_22 : vector<4000x16xf32>
    %get3A_24 = arith.constant 0 : index
    %get3A_25 = arith.constant 0 : index
    %get3A_26 = vector.load %arg3[%get3A_24, %get3A_25] : memref<4000x16xf32, #tpu.memory_space<vmem>>, vector<4000x16xf32>
    %get3A_27 = arith.constant 0 : index
    %get3A_28 = arith.constant 0 : index
    %get3A_29 = vector.load %arg8[%get3A_27, %get3A_28] : memref<16x16xf32, #tpu.memory_space<vmem>>, vector<16x16xf32>
    %dot_general3A_30 = arith.constant dense<0.000000e+00> : vector<4000x16xf32>
    %dot_general3A_31 = tpu.matmul %get3A_26, %get3A_29, %dot_general3A_30 {dimension_numbers = #tpu.dot_dimension_numbers<[1], [0], [0], [1], [0, 0, 1, 1], [], []>, transpose_lhs_hint = false} : vector<4000x16xf32>, vector<16x16xf32>, vector<4000x16xf32> -> vector<4000x16xf32>
    %add3A_32 = arith.addf %add3A_23, %dot_general3A_31 : vector<4000x16xf32>
    %get3A_33 = arith.constant 0 : index
    %get3A_34 = arith.constant 0 : index
    %get3A_35 = vector.load %arg9[%get3A_33, %get3A_34] : memref<12x16xf32, #tpu.memory_space<vmem>>, vector<12x16xf32>
    %dot_general3A_36 = arith.constant dense<0.000000e+00> : vector<4000x16xf32>
    %dot_general3A_37 = tpu.matmul %div3A_7, %get3A_35, %dot_general3A_36 {dimension_numbers = #tpu.dot_dimension_numbers<[1], [0], [0], [1], [0, 0, 1, 1], [], []>, transpose_lhs_hint = false} : vector<4000x12xf32>, vector<12x16xf32>, vector<4000x16xf32> -> vector<4000x16xf32>
    %add3A_38 = arith.addf %add3A_32, %dot_general3A_37 : vector<4000x16xf32>
    %get3A_39 = arith.constant 0 : index
    %get3A_40 = arith.constant 0 : index
    %get3A_41 = vector.load %arg10[%get3A_39, %get3A_40] : memref<1x16xf32, #tpu.memory_space<vmem>>, vector<1x16xf32>
    %add3A_42 = vector.broadcast %get3A_41 : vector<1x16xf32> to vector<4000x16xf32>
    %add3A_43 = arith.addf %add3A_38, %add3A_42 : vector<4000x16xf32>
    %ge3A = arith.constant 0.000000e+00 : f32
    %ge3A_44 = vector.broadcast %ge3A : f32 to vector<4000x16xf32>
    %ge3A_45 = arith.cmpf oge, %add3A_43, %ge3A_44 : vector<4000x16xf32>
    %mul3A = arith.constant 0.00999999977 : f32
    %mul3A_46 = vector.broadcast %mul3A : f32 to vector<4000x16xf32>
    %mul3A_47 = arith.mulf %mul3A_46, %add3A_43 : vector<4000x16xf32>
    %select_n3A = arith.select %ge3A_45, %add3A_43, %mul3A_47 : vector<4000x16xi1>, vector<4000x16xf32>
    %get3A_48 = arith.constant 0 : index
    %get3A_49 = arith.constant 0 : index
    %get3A_50 = vector.load %arg11[%get3A_48, %get3A_49] : memref<16x16xf32, #tpu.memory_space<vmem>>, vector<16x16xf32>
    %dot_general3A_51 = arith.constant dense<0.000000e+00> : vector<4000x16xf32>
    %dot_general3A_52 = tpu.matmul %select_n3A, %get3A_50, %dot_general3A_51 {dimension_numbers = #tpu.dot_dimension_numbers<[1], [0], [0], [1], [0, 0, 1, 1], [], []>, transpose_lhs_hint = false} : vector<4000x16xf32>, vector<16x16xf32>, vector<4000x16xf32> -> vector<4000x16xf32>
    %get3A_53 = arith.constant 0 : index
    %get3A_54 = arith.constant 0 : index
    %get3A_55 = vector.load %arg12[%get3A_53, %get3A_54] : memref<1x16xf32, #tpu.memory_space<vmem>>, vector<1x16xf32>
    %add3A_56 = vector.broadcast %get3A_55 : vector<1x16xf32> to vector<4000x16xf32>
    %add3A_57 = arith.addf %dot_general3A_52, %add3A_56 : vector<4000x16xf32>
    %ge3A_58 = arith.constant 0.000000e+00 : f32
    %ge3A_59 = vector.broadcast %ge3A_58 : f32 to vector<4000x16xf32>
    %ge3A_60 = arith.cmpf oge, %add3A_57, %ge3A_59 : vector<4000x16xf32>
    %mul3A_61 = arith.constant 0.00999999977 : f32
    %mul3A_62 = vector.broadcast %mul3A_61 : f32 to vector<4000x16xf32>
    %mul3A_63 = arith.mulf %mul3A_62, %add3A_57 : vector<4000x16xf32>
    %select_n3A_64 = arith.select %ge3A_60, %add3A_57, %mul3A_63 : vector<4000x16xi1>, vector<4000x16xf32>
    %get3A_65 = arith.constant 0 : index
    %get3A_66 = arith.constant 0 : index
    %get3A_67 = vector.load %arg13[%get3A_65, %get3A_66] : memref<16x16xf32, #tpu.memory_space<vmem>>, vector<16x16xf32>
    %dot_general3A_68 = arith.constant dense<0.000000e+00> : vector<4000x16xf32>
    %dot_general3A_69 = tpu.matmul %select_n3A_64, %get3A_67, %dot_general3A_68 {dimension_numbers = #tpu.dot_dimension_numbers<[1], [0], [0], [1], [0, 0, 1, 1], [], []>, transpose_lhs_hint = false} : vector<4000x16xf32>, vector<16x16xf32>, vector<4000x16xf32> -> vector<4000x16xf32>
    %get3A_70 = arith.constant 0 : index
    %get3A_71 = arith.constant 0 : index
    %get3A_72 = vector.load %arg14[%get3A_70, %get3A_71] : memref<1x16xf32, #tpu.memory_space<vmem>>, vector<1x16xf32>
    %add3A_73 = vector.broadcast %get3A_72 : vector<1x16xf32> to vector<4000x16xf32>
    %add3A_74 = arith.addf %dot_general3A_69, %add3A_73 : vector<4000x16xf32>
    %ge3A_75 = arith.constant 0.000000e+00 : f32
    %ge3A_76 = vector.broadcast %ge3A_75 : f32 to vector<4000x16xf32>
    %ge3A_77 = arith.cmpf oge, %add3A_74, %ge3A_76 : vector<4000x16xf32>
    %mul3A_78 = arith.constant 0.00999999977 : f32
    %mul3A_79 = vector.broadcast %mul3A_78 : f32 to vector<4000x16xf32>
    %mul3A_80 = arith.mulf %mul3A_79, %add3A_74 : vector<4000x16xf32>
    %select_n3A_81 = arith.select %ge3A_77, %add3A_74, %mul3A_80 : vector<4000x16xi1>, vector<4000x16xf32>
    %get3A_82 = arith.constant 0 : index
    %get3A_83 = arith.constant 0 : index
    %get3A_84 = vector.load %arg15[%get3A_82, %get3A_83] : memref<16x1xf32, #tpu.memory_space<vmem>>, vector<16x1xf32>
    %dot_general3A_85 = arith.constant dense<0.000000e+00> : vector<4000x1xf32>
    %dot_general3A_86 = tpu.matmul %select_n3A_81, %get3A_84, %dot_general3A_85 {dimension_numbers = #tpu.dot_dimension_numbers<[1], [0], [0], [1], [0, 0, 1, 1], [], []>, transpose_lhs_hint = false} : vector<4000x16xf32>, vector<16x1xf32>, vector<4000x1xf32> -> vector<4000x1xf32>
    %get3A_87 = arith.constant 0 : index
    %get3A_88 = arith.constant 0 : index
    %get3A_89 = vector.load %arg16[%get3A_87, %get3A_88] : memref<1x1xf32, #tpu.memory_space<vmem>>, vector<1x1xf32>
    %add3A_90 = vector.broadcast %get3A_89 : vector<1x1xf32> to vector<4000x1xf32>
    %add3A_91 = arith.addf %dot_general3A_86, %add3A_90 : vector<4000x1xf32>
    %logistic3A = arith.negf %add3A_91 : vector<4000x1xf32>
    %logistic3A_92 = math.exp %logistic3A : vector<4000x1xf32>
    %logistic3A_93 = arith.constant 1.000000e+00 : f32
    %logistic3A_94 = vector.broadcast %logistic3A_93 : f32 to vector<4000x1xf32>
    %logistic3A_95 = arith.addf %logistic3A_94, %logistic3A_92 : vector<4000x1xf32>
    %logistic3A_96 = arith.divf %logistic3A_94, %logistic3A_95 : vector<4000x1xf32>
    %swap3A = arith.constant 0 : index
    %swap3A_97 = arith.constant 0 : index
    %swap3A_98 = vector.load %arg17[%swap3A, %swap3A_97] : memref<4000x1xf32, #tpu.memory_space<vmem>>, vector<4000x1xf32>
    tpu.vector_store %arg17[%swap3A, %swap3A_97], %logistic3A_96 {strides = array<i32>} : memref<4000x1xf32, #tpu.memory_space<vmem>>, vector<4000x1xf32>,
    return
  }
  func.func @transform_0(%arg0: i32) -> (i32, i32) {
    %add3A = arith.constant 0 : i32
    %add3A_0 = arith.addi %arg0, %add3A : i32
    %c0_i32 = arith.constant 0 : i32
    %c0_i32_1 = arith.constant 0 : i32
    return %add3A_0, %c0_i32 : i32, i32
  }
  func.func @transform_1(%arg0: i32) -> (i32, i32) {
    %add3A = arith.constant 200 : i32
    %add3A_0 = arith.addi %arg0, %add3A : i32
    %c0_i32 = arith.constant 0 : i32
    %c0_i32_1 = arith.constant 0 : i32
    return %add3A_0, %c0_i32 : i32, i32
  }
  func.func @transform_2(%arg0: i32) -> (i32, i32) {
    %add3A = arith.constant 0 : i32
    %add3A_0 = arith.addi %arg0, %add3A : i32
    %c0_i32 = arith.constant 0 : i32
    %c0_i32_1 = arith.constant 0 : i32
    return %add3A_0, %c0_i32 : i32, i32
  }
  func.func @transform_3(%arg0: i32) -> (i32, i32) {
    %add3A = arith.constant 0 : i32
    %add3A_0 = arith.addi %arg0, %add3A : i32
    %c0_i32 = arith.constant 0 : i32
    %c0_i32_1 = arith.constant 0 : i32
    return %add3A_0, %c0_i32 : i32, i32
  }
  func.func @transform_4(%arg0: i32) -> (i32, i32) {
    %c0_i32 = arith.constant 0 : i32
    %c0_i32_0 = arith.constant 0 : i32
    %c0_i32_1 = arith.constant 0 : i32
    return %c0_i32, %c0_i32_0 : i32, i32
  }
  func.func @transform_5(%arg0: i32) -> (i32, i32) {
    %c0_i32 = arith.constant 0 : i32
    %c0_i32_0 = arith.constant 0 : i32
    %c0_i32_1 = arith.constant 0 : i32
    return %c0_i32, %c0_i32_0 : i32, i32
  }
  func.func @transform_6(%arg0: i32) -> (i32, i32) {
    %c0_i32 = arith.constant 0 : i32
    %c0_i32_0 = arith.constant 0 : i32
    %c0_i32_1 = arith.constant 0 : i32
    return %c0_i32, %c0_i32_0 : i32, i32
  }
  func.func @transform_7(%arg0: i32) -> (i32, i32) {
    %c0_i32 = arith.constant 0 : i32
    %c0_i32_0 = arith.constant 0 : i32
    %c0_i32_1 = arith.constant 0 : i32
    return %c0_i32, %c0_i32_0 : i32, i32
  }
  func.func @transform_8(%arg0: i32) -> (i32, i32) {
    %c0_i32 = arith.constant 0 : i32
    %c0_i32_0 = arith.constant 0 : i32
    %c0_i32_1 = arith.constant 0 : i32
    return %c0_i32, %c0_i32_0 : i32, i32
  }
  func.func @transform_9(%arg0: i32) -> (i32, i32) {
    %c0_i32 = arith.constant 0 : i32
    %c0_i32_0 = arith.constant 0 : i32
    %c0_i32_1 = arith.constant 0 : i32
    return %c0_i32, %c0_i32_0 : i32, i32
  }
  func.func @transform_10(%arg0: i32) -> (i32, i32) {
    %c0_i32 = arith.constant 0 : i32
    %c0_i32_0 = arith.constant 0 : i32
    %c0_i32_1 = arith.constant 0 : i32
    return %c0_i32, %c0_i32_0 : i32, i32
  }
  func.func @transform_11(%arg0: i32) -> (i32, i32) {
    %c0_i32 = arith.constant 0 : i32
    %c0_i32_0 = arith.constant 0 : i32
    %c0_i32_1 = arith.constant 0 : i32
    return %c0_i32, %c0_i32_0 : i32, i32
  }
  func.func @transform_12(%arg0: i32) -> (i32, i32) {
    %c0_i32 = arith.constant 0 : i32
    %c0_i32_0 = arith.constant 0 : i32
    %c0_i32_1 = arith.constant 0 : i32
    return %c0_i32, %c0_i32_0 : i32, i32
  }
  func.func @transform_13(%arg0: i32) -> (i32, i32) {
    %c0_i32 = arith.constant 0 : i32
    %c0_i32_0 = arith.constant 0 : i32
    %c0_i32_1 = arith.constant 0 : i32
    return %c0_i32, %c0_i32_0 : i32, i32
  }
  func.func @transform_14(%arg0: i32) -> (i32, i32) {
    %c0_i32 = arith.constant 0 : i32
    %c0_i32_0 = arith.constant 0 : i32
    %c0_i32_1 = arith.constant 0 : i32
    return %c0_i32, %c0_i32_0 : i32, i32
  }
  func.func @transform_15(%arg0: i32) -> (i32, i32) {
    %c0_i32 = arith.constant 0 : i32
    %c0_i32_0 = arith.constant 0 : i32
    %c0_i32_1 = arith.constant 0 : i32
    return %c0_i32, %c0_i32_0 : i32, i32
  }
  func.func @transform_16(%arg0: i32) -> (i32, i32) {
    %add3A = arith.constant 0 : i32
    %add3A_0 = arith.addi %arg0, %add3A : i32
    %c0_i32 = arith.constant 0 : i32
    %c0_i32_1 = arith.constant 0 : i32
    return %add3A_0, %c0_i32 : i32, i32
  }
}

</mosaic_0001>

<sc_bundles>
// kernel: kernel.15.cloned.1.call-start
scs
__scs_entry_jumppad:
0x0: {  	(pc) =	sbr.rel $0x88, $3  }
0x1: {  	(tag) =	ssettag $0x0;
	lr =	simm.s32 $0x1  }
0x2: {  	[smem:$0x3F7C] =	sst lr;
	_ =	strace $0xD0000000  }
0x3: {  	_ = 	snop  }
0x4: {  	_ = 	snop  }
0x5: {  	_ = 	snop  }
0x6: {  	_ = 	snop  }
0x7: {  	_ = 	snop  }
__scs_overlays_trampoline_lowered:
0x8: {  	[smem:$0x3F8B] =	sst s0  }
0x9: {  	[smem:$0x3F8C] =	sst s1  }
0xa: {  	[smem:$0x3F8D] =	sst s2  }
0xb: {  	[smem:$0x3F8E] =	sst s3  }
0xc: {  	[smem:$0x3F8F] =	sst s4  }
0xd: {  	[smem:$0x3F90] =	sst s5  }
0xe: {  	[smem:$0x3F91] =	sst s6  }
0xf: {  	[smem:$0x3F92] =	sst s7  }
0x10: {  	[smem:$0x3F93] =	sst s8  }
0x11: {  	[smem:$0x3F94] =	sst s9;
	s0 =	simm.s32 @!p0 $0x0  }
0x12: {  	s1 =	sld [smem:$0x3F7A];
	s0 =	simm.s32 @p0 $0x1  }
0x13: {  	[smem:$0x3F95] =	sst s0;
	s0 =	simm.s32 @!p1 $0x0  }
0x14: {  	s2 =	sld [smem:$0x3F79];
	s0 =	simm.s32 @p1 $0x1  }
0x15: {  	[smem:$0x3F96] =	sst s0;
	s0 =	simm.s32 @!p2 $0x0  }
0x16: {  	s3 =	sld [smem:$0x3FDB];
	s0 =	simm.s32 @p2 $0x1  }
0x17: {  	s4 =	simm.s32 $0x1BF5;
	[smem:$0x3F98] =	sst s0  }
0x18: {  	s0 =	sld [smem:$0x3F7B];
	_ =	swait.ge [sflag:s4], $0x0  }
0x19: {  	s7 =	sld [smem:$0x3F7C]  }
0x1a: {  	s8 =	sadd.s32 $0xFFFFE003, lr  }
0x1b: {  	s9 =	sadd.s32 $0xFFFFFEF7, lr;
	s5 =	simm.s32 $0xFFFFFFFF;
	p2 =	slt.u32 s8, $0xFFFFF086  }
0x1c: {  	p1 =	slt.u32 s9, $0xF7A;
	s5 =	simm.s32 @!p2 $0x0  }
0x1d: {  	s5 =	simm.s32 @p1 $0x1;
	p0 =	seq.s32 s7, s2  }
0x1e: {  	s7 =	smul.u32 @!p0 $0xF7A, s2;
	p2 =	seq.s32 @!p0 s5, $0x0  }
0x1f: {  	s9 =	smul.u32 $0xF7A, s1;
	s8 =	simm.s32 @!p0 $0x1BF5;
	p2 =	por !p2, p0  }
0x20: {  	[sflag:s8] =	ssyncset.s32 @!p0 $0xFFFFF086;
	s6 =	sadd.s32 @!p0 s3, s7;
	s7 =	simm.s32 @!p0 $0x108  }
0x21: {  	s3 =	sadd.s32 s3, s9;
	s6 =	sadd.s32 @!p0 $0x88, s6;
	s7 =	simm.s32 @p2 $0x1082  }
0x22: {  	[simem:s7], [sflag:s8] =	dma.local @!p0 [hbm:s6], $0xF7A  }
0x23: {  	s9 =	sor.u32 $0xD0000000, s2;
	s6 =	simm.s32 $0x108;
	_ =	swait.ge @!p0 [sflag:s8], $0x0  }
0x24: {  	s3 =	sadd.s32 $0x88, s3;
	s6 =	simm.s32 @!p1 $0x1082;
	[sflag:s4] =	ssyncset.s32 $0xFFFFF086  }
0x25: {  	[simem:s6], [sflag:s4] =	dma.local [hbm:s3], $0xF7A  }
0x26: {  	[smem:$0x3F7C] =	sst s1;
	(tag) =	ssettag s2;
	_ =	strace s9  }
0x27: {  	s1 =	sld [smem:$0x3F8C]  }
0x28: {  	s2 =	sld [smem:$0x3F8D]  }
0x29: {  	s4 =	sld [smem:$0x3F8F]  }
0x2a: {  	p0 =	seq.s32 s5, $0x0;
	s5 =	sld [smem:$0x3F90]  }
0x2b: {  	s6 =	sld [smem:$0x3F91]  }
0x2c: {  	s7 =	sld [smem:$0x3F92]  }
0x2d: {  	s3 =	simm.s32 $0x108;
	s8 =	sld [smem:$0x3F93]  }
0x2e: {  	s3 =	simm.s32 @!p0 $0x1082;
	s9 =	sld [smem:$0x3F94]  }
0x2f: {  	lr =	sadd.s32 s0, s3;
	s0 =	sld [smem:$0x3F8B]  }
0x30: {  	s3 =	sld [smem:$0x3F8E]  }
0x31: {  	[smem:$0x3F97] =	sst s10  }
0x32: {  	s10 =	sld [smem:$0x3F95];
	_ =	sdelay $0x3  }
0x33: {  	p0 =	seq.s32 s10, $0x1;
	s10 =	sld [smem:$0x3F97];
	_ =	sdelay $0x3  }
0x34: {  	[smem:$0x3F97] =	sst s10  }
0x35: {  	s10 =	sld [smem:$0x3F96];
	_ =	sdelay $0x3  }
0x36: {  	p1 =	seq.s32 s10, $0x1;
	s10 =	sld [smem:$0x3F97];
	_ =	sdelay $0x3  }
0x37: {  	[smem:$0x3F97] =	sst s10  }
0x38: {  	s10 =	sld [smem:$0x3F98]  }
0x39: {  	_ = 	snop;
	(pc) =	sbr.ind lr, $3  }
0x3a: {  	_ = 	snop  }
0x3b: {  	_ = 	snop  }
0x3c: {  	p2 =	seq.s32 s10, $0x1;
	s10 =	sld [smem:$0x3F97]  }
0x3d: {  	_ =	shalt  }
0x3e: {  	_ =	shalt  }
0x3f: {  	_ =	shalt  }
0x40: {  	_ =	shalt  }
0x41: {  	_ =	shalt  }
0x42: {  	_ =	shalt  }
0x43: {  	_ =	shalt  }
0x44: {  	_ =	shalt  }
0x45: {  	_ =	shalt  }
0x46: {  	_ =	shalt  }
0x47: {  	_ =	shalt  }
0x48: {  	_ =	shalt  }
0x49: {  	_ =	shalt  }
0x4a: {  	_ =	shalt  }
0x4b: {  	_ =	shalt  }
0x4c: {  	_ =	shalt  }
0x4d: {  	_ =	shalt  }
0x4e: {  	_ =	shalt  }
0x4f: {  	_ =	shalt  }
0x50: {  	_ =	shalt  }
0x51: {  	_ =	shalt  }
0x52: {  	_ =	shalt  }
0x53: {  	_ =	shalt  }
0x54: {  	_ =	shalt  }
0x55: {  	_ =	shalt  }
0x56: {  	_ =	shalt  }
0x57: {  	_ =	shalt  }
0x58: {  	_ =	shalt  }
0x59: {  	_ =	shalt  }
0x5a: {  	_ =	shalt  }
0x5b: {  	_ =	shalt  }
0x5c: {  	_ =	shalt  }
0x5d: {  	_ =	shalt  }
0x5e: {  	_ =	shalt  }
0x5f: {  	_ =	shalt  }
0x60: {  	_ =	shalt  }
0x61: {  	_ =	shalt  }
0x62: {  	_ =	shalt  }
0x63: {  	_ =	shalt  }
0x64: {  	_ =	shalt  }
0x65: {  	_ =	shalt  }
0x66: {  	_ =	shalt  }
0x67: {  	_ =	shalt  }
0x68: {  	_ =	shalt  }
0x69: {  	_ =	shalt  }
0x6a: {  	_ =	shalt  }
0x6b: {  	_ =	shalt  }
0x6c: {  	_ =	shalt  }
0x6d: {  	_ =	shalt  }
0x6e: {  	_ =	shalt  }
0x6f: {  	_ =	shalt  }
0x70: {  	_ =	shalt  }
0x71: {  	_ =	shalt  }
0x72: {  	_ =	shalt  }
0x73: {  	_ =	shalt  }
0x74: {  	_ =	shalt  }
0x75: {  	_ =	shalt  }
0x76: {  	_ =	shalt  }
0x77: {  	_ =	shalt  }
0x78: {  	_ =	shalt  }
0x79: {  	_ =	shalt  }
0x7a: {  	_ =	shalt  }
0x7b: {  	_ =	shalt  }
0x7c: {  	_ =	shalt  }
0x7d: {  	_ =	shalt  }
0x7e: {  	_ =	shalt  }
0x7f: {  	_ =	shalt  }
0x80: {  	_ =	shalt  }
0x81: {  	_ =	shalt  }
0x82: {  	_ =	shalt  }
0x83: {  	_ =	shalt  }
0x84: {  	_ =	shalt  }
0x85: {  	_ =	shalt  }
0x86: {  	_ =	shalt  }
0x87: {  	_ =	shalt  }
.Lfunc_end0:
.L_simem_size_0:
called_computation_lowered:
.L_overlay_start_0:
0x88: {  	s2 =	sld [smem:$0x3FD9]  }
0x89: {  	s3 =	sld [smem:$0x3FFE];
	_ =	sdelay $0x1  }
0x8a: {  	s1 =	srdreg.scid  }
0x8b: {  	s0 =	sand.u32 $0x1, s1  }
0x8c: {  	s17 =	sshll.u32 s0, $0xA;
	s2 =	sadd.s32 s3, s2  }
0x8d: {  	s2 =	sadd.s32 s2, s17  }
0x8e: {  	[smem:$0x3FA3] =	sst s2  }
0x8f: {  	_ = 	snop  }
0x90: {  	(tm) =	ssettm $0x1  }
0x91: {  	s18 =	sld [smem:$0x3FFB];
	_ =	sdelay $0x3  }
0x92: {  	_ =	strace s18  }
0x93: {  	s2 =	sld [smem:$0x3FFC];
	_ =	sdelay $0x3  }
0x94: {  	_ =	strace s2  }
0x95: {  	s2 =	sld [smem:$0x3FFD];
	_ =	sdelay $0x3  }
0x96: {  	_ =	strace s2  }
0x97: {  	_ =	strace $0x8FFFFFFF  }
0x98: {  	s19 =	sld [smem:$0x3FDB];
	_ =	sdelay $0x1  }
0x99: {  	s20 =	simm.s32 $_scs_section_size  }
0x9a: {  	s4 =	simm.s32 $_size__tile_overlayer_lowered;
	s5 =	simm.s32 $_tile_overlayer_lowered  }
0x9b: {  	s6 =	simm.s32 $0x1BFF;
	s21 =	sshll.u32 s5, $0x1;
	s3 =	sadd.s32 s20, s19  }
0x9c: {  	s22 =	simm.s32 $0x0;
	s4 =	sshll.u32 s4, $0x1;
	s5 =	sadd.s32 s21, s3  }
0x9d: {  	[timem:s22], [sflag:s6] =	dma.local [hbm:s5], s4  }
0x9e: {  	_ =	swait.ge [sflag:s6], s4  }
0x9f: {  	s4 =	ssub.s32 $0x0, s4;
	[sflag:s6] =	ssyncset.done $0x0  }
0xa0: {  	[sflag:s6] =	ssyncadd.s32 s4;
	_ =	sdelay $0x1  }
0xa1: {  	s23 =	simm.s32 $0x1B8B  }
0xa2: {  	_ =	swait.ge [sflag:s23], $0x1  }
0xa3: {  	[sflag:s23] =	ssyncset.done $0x0  }
0xa4: {  	[sflag:s23] =	ssyncadd.s32 $0xFFFFFFFF  }
0xa5: {  	s4 =	sld [smem:$0x0]  }
0xa6: {  	s5 =	sand.u32 $0xFFFFFFFE, s1  }
0xa7: {  	p0 =	sne.s32 s1, s5  }
0xa8: {  	s5 =	sshll.u32 @p0 s5, $0xE  }
0xa9: {  	s5 =	sadd.s32 @p0 $0x11B8D, s5;
	s6 =	sshll.u32 @p0 s4, $0x11  }
0xaa: {  	s5 =	sor.u32 @p0 s6, s5  }
0xab: {  	[sflag:s5] =	ssyncadd.remote.s32 @p0 $0x1;
	_ =	sdelay $0x1  }
0xac: {  	s5 =	simm.s32 @p0 $0x1B8D  }
0xad: {  	_ =	swait.eq @p0 [sflag:s5], $0x1  }
0xae: {  	[sflag:s5] =	ssyncadd.s32 @p0 $0xFFFFFFFF  }
0xaf: {  	s6 =	sshll.u32 @!p0 s1, $0xE  }
0xb0: {  	s6 =	sor.u32 @!p0 $0x4000, s6;
	s5 =	simm.s32 @!p0 $0x1B8D  }
0xb1: {  	s4 =	sshll.u32 @!p0 s4, $0x11;
	s6 =	sadd.s32 @!p0 $0x11B8D, s6;
	_ =	swait.eq @!p0 [sflag:s5], $0x1  }
0xb2: {  	s4 =	sor.u32 @!p0 s4, s6;
	[sflag:s5] =	ssyncadd.s32 @!p0 $0xFFFFFFFF  }
0xb3: {  	s25 =	simm.s32 $0x1B8E;
	s24 =	sld [smem:$0x3FFE];
	[sflag:s4] =	ssyncadd.remote.s32 @!p0 $0x1  }
0xb4: {  	s26 =	simm.s32 $execute0_lowered;
	[smem:$0x3FD2] =	sst s25  }
0xb5: {  	s5 =	sshll.u32 s26, $0x1;
	_ =	strace $0x80000049;
	[dreg:$0x1] =	wrdreg $0xFFFFFFFF  }
0xb6: {  	s28 =	simm.s32 $_size_execute0_lowered;
	s3 =	sadd.s32 s3, s5;
	[dreg:$0x0] =	wrdreg $0x0  }
0xb7: {  	s5 =	sshll.u32 s28, $0x1;
	[dreg:$0x2] =	wrdreg s3  }
0xb8: {  	[dreg:$0x3] =	wrdreg s5  }
0xb9: {  	[dreg:$0x4] =	wrdreg $0xC0  }
0xba: {  	_ =	task [dreg:s22], $0x5FFFF  }
0xbb: {  	[dreg:$0x1] =	wrdreg $0xFFFFFFFF  }
0xbc: {  	[dreg:$0x0] =	wrdreg $0x60  }
0xbd: {  	[dreg:$0x2] =	wrdreg s24  }
0xbe: {  	[dreg:$0x3] =	wrdreg $0x0  }
0xbf: {  	[dreg:$0x4] =	wrdreg $0x9  }
0xc0: {  	_ =	task.clear_ibuf [dreg:s22], $0x5FFFF;
	_ =	strace $0x90000049  }
0xc1: {  	s29 =	simm.s32 $0x9;
	_ =	strace $0x8000004B  }
0xc2: {  	_ =	swait.ge [sflag:s29], $0x1  }
0xc3: {  	[sflag:s29] =	ssyncadd.s32 $0xFFFFFFFF  }
0xc4: {  	_ =	strace $0x9000004B  }
0xc5: {  	_ =	sfence  }
0xc6: {  	s30 =	sld [smem:$0x0];
	_ =	sdelay $0x2  }
0xc7: {  	s31 =	sshll.u32 s1, $0xD;
	s1 =	sshrl.u32 s1, $0x2  }
0xc8: {  	s4 =	sand.u32 $0x4000, s31;
	s1 =	sadd.s32 s1, s30  }
0xc9: {  	s0 =	sor.u32 s4, s0;
	s1 =	sshll.u32 s1, $0x11  }
0xca: {  	s0 =	sor.u32 s1, s0  }
0xcb: {  	s0 =	sadd.s32 $0x8F2B, s0  }
0xcc: {  	[sflag:s0] =	ssyncadd.remote.s32 $0x1  }
0xcd: {  	_ =	sfence.sel $0xFFFF  }
0xce: {  	[dreg:$0x0] =	wrdreg $0xFFFFFFFF;
	(pc) =	sbr.abs _section_cstart, $3  }
0xcf: {  	[dreg:$0x1] =	wrdreg $0xFFFFFFFF  }
0xd0: {  	_ =	task.clear_ibuf [dreg:s22], $0x2FFFF;
	_ =	strace $0x9FFFFFFF  }
0xd1: {  	(tm) =	ssettm $0x7FFFFFFF  }
tec
execute0_lowered:
.L_overlay_start_1:
0x0: {  	(tag) =	ssettag $0x1  }
0x1: {  	s8 =	rddreg [dreg:$0x0]  }
0x2: {  	s1 =	rddreg [dreg:$0x1]  }
0x3: {  	s0 =	rddreg [dreg:$0x2]  }
0x4: {  	s3 =	simm.s32 $0x0;
	s2 =	srdreg.scid;
	s17 =	simm.s32 $0xD120  }
0x5: {  	s18 =	simm.s32 $0x1;
	s19 =	simm.s32 $0xC350;
	s20 =	simm.s32 $0xC3D0  }
0x6: {  	s21 =	simm.s32 $0x80;
	s22 =	simm.s32 $0xCBD0;
	s23 =	simm.s32 $0xCC20  }
0x7: {  	s24 =	simm.s32 $0x50;
	[smem:$0x7FF] =	sst s3;
	s9 =	sand.u32 $0x1, s2  }
0x8: {  	s25 =	simm.s32 $0x0;
	s2 =	stileid.u32;
	s7 =	smul.u32 $0x186A0, s9  }
0x9: {  	s4 =	sadd.s32 $0x35A1000, s8;
	s5 =	sadd.s32 $0x3727A00, s8;
	s16 =	smul.u32 $0x186A, s2  }
0xa: {  	s6 =	sadd.s32 $0x20800, s8;
	_ =	strace $0x8000004A;
	s12 =	smul.u32 $0xC350, s2  }
0xb: {  	s11 =	ssub.s32 $0x2, s9;
	s30 =	smul.u32 $0x30D40, s2;
	p0 =	seq.s32 s9, $0x1  }
0xc: {  	s15 =	smul.u32 $0x186A0, s2;
	s28 =	sshrl.u32 s11, $0x1;
	s10 =	sadd.s32 s16, s7  }
.Ltmp0:
0xd: {  	s7 =	sadd.s32 $0x8000, s8;
	s13 =	ssub.s32 s11, s28;
	(pc) =	sbr.rel .LBB2_1-.Ltmp0, $4  }
0xe: {  	s29 =	sadd.s32 $0xC300, s12;
	s31 =	sshrl.u32 s30, $0x2;
	s14 =	sadd.s32 s16, s6  }
0xf: {  	s10 =	sadd.s32 s10, s8;
	s8 =	sshrl.u32 s29, $0x3;
	s9 =	sshll.u32 s29, $0x1  }
0x10: {  	s11 =	sadd.s32 s31, s1;
	s12 =	smax.u32 s13, $0x1;
	s13 =	sadd.s32 s15, s4  }
0x11: {  	v0 =	vimm.f32 $0.0e+00;
	s15 =	sadd.s32 s15, s5;
	s16 =	sadd.s32 s16, s7;
	s10 =	sadd.s32 $0x51800, s10  }
.LBB2_8:
0x12: {  	s28 =	sadd.s32 s28, s14;
	[sflag:s18] =	ssyncadd.s32 $0xFFFFF800  }
0x13: {  	[tilespmem:s19], [sflag:$0x1] =	stream.linear.gather [hbm4b:s28+s3], $0x80, $0x38;
	[tilespmem:$0xD8F0] =	vst v63  }
0x14: {  	_ =	swait.ge [sflag:s18], $0x80  }
0x15: {  	[sflag:s18] =	ssyncset.done $0x0  }
0x16: {  	[sflag:s18] =	ssyncadd.s32 $0xFFFFFF80  }
0x17: {  	[tilespmem:s20], [sflag:$0x1] =	stream.linear.gather [hbm4b:s26+s3], $0x800, $0x38;
	[tilespmem:$0xD8F0] =	vst v63  }
0x18: {  	_ =	swait.ge [sflag:s18], $0x800  }
0x19: {  	[sflag:s18] =	ssyncset.done $0x0  }
0x1a: {  	[sflag:s18] =	ssyncadd.s32 $0xFFFFF800  }
0x1b: {  	[spmem:s1] =	stream.indirect.scatter.add.f32 [tilespmem:s20], [sflag:$0x1], $0x10, s19, s21, $0xb8;
	[tilespmem:$0xD8F0] =	vst v63  }
0x1c: {  	_ =	swait.ge [sflag:s18], $0x800  }
0x1d: {  	[sflag:s18] =	ssyncset.done $0x0  }
0x1e: {  	s28 =	smov.u32 s6;
	s26 =	smov.u32 s4;
	[sflag:s18] =	ssyncadd.s32 $0xFFFFF800  }
.LBB2_12:
0x1f: {  	s28 =	sadd.s32 s28, s8  }
0x20: {  	[tilespmem:s22], [sflag:$0x1] =	stream.linear.gather [hbm4b:s28+s3], $0x50, $0x38;
	[tilespmem:$0xD8F0] =	vst v63  }
0x21: {  	_ =	swait.ge [sflag:s18], $0x50  }
0x22: {  	[sflag:s18] =	ssyncset.done $0x0  }
0x23: {  	s26 =	sadd.s32 s26, s9;
	[sflag:s18] =	ssyncadd.s32 $0xFFFFFFB0  }
0x24: {  	[tilespmem:s23], [sflag:$0x1] =	stream.linear.gather [hbm4b:s26+s3], $0x500, $0x38;
	[tilespmem:$0xD8F0] =	vst v63  }
0x25: {  	_ =	swait.ge [sflag:s18], $0x500  }
0x26: {  	[sflag:s18] =	ssyncset.done $0x0  }
0x27: {  	[sflag:s18] =	ssyncadd.s32 $0xFFFFFB00  }
0x28: {  	[spmem:s1] =	stream.indirect.scatter.add.f32 [tilespmem:s23], [sflag:$0x1], $0x10, s22, s24, $0xb8;
	[tilespmem:$0xD8F0] =	vst v63  }
0x29: {  	_ =	swait.ge [sflag:s18], $0x500  }
0x2a: {  	s30 =	sshll.u32 s2, $0x6;
	s25 =	sadd.s32 $0x1, s25;
	[sflag:s18] =	ssyncset.done $0x0  }
0x2b: {  	s31 =	sshrl.u32 s11, $0x3;
	p1 =	sne.s32 s25, s12;
	[sflag:s18] =	ssyncadd.s32 $0xFFFFFB00  }
.Ltmp1:
0x2c: {  	s26 =	sor.u32 $0x1C01, s30;
	[bflag:$0x0] =	sbarrier.arrive $0xFFFF;
	(pc) =	sbr.rel @!p1 .LBB2_13-.Ltmp1, $4  }
0x2d: {  	[hbm:s10], [sflag:s26] =	dma.local [spmem:s31], $0x186A  }
0x2e: {  	_ =	swait.ge [sflag:s18], $0x186A  }
0x2f: {  	[sflag:s18] =	ssyncset.done $0x0  }
0x30: {  	[sflag:s18] =	ssyncadd.s32 $0xFFFFE796  }
.LBB2_1:
0x31: {  	s26 =	simm.s32 $0x0  }
.LBB2_2:
0x32: {  	p1 =	sne.s32 s26, $0x1F00  }
.Ltmp2:
0x33: {  	_ = 	snop;
	(pc) =	sbr.rel @p1 .LBB2_2-.Ltmp2, $3  }
0x34: {  	_ =	sdelay $0x1  }
0x35: {  	s28 =	sshra.s32 s26, $0x2  }
0x36: {  	s26 =	sadd.s32 $0x40, s26;
	[tilespmem:s28+$0xD120] =	vst v0  }
0x37: {  	s26 =	sadd.s32 $0x0, s11  }
0x38: {  	[spmem:s26] =	stream.linear.scatter [tilespmem:s17], [sflag:$0x1], $0x7D0, $0x38;
	[tilespmem:$0xD8F0] =	vst v63  }
0x39: {  	s26 =	simm.s32 $0x1F40;
	_ =	swait.ge [sflag:s18], $0x7D0  }
.LBB2_4:
0x3a: {  	s28 =	sshra.s32 s26, $0x2;
	[sflag:s18] =	ssyncset.done $0x0;
	p1 =	sne.s32 s26, $0x2EE00  }
.Ltmp3:
0x3b: {  	s28 =	sadd.s32 s28, s11;
	[sflag:s18] =	ssyncadd.s32 $0xFFFFF830;
	(pc) =	sbr.rel @p1 .LBB2_4-.Ltmp3, $3  }
0x3c: {  	[spmem:s28] =	stream.linear.scatter [tilespmem:s17], [sflag:$0x1], $0x7D0, $0x38;
	[tilespmem:$0xD8F0] =	vst v63  }
0x3d: {  	s26 =	sadd.s32 $0x1F40, s26;
	_ =	sdelay $0x1  }
0x3e: {  	_ =	swait.ge [sflag:s18], $0x7D0  }
.Ltmp4:
0x3f: {  	(pc) =	sbr.rel @!p0 .LBB2_6-.Ltmp4, $3  }
0x40: {  	[sflag:s18] =	ssyncset.done $0x0  }
0x41: {  	[sflag:s18] =	ssyncadd.s32 $0xFFFFF830  }
0x42: {  	[bflag:$0x0] =	sbarrier.arrive $0xFFFF;
	_ =	sdelay $0x1  }
0x43: {  	s26 =	sadd.s32 $0x0, s16  }
0x44: {  	[tilespmem:s19], [sflag:$0x1] =	stream.linear.gather [hbm4b:s26+s3], $0x80, $0x38;
	[tilespmem:$0xD8F0] =	vst v63  }
0x45: {  	_ =	swait.ge [sflag:s18], $0x80  }
0x46: {  	[sflag:s18] =	ssyncset.done $0x0  }
0x47: {  	[sflag:s18] =	ssyncadd.s32 $0xFFFFFF80  }
0x48: {  	[tilespmem:s20], [sflag:$0x1] =	stream.linear.gather [hbm4b:s15+s3], $0x800, $0x38;
	[tilespmem:$0xD8F0] =	vst v63  }
0x49: {  	_ =	swait.ge [sflag:s18], $0x800  }
0x4a: {  	[sflag:s18] =	ssyncset.done $0x0  }
0x4b: {  	[sflag:s18] =	ssyncadd.s32 $0xFFFFF800  }
0x4c: {  	[spmem:s1] =	stream.indirect.scatter.add.f32 [tilespmem:s20], [sflag:$0x1], $0x10, s19, s21, $0xb8;
	[tilespmem:$0xD8F0] =	vst v63  }
0x4d: {  	s28 =	simm.s32 $0x10;
	_ =	swait.ge [sflag:s18], $0x800  }
0x4e: {  	s29 =	simm.s32 $0x20;
	s26 =	sadd.s32 $0x100, s15;
	[sflag:s18] =	ssyncset.done $0x0  }
.LBB2_10:
0x4f: {  	s30 =	sadd.s32 s28, s16  }
0x50: {  	[sflag:s18] =	ssyncadd.s32 $0xFFFFF800;
	s28 =	smov.u32 s29;
	s31 =	sadd.s32 $0x10, s29  }
0x51: {  	[tilespmem:s19], [sflag:$0x1] =	stream.linear.gather [hbm4b:s30+s3], $0x80, $0x38;
	[tilespmem:$0xD8F0] =	vst v63  }
0x52: {  	p1 =	sne.s32 s29, $0x1850;
	_ =	swait.ge [sflag:s18], $0x80  }
0x53: {  	[sflag:s18] =	ssyncset.done $0x0  }
0x54: {  	[sflag:s18] =	ssyncadd.s32 $0xFFFFFF80  }
0x55: {  	[tilespmem:s20], [sflag:$0x1] =	stream.linear.gather [hbm4b:s26+s3], $0x800, $0x38;
	[tilespmem:$0xD8F0] =	vst v63  }
0x56: {  	_ =	swait.ge [sflag:s18], $0x800  }
.Ltmp5:
0x57: {  	[sflag:s18] =	ssyncset.done $0x0;
	(pc) =	sbr.rel @p1 .LBB2_10-.Ltmp5, $4  }
0x58: {  	[sflag:s18] =	ssyncadd.s32 $0xFFFFF800  }
0x59: {  	[spmem:s1] =	stream.indirect.scatter.add.f32 [tilespmem:s20], [sflag:$0x1], $0x10, s19, s21, $0xb8;
	[tilespmem:$0xD8F0] =	vst v63  }
0x5a: {  	_ =	swait.ge [sflag:s18], $0x800  }
0x5b: {  	s29 =	smov.u32 s31;
	s26 =	sadd.s32 $0x100, s26;
	[sflag:s18] =	ssyncset.done $0x0  }
0x5c: {  	s28 =	sadd.s32 s28, s16;
	[sflag:s18] =	ssyncadd.s32 $0xFFFFF800  }
0x5d: {  	[tilespmem:s19], [sflag:$0x1] =	stream.linear.gather [hbm4b:s28+s3], $0x80, $0x38;
	[tilespmem:$0xD8F0] =	vst v63  }
0x5e: {  	_ =	swait.ge [sflag:s18], $0x80  }
0x5f: {  	[sflag:s18] =	ssyncset.done $0x0  }
0x60: {  	[sflag:s18] =	ssyncadd.s32 $0xFFFFFF80  }
0x61: {  	[tilespmem:s20], [sflag:$0x1] =	stream.linear.gather [hbm4b:s26+s3], $0x800, $0x38;
	[tilespmem:$0xD8F0] =	vst v63  }
0x62: {  	_ =	swait.ge [sflag:s18], $0x800  }
0x63: {  	[sflag:s18] =	ssyncset.done $0x0  }
.Ltmp6:
0x64: {  	[sflag:s18] =	ssyncadd.s32 $0xFFFFF800;
	(pc) =	sbr.rel .LBB2_12-.Ltmp6, $4  }
0x65: {  	[spmem:s1] =	stream.indirect.scatter.add.f32 [tilespmem:s20], [sflag:$0x1], $0x10, s19, s21, $0xb8;
	[tilespmem:$0xD8F0] =	vst v63  }
0x66: {  	_ =	swait.ge [sflag:s18], $0x800  }
0x67: {  	[sflag:s18] =	ssyncset.done $0x0  }
0x68: {  	s28 =	smov.u32 s7;
	s26 =	smov.u32 s5;
	[sflag:s18] =	ssyncadd.s32 $0xFFFFF800  }
.LBB2_6:
0x69: {  	s26 =	sadd.s32 $0x0, s14  }
0x6a: {  	[tilespmem:s19], [sflag:$0x1] =	stream.linear.gather [hbm4b:s26+s3], $0x80, $0x38;
	[tilespmem:$0xD8F0] =	vst v63  }
0x6b: {  	_ =	swait.ge [sflag:s18], $0x80  }
0x6c: {  	[sflag:s18] =	ssyncset.done $0x0  }
0x6d: {  	[sflag:s18] =	ssyncadd.s32 $0xFFFFFF80  }
0x6e: {  	[tilespmem:s20], [sflag:$0x1] =	stream.linear.gather [hbm4b:s13+s3], $0x800, $0x38;
	[tilespmem:$0xD8F0] =	vst v63  }
0x6f: {  	_ =	swait.ge [sflag:s18], $0x800  }
0x70: {  	[sflag:s18] =	ssyncset.done $0x0  }
0x71: {  	[sflag:s18] =	ssyncadd.s32 $0xFFFFF800  }
0x72: {  	[spmem:s1] =	stream.indirect.scatter.add.f32 [tilespmem:s20], [sflag:$0x1], $0x10, s19, s21, $0xb8;
	[tilespmem:$0xD8F0] =	vst v63  }
0x73: {  	s28 =	simm.s32 $0x10;
	_ =	swait.ge [sflag:s18], $0x800  }
0x74: {  	s29 =	simm.s32 $0x20;
	s26 =	sadd.s32 $0x100, s13;
	[sflag:s18] =	ssyncset.done $0x0  }
.LBB2_7:
0x75: {  	s30 =	sadd.s32 s28, s14  }
0x76: {  	[sflag:s18] =	ssyncadd.s32 $0xFFFFF800;
	s28 =	smov.u32 s29;
	s31 =	sadd.s32 $0x10, s29  }
0x77: {  	[tilespmem:s19], [sflag:$0x1] =	stream.linear.gather [hbm4b:s30+s3], $0x80, $0x38;
	[tilespmem:$0xD8F0] =	vst v63  }
0x78: {  	p1 =	seq.s32 s29, $0x1850;
	_ =	swait.ge [sflag:s18], $0x80  }
0x79: {  	[sflag:s18] =	ssyncset.done $0x0  }
0x7a: {  	[sflag:s18] =	ssyncadd.s32 $0xFFFFFF80  }
0x7b: {  	[tilespmem:s20], [sflag:$0x1] =	stream.linear.gather [hbm4b:s26+s3], $0x800, $0x38;
	[tilespmem:$0xD8F0] =	vst v63  }
0x7c: {  	_ =	swait.ge [sflag:s18], $0x800  }
.Ltmp7:
0x7d: {  	[sflag:s18] =	ssyncset.done $0x0;
	(pc) =	sbr.rel @!p1 .LBB2_7-.Ltmp7, $4  }
0x7e: {  	[sflag:s18] =	ssyncadd.s32 $0xFFFFF800  }
0x7f: {  	[spmem:s1] =	stream.indirect.scatter.add.f32 [tilespmem:s20], [sflag:$0x1], $0x10, s19, s21, $0xb8;
	[tilespmem:$0xD8F0] =	vst v63  }
0x80: {  	_ =	swait.ge [sflag:s18], $0x800  }
0x81: {  	s29 =	smov.u32 s31;
	s26 =	sadd.s32 $0x100, s26;
	[sflag:s18] =	ssyncset.done $0x0  }
.Ltmp8:
0x82: {  	_ = 	snop;
	(pc) =	sbr.rel .LBB2_8-.Ltmp8, $1  }
0x83: {  	_ =	sdelay $0x3  }
.LBB2_13:
0x84: {  	_ =	sfence.sel $0x180000  }
0x85: {  	[bflag:$0x0] =	sbarrier.arrive $0xFFFF  }
0x86: {  	p0 =	sne.s32 s2, $0x0;
	_ =	strace $0x9000004A  }
0x87: {  	s0 =	sadd.s32 @!p0 $0x100000, s0;
	[bflag:$0x2] =	sbarrier.arrive $0xFFFF  }
0x88: {  	[sflag:s0] =	ssyncadd.tile.s32 @!p0 $0x1;
	_ =	shalt  }
.Lfunc_end2:
_tile_overlayer_lowered:
.L_overlay_start_2:
0x89: {  	(tag) =	ssettag $0x2  }
0x8a: {  	s0 =	rddreg [dreg:$0x0];
	s2 =	stileid.u32  }
0x8b: {  	s1 =	rddreg [dreg:$0x1];
	p0 =	sne.s32 s2, $0x0  }
0x8c: {  	s3 =	rddreg [dreg:$0x2];
	[bflag:$0x3] =	sbarrier.arrive $0xFFFF;
	s2 =	simm.s32 @!p0 $0x1C01  }
0x8d: {  	[timem:s3], [sflag:s2] =	dma.local @!p0 [hbm:s0], s1  }
0x8e: {  	s0 =	simm.s32 @!p0 $0x1  }
0x8f: {  	_ =	swait.ge @!p0 [sflag:s0], s1  }
0x90: {  	s1 =	ssub.s32 @!p0 $0x0, s1;
	[sflag:s0] =	ssyncset.done @!p0 $0x0  }
0x91: {  	[sflag:s0] =	ssyncadd.s32 @!p0 s1  }
0x92: {  	[bflag:$0x3] =	sbarrier.arrive $0xFFFF  }
0x93: {  	_ =	shalt  }

// kernel: kernel.18.cloned.1.call-start
scs
__scs_entry_jumppad:
0x0: {  	(pc) =	sbr.rel $0x88, $3  }
0x1: {  	(tag) =	ssettag $0x0;
	lr =	simm.s32 $0x1  }
0x2: {  	[smem:$0x3F7C] =	sst lr;
	_ =	strace $0xD0000000  }
0x3: {  	_ = 	snop  }
0x4: {  	_ = 	snop  }
0x5: {  	_ = 	snop  }
0x6: {  	_ = 	snop  }
0x7: {  	_ = 	snop  }
__scs_overlays_trampoline_lowered:
0x8: {  	[smem:$0x3F8B] =	sst s0  }
0x9: {  	[smem:$0x3F8C] =	sst s1  }
0xa: {  	[smem:$0x3F8D] =	sst s2  }
0xb: {  	[smem:$0x3F8E] =	sst s3  }
0xc: {  	[smem:$0x3F8F] =	sst s4  }
0xd: {  	[smem:$0x3F90] =	sst s5  }
0xe: {  	[smem:$0x3F91] =	sst s6  }
0xf: {  	[smem:$0x3F92] =	sst s7  }
0x10: {  	[smem:$0x3F93] =	sst s8  }
0x11: {  	[smem:$0x3F94] =	sst s9;
	s0 =	simm.s32 @!p0 $0x0  }
0x12: {  	s1 =	sld [smem:$0x3F7A];
	s0 =	simm.s32 @p0 $0x1  }
0x13: {  	[smem:$0x3F95] =	sst s0;
	s0 =	simm.s32 @!p1 $0x0  }
0x14: {  	s2 =	sld [smem:$0x3F79];
	s0 =	simm.s32 @p1 $0x1  }
0x15: {  	[smem:$0x3F96] =	sst s0;
	s0 =	simm.s32 @!p2 $0x0  }
0x16: {  	s3 =	sld [smem:$0x3FDB];
	s0 =	simm.s32 @p2 $0x1  }
0x17: {  	s4 =	simm.s32 $0x1BF5;
	[smem:$0x3F98] =	sst s0  }
0x18: {  	s0 =	sld [smem:$0x3F7B];
	_ =	swait.ge [sflag:s4], $0x0  }
0x19: {  	s7 =	sld [smem:$0x3F7C]  }
0x1a: {  	s8 =	sadd.s32 $0xFFFFE003, lr  }
0x1b: {  	s9 =	sadd.s32 $0xFFFFFEF7, lr;
	s5 =	simm.s32 $0xFFFFFFFF;
	p2 =	slt.u32 s8, $0xFFFFF086  }
0x1c: {  	p1 =	slt.u32 s9, $0xF7A;
	s5 =	simm.s32 @!p2 $0x0  }
0x1d: {  	s5 =	simm.s32 @p1 $0x1;
	p0 =	seq.s32 s7, s2  }
0x1e: {  	s7 =	smul.u32 @!p0 $0xF7A, s2;
	p2 =	seq.s32 @!p0 s5, $0x0  }
0x1f: {  	s9 =	smul.u32 $0xF7A, s1;
	s8 =	simm.s32 @!p0 $0x1BF5;
	p2 =	por !p2, p0  }
0x20: {  	[sflag:s8] =	ssyncset.s32 @!p0 $0xFFFFF086;
	s6 =	sadd.s32 @!p0 s3, s7;
	s7 =	simm.s32 @!p0 $0x108  }
0x21: {  	s3 =	sadd.s32 s3, s9;
	s6 =	sadd.s32 @!p0 $0x88, s6;
	s7 =	simm.s32 @p2 $0x1082  }
0x22: {  	[simem:s7], [sflag:s8] =	dma.local @!p0 [hbm:s6], $0xF7A  }
0x23: {  	s9 =	sor.u32 $0xD0000000, s2;
	s6 =	simm.s32 $0x108;
	_ =	swait.ge @!p0 [sflag:s8], $0x0  }
0x24: {  	s3 =	sadd.s32 $0x88, s3;
	s6 =	simm.s32 @!p1 $0x1082;
	[sflag:s4] =	ssyncset.s32 $0xFFFFF086  }
0x25: {  	[simem:s6], [sflag:s4] =	dma.local [hbm:s3], $0xF7A  }
0x26: {  	[smem:$0x3F7C] =	sst s1;
	(tag) =	ssettag s2;
	_ =	strace s9  }
0x27: {  	s1 =	sld [smem:$0x3F8C]  }
0x28: {  	s2 =	sld [smem:$0x3F8D]  }
0x29: {  	s4 =	sld [smem:$0x3F8F]  }
0x2a: {  	p0 =	seq.s32 s5, $0x0;
	s5 =	sld [smem:$0x3F90]  }
0x2b: {  	s6 =	sld [smem:$0x3F91]  }
0x2c: {  	s7 =	sld [smem:$0x3F92]  }
0x2d: {  	s3 =	simm.s32 $0x108;
	s8 =	sld [smem:$0x3F93]  }
0x2e: {  	s3 =	simm.s32 @!p0 $0x1082;
	s9 =	sld [smem:$0x3F94]  }
0x2f: {  	lr =	sadd.s32 s0, s3;
	s0 =	sld [smem:$0x3F8B]  }
0x30: {  	s3 =	sld [smem:$0x3F8E]  }
0x31: {  	[smem:$0x3F97] =	sst s10  }
0x32: {  	s10 =	sld [smem:$0x3F95];
	_ =	sdelay $0x3  }
0x33: {  	p0 =	seq.s32 s10, $0x1;
	s10 =	sld [smem:$0x3F97];
	_ =	sdelay $0x3  }
0x34: {  	[smem:$0x3F97] =	sst s10  }
0x35: {  	s10 =	sld [smem:$0x3F96];
	_ =	sdelay $0x3  }
0x36: {  	p1 =	seq.s32 s10, $0x1;
	s10 =	sld [smem:$0x3F97];
	_ =	sdelay $0x3  }
0x37: {  	[smem:$0x3F97] =	sst s10  }
0x38: {  	s10 =	sld [smem:$0x3F98]  }
0x39: {  	_ = 	snop;
	(pc) =	sbr.ind lr, $3  }
0x3a: {  	_ = 	snop  }
0x3b: {  	_ = 	snop  }
0x3c: {  	p2 =	seq.s32 s10, $0x1;
	s10 =	sld [smem:$0x3F97]  }
0x3d: {  	_ =	shalt  }
0x3e: {  	_ =	shalt  }
0x3f: {  	_ =	shalt  }
0x40: {  	_ =	shalt  }
0x41: {  	_ =	shalt  }
0x42: {  	_ =	shalt  }
0x43: {  	_ =	shalt  }
0x44: {  	_ =	shalt  }
0x45: {  	_ =	shalt  }
0x46: {  	_ =	shalt  }
0x47: {  	_ =	shalt  }
0x48: {  	_ =	shalt  }
0x49: {  	_ =	shalt  }
0x4a: {  	_ =	shalt  }
0x4b: {  	_ =	shalt  }
0x4c: {  	_ =	shalt  }
0x4d: {  	_ =	shalt  }
0x4e: {  	_ =	shalt  }
0x4f: {  	_ =	shalt  }
0x50: {  	_ =	shalt  }
0x51: {  	_ =	shalt  }
0x52: {  	_ =	shalt  }
0x53: {  	_ =	shalt  }
0x54: {  	_ =	shalt  }
0x55: {  	_ =	shalt  }
0x56: {  	_ =	shalt  }
0x57: {  	_ =	shalt  }
0x58: {  	_ =	shalt  }
0x59: {  	_ =	shalt  }
0x5a: {  	_ =	shalt  }
0x5b: {  	_ =	shalt  }
0x5c: {  	_ =	shalt  }
0x5d: {  	_ =	shalt  }
0x5e: {  	_ =	shalt  }
0x5f: {  	_ =	shalt  }
0x60: {  	_ =	shalt  }
0x61: {  	_ =	shalt  }
0x62: {  	_ =	shalt  }
0x63: {  	_ =	shalt  }
0x64: {  	_ =	shalt  }
0x65: {  	_ =	shalt  }
0x66: {  	_ =	shalt  }
0x67: {  	_ =	shalt  }
0x68: {  	_ =	shalt  }
0x69: {  	_ =	shalt  }
0x6a: {  	_ =	shalt  }
0x6b: {  	_ =	shalt  }
0x6c: {  	_ =	shalt  }
0x6d: {  	_ =	shalt  }
0x6e: {  	_ =	shalt  }
0x6f: {  	_ =	shalt  }
0x70: {  	_ =	shalt  }
0x71: {  	_ =	shalt  }
0x72: {  	_ =	shalt  }
0x73: {  	_ =	shalt  }
0x74: {  	_ =	shalt  }
0x75: {  	_ =	shalt  }
0x76: {  	_ =	shalt  }
0x77: {  	_ =	shalt  }
0x78: {  	_ =	shalt  }
0x79: {  	_ =	shalt  }
0x7a: {  	_ =	shalt  }
0x7b: {  	_ =	shalt  }
0x7c: {  	_ =	shalt  }
0x7d: {  	_ =	shalt  }
0x7e: {  	_ =	shalt  }
0x7f: {  	_ =	shalt  }
0x80: {  	_ =	shalt  }
0x81: {  	_ =	shalt  }
0x82: {  	_ =	shalt  }
0x83: {  	_ =	shalt  }
0x84: {  	_ =	shalt  }
0x85: {  	_ =	shalt  }
0x86: {  	_ =	shalt  }
0x87: {  	_ =	shalt  }
.Lfunc_end0:
.L_simem_size_0:
called_computation.1_lowered:
.L_overlay_start_0:
0x88: {  	s2 =	sld [smem:$0x3FD9]  }
0x89: {  	s3 =	sld [smem:$0x3FFE];
	_ =	sdelay $0x1  }
0x8a: {  	s1 =	srdreg.scid  }
0x8b: {  	s0 =	sand.u32 $0x1, s1  }
0x8c: {  	s16 =	sshll.u32 s0, $0xA;
	s2 =	sadd.s32 s3, s2  }
0x8d: {  	s2 =	sadd.s32 s2, s16  }
0x8e: {  	[smem:$0x3FA3] =	sst s2  }
0x8f: {  	_ = 	snop  }
0x90: {  	(tm) =	ssettm $0x1  }
0x91: {  	s17 =	sld [smem:$0x3FFB];
	_ =	sdelay $0x3  }
0x92: {  	_ =	strace s17  }
0x93: {  	s2 =	sld [smem:$0x3FFC];
	_ =	sdelay $0x3  }
0x94: {  	_ =	strace s2  }
0x95: {  	s2 =	sld [smem:$0x3FFD];
	_ =	sdelay $0x3  }
0x96: {  	_ =	strace s2  }
0x97: {  	_ =	strace $0x8FFFFFFF  }
0x98: {  	s18 =	sld [smem:$0x3FDB];
	_ =	sdelay $0x1  }
0x99: {  	s19 =	simm.s32 $_scs_section_size  }
0x9a: {  	s4 =	simm.s32 $_size__tile_overlayer_lowered;
	s5 =	simm.s32 $_tile_overlayer_lowered  }
0x9b: {  	s22 =	simm.s32 $0x1BFF;
	s21 =	sshll.u32 s5, $0x1;
	s2 =	sadd.s32 s19, s18  }
0x9c: {  	s6 =	simm.s32 $0x0;
	s20 =	sshll.u32 s4, $0x1;
	s4 =	sadd.s32 s21, s2  }
0x9d: {  	[timem:s6], [sflag:s22] =	dma.local [hbm:s4], s20  }
0x9e: {  	_ =	swait.ge [sflag:s22], s20  }
0x9f: {  	s3 =	ssub.s32 $0x0, s20;
	[sflag:s22] =	ssyncset.done $0x0  }
0xa0: {  	[sflag:s22] =	ssyncadd.s32 s3;
	_ =	sdelay $0x1  }
0xa1: {  	s23 =	simm.s32 $0x1B8B  }
0xa2: {  	_ =	swait.ge [sflag:s23], $0x1  }
0xa3: {  	[sflag:s23] =	ssyncset.done $0x0  }
0xa4: {  	s25 =	simm.s32 $0x1B8E;
	s24 =	sld [smem:$0x3FFE];
	[sflag:s23] =	ssyncadd.s32 $0xFFFFFFFF  }
0xa5: {  	s26 =	simm.s32 $execute0_lowered;
	[smem:$0x3FD2] =	sst s25  }
0xa6: {  	s4 =	sshll.u32 s26, $0x1;
	_ =	strace $0x80000046;
	[dreg:$0x1] =	wrdreg $0xFFFFFFFF  }
0xa7: {  	s28 =	simm.s32 $_size_execute0_lowered;
	s2 =	sadd.s32 s2, s4;
	[dreg:$0x0] =	wrdreg $0x0  }
0xa8: {  	s4 =	sshll.u32 s28, $0x1;
	[dreg:$0x2] =	wrdreg s2  }
0xa9: {  	[dreg:$0x3] =	wrdreg s4  }
0xaa: {  	[dreg:$0x4] =	wrdreg $0xC0  }
0xab: {  	_ =	task [dreg:s6], $0x5FFFF  }
0xac: {  	[dreg:$0x1] =	wrdreg $0xFFFFFFFF  }
0xad: {  	[dreg:$0x0] =	wrdreg $0x60  }
0xae: {  	[dreg:$0x2] =	wrdreg s24  }
0xaf: {  	[dreg:$0x3] =	wrdreg $0xA  }
0xb0: {  	_ =	task.clear_ibuf [dreg:s6], $0x4FFFF;
	_ =	strace $0x90000046  }
0xb1: {  	s29 =	simm.s32 $0xA;
	_ =	strace $0x80000048  }
0xb2: {  	_ =	swait.ge [sflag:s29], $0x1  }
0xb3: {  	[sflag:s29] =	ssyncadd.s32 $0xFFFFFFFF  }
0xb4: {  	_ =	strace $0x90000048  }
0xb5: {  	_ =	sfence  }
0xb6: {  	s30 =	sld [smem:$0x0];
	_ =	sdelay $0x2  }
0xb7: {  	s31 =	sshll.u32 s1, $0xD;
	s1 =	sshrl.u32 s1, $0x2  }
0xb8: {  	s3 =	sand.u32 $0x4000, s31;
	s1 =	sadd.s32 s1, s30  }
0xb9: {  	s0 =	sor.u32 s3, s0;
	s1 =	sshll.u32 s1, $0x11  }
0xba: {  	s0 =	sor.u32 s1, s0  }
0xbb: {  	s0 =	sadd.s32 $0x8F2B, s0  }
0xbc: {  	[sflag:s0] =	ssyncadd.remote.s32 $0x1  }
0xbd: {  	_ =	sfence.sel $0xFFFF  }
0xbe: {  	[dreg:$0x0] =	wrdreg $0xFFFFFFFF;
	(pc) =	sbr.abs _section_cstart, $3  }
0xbf: {  	[dreg:$0x1] =	wrdreg $0xFFFFFFFF  }
0xc0: {  	_ =	task.clear_ibuf [dreg:s6], $0x2FFFF;
	_ =	strace $0x9FFFFFFF  }
0xc1: {  	(tm) =	ssettm $0x7FFFFFFF  }
tec
execute0_lowered:
.L_overlay_start_1:
0x0: {  	(tag) =	ssettag $0x1  }
0x1: {  	s6 =	rddreg [dreg:$0x0]  }
0x2: {  	s0 =	rddreg [dreg:$0x1];
	s1 =	simm.s32 $0x0;
	s4 =	srdreg.scid  }
0x3: {  	s2 =	stileid.u32;
	s16 =	simm.s32 $0x880;
	s17 =	simm.s32 $0x50  }
0x4: {  	s18 =	simm.s32 $0x8D0;
	s19 =	simm.s32 $0x0;
	s9 =	smul.u32 $0xC350, s2  }
0x5: {  	[smem:$0x7FF] =	sst s1;
	s3 =	sadd.s32 $0x39000, s6;
	s29 =	smul.u32 $0xC3500, s2  }
0x6: {  	s8 =	sand.u32 $0x1, s4;
	s4 =	sadd.s32 $0x20800, s6;
	s13 =	smul.u32 $0x186A0, s2  }
0x7: {  	s5 =	sadd.s32 $0x8000, s6;
	s12 =	sadd.s32 $0x1BFC00, s6;
	s14 =	smul.u32 $0x186A, s2  }
0x8: {  	_ =	strace $0x80000047;
	s7 =	ssub.s32 $0x2, s8;
	s11 =	smul.u32 $0xC3500, s8  }
0x9: {  	p0 =	seq.s32 s8, $0x1;
	s15 =	smul.u32 $0x186A00, s8;
	s10 =	sshrl.u32 s7, $0x1  }
0xa: {  	s30 =	sshrl.u32 s9, $0x3;
	s10 =	ssub.s32 s7, s10;
	s11 =	sadd.s32 s9, s11  }
.Ltmp0:
0xb: {  	s7 =	sshrl.u32 s29, $0x3;
	s31 =	sshll.u32 s11, $0x1;
	(pc) =	sbr.rel .LBB2_1-.Ltmp0, $4  }
0xc: {  	s6 =	sadd.s32 $0x1860, s30;
	s7 =	sadd.s32 s12, s7;
	s9 =	sadd.s32 s31, s12  }
0xd: {  	s11 =	sadd.s32 s14, s4;
	s7 =	sadd.s32 $0x18600, s7;
	s8 =	sadd.s32 $0x18600, s9  }
0xe: {  	s9 =	smax.u32 s10, $0x1;
	s10 =	sadd.s32 s13, s12;
	s12 =	sadd.s32 s14, s5  }
0xf: {  	s14 =	simm.s32 $0x1;
	s13 =	sadd.s32 s15, s10;
	s15 =	simm.s32 $0x80  }
.LBB2_7:
0x10: {  	s21 =	sadd.s32 s21, s12;
	[sflag:s14] =	ssyncadd.s32 $0xFFFFF800  }
0x11: {  	[tilespmem:s1], [sflag:$0x1] =	stream.linear.gather [hbm4b:s21+s1], $0x80, $0x38;
	[tilespmem:$0xDD0] =	vst v63  }
0x12: {  	_ =	swait.ge [sflag:s14], $0x80  }
0x13: {  	[sflag:s14] =	ssyncset.done $0x0  }
0x14: {  	[sflag:s14] =	ssyncadd.s32 $0xFFFFFF80  }
0x15: {  	[tilespmem:s15], [sflag:$0x1] =	stream.indirect.gather [hbm4b:s3+s15], $0x10, s1, s15, $0xb8;
	[tilespmem:$0xDD0] =	vst v63  }
0x16: {  	_ =	swait.ge [sflag:s14], $0x800  }
0x17: {  	[sflag:s14] =	ssyncset.done $0x0  }
0x18: {  	[sflag:s14] =	ssyncadd.s32 $0xFFFFF800  }
0x19: {  	[hbm4b:s20+s1] =	stream.linear.scatter [tilespmem:s15], [sflag:$0x1], $0x800, $0x38;
	[tilespmem:$0xDD0] =	vst v63  }
0x1a: {  	_ =	swait.ge [sflag:s14], $0x800  }
0x1b: {  	[sflag:s14] =	ssyncset.done $0x0  }
0x1c: {  	s21 =	smov.u32 s5;
	s20 =	smov.u32 s8;
	[sflag:s14] =	ssyncadd.s32 $0xFFFFF800  }
.LBB2_8:
0x1d: {  	s21 =	sadd.s32 s21, s6  }
0x1e: {  	[tilespmem:s16], [sflag:$0x1] =	stream.linear.gather [hbm4b:s21+s1], $0x50, $0x38;
	[tilespmem:$0xDD0] =	vst v63  }
0x1f: {  	_ =	swait.ge [sflag:s14], $0x50  }
0x20: {  	[sflag:s14] =	ssyncset.done $0x0  }
0x21: {  	[sflag:s14] =	ssyncadd.s32 $0xFFFFFFB0  }
0x22: {  	[tilespmem:s18], [sflag:$0x1] =	stream.indirect.gather [hbm4b:s3+s17], $0x10, s16, s17, $0xb8;
	[tilespmem:$0xDD0] =	vst v63  }
0x23: {  	s19 =	sadd.s32 $0x1, s19;
	_ =	swait.ge [sflag:s14], $0x500  }
0x24: {  	p1 =	sne.s32 s19, s9;
	[sflag:s14] =	ssyncset.done $0x0  }
.Ltmp1:
0x25: {  	[sflag:s14] =	ssyncadd.s32 $0xFFFFFB00;
	(pc) =	sbr.rel @!p1 .LBB2_9-.Ltmp1, $4  }
0x26: {  	[hbm4b:s20+s1] =	stream.linear.scatter [tilespmem:s18], [sflag:$0x1], $0x500, $0x38;
	[tilespmem:$0xDD0] =	vst v63  }
0x27: {  	_ =	swait.ge [sflag:s14], $0x500  }
0x28: {  	[sflag:s14] =	ssyncset.done $0x0  }
0x29: {  	[sflag:s14] =	ssyncadd.s32 $0xFFFFFB00  }
.LBB2_1:
.Ltmp2:
0x2a: {  	(pc) =	sbr.rel @!p0 .LBB2_2-.Ltmp2, $1  }
0x2b: {  	_ =	sdelay $0x3  }
0x2c: {  	s20 =	sadd.s32 $0x0, s12  }
0x2d: {  	[tilespmem:s1], [sflag:$0x1] =	stream.linear.gather [hbm4b:s20+s1], $0x80, $0x38;
	[tilespmem:$0xDD0] =	vst v63  }
0x2e: {  	_ =	swait.ge [sflag:s14], $0x80  }
0x2f: {  	[sflag:s14] =	ssyncset.done $0x0  }
0x30: {  	[sflag:s14] =	ssyncadd.s32 $0xFFFFFF80  }
0x31: {  	[tilespmem:s15], [sflag:$0x1] =	stream.indirect.gather [hbm4b:s3+s15], $0x10, s1, s15, $0xb8;
	[tilespmem:$0xDD0] =	vst v63  }
0x32: {  	_ =	swait.ge [sflag:s14], $0x800  }
0x33: {  	[sflag:s14] =	ssyncset.done $0x0  }
0x34: {  	[sflag:s14] =	ssyncadd.s32 $0xFFFFF800  }
0x35: {  	[hbm4b:s13+s1] =	stream.linear.scatter [tilespmem:s15], [sflag:$0x1], $0x800, $0x38;
	[tilespmem:$0xDD0] =	vst v63  }
0x36: {  	s21 =	simm.s32 $0x10;
	_ =	swait.ge [sflag:s14], $0x800  }
0x37: {  	s22 =	simm.s32 $0x20;
	s20 =	sadd.s32 $0x100, s13;
	[sflag:s14] =	ssyncset.done $0x0  }
.LBB2_6:
0x38: {  	s23 =	sadd.s32 s21, s12  }
0x39: {  	[sflag:s14] =	ssyncadd.s32 $0xFFFFF800;
	s21 =	smov.u32 s22;
	s24 =	sadd.s32 $0x10, s22  }
0x3a: {  	[tilespmem:s1], [sflag:$0x1] =	stream.linear.gather [hbm4b:s23+s1], $0x80, $0x38;
	[tilespmem:$0xDD0] =	vst v63  }
0x3b: {  	p1 =	sne.s32 s22, $0x1850;
	_ =	swait.ge [sflag:s14], $0x80  }
0x3c: {  	[sflag:s14] =	ssyncset.done $0x0  }
0x3d: {  	[sflag:s14] =	ssyncadd.s32 $0xFFFFFF80  }
0x3e: {  	[tilespmem:s15], [sflag:$0x1] =	stream.indirect.gather [hbm4b:s3+s15], $0x10, s1, s15, $0xb8;
	[tilespmem:$0xDD0] =	vst v63  }
0x3f: {  	_ =	swait.ge [sflag:s14], $0x800  }
.Ltmp3:
0x40: {  	[sflag:s14] =	ssyncset.done $0x0;
	(pc) =	sbr.rel @p1 .LBB2_6-.Ltmp3, $4  }
0x41: {  	[sflag:s14] =	ssyncadd.s32 $0xFFFFF800  }
0x42: {  	[hbm4b:s20+s1] =	stream.linear.scatter [tilespmem:s15], [sflag:$0x1], $0x800, $0x38;
	[tilespmem:$0xDD0] =	vst v63  }
0x43: {  	_ =	swait.ge [sflag:s14], $0x800  }
0x44: {  	s22 =	smov.u32 s24;
	s20 =	sadd.s32 $0x100, s20;
	[sflag:s14] =	ssyncset.done $0x0  }
.Ltmp4:
0x45: {  	_ = 	snop;
	(pc) =	sbr.rel .LBB2_7-.Ltmp4, $1  }
0x46: {  	_ =	sdelay $0x3  }
.LBB2_2:
0x47: {  	s20 =	sadd.s32 $0x0, s11  }
0x48: {  	[tilespmem:s1], [sflag:$0x1] =	stream.linear.gather [hbm4b:s20+s1], $0x80, $0x38;
	[tilespmem:$0xDD0] =	vst v63  }
0x49: {  	_ =	swait.ge [sflag:s14], $0x80  }
0x4a: {  	[sflag:s14] =	ssyncset.done $0x0  }
0x4b: {  	[sflag:s14] =	ssyncadd.s32 $0xFFFFFF80  }
0x4c: {  	[tilespmem:s15], [sflag:$0x1] =	stream.indirect.gather [hbm4b:s3+s15], $0x10, s1, s15, $0xb8;
	[tilespmem:$0xDD0] =	vst v63  }
0x4d: {  	_ =	swait.ge [sflag:s14], $0x800  }
0x4e: {  	[sflag:s14] =	ssyncset.done $0x0  }
0x4f: {  	[sflag:s14] =	ssyncadd.s32 $0xFFFFF800  }
0x50: {  	[hbm4b:s10+s1] =	stream.linear.scatter [tilespmem:s15], [sflag:$0x1], $0x800, $0x38;
	[tilespmem:$0xDD0] =	vst v63  }
0x51: {  	s21 =	simm.s32 $0x10;
	_ =	swait.ge [sflag:s14], $0x800  }
0x52: {  	s22 =	simm.s32 $0x20;
	s20 =	sadd.s32 $0x100, s10;
	[sflag:s14] =	ssyncset.done $0x0  }
.LBB2_3:
0x53: {  	s23 =	sadd.s32 s21, s11  }
0x54: {  	[sflag:s14] =	ssyncadd.s32 $0xFFFFF800;
	s21 =	smov.u32 s22;
	s24 =	sadd.s32 $0x10, s22  }
0x55: {  	[tilespmem:s1], [sflag:$0x1] =	stream.linear.gather [hbm4b:s23+s1], $0x80, $0x38;
	[tilespmem:$0xDD0] =	vst v63  }
0x56: {  	p1 =	seq.s32 s22, $0x1850;
	_ =	swait.ge [sflag:s14], $0x80  }
0x57: {  	[sflag:s14] =	ssyncset.done $0x0  }
0x58: {  	[sflag:s14] =	ssyncadd.s32 $0xFFFFFF80  }
0x59: {  	[tilespmem:s15], [sflag:$0x1] =	stream.indirect.gather [hbm4b:s3+s15], $0x10, s1, s15, $0xb8;
	[tilespmem:$0xDD0] =	vst v63  }
0x5a: {  	_ =	swait.ge [sflag:s14], $0x800  }
.Ltmp5:
0x5b: {  	[sflag:s14] =	ssyncset.done $0x0;
	(pc) =	sbr.rel @!p1 .LBB2_3-.Ltmp5, $4  }
0x5c: {  	[sflag:s14] =	ssyncadd.s32 $0xFFFFF800  }
0x5d: {  	[hbm4b:s20+s1] =	stream.linear.scatter [tilespmem:s15], [sflag:$0x1], $0x800, $0x38;
	[tilespmem:$0xDD0] =	vst v63  }
0x5e: {  	_ =	swait.ge [sflag:s14], $0x800  }
0x5f: {  	s22 =	smov.u32 s24;
	s20 =	sadd.s32 $0x100, s20;
	[sflag:s14] =	ssyncset.done $0x0  }
0x60: {  	s21 =	sadd.s32 s21, s11;
	[sflag:s14] =	ssyncadd.s32 $0xFFFFF800  }
0x61: {  	[tilespmem:s1], [sflag:$0x1] =	stream.linear.gather [hbm4b:s21+s1], $0x80, $0x38;
	[tilespmem:$0xDD0] =	vst v63  }
0x62: {  	_ =	swait.ge [sflag:s14], $0x80  }
0x63: {  	[sflag:s14] =	ssyncset.done $0x0  }
0x64: {  	[sflag:s14] =	ssyncadd.s32 $0xFFFFFF80  }
0x65: {  	[tilespmem:s15], [sflag:$0x1] =	stream.indirect.gather [hbm4b:s3+s15], $0x10, s1, s15, $0xb8;
	[tilespmem:$0xDD0] =	vst v63  }
0x66: {  	_ =	swait.ge [sflag:s14], $0x800  }
0x67: {  	[sflag:s14] =	ssyncset.done $0x0  }
.Ltmp6:
0x68: {  	[sflag:s14] =	ssyncadd.s32 $0xFFFFF800;
	(pc) =	sbr.rel .LBB2_8-.Ltmp6, $4  }
0x69: {  	[hbm4b:s20+s1] =	stream.linear.scatter [tilespmem:s15], [sflag:$0x1], $0x800, $0x38;
	[tilespmem:$0xDD0] =	vst v63  }
0x6a: {  	_ =	swait.ge [sflag:s14], $0x800  }
0x6b: {  	[sflag:s14] =	ssyncset.done $0x0  }
0x6c: {  	s21 =	smov.u32 s4;
	s20 =	smov.u32 s7;
	[sflag:s14] =	ssyncadd.s32 $0xFFFFF800  }
.LBB2_9:
0x6d: {  	_ =	sfence.sel $0x180000  }
0x6e: {  	[bflag:$0x0] =	sbarrier.arrive $0xFFFF  }
0x6f: {  	p0 =	sne.s32 s2, $0x0;
	_ =	strace $0x90000047  }
0x70: {  	s0 =	sadd.s32 @!p0 $0x100000, s0;
	[bflag:$0x2] =	sbarrier.arrive $0xFFFF  }
0x71: {  	[sflag:s0] =	ssyncadd.tile.s32 @!p0 $0x1;
	_ =	shalt  }
.Lfunc_end2:
_tile_overlayer_lowered:
.L_overlay_start_2:
0x72: {  	(tag) =	ssettag $0x2  }
0x73: {  	s0 =	rddreg [dreg:$0x0];
	s2 =	stileid.u32  }
0x74: {  	s1 =	rddreg [dreg:$0x1];
	p0 =	sne.s32 s2, $0x0  }
0x75: {  	s3 =	rddreg [dreg:$0x2];
	[bflag:$0x3] =	sbarrier.arrive $0xFFFF;
	s2 =	simm.s32 @!p0 $0x1C01  }
0x76: {  	[timem:s3], [sflag:s2] =	dma.local @!p0 [hbm:s0], s1  }
0x77: {  	s0 =	simm.s32 @!p0 $0x1  }
0x78: {  	_ =	swait.ge @!p0 [sflag:s0], s1  }
0x79: {  	s1 =	ssub.s32 @!p0 $0x0, s1;
	[sflag:s0] =	ssyncset.done @!p0 $0x0  }
0x7a: {  	[sflag:s0] =	ssyncadd.s32 @!p0 s1  }
0x7b: {  	[bflag:$0x3] =	sbarrier.arrive $0xFFFF  }
0x7c: {  	_ =	shalt  }

// kernel: kernel.21.cloned.1.call-start
scs
__scs_entry_jumppad:
0x0: {  	(pc) =	sbr.rel $0x88, $3  }
0x1: {  	(tag) =	ssettag $0x0;
	lr =	simm.s32 $0x1  }
0x2: {  	[smem:$0x3F7C] =	sst lr;
	_ =	strace $0xD0000000  }
0x3: {  	_ = 	snop  }
0x4: {  	_ = 	snop  }
0x5: {  	_ = 	snop  }
0x6: {  	_ = 	snop  }
0x7: {  	_ = 	snop  }
__scs_overlays_trampoline_lowered:
0x8: {  	[smem:$0x3F8B] =	sst s0  }
0x9: {  	[smem:$0x3F8C] =	sst s1  }
0xa: {  	[smem:$0x3F8D] =	sst s2  }
0xb: {  	[smem:$0x3F8E] =	sst s3  }
0xc: {  	[smem:$0x3F8F] =	sst s4  }
0xd: {  	[smem:$0x3F90] =	sst s5  }
0xe: {  	[smem:$0x3F91] =	sst s6  }
0xf: {  	[smem:$0x3F92] =	sst s7  }
0x10: {  	[smem:$0x3F93] =	sst s8  }
0x11: {  	[smem:$0x3F94] =	sst s9;
	s0 =	simm.s32 @!p0 $0x0  }
0x12: {  	s1 =	sld [smem:$0x3F7A];
	s0 =	simm.s32 @p0 $0x1  }
0x13: {  	[smem:$0x3F95] =	sst s0;
	s0 =	simm.s32 @!p1 $0x0  }
0x14: {  	s2 =	sld [smem:$0x3F79];
	s0 =	simm.s32 @p1 $0x1  }
0x15: {  	[smem:$0x3F96] =	sst s0;
	s0 =	simm.s32 @!p2 $0x0  }
0x16: {  	s3 =	sld [smem:$0x3FDB];
	s0 =	simm.s32 @p2 $0x1  }
0x17: {  	s4 =	simm.s32 $0x1BF5;
	[smem:$0x3F98] =	sst s0  }
0x18: {  	s0 =	sld [smem:$0x3F7B];
	_ =	swait.ge [sflag:s4], $0x0  }
0x19: {  	s7 =	sld [smem:$0x3F7C]  }
0x1a: {  	s8 =	sadd.s32 $0xFFFFE003, lr  }
0x1b: {  	s9 =	sadd.s32 $0xFFFFFEF7, lr;
	s5 =	simm.s32 $0xFFFFFFFF;
	p2 =	slt.u32 s8, $0xFFFFF086  }
0x1c: {  	p1 =	slt.u32 s9, $0xF7A;
	s5 =	simm.s32 @!p2 $0x0  }
0x1d: {  	s5 =	simm.s32 @p1 $0x1;
	p0 =	seq.s32 s7, s2  }
0x1e: {  	s7 =	smul.u32 @!p0 $0xF7A, s2;
	p2 =	seq.s32 @!p0 s5, $0x0  }
0x1f: {  	s9 =	smul.u32 $0xF7A, s1;
	s8 =	simm.s32 @!p0 $0x1BF5;
	p2 =	por !p2, p0  }
0x20: {  	[sflag:s8] =	ssyncset.s32 @!p0 $0xFFFFF086;
	s6 =	sadd.s32 @!p0 s3, s7;
	s7 =	simm.s32 @!p0 $0x108  }
0x21: {  	s3 =	sadd.s32 s3, s9;
	s6 =	sadd.s32 @!p0 $0x88, s6;
	s7 =	simm.s32 @p2 $0x1082  }
0x22: {  	[simem:s7], [sflag:s8] =	dma.local @!p0 [hbm:s6], $0xF7A  }
0x23: {  	s9 =	sor.u32 $0xD0000000, s2;
	s6 =	simm.s32 $0x108;
	_ =	swait.ge @!p0 [sflag:s8], $0x0  }
0x24: {  	s3 =	sadd.s32 $0x88, s3;
	s6 =	simm.s32 @!p1 $0x1082;
	[sflag:s4] =	ssyncset.s32 $0xFFFFF086  }
0x25: {  	[simem:s6], [sflag:s4] =	dma.local [hbm:s3], $0xF7A  }
0x26: {  	[smem:$0x3F7C] =	sst s1;
	(tag) =	ssettag s2;
	_ =	strace s9  }
0x27: {  	s1 =	sld [smem:$0x3F8C]  }
0x28: {  	s2 =	sld [smem:$0x3F8D]  }
0x29: {  	s4 =	sld [smem:$0x3F8F]  }
0x2a: {  	p0 =	seq.s32 s5, $0x0;
	s5 =	sld [smem:$0x3F90]  }
0x2b: {  	s6 =	sld [smem:$0x3F91]  }
0x2c: {  	s7 =	sld [smem:$0x3F92]  }
0x2d: {  	s3 =	simm.s32 $0x108;
	s8 =	sld [smem:$0x3F93]  }
0x2e: {  	s3 =	simm.s32 @!p0 $0x1082;
	s9 =	sld [smem:$0x3F94]  }
0x2f: {  	lr =	sadd.s32 s0, s3;
	s0 =	sld [smem:$0x3F8B]  }
0x30: {  	s3 =	sld [smem:$0x3F8E]  }
0x31: {  	[smem:$0x3F97] =	sst s10  }
0x32: {  	s10 =	sld [smem:$0x3F95];
	_ =	sdelay $0x3  }
0x33: {  	p0 =	seq.s32 s10, $0x1;
	s10 =	sld [smem:$0x3F97];
	_ =	sdelay $0x3  }
0x34: {  	[smem:$0x3F97] =	sst s10  }
0x35: {  	s10 =	sld [smem:$0x3F96];
	_ =	sdelay $0x3  }
0x36: {  	p1 =	seq.s32 s10, $0x1;
	s10 =	sld [smem:$0x3F97];
	_ =	sdelay $0x3  }
0x37: {  	[smem:$0x3F97] =	sst s10  }
0x38: {  	s10 =	sld [smem:$0x3F98]  }
0x39: {  	_ = 	snop;
	(pc) =	sbr.ind lr, $3  }
0x3a: {  	_ = 	snop  }
0x3b: {  	_ = 	snop  }
0x3c: {  	p2 =	seq.s32 s10, $0x1;
	s10 =	sld [smem:$0x3F97]  }
0x3d: {  	_ =	shalt  }
0x3e: {  	_ =	shalt  }
0x3f: {  	_ =	shalt  }
0x40: {  	_ =	shalt  }
0x41: {  	_ =	shalt  }
0x42: {  	_ =	shalt  }
0x43: {  	_ =	shalt  }
0x44: {  	_ =	shalt  }
0x45: {  	_ =	shalt  }
0x46: {  	_ =	shalt  }
0x47: {  	_ =	shalt  }
0x48: {  	_ =	shalt  }
0x49: {  	_ =	shalt  }
0x4a: {  	_ =	shalt  }
0x4b: {  	_ =	shalt  }
0x4c: {  	_ =	shalt  }
0x4d: {  	_ =	shalt  }
0x4e: {  	_ =	shalt  }
0x4f: {  	_ =	shalt  }
0x50: {  	_ =	shalt  }
0x51: {  	_ =	shalt  }
0x52: {  	_ =	shalt  }
0x53: {  	_ =	shalt  }
0x54: {  	_ =	shalt  }
0x55: {  	_ =	shalt  }
0x56: {  	_ =	shalt  }
0x57: {  	_ =	shalt  }
0x58: {  	_ =	shalt  }
0x59: {  	_ =	shalt  }
0x5a: {  	_ =	shalt  }
0x5b: {  	_ =	shalt  }
0x5c: {  	_ =	shalt  }
0x5d: {  	_ =	shalt  }
0x5e: {  	_ =	shalt  }
0x5f: {  	_ =	shalt  }
0x60: {  	_ =	shalt  }
0x61: {  	_ =	shalt  }
0x62: {  	_ =	shalt  }
0x63: {  	_ =	shalt  }
0x64: {  	_ =	shalt  }
0x65: {  	_ =	shalt  }
0x66: {  	_ =	shalt  }
0x67: {  	_ =	shalt  }
0x68: {  	_ =	shalt  }
0x69: {  	_ =	shalt  }
0x6a: {  	_ =	shalt  }
0x6b: {  	_ =	shalt  }
0x6c: {  	_ =	shalt  }
0x6d: {  	_ =	shalt  }
0x6e: {  	_ =	shalt  }
0x6f: {  	_ =	shalt  }
0x70: {  	_ =	shalt  }
0x71: {  	_ =	shalt  }
0x72: {  	_ =	shalt  }
0x73: {  	_ =	shalt  }
0x74: {  	_ =	shalt  }
0x75: {  	_ =	shalt  }
0x76: {  	_ =	shalt  }
0x77: {  	_ =	shalt  }
0x78: {  	_ =	shalt  }
0x79: {  	_ =	shalt  }
0x7a: {  	_ =	shalt  }
0x7b: {  	_ =	shalt  }
0x7c: {  	_ =	shalt  }
0x7d: {  	_ =	shalt  }
0x7e: {  	_ =	shalt  }
0x7f: {  	_ =	shalt  }
0x80: {  	_ =	shalt  }
0x81: {  	_ =	shalt  }
0x82: {  	_ =	shalt  }
0x83: {  	_ =	shalt  }
0x84: {  	_ =	shalt  }
0x85: {  	_ =	shalt  }
0x86: {  	_ =	shalt  }
0x87: {  	_ =	shalt  }
.Lfunc_end0:
.L_simem_size_0:
called_computation.2_lowered:
.L_overlay_start_0:
0x88: {  	s2 =	sld [smem:$0x3FD9]  }
0x89: {  	s3 =	sld [smem:$0x3FFE];
	_ =	sdelay $0x1  }
0x8a: {  	s1 =	srdreg.scid  }
0x8b: {  	s0 =	sand.u32 $0x1, s1  }
0x8c: {  	s17 =	sshll.u32 s0, $0xA;
	s2 =	sadd.s32 s3, s2  }
0x8d: {  	s2 =	sadd.s32 s2, s17  }
0x8e: {  	[smem:$0x3FA3] =	sst s2  }
0x8f: {  	_ = 	snop  }
0x90: {  	(tm) =	ssettm $0x1  }
0x91: {  	s18 =	sld [smem:$0x3FFB];
	_ =	sdelay $0x3  }
0x92: {  	_ =	strace s18  }
0x93: {  	s2 =	sld [smem:$0x3FFC];
	_ =	sdelay $0x3  }
0x94: {  	_ =	strace s2  }
0x95: {  	s2 =	sld [smem:$0x3FFD];
	_ =	sdelay $0x3  }
0x96: {  	_ =	strace s2  }
0x97: {  	_ =	strace $0x8FFFFFFF  }
0x98: {  	s19 =	sld [smem:$0x3FDB];
	_ =	sdelay $0x1  }
0x99: {  	s20 =	simm.s32 $_scs_section_size  }
0x9a: {  	s4 =	simm.s32 $_size__tile_overlayer_lowered;
	s5 =	simm.s32 $_tile_overlayer_lowered  }
0x9b: {  	s6 =	simm.s32 $0x1BFF;
	s21 =	sshll.u32 s5, $0x1;
	s3 =	sadd.s32 s20, s19  }
0x9c: {  	s22 =	simm.s32 $0x0;
	s4 =	sshll.u32 s4, $0x1;
	s5 =	sadd.s32 s21, s3  }
0x9d: {  	[timem:s22], [sflag:s6] =	dma.local [hbm:s5], s4  }
0x9e: {  	_ =	swait.ge [sflag:s6], s4  }
0x9f: {  	s4 =	ssub.s32 $0x0, s4;
	[sflag:s6] =	ssyncset.done $0x0  }
0xa0: {  	[sflag:s6] =	ssyncadd.s32 s4;
	_ =	sdelay $0x1  }
0xa1: {  	s23 =	simm.s32 $0x1B8B  }
0xa2: {  	_ =	swait.ge [sflag:s23], $0x1  }
0xa3: {  	[sflag:s23] =	ssyncset.done $0x0  }
0xa4: {  	[sflag:s23] =	ssyncadd.s32 $0xFFFFFFFF  }
0xa5: {  	s4 =	sld [smem:$0x0]  }
0xa6: {  	s5 =	sand.u32 $0xFFFFFFFE, s1  }
0xa7: {  	p0 =	sne.s32 s1, s5  }
0xa8: {  	s5 =	sshll.u32 @p0 s5, $0xE  }
0xa9: {  	s5 =	sadd.s32 @p0 $0x11B8D, s5;
	s6 =	sshll.u32 @p0 s4, $0x11  }
0xaa: {  	s5 =	sor.u32 @p0 s6, s5  }
0xab: {  	[sflag:s5] =	ssyncadd.remote.s32 @p0 $0x1;
	_ =	sdelay $0x1  }
0xac: {  	s5 =	simm.s32 @p0 $0x1B8D  }
0xad: {  	_ =	swait.eq @p0 [sflag:s5], $0x1  }
0xae: {  	[sflag:s5] =	ssyncadd.s32 @p0 $0xFFFFFFFF  }
0xaf: {  	s6 =	sshll.u32 @!p0 s1, $0xE  }
0xb0: {  	s6 =	sor.u32 @!p0 $0x4000, s6;
	s5 =	simm.s32 @!p0 $0x1B8D  }
0xb1: {  	s4 =	sshll.u32 @!p0 s4, $0x11;
	s6 =	sadd.s32 @!p0 $0x11B8D, s6;
	_ =	swait.eq @!p0 [sflag:s5], $0x1  }
0xb2: {  	s4 =	sor.u32 @!p0 s4, s6;
	[sflag:s5] =	ssyncadd.s32 @!p0 $0xFFFFFFFF  }
0xb3: {  	s25 =	simm.s32 $0x1B8E;
	s24 =	sld [smem:$0x3FFE];
	[sflag:s4] =	ssyncadd.remote.s32 @!p0 $0x1  }
0xb4: {  	s26 =	simm.s32 $execute0_lowered;
	[smem:$0x3FD2] =	sst s25  }
0xb5: {  	s5 =	sshll.u32 s26, $0x1;
	_ =	strace $0x8000004C;
	[dreg:$0x1] =	wrdreg $0xFFFFFFFF  }
0xb6: {  	s28 =	simm.s32 $_size_execute0_lowered;
	s3 =	sadd.s32 s3, s5;
	[dreg:$0x0] =	wrdreg $0x0  }
0xb7: {  	s5 =	sshll.u32 s28, $0x1;
	[dreg:$0x2] =	wrdreg s3  }
0xb8: {  	[dreg:$0x3] =	wrdreg s5  }
0xb9: {  	[dreg:$0x4] =	wrdreg $0xC0  }
0xba: {  	_ =	task [dreg:s22], $0x5FFFF  }
0xbb: {  	[dreg:$0x1] =	wrdreg $0xFFFFFFFF  }
0xbc: {  	[dreg:$0x0] =	wrdreg $0x60  }
0xbd: {  	[dreg:$0x2] =	wrdreg s24  }
0xbe: {  	[dreg:$0x3] =	wrdreg $0x0  }
0xbf: {  	[dreg:$0x4] =	wrdreg $0xA  }
0xc0: {  	_ =	task.clear_ibuf [dreg:s22], $0x5FFFF;
	_ =	strace $0x9000004C  }
0xc1: {  	s29 =	simm.s32 $0xA;
	_ =	strace $0x8000004E  }
0xc2: {  	_ =	swait.ge [sflag:s29], $0x1  }
0xc3: {  	[sflag:s29] =	ssyncadd.s32 $0xFFFFFFFF  }
0xc4: {  	_ =	strace $0x9000004E  }
0xc5: {  	_ =	sfence  }
0xc6: {  	s30 =	sld [smem:$0x0];
	_ =	sdelay $0x2  }
0xc7: {  	s31 =	sshll.u32 s1, $0xD;
	s1 =	sshrl.u32 s1, $0x2  }
0xc8: {  	s4 =	sand.u32 $0x4000, s31;
	s1 =	sadd.s32 s1, s30  }
0xc9: {  	s0 =	sor.u32 s4, s0;
	s1 =	sshll.u32 s1, $0x11  }
0xca: {  	s0 =	sor.u32 s1, s0  }
0xcb: {  	s0 =	sadd.s32 $0x8F2B, s0  }
0xcc: {  	[sflag:s0] =	ssyncadd.remote.s32 $0x1  }
0xcd: {  	_ =	sfence.sel $0xFFFF  }
0xce: {  	[dreg:$0x0] =	wrdreg $0xFFFFFFFF;
	(pc) =	sbr.abs _section_cstart, $3  }
0xcf: {  	[dreg:$0x1] =	wrdreg $0xFFFFFFFF  }
0xd0: {  	_ =	task.clear_ibuf [dreg:s22], $0x2FFFF;
	_ =	strace $0x9FFFFFFF  }
0xd1: {  	(tm) =	ssettm $0x7FFFFFFF  }
tec
execute0_lowered:
.L_overlay_start_1:
0x0: {  	(tag) =	ssettag $0x1  }
0x1: {  	s8 =	rddreg [dreg:$0x0]  }
0x2: {  	s1 =	rddreg [dreg:$0x1]  }
0x3: {  	s0 =	rddreg [dreg:$0x2]  }
0x4: {  	s2 =	simm.s32 $0x0;
	s3 =	srdreg.scid;
	s17 =	simm.s32 $0xD120  }
0x5: {  	s18 =	simm.s32 $0x1;
	s19 =	simm.s32 $0xC350;
	s20 =	simm.s32 $0xC3D0  }
0x6: {  	s21 =	simm.s32 $0x80;
	s22 =	simm.s32 $0xCBD0;
	s23 =	simm.s32 $0xCC20  }
0x7: {  	s24 =	simm.s32 $0x50;
	s25 =	simm.s32 $0x0;
	s9 =	sand.u32 $0x1, s3  }
0x8: {  	s3 =	stileid.u32;
	s4 =	sadd.s32 $0x1BFC00, s8;
	s7 =	smul.u32 $0x186A0, s9  }
0x9: {  	[smem:$0x7FF] =	sst s2;
	s5 =	sadd.s32 $0x346600, s8;
	s16 =	smul.u32 $0x186A, s3  }
0xa: {  	s6 =	sadd.s32 $0x20800, s8;
	_ =	strace $0x8000004D;
	s12 =	smul.u32 $0xC350, s3  }
0xb: {  	s11 =	ssub.s32 $0x2, s9;
	s30 =	smul.u32 $0x30D40, s3;
	p0 =	seq.s32 s9, $0x1  }
0xc: {  	s15 =	smul.u32 $0x186A0, s3;
	s28 =	sshrl.u32 s11, $0x1;
	s10 =	sadd.s32 s16, s7  }
.Ltmp0:
0xd: {  	s7 =	sadd.s32 $0x8000, s8;
	s13 =	ssub.s32 s11, s28;
	(pc) =	sbr.rel .LBB2_1-.Ltmp0, $4  }
0xe: {  	s29 =	sadd.s32 $0xC300, s12;
	s31 =	sshrl.u32 s30, $0x2;
	s14 =	sadd.s32 s16, s6  }
0xf: {  	s10 =	sadd.s32 s10, s8;
	s8 =	sshrl.u32 s29, $0x3;
	s9 =	sshll.u32 s29, $0x1  }
0x10: {  	s11 =	sadd.s32 s31, s1;
	s12 =	smax.u32 s13, $0x1;
	s13 =	sadd.s32 s15, s4  }
0x11: {  	v0 =	vimm.f32 $0.0e+00;
	s15 =	sadd.s32 s15, s5;
	s16 =	sadd.s32 s16, s7;
	s10 =	sadd.s32 $0x82A00, s10  }
.LBB2_8:
0x12: {  	s28 =	sadd.s32 s28, s14;
	[sflag:s18] =	ssyncadd.s32 $0xFFFFF800  }
0x13: {  	[tilespmem:s19], [sflag:$0x1] =	stream.linear.gather [hbm4b:s28+s2], $0x80, $0x38;
	[tilespmem:$0xD8F0] =	vst v63  }
0x14: {  	_ =	swait.ge [sflag:s18], $0x80  }
0x15: {  	[sflag:s18] =	ssyncset.done $0x0  }
0x16: {  	[sflag:s18] =	ssyncadd.s32 $0xFFFFFF80  }
0x17: {  	[tilespmem:s20], [sflag:$0x1] =	stream.linear.gather [hbm4b:s26+s2], $0x800, $0x38;
	[tilespmem:$0xD8F0] =	vst v63  }
0x18: {  	_ =	swait.ge [sflag:s18], $0x800  }
0x19: {  	[sflag:s18] =	ssyncset.done $0x0  }
0x1a: {  	[sflag:s18] =	ssyncadd.s32 $0xFFFFF800  }
0x1b: {  	[spmem:s1] =	stream.indirect.scatter.add.f32 [tilespmem:s20], [sflag:$0x1], $0x10, s19, s21, $0xb8;
	[tilespmem:$0xD8F0] =	vst v63  }
0x1c: {  	_ =	swait.ge [sflag:s18], $0x800  }
0x1d: {  	[sflag:s18] =	ssyncset.done $0x0  }
0x1e: {  	s28 =	smov.u32 s6;
	s26 =	smov.u32 s4;
	[sflag:s18] =	ssyncadd.s32 $0xFFFFF800  }
.LBB2_12:
0x1f: {  	s28 =	sadd.s32 s28, s8  }
0x20: {  	[tilespmem:s22], [sflag:$0x1] =	stream.linear.gather [hbm4b:s28+s2], $0x50, $0x38;
	[tilespmem:$0xD8F0] =	vst v63  }
0x21: {  	_ =	swait.ge [sflag:s18], $0x50  }
0x22: {  	[sflag:s18] =	ssyncset.done $0x0  }
0x23: {  	s26 =	sadd.s32 s26, s9;
	[sflag:s18] =	ssyncadd.s32 $0xFFFFFFB0  }
0x24: {  	[tilespmem:s23], [sflag:$0x1] =	stream.linear.gather [hbm4b:s26+s2], $0x500, $0x38;
	[tilespmem:$0xD8F0] =	vst v63  }
0x25: {  	_ =	swait.ge [sflag:s18], $0x500  }
0x26: {  	[sflag:s18] =	ssyncset.done $0x0  }
0x27: {  	[sflag:s18] =	ssyncadd.s32 $0xFFFFFB00  }
0x28: {  	[spmem:s1] =	stream.indirect.scatter.add.f32 [tilespmem:s23], [sflag:$0x1], $0x10, s22, s24, $0xb8;
	[tilespmem:$0xD8F0] =	vst v63  }
0x29: {  	_ =	swait.ge [sflag:s18], $0x500  }
0x2a: {  	s30 =	sshll.u32 s3, $0x6;
	s25 =	sadd.s32 $0x1, s25;
	[sflag:s18] =	ssyncset.done $0x0  }
0x2b: {  	s31 =	sshrl.u32 s11, $0x3;
	p1 =	sne.s32 s25, s12;
	[sflag:s18] =	ssyncadd.s32 $0xFFFFFB00  }
.Ltmp1:
0x2c: {  	s26 =	sor.u32 $0x1C01, s30;
	[bflag:$0x0] =	sbarrier.arrive $0xFFFF;
	(pc) =	sbr.rel @!p1 .LBB2_13-.Ltmp1, $4  }
0x2d: {  	[hbm:s10], [sflag:s26] =	dma.local [spmem:s31], $0x186A  }
0x2e: {  	_ =	swait.ge [sflag:s18], $0x186A  }
0x2f: {  	[sflag:s18] =	ssyncset.done $0x0  }
0x30: {  	[sflag:s18] =	ssyncadd.s32 $0xFFFFE796  }
.LBB2_1:
0x31: {  	s26 =	simm.s32 $0x0  }
.LBB2_2:
0x32: {  	p1 =	sne.s32 s26, $0x1F00  }
.Ltmp2:
0x33: {  	_ = 	snop;
	(pc) =	sbr.rel @p1 .LBB2_2-.Ltmp2, $3  }
0x34: {  	_ =	sdelay $0x1  }
0x35: {  	s28 =	sshra.s32 s26, $0x2  }
0x36: {  	s26 =	sadd.s32 $0x40, s26;
	[tilespmem:s28+$0xD120] =	vst v0  }
0x37: {  	s26 =	sadd.s32 $0x0, s11  }
0x38: {  	[spmem:s26] =	stream.linear.scatter [tilespmem:s17], [sflag:$0x1], $0x7D0, $0x38;
	[tilespmem:$0xD8F0] =	vst v63  }
0x39: {  	s26 =	simm.s32 $0x1F40;
	_ =	swait.ge [sflag:s18], $0x7D0  }
.LBB2_4:
0x3a: {  	s28 =	sshra.s32 s26, $0x2;
	[sflag:s18] =	ssyncset.done $0x0;
	p1 =	sne.s32 s26, $0x2EE00  }
.Ltmp3:
0x3b: {  	s28 =	sadd.s32 s28, s11;
	[sflag:s18] =	ssyncadd.s32 $0xFFFFF830;
	(pc) =	sbr.rel @p1 .LBB2_4-.Ltmp3, $3  }
0x3c: {  	[spmem:s28] =	stream.linear.scatter [tilespmem:s17], [sflag:$0x1], $0x7D0, $0x38;
	[tilespmem:$0xD8F0] =	vst v63  }
0x3d: {  	s26 =	sadd.s32 $0x1F40, s26;
	_ =	sdelay $0x1  }
0x3e: {  	_ =	swait.ge [sflag:s18], $0x7D0  }
.Ltmp4:
0x3f: {  	(pc) =	sbr.rel @!p0 .LBB2_6-.Ltmp4, $3  }
0x40: {  	[sflag:s18] =	ssyncset.done $0x0  }
0x41: {  	[sflag:s18] =	ssyncadd.s32 $0xFFFFF830  }
0x42: {  	[bflag:$0x0] =	sbarrier.arrive $0xFFFF;
	_ =	sdelay $0x1  }
0x43: {  	s26 =	sadd.s32 $0x0, s16  }
0x44: {  	[tilespmem:s19], [sflag:$0x1] =	stream.linear.gather [hbm4b:s26+s2], $0x80, $0x38;
	[tilespmem:$0xD8F0] =	vst v63  }
0x45: {  	_ =	swait.ge [sflag:s18], $0x80  }
0x46: {  	[sflag:s18] =	ssyncset.done $0x0  }
0x47: {  	[sflag:s18] =	ssyncadd.s32 $0xFFFFFF80  }
0x48: {  	[tilespmem:s20], [sflag:$0x1] =	stream.linear.gather [hbm4b:s15+s2], $0x800, $0x38;
	[tilespmem:$0xD8F0] =	vst v63  }
0x49: {  	_ =	swait.ge [sflag:s18], $0x800  }
0x4a: {  	[sflag:s18] =	ssyncset.done $0x0  }
0x4b: {  	[sflag:s18] =	ssyncadd.s32 $0xFFFFF800  }
0x4c: {  	[spmem:s1] =	stream.indirect.scatter.add.f32 [tilespmem:s20], [sflag:$0x1], $0x10, s19, s21, $0xb8;
	[tilespmem:$0xD8F0] =	vst v63  }
0x4d: {  	s28 =	simm.s32 $0x10;
	_ =	swait.ge [sflag:s18], $0x800  }
0x4e: {  	s29 =	simm.s32 $0x20;
	s26 =	sadd.s32 $0x100, s15;
	[sflag:s18] =	ssyncset.done $0x0  }
.LBB2_10:
0x4f: {  	s30 =	sadd.s32 s28, s16  }
0x50: {  	[sflag:s18] =	ssyncadd.s32 $0xFFFFF800;
	s28 =	smov.u32 s29;
	s31 =	sadd.s32 $0x10, s29  }
0x51: {  	[tilespmem:s19], [sflag:$0x1] =	stream.linear.gather [hbm4b:s30+s2], $0x80, $0x38;
	[tilespmem:$0xD8F0] =	vst v63  }
0x52: {  	p1 =	sne.s32 s29, $0x1850;
	_ =	swait.ge [sflag:s18], $0x80  }
0x53: {  	[sflag:s18] =	ssyncset.done $0x0  }
0x54: {  	[sflag:s18] =	ssyncadd.s32 $0xFFFFFF80  }
0x55: {  	[tilespmem:s20], [sflag:$0x1] =	stream.linear.gather [hbm4b:s26+s2], $0x800, $0x38;
	[tilespmem:$0xD8F0] =	vst v63  }
0x56: {  	_ =	swait.ge [sflag:s18], $0x800  }
.Ltmp5:
0x57: {  	[sflag:s18] =	ssyncset.done $0x0;
	(pc) =	sbr.rel @p1 .LBB2_10-.Ltmp5, $4  }
0x58: {  	[sflag:s18] =	ssyncadd.s32 $0xFFFFF800  }
0x59: {  	[spmem:s1] =	stream.indirect.scatter.add.f32 [tilespmem:s20], [sflag:$0x1], $0x10, s19, s21, $0xb8;
	[tilespmem:$0xD8F0] =	vst v63  }
0x5a: {  	_ =	swait.ge [sflag:s18], $0x800  }
0x5b: {  	s29 =	smov.u32 s31;
	s26 =	sadd.s32 $0x100, s26;
	[sflag:s18] =	ssyncset.done $0x0  }
0x5c: {  	s28 =	sadd.s32 s28, s16;
	[sflag:s18] =	ssyncadd.s32 $0xFFFFF800  }
0x5d: {  	[tilespmem:s19], [sflag:$0x1] =	stream.linear.gather [hbm4b:s28+s2], $0x80, $0x38;
	[tilespmem:$0xD8F0] =	vst v63  }
0x5e: {  	_ =	swait.ge [sflag:s18], $0x80  }
0x5f: {  	[sflag:s18] =	ssyncset.done $0x0  }
0x60: {  	[sflag:s18] =	ssyncadd.s32 $0xFFFFFF80  }
0x61: {  	[tilespmem:s20], [sflag:$0x1] =	stream.linear.gather [hbm4b:s26+s2], $0x800, $0x38;
	[tilespmem:$0xD8F0] =	vst v63  }
0x62: {  	_ =	swait.ge [sflag:s18], $0x800  }
0x63: {  	[sflag:s18] =	ssyncset.done $0x0  }
.Ltmp6:
0x64: {  	[sflag:s18] =	ssyncadd.s32 $0xFFFFF800;
	(pc) =	sbr.rel .LBB2_12-.Ltmp6, $4  }
0x65: {  	[spmem:s1] =	stream.indirect.scatter.add.f32 [tilespmem:s20], [sflag:$0x1], $0x10, s19, s21, $0xb8;
	[tilespmem:$0xD8F0] =	vst v63  }
0x66: {  	_ =	swait.ge [sflag:s18], $0x800  }
0x67: {  	[sflag:s18] =	ssyncset.done $0x0  }
0x68: {  	s28 =	smov.u32 s7;
	s26 =	smov.u32 s5;
	[sflag:s18] =	ssyncadd.s32 $0xFFFFF800  }
.LBB2_6:
0x69: {  	s26 =	sadd.s32 $0x0, s14  }
0x6a: {  	[tilespmem:s19], [sflag:$0x1] =	stream.linear.gather [hbm4b:s26+s2], $0x80, $0x38;
	[tilespmem:$0xD8F0] =	vst v63  }
0x6b: {  	_ =	swait.ge [sflag:s18], $0x80  }
0x6c: {  	[sflag:s18] =	ssyncset.done $0x0  }
0x6d: {  	[sflag:s18] =	ssyncadd.s32 $0xFFFFFF80  }
0x6e: {  	[tilespmem:s20], [sflag:$0x1] =	stream.linear.gather [hbm4b:s13+s2], $0x800, $0x38;
	[tilespmem:$0xD8F0] =	vst v63  }
0x6f: {  	_ =	swait.ge [sflag:s18], $0x800  }
0x70: {  	[sflag:s18] =	ssyncset.done $0x0  }
0x71: {  	[sflag:s18] =	ssyncadd.s32 $0xFFFFF800  }
0x72: {  	[spmem:s1] =	stream.indirect.scatter.add.f32 [tilespmem:s20], [sflag:$0x1], $0x10, s19, s21, $0xb8;
	[tilespmem:$0xD8F0] =	vst v63  }
0x73: {  	s28 =	simm.s32 $0x10;
	_ =	swait.ge [sflag:s18], $0x800  }
0x74: {  	s29 =	simm.s32 $0x20;
	s26 =	sadd.s32 $0x100, s13;
	[sflag:s18] =	ssyncset.done $0x0  }
.LBB2_7:
0x75: {  	s30 =	sadd.s32 s28, s14  }
0x76: {  	[sflag:s18] =	ssyncadd.s32 $0xFFFFF800;
	s28 =	smov.u32 s29;
	s31 =	sadd.s32 $0x10, s29  }
0x77: {  	[tilespmem:s19], [sflag:$0x1] =	stream.linear.gather [hbm4b:s30+s2], $0x80, $0x38;
	[tilespmem:$0xD8F0] =	vst v63  }
0x78: {  	p1 =	seq.s32 s29, $0x1850;
	_ =	swait.ge [sflag:s18], $0x80  }
0x79: {  	[sflag:s18] =	ssyncset.done $0x0  }
0x7a: {  	[sflag:s18] =	ssyncadd.s32 $0xFFFFFF80  }
0x7b: {  	[tilespmem:s20], [sflag:$0x1] =	stream.linear.gather [hbm4b:s26+s2], $0x800, $0x38;
	[tilespmem:$0xD8F0] =	vst v63  }
0x7c: {  	_ =	swait.ge [sflag:s18], $0x800  }
.Ltmp7:
0x7d: {  	[sflag:s18] =	ssyncset.done $0x0;
	(pc) =	sbr.rel @!p1 .LBB2_7-.Ltmp7, $4  }
0x7e: {  	[sflag:s18] =	ssyncadd.s32 $0xFFFFF800  }
0x7f: {  	[spmem:s1] =	stream.indirect.scatter.add.f32 [tilespmem:s20], [sflag:$0x1], $0x10, s19, s21, $0xb8;
	[tilespmem:$0xD8F0] =	vst v63  }
0x80: {  	_ =	swait.ge [sflag:s18], $0x800  }
0x81: {  	s29 =	smov.u32 s31;
	s26 =	sadd.s32 $0x100, s26;
	[sflag:s18] =	ssyncset.done $0x0  }
.Ltmp8:
0x82: {  	_ = 	snop;
	(pc) =	sbr.rel .LBB2_8-.Ltmp8, $1  }
0x83: {  	_ =	sdelay $0x3  }
.LBB2_13:
0x84: {  	_ =	sfence.sel $0x180000  }
0x85: {  	[bflag:$0x0] =	sbarrier.arrive $0xFFFF  }
0x86: {  	p0 =	sne.s32 s3, $0x0;
	_ =	strace $0x9000004D  }
0x87: {  	s0 =	sadd.s32 @!p0 $0x100000, s0;
	[bflag:$0x2] =	sbarrier.arrive $0xFFFF  }
0x88: {  	[sflag:s0] =	ssyncadd.tile.s32 @!p0 $0x1;
	_ =	shalt  }
.Lfunc_end2:
_tile_overlayer_lowered:
.L_overlay_start_2:
0x89: {  	(tag) =	ssettag $0x2  }
0x8a: {  	s0 =	rddreg [dreg:$0x0];
	s2 =	stileid.u32  }
0x8b: {  	s1 =	rddreg [dreg:$0x1];
	p0 =	sne.s32 s2, $0x0  }
0x8c: {  	s3 =	rddreg [dreg:$0x2];
	[bflag:$0x3] =	sbarrier.arrive $0xFFFF;
	s2 =	simm.s32 @!p0 $0x1C01  }
0x8d: {  	[timem:s3], [sflag:s2] =	dma.local @!p0 [hbm:s0], s1  }
0x8e: {  	s0 =	simm.s32 @!p0 $0x1  }
0x8f: {  	_ =	swait.ge @!p0 [sflag:s0], s1  }
0x90: {  	s1 =	ssub.s32 @!p0 $0x0, s1;
	[sflag:s0] =	ssyncset.done @!p0 $0x0  }
0x91: {  	[sflag:s0] =	ssyncadd.s32 @!p0 s1  }
0x92: {  	[bflag:$0x3] =	sbarrier.arrive $0xFFFF  }
0x93: {  	_ =	shalt  }

// kernel: kernel.24.cloned.1.call-start
scs
__scs_entry_jumppad:
0x0: {  	(pc) =	sbr.rel $0x88, $3  }
0x1: {  	(tag) =	ssettag $0x0;
	lr =	simm.s32 $0x1  }
0x2: {  	[smem:$0x3F7C] =	sst lr;
	_ =	strace $0xD0000000  }
0x3: {  	_ = 	snop  }
0x4: {  	_ = 	snop  }
0x5: {  	_ = 	snop  }
0x6: {  	_ = 	snop  }
0x7: {  	_ = 	snop  }
__scs_overlays_trampoline_lowered:
0x8: {  	[smem:$0x3F8B] =	sst s0  }
0x9: {  	[smem:$0x3F8C] =	sst s1  }
0xa: {  	[smem:$0x3F8D] =	sst s2  }
0xb: {  	[smem:$0x3F8E] =	sst s3  }
0xc: {  	[smem:$0x3F8F] =	sst s4  }
0xd: {  	[smem:$0x3F90] =	sst s5  }
0xe: {  	[smem:$0x3F91] =	sst s6  }
0xf: {  	[smem:$0x3F92] =	sst s7  }
0x10: {  	[smem:$0x3F93] =	sst s8  }
0x11: {  	[smem:$0x3F94] =	sst s9;
	s0 =	simm.s32 @!p0 $0x0  }
0x12: {  	s1 =	sld [smem:$0x3F7A];
	s0 =	simm.s32 @p0 $0x1  }
0x13: {  	[smem:$0x3F95] =	sst s0;
	s0 =	simm.s32 @!p1 $0x0  }
0x14: {  	s2 =	sld [smem:$0x3F79];
	s0 =	simm.s32 @p1 $0x1  }
0x15: {  	[smem:$0x3F96] =	sst s0;
	s0 =	simm.s32 @!p2 $0x0  }
0x16: {  	s3 =	sld [smem:$0x3FDB];
	s0 =	simm.s32 @p2 $0x1  }
0x17: {  	s4 =	simm.s32 $0x1BF5;
	[smem:$0x3F98] =	sst s0  }
0x18: {  	s0 =	sld [smem:$0x3F7B];
	_ =	swait.ge [sflag:s4], $0x0  }
0x19: {  	s7 =	sld [smem:$0x3F7C]  }
0x1a: {  	s8 =	sadd.s32 $0xFFFFE003, lr  }
0x1b: {  	s9 =	sadd.s32 $0xFFFFFEF7, lr;
	s5 =	simm.s32 $0xFFFFFFFF;
	p2 =	slt.u32 s8, $0xFFFFF086  }
0x1c: {  	p1 =	slt.u32 s9, $0xF7A;
	s5 =	simm.s32 @!p2 $0x0  }
0x1d: {  	s5 =	simm.s32 @p1 $0x1;
	p0 =	seq.s32 s7, s2  }
0x1e: {  	s7 =	smul.u32 @!p0 $0xF7A, s2;
	p2 =	seq.s32 @!p0 s5, $0x0  }
0x1f: {  	s9 =	smul.u32 $0xF7A, s1;
	s8 =	simm.s32 @!p0 $0x1BF5;
	p2 =	por !p2, p0  }
0x20: {  	[sflag:s8] =	ssyncset.s32 @!p0 $0xFFFFF086;
	s6 =	sadd.s32 @!p0 s3, s7;
	s7 =	simm.s32 @!p0 $0x108  }
0x21: {  	s3 =	sadd.s32 s3, s9;
	s6 =	sadd.s32 @!p0 $0x88, s6;
	s7 =	simm.s32 @p2 $0x1082  }
0x22: {  	[simem:s7], [sflag:s8] =	dma.local @!p0 [hbm:s6], $0xF7A  }
0x23: {  	s9 =	sor.u32 $0xD0000000, s2;
	s6 =	simm.s32 $0x108;
	_ =	swait.ge @!p0 [sflag:s8], $0x0  }
0x24: {  	s3 =	sadd.s32 $0x88, s3;
	s6 =	simm.s32 @!p1 $0x1082;
	[sflag:s4] =	ssyncset.s32 $0xFFFFF086  }
0x25: {  	[simem:s6], [sflag:s4] =	dma.local [hbm:s3], $0xF7A  }
0x26: {  	[smem:$0x3F7C] =	sst s1;
	(tag) =	ssettag s2;
	_ =	strace s9  }
0x27: {  	s1 =	sld [smem:$0x3F8C]  }
0x28: {  	s2 =	sld [smem:$0x3F8D]  }
0x29: {  	s4 =	sld [smem:$0x3F8F]  }
0x2a: {  	p0 =	seq.s32 s5, $0x0;
	s5 =	sld [smem:$0x3F90]  }
0x2b: {  	s6 =	sld [smem:$0x3F91]  }
0x2c: {  	s7 =	sld [smem:$0x3F92]  }
0x2d: {  	s3 =	simm.s32 $0x108;
	s8 =	sld [smem:$0x3F93]  }
0x2e: {  	s3 =	simm.s32 @!p0 $0x1082;
	s9 =	sld [smem:$0x3F94]  }
0x2f: {  	lr =	sadd.s32 s0, s3;
	s0 =	sld [smem:$0x3F8B]  }
0x30: {  	s3 =	sld [smem:$0x3F8E]  }
0x31: {  	[smem:$0x3F97] =	sst s10  }
0x32: {  	s10 =	sld [smem:$0x3F95];
	_ =	sdelay $0x3  }
0x33: {  	p0 =	seq.s32 s10, $0x1;
	s10 =	sld [smem:$0x3F97];
	_ =	sdelay $0x3  }
0x34: {  	[smem:$0x3F97] =	sst s10  }
0x35: {  	s10 =	sld [smem:$0x3F96];
	_ =	sdelay $0x3  }
0x36: {  	p1 =	seq.s32 s10, $0x1;
	s10 =	sld [smem:$0x3F97];
	_ =	sdelay $0x3  }
0x37: {  	[smem:$0x3F97] =	sst s10  }
0x38: {  	s10 =	sld [smem:$0x3F98]  }
0x39: {  	_ = 	snop;
	(pc) =	sbr.ind lr, $3  }
0x3a: {  	_ = 	snop  }
0x3b: {  	_ = 	snop  }
0x3c: {  	p2 =	seq.s32 s10, $0x1;
	s10 =	sld [smem:$0x3F97]  }
0x3d: {  	_ =	shalt  }
0x3e: {  	_ =	shalt  }
0x3f: {  	_ =	shalt  }
0x40: {  	_ =	shalt  }
0x41: {  	_ =	shalt  }
0x42: {  	_ =	shalt  }
0x43: {  	_ =	shalt  }
0x44: {  	_ =	shalt  }
0x45: {  	_ =	shalt  }
0x46: {  	_ =	shalt  }
0x47: {  	_ =	shalt  }
0x48: {  	_ =	shalt  }
0x49: {  	_ =	shalt  }
0x4a: {  	_ =	shalt  }
0x4b: {  	_ =	shalt  }
0x4c: {  	_ =	shalt  }
0x4d: {  	_ =	shalt  }
0x4e: {  	_ =	shalt  }
0x4f: {  	_ =	shalt  }
0x50: {  	_ =	shalt  }
0x51: {  	_ =	shalt  }
0x52: {  	_ =	shalt  }
0x53: {  	_ =	shalt  }
0x54: {  	_ =	shalt  }
0x55: {  	_ =	shalt  }
0x56: {  	_ =	shalt  }
0x57: {  	_ =	shalt  }
0x58: {  	_ =	shalt  }
0x59: {  	_ =	shalt  }
0x5a: {  	_ =	shalt  }
0x5b: {  	_ =	shalt  }
0x5c: {  	_ =	shalt  }
0x5d: {  	_ =	shalt  }
0x5e: {  	_ =	shalt  }
0x5f: {  	_ =	shalt  }
0x60: {  	_ =	shalt  }
0x61: {  	_ =	shalt  }
0x62: {  	_ =	shalt  }
0x63: {  	_ =	shalt  }
0x64: {  	_ =	shalt  }
0x65: {  	_ =	shalt  }
0x66: {  	_ =	shalt  }
0x67: {  	_ =	shalt  }
0x68: {  	_ =	shalt  }
0x69: {  	_ =	shalt  }
0x6a: {  	_ =	shalt  }
0x6b: {  	_ =	shalt  }
0x6c: {  	_ =	shalt  }
0x6d: {  	_ =	shalt  }
0x6e: {  	_ =	shalt  }
0x6f: {  	_ =	shalt  }
0x70: {  	_ =	shalt  }
0x71: {  	_ =	shalt  }
0x72: {  	_ =	shalt  }
0x73: {  	_ =	shalt  }
0x74: {  	_ =	shalt  }
0x75: {  	_ =	shalt  }
0x76: {  	_ =	shalt  }
0x77: {  	_ =	shalt  }
0x78: {  	_ =	shalt  }
0x79: {  	_ =	shalt  }
0x7a: {  	_ =	shalt  }
0x7b: {  	_ =	shalt  }
0x7c: {  	_ =	shalt  }
0x7d: {  	_ =	shalt  }
0x7e: {  	_ =	shalt  }
0x7f: {  	_ =	shalt  }
0x80: {  	_ =	shalt  }
0x81: {  	_ =	shalt  }
0x82: {  	_ =	shalt  }
0x83: {  	_ =	shalt  }
0x84: {  	_ =	shalt  }
0x85: {  	_ =	shalt  }
0x86: {  	_ =	shalt  }
0x87: {  	_ =	shalt  }
.Lfunc_end0:
.L_simem_size_0:
called_computation.3_lowered:
.L_overlay_start_0:
0x88: {  	s2 =	sld [smem:$0x3FD9]  }
0x89: {  	s3 =	sld [smem:$0x3FFE];
	_ =	sdelay $0x1  }
0x8a: {  	s1 =	srdreg.scid  }
0x8b: {  	s0 =	sand.u32 $0x1, s1  }
0x8c: {  	s16 =	sshll.u32 s0, $0xA;
	s2 =	sadd.s32 s3, s2  }
0x8d: {  	s2 =	sadd.s32 s2, s16  }
0x8e: {  	[smem:$0x3FA3] =	sst s2  }
0x8f: {  	_ = 	snop  }
0x90: {  	(tm) =	ssettm $0x1  }
0x91: {  	s17 =	sld [smem:$0x3FFB];
	_ =	sdelay $0x3  }
0x92: {  	_ =	strace s17  }
0x93: {  	s2 =	sld [smem:$0x3FFC];
	_ =	sdelay $0x3  }
0x94: {  	_ =	strace s2  }
0x95: {  	s2 =	sld [smem:$0x3FFD];
	_ =	sdelay $0x3  }
0x96: {  	_ =	strace s2  }
0x97: {  	_ =	strace $0x8FFFFFFF  }
0x98: {  	s18 =	sld [smem:$0x3FDB];
	_ =	sdelay $0x1  }
0x99: {  	s19 =	simm.s32 $_scs_section_size  }
0x9a: {  	s4 =	simm.s32 $_size__tile_overlayer_lowered;
	s5 =	simm.s32 $_tile_overlayer_lowered  }
0x9b: {  	s22 =	simm.s32 $0x1BFF;
	s21 =	sshll.u32 s5, $0x1;
	s2 =	sadd.s32 s19, s18  }
0x9c: {  	s6 =	simm.s32 $0x0;
	s20 =	sshll.u32 s4, $0x1;
	s4 =	sadd.s32 s21, s2  }
0x9d: {  	[timem:s6], [sflag:s22] =	dma.local [hbm:s4], s20  }
0x9e: {  	_ =	swait.ge [sflag:s22], s20  }
0x9f: {  	s3 =	ssub.s32 $0x0, s20;
	[sflag:s22] =	ssyncset.done $0x0  }
0xa0: {  	[sflag:s22] =	ssyncadd.s32 s3;
	_ =	sdelay $0x1  }
0xa1: {  	s23 =	simm.s32 $0x1B8B  }
0xa2: {  	_ =	swait.ge [sflag:s23], $0x1  }
0xa3: {  	[sflag:s23] =	ssyncset.done $0x0  }
0xa4: {  	s25 =	simm.s32 $0x1B8E;
	s24 =	sld [smem:$0x3FFE];
	[sflag:s23] =	ssyncadd.s32 $0xFFFFFFFF  }
0xa5: {  	s26 =	simm.s32 $execute0_lowered;
	[smem:$0x3FD2] =	sst s25  }
0xa6: {  	s4 =	sshll.u32 s26, $0x1;
	_ =	strace $0x8000004F;
	[dreg:$0x1] =	wrdreg $0xFFFFFFFF  }
0xa7: {  	s28 =	simm.s32 $_size_execute0_lowered;
	s2 =	sadd.s32 s2, s4;
	[dreg:$0x0] =	wrdreg $0x0  }
0xa8: {  	s4 =	sshll.u32 s28, $0x1;
	[dreg:$0x2] =	wrdreg s2  }
0xa9: {  	[dreg:$0x3] =	wrdreg s4  }
0xaa: {  	[dreg:$0x4] =	wrdreg $0xC0  }
0xab: {  	_ =	task [dreg:s6], $0x5FFFF  }
0xac: {  	[dreg:$0x1] =	wrdreg $0xFFFFFFFF  }
0xad: {  	[dreg:$0x0] =	wrdreg $0x60  }
0xae: {  	[dreg:$0x2] =	wrdreg s24  }
0xaf: {  	[dreg:$0x3] =	wrdreg $0x9  }
0xb0: {  	_ =	task.clear_ibuf [dreg:s6], $0x4FFFF;
	_ =	strace $0x9000004F  }
0xb1: {  	s29 =	simm.s32 $0x9;
	_ =	strace $0x80000051  }
0xb2: {  	_ =	swait.ge [sflag:s29], $0x1  }
0xb3: {  	[sflag:s29] =	ssyncadd.s32 $0xFFFFFFFF  }
0xb4: {  	_ =	strace $0x90000051  }
0xb5: {  	_ =	sfence  }
0xb6: {  	s30 =	sld [smem:$0x0];
	_ =	sdelay $0x2  }
0xb7: {  	s31 =	sshll.u32 s1, $0xD;
	s1 =	sshrl.u32 s1, $0x2  }
0xb8: {  	s3 =	sand.u32 $0x4000, s31;
	s1 =	sadd.s32 s1, s30  }
0xb9: {  	s0 =	sor.u32 s3, s0;
	s1 =	sshll.u32 s1, $0x11  }
0xba: {  	s0 =	sor.u32 s1, s0  }
0xbb: {  	s0 =	sadd.s32 $0x8F2B, s0  }
0xbc: {  	[sflag:s0] =	ssyncadd.remote.s32 $0x1  }
0xbd: {  	_ =	sfence.sel $0xFFFF  }
0xbe: {  	[dreg:$0x0] =	wrdreg $0xFFFFFFFF;
	(pc) =	sbr.abs _section_cstart, $3  }
0xbf: {  	[dreg:$0x1] =	wrdreg $0xFFFFFFFF  }
0xc0: {  	_ =	task.clear_ibuf [dreg:s6], $0x2FFFF;
	_ =	strace $0x9FFFFFFF  }
0xc1: {  	(tm) =	ssettm $0x7FFFFFFF  }
tec
execute0_lowered:
.L_overlay_start_1:
0x0: {  	(tag) =	ssettag $0x1  }
0x1: {  	s6 =	rddreg [dreg:$0x0]  }
0x2: {  	s0 =	rddreg [dreg:$0x1];
	s1 =	simm.s32 $0x0;
	s4 =	srdreg.scid  }
0x3: {  	s2 =	stileid.u32;
	s16 =	simm.s32 $0x880;
	s17 =	simm.s32 $0x50  }
0x4: {  	s18 =	simm.s32 $0x8D0;
	s19 =	simm.s32 $0x0;
	s9 =	smul.u32 $0xC350, s2  }
0x5: {  	[smem:$0x7FF] =	sst s1;
	s3 =	sadd.s32 $0x2FD800, s6;
	s29 =	smul.u32 $0xC3500, s2  }
0x6: {  	s8 =	sand.u32 $0x1, s4;
	s4 =	sadd.s32 $0x20800, s6;
	s13 =	smul.u32 $0x186A0, s2  }
0x7: {  	s5 =	sadd.s32 $0x8000, s6;
	s12 =	sadd.s32 $0x3727A00, s6;
	s14 =	smul.u32 $0x186A, s2  }
0x8: {  	_ =	strace $0x80000050;
	s7 =	ssub.s32 $0x2, s8;
	s11 =	smul.u32 $0xC3500, s8  }
0x9: {  	p0 =	seq.s32 s8, $0x1;
	s15 =	smul.u32 $0x186A00, s8;
	s10 =	sshrl.u32 s7, $0x1  }
0xa: {  	s30 =	sshrl.u32 s9, $0x3;
	s10 =	ssub.s32 s7, s10;
	s11 =	sadd.s32 s9, s11  }
.Ltmp0:
0xb: {  	s7 =	sshrl.u32 s29, $0x3;
	s31 =	sshll.u32 s11, $0x1;
	(pc) =	sbr.rel .LBB2_1-.Ltmp0, $4  }
0xc: {  	s6 =	sadd.s32 $0x1860, s30;
	s7 =	sadd.s32 s12, s7;
	s9 =	sadd.s32 s31, s12  }
0xd: {  	s11 =	sadd.s32 s14, s4;
	s7 =	sadd.s32 $0x18600, s7;
	s8 =	sadd.s32 $0x18600, s9  }
0xe: {  	s9 =	smax.u32 s10, $0x1;
	s10 =	sadd.s32 s13, s12;
	s12 =	sadd.s32 s14, s5  }
0xf: {  	s14 =	simm.s32 $0x1;
	s13 =	sadd.s32 s15, s10;
	s15 =	simm.s32 $0x80  }
.LBB2_7:
0x10: {  	s21 =	sadd.s32 s21, s12;
	[sflag:s14] =	ssyncadd.s32 $0xFFFFF800  }
0x11: {  	[tilespmem:s1], [sflag:$0x1] =	stream.linear.gather [hbm4b:s21+s1], $0x80, $0x38;
	[tilespmem:$0xDD0] =	vst v63  }
0x12: {  	_ =	swait.ge [sflag:s14], $0x80  }
0x13: {  	[sflag:s14] =	ssyncset.done $0x0  }
0x14: {  	[sflag:s14] =	ssyncadd.s32 $0xFFFFFF80  }
0x15: {  	[tilespmem:s15], [sflag:$0x1] =	stream.indirect.gather [hbm4b:s3+s15], $0x10, s1, s15, $0xb8;
	[tilespmem:$0xDD0] =	vst v63  }
0x16: {  	_ =	swait.ge [sflag:s14], $0x800  }
0x17: {  	[sflag:s14] =	ssyncset.done $0x0  }
0x18: {  	[sflag:s14] =	ssyncadd.s32 $0xFFFFF800  }
0x19: {  	[hbm4b:s20+s1] =	stream.linear.scatter [tilespmem:s15], [sflag:$0x1], $0x800, $0x38;
	[tilespmem:$0xDD0] =	vst v63  }
0x1a: {  	_ =	swait.ge [sflag:s14], $0x800  }
0x1b: {  	[sflag:s14] =	ssyncset.done $0x0  }
0x1c: {  	s21 =	smov.u32 s5;
	s20 =	smov.u32 s8;
	[sflag:s14] =	ssyncadd.s32 $0xFFFFF800  }
.LBB2_8:
0x1d: {  	s21 =	sadd.s32 s21, s6  }
0x1e: {  	[tilespmem:s16], [sflag:$0x1] =	stream.linear.gather [hbm4b:s21+s1], $0x50, $0x38;
	[tilespmem:$0xDD0] =	vst v63  }
0x1f: {  	_ =	swait.ge [sflag:s14], $0x50  }
0x20: {  	[sflag:s14] =	ssyncset.done $0x0  }
0x21: {  	[sflag:s14] =	ssyncadd.s32 $0xFFFFFFB0  }
0x22: {  	[tilespmem:s18], [sflag:$0x1] =	stream.indirect.gather [hbm4b:s3+s17], $0x10, s16, s17, $0xb8;
	[tilespmem:$0xDD0] =	vst v63  }
0x23: {  	s19 =	sadd.s32 $0x1, s19;
	_ =	swait.ge [sflag:s14], $0x500  }
0x24: {  	p1 =	sne.s32 s19, s9;
	[sflag:s14] =	ssyncset.done $0x0  }
.Ltmp1:
0x25: {  	[sflag:s14] =	ssyncadd.s32 $0xFFFFFB00;
	(pc) =	sbr.rel @!p1 .LBB2_9-.Ltmp1, $4  }
0x26: {  	[hbm4b:s20+s1] =	stream.linear.scatter [tilespmem:s18], [sflag:$0x1], $0x500, $0x38;
	[tilespmem:$0xDD0] =	vst v63  }
0x27: {  	_ =	swait.ge [sflag:s14], $0x500  }
0x28: {  	[sflag:s14] =	ssyncset.done $0x0  }
0x29: {  	[sflag:s14] =	ssyncadd.s32 $0xFFFFFB00  }
.LBB2_1:
.Ltmp2:
0x2a: {  	(pc) =	sbr.rel @!p0 .LBB2_2-.Ltmp2, $1  }
0x2b: {  	_ =	sdelay $0x3  }
0x2c: {  	s20 =	sadd.s32 $0x0, s12  }
0x2d: {  	[tilespmem:s1], [sflag:$0x1] =	stream.linear.gather [hbm4b:s20+s1], $0x80, $0x38;
	[tilespmem:$0xDD0] =	vst v63  }
0x2e: {  	_ =	swait.ge [sflag:s14], $0x80  }
0x2f: {  	[sflag:s14] =	ssyncset.done $0x0  }
0x30: {  	[sflag:s14] =	ssyncadd.s32 $0xFFFFFF80  }
0x31: {  	[tilespmem:s15], [sflag:$0x1] =	stream.indirect.gather [hbm4b:s3+s15], $0x10, s1, s15, $0xb8;
	[tilespmem:$0xDD0] =	vst v63  }
0x32: {  	_ =	swait.ge [sflag:s14], $0x800  }
0x33: {  	[sflag:s14] =	ssyncset.done $0x0  }
0x34: {  	[sflag:s14] =	ssyncadd.s32 $0xFFFFF800  }
0x35: {  	[hbm4b:s13+s1] =	stream.linear.scatter [tilespmem:s15], [sflag:$0x1], $0x800, $0x38;
	[tilespmem:$0xDD0] =	vst v63  }
0x36: {  	s21 =	simm.s32 $0x10;
	_ =	swait.ge [sflag:s14], $0x800  }
0x37: {  	s22 =	simm.s32 $0x20;
	s20 =	sadd.s32 $0x100, s13;
	[sflag:s14] =	ssyncset.done $0x0  }
.LBB2_6:
0x38: {  	s23 =	sadd.s32 s21, s12  }
0x39: {  	[sflag:s14] =	ssyncadd.s32 $0xFFFFF800;
	s21 =	smov.u32 s22;
	s24 =	sadd.s32 $0x10, s22  }
0x3a: {  	[tilespmem:s1], [sflag:$0x1] =	stream.linear.gather [hbm4b:s23+s1], $0x80, $0x38;
	[tilespmem:$0xDD0] =	vst v63  }
0x3b: {  	p1 =	sne.s32 s22, $0x1850;
	_ =	swait.ge [sflag:s14], $0x80  }
0x3c: {  	[sflag:s14] =	ssyncset.done $0x0  }
0x3d: {  	[sflag:s14] =	ssyncadd.s32 $0xFFFFFF80  }
0x3e: {  	[tilespmem:s15], [sflag:$0x1] =	stream.indirect.gather [hbm4b:s3+s15], $0x10, s1, s15, $0xb8;
	[tilespmem:$0xDD0] =	vst v63  }
0x3f: {  	_ =	swait.ge [sflag:s14], $0x800  }
.Ltmp3:
0x40: {  	[sflag:s14] =	ssyncset.done $0x0;
	(pc) =	sbr.rel @p1 .LBB2_6-.Ltmp3, $4  }
0x41: {  	[sflag:s14] =	ssyncadd.s32 $0xFFFFF800  }
0x42: {  	[hbm4b:s20+s1] =	stream.linear.scatter [tilespmem:s15], [sflag:$0x1], $0x800, $0x38;
	[tilespmem:$0xDD0] =	vst v63  }
0x43: {  	_ =	swait.ge [sflag:s14], $0x800  }
0x44: {  	s22 =	smov.u32 s24;
	s20 =	sadd.s32 $0x100, s20;
	[sflag:s14] =	ssyncset.done $0x0  }
.Ltmp4:
0x45: {  	_ = 	snop;
	(pc) =	sbr.rel .LBB2_7-.Ltmp4, $1  }
0x46: {  	_ =	sdelay $0x3  }
.LBB2_2:
0x47: {  	s20 =	sadd.s32 $0x0, s11  }
0x48: {  	[tilespmem:s1], [sflag:$0x1] =	stream.linear.gather [hbm4b:s20+s1], $0x80, $0x38;
	[tilespmem:$0xDD0] =	vst v63  }
0x49: {  	_ =	swait.ge [sflag:s14], $0x80  }
0x4a: {  	[sflag:s14] =	ssyncset.done $0x0  }
0x4b: {  	[sflag:s14] =	ssyncadd.s32 $0xFFFFFF80  }
0x4c: {  	[tilespmem:s15], [sflag:$0x1] =	stream.indirect.gather [hbm4b:s3+s15], $0x10, s1, s15, $0xb8;
	[tilespmem:$0xDD0] =	vst v63  }
0x4d: {  	_ =	swait.ge [sflag:s14], $0x800  }
0x4e: {  	[sflag:s14] =	ssyncset.done $0x0  }
0x4f: {  	[sflag:s14] =	ssyncadd.s32 $0xFFFFF800  }
0x50: {  	[hbm4b:s10+s1] =	stream.linear.scatter [tilespmem:s15], [sflag:$0x1], $0x800, $0x38;
	[tilespmem:$0xDD0] =	vst v63  }
0x51: {  	s21 =	simm.s32 $0x10;
	_ =	swait.ge [sflag:s14], $0x800  }
0x52: {  	s22 =	simm.s32 $0x20;
	s20 =	sadd.s32 $0x100, s10;
	[sflag:s14] =	ssyncset.done $0x0  }
.LBB2_3:
0x53: {  	s23 =	sadd.s32 s21, s11  }
0x54: {  	[sflag:s14] =	ssyncadd.s32 $0xFFFFF800;
	s21 =	smov.u32 s22;
	s24 =	sadd.s32 $0x10, s22  }
0x55: {  	[tilespmem:s1], [sflag:$0x1] =	stream.linear.gather [hbm4b:s23+s1], $0x80, $0x38;
	[tilespmem:$0xDD0] =	vst v63  }
0x56: {  	p1 =	seq.s32 s22, $0x1850;
	_ =	swait.ge [sflag:s14], $0x80  }
0x57: {  	[sflag:s14] =	ssyncset.done $0x0  }
0x58: {  	[sflag:s14] =	ssyncadd.s32 $0xFFFFFF80  }
0x59: {  	[tilespmem:s15], [sflag:$0x1] =	stream.indirect.gather [hbm4b:s3+s15], $0x10, s1, s15, $0xb8;
	[tilespmem:$0xDD0] =	vst v63  }
0x5a: {  	_ =	swait.ge [sflag:s14], $0x800  }
.Ltmp5:
0x5b: {  	[sflag:s14] =	ssyncset.done $0x0;
	(pc) =	sbr.rel @!p1 .LBB2_3-.Ltmp5, $4  }
0x5c: {  	[sflag:s14] =	ssyncadd.s32 $0xFFFFF800  }
0x5d: {  	[hbm4b:s20+s1] =	stream.linear.scatter [tilespmem:s15], [sflag:$0x1], $0x800, $0x38;
	[tilespmem:$0xDD0] =	vst v63  }
0x5e: {  	_ =	swait.ge [sflag:s14], $0x800  }
0x5f: {  	s22 =	smov.u32 s24;
	s20 =	sadd.s32 $0x100, s20;
	[sflag:s14] =	ssyncset.done $0x0  }
0x60: {  	s21 =	sadd.s32 s21, s11;
	[sflag:s14] =	ssyncadd.s32 $0xFFFFF800  }
0x61: {  	[tilespmem:s1], [sflag:$0x1] =	stream.linear.gather [hbm4b:s21+s1], $0x80, $0x38;
	[tilespmem:$0xDD0] =	vst v63  }
0x62: {  	_ =	swait.ge [sflag:s14], $0x80  }
0x63: {  	[sflag:s14] =	ssyncset.done $0x0  }
0x64: {  	[sflag:s14] =	ssyncadd.s32 $0xFFFFFF80  }
0x65: {  	[tilespmem:s15], [sflag:$0x1] =	stream.indirect.gather [hbm4b:s3+s15], $0x10, s1, s15, $0xb8;
	[tilespmem:$0xDD0] =	vst v63  }
0x66: {  	_ =	swait.ge [sflag:s14], $0x800  }
0x67: {  	[sflag:s14] =	ssyncset.done $0x0  }
.Ltmp6:
0x68: {  	[sflag:s14] =	ssyncadd.s32 $0xFFFFF800;
	(pc) =	sbr.rel .LBB2_8-.Ltmp6, $4  }
0x69: {  	[hbm4b:s20+s1] =	stream.linear.scatter [tilespmem:s15], [sflag:$0x1], $0x800, $0x38;
	[tilespmem:$0xDD0] =	vst v63  }
0x6a: {  	_ =	swait.ge [sflag:s14], $0x800  }
0x6b: {  	[sflag:s14] =	ssyncset.done $0x0  }
0x6c: {  	s21 =	smov.u32 s4;
	s20 =	smov.u32 s7;
	[sflag:s14] =	ssyncadd.s32 $0xFFFFF800  }
.LBB2_9:
0x6d: {  	_ =	sfence.sel $0x180000  }
0x6e: {  	[bflag:$0x0] =	sbarrier.arrive $0xFFFF  }
0x6f: {  	p0 =	sne.s32 s2, $0x0;
	_ =	strace $0x90000050  }
0x70: {  	s0 =	sadd.s32 @!p0 $0x100000, s0;
	[bflag:$0x2] =	sbarrier.arrive $0xFFFF  }
0x71: {  	[sflag:s0] =	ssyncadd.tile.s32 @!p0 $0x1;
	_ =	shalt  }
.Lfunc_end2:
_tile_overlayer_lowered:
.L_overlay_start_2:
0x72: {  	(tag) =	ssettag $0x2  }
0x73: {  	s0 =	rddreg [dreg:$0x0];
	s2 =	stileid.u32  }
0x74: {  	s1 =	rddreg [dreg:$0x1];
	p0 =	sne.s32 s2, $0x0  }
0x75: {  	s3 =	rddreg [dreg:$0x2];
	[bflag:$0x3] =	sbarrier.arrive $0xFFFF;
	s2 =	simm.s32 @!p0 $0x1C01  }
0x76: {  	[timem:s3], [sflag:s2] =	dma.local @!p0 [hbm:s0], s1  }
0x77: {  	s0 =	simm.s32 @!p0 $0x1  }
0x78: {  	_ =	swait.ge @!p0 [sflag:s0], s1  }
0x79: {  	s1 =	ssub.s32 @!p0 $0x0, s1;
	[sflag:s0] =	ssyncset.done @!p0 $0x0  }
0x7a: {  	[sflag:s0] =	ssyncadd.s32 @!p0 s1  }
0x7b: {  	[bflag:$0x3] =	sbarrier.arrive $0xFFFF  }
0x7c: {  	_ =	shalt  }

// kernel: kernel.27.cloned.1.call-start
scs
__scs_entry_jumppad:
0x0: {  	(pc) =	sbr.rel $0x88, $3  }
0x1: {  	(tag) =	ssettag $0x0;
	lr =	simm.s32 $0x1  }
0x2: {  	[smem:$0x3F7C] =	sst lr;
	_ =	strace $0xD0000000  }
0x3: {  	_ = 	snop  }
0x4: {  	_ = 	snop  }
0x5: {  	_ = 	snop  }
0x6: {  	_ = 	snop  }
0x7: {  	_ = 	snop  }
__scs_overlays_trampoline_lowered:
0x8: {  	[smem:$0x3F8B] =	sst s0  }
0x9: {  	[smem:$0x3F8C] =	sst s1  }
0xa: {  	[smem:$0x3F8D] =	sst s2  }
0xb: {  	[smem:$0x3F8E] =	sst s3  }
0xc: {  	[smem:$0x3F8F] =	sst s4  }
0xd: {  	[smem:$0x3F90] =	sst s5  }
0xe: {  	[smem:$0x3F91] =	sst s6  }
0xf: {  	[smem:$0x3F92] =	sst s7  }
0x10: {  	[smem:$0x3F93] =	sst s8  }
0x11: {  	[smem:$0x3F94] =	sst s9;
	s0 =	simm.s32 @!p0 $0x0  }
0x12: {  	s1 =	sld [smem:$0x3F7A];
	s0 =	simm.s32 @p0 $0x1  }
0x13: {  	[smem:$0x3F95] =	sst s0;
	s0 =	simm.s32 @!p1 $0x0  }
0x14: {  	s2 =	sld [smem:$0x3F79];
	s0 =	simm.s32 @p1 $0x1  }
0x15: {  	[smem:$0x3F96] =	sst s0;
	s0 =	simm.s32 @!p2 $0x0  }
0x16: {  	s3 =	sld [smem:$0x3FDB];
	s0 =	simm.s32 @p2 $0x1  }
0x17: {  	s4 =	simm.s32 $0x1BF5;
	[smem:$0x3F98] =	sst s0  }
0x18: {  	s0 =	sld [smem:$0x3F7B];
	_ =	swait.ge [sflag:s4], $0x0  }
0x19: {  	s7 =	sld [smem:$0x3F7C]  }
0x1a: {  	s8 =	sadd.s32 $0xFFFFE003, lr  }
0x1b: {  	s9 =	sadd.s32 $0xFFFFFEF7, lr;
	s5 =	simm.s32 $0xFFFFFFFF;
	p2 =	slt.u32 s8, $0xFFFFF086  }
0x1c: {  	p1 =	slt.u32 s9, $0xF7A;
	s5 =	simm.s32 @!p2 $0x0  }
0x1d: {  	s5 =	simm.s32 @p1 $0x1;
	p0 =	seq.s32 s7, s2  }
0x1e: {  	s7 =	smul.u32 @!p0 $0xF7A, s2;
	p2 =	seq.s32 @!p0 s5, $0x0  }
0x1f: {  	s9 =	smul.u32 $0xF7A, s1;
	s8 =	simm.s32 @!p0 $0x1BF5;
	p2 =	por !p2, p0  }
0x20: {  	[sflag:s8] =	ssyncset.s32 @!p0 $0xFFFFF086;
	s6 =	sadd.s32 @!p0 s3, s7;
	s7 =	simm.s32 @!p0 $0x108  }
0x21: {  	s3 =	sadd.s32 s3, s9;
	s6 =	sadd.s32 @!p0 $0x88, s6;
	s7 =	simm.s32 @p2 $0x1082  }
0x22: {  	[simem:s7], [sflag:s8] =	dma.local @!p0 [hbm:s6], $0xF7A  }
0x23: {  	s9 =	sor.u32 $0xD0000000, s2;
	s6 =	simm.s32 $0x108;
	_ =	swait.ge @!p0 [sflag:s8], $0x0  }
0x24: {  	s3 =	sadd.s32 $0x88, s3;
	s6 =	simm.s32 @!p1 $0x1082;
	[sflag:s4] =	ssyncset.s32 $0xFFFFF086  }
0x25: {  	[simem:s6], [sflag:s4] =	dma.local [hbm:s3], $0xF7A  }
0x26: {  	[smem:$0x3F7C] =	sst s1;
	(tag) =	ssettag s2;
	_ =	strace s9  }
0x27: {  	s1 =	sld [smem:$0x3F8C]  }
0x28: {  	s2 =	sld [smem:$0x3F8D]  }
0x29: {  	s4 =	sld [smem:$0x3F8F]  }
0x2a: {  	p0 =	seq.s32 s5, $0x0;
	s5 =	sld [smem:$0x3F90]  }
0x2b: {  	s6 =	sld [smem:$0x3F91]  }
0x2c: {  	s7 =	sld [smem:$0x3F92]  }
0x2d: {  	s3 =	simm.s32 $0x108;
	s8 =	sld [smem:$0x3F93]  }
0x2e: {  	s3 =	simm.s32 @!p0 $0x1082;
	s9 =	sld [smem:$0x3F94]  }
0x2f: {  	lr =	sadd.s32 s0, s3;
	s0 =	sld [smem:$0x3F8B]  }
0x30: {  	s3 =	sld [smem:$0x3F8E]  }
0x31: {  	[smem:$0x3F97] =	sst s10  }
0x32: {  	s10 =	sld [smem:$0x3F95];
	_ =	sdelay $0x3  }
0x33: {  	p0 =	seq.s32 s10, $0x1;
	s10 =	sld [smem:$0x3F97];
	_ =	sdelay $0x3  }
0x34: {  	[smem:$0x3F97] =	sst s10  }
0x35: {  	s10 =	sld [smem:$0x3F96];
	_ =	sdelay $0x3  }
0x36: {  	p1 =	seq.s32 s10, $0x1;
	s10 =	sld [smem:$0x3F97];
	_ =	sdelay $0x3  }
0x37: {  	[smem:$0x3F97] =	sst s10  }
0x38: {  	s10 =	sld [smem:$0x3F98]  }
0x39: {  	_ = 	snop;
	(pc) =	sbr.ind lr, $3  }
0x3a: {  	_ = 	snop  }
0x3b: {  	_ = 	snop  }
0x3c: {  	p2 =	seq.s32 s10, $0x1;
	s10 =	sld [smem:$0x3F97]  }
0x3d: {  	_ =	shalt  }
0x3e: {  	_ =	shalt  }
0x3f: {  	_ =	shalt  }
0x40: {  	_ =	shalt  }
0x41: {  	_ =	shalt  }
0x42: {  	_ =	shalt  }
0x43: {  	_ =	shalt  }
0x44: {  	_ =	shalt  }
0x45: {  	_ =	shalt  }
0x46: {  	_ =	shalt  }
0x47: {  	_ =	shalt  }
0x48: {  	_ =	shalt  }
0x49: {  	_ =	shalt  }
0x4a: {  	_ =	shalt  }
0x4b: {  	_ =	shalt  }
0x4c: {  	_ =	shalt  }
0x4d: {  	_ =	shalt  }
0x4e: {  	_ =	shalt  }
0x4f: {  	_ =	shalt  }
0x50: {  	_ =	shalt  }
0x51: {  	_ =	shalt  }
0x52: {  	_ =	shalt  }
0x53: {  	_ =	shalt  }
0x54: {  	_ =	shalt  }
0x55: {  	_ =	shalt  }
0x56: {  	_ =	shalt  }
0x57: {  	_ =	shalt  }
0x58: {  	_ =	shalt  }
0x59: {  	_ =	shalt  }
0x5a: {  	_ =	shalt  }
0x5b: {  	_ =	shalt  }
0x5c: {  	_ =	shalt  }
0x5d: {  	_ =	shalt  }
0x5e: {  	_ =	shalt  }
0x5f: {  	_ =	shalt  }
0x60: {  	_ =	shalt  }
0x61: {  	_ =	shalt  }
0x62: {  	_ =	shalt  }
0x63: {  	_ =	shalt  }
0x64: {  	_ =	shalt  }
0x65: {  	_ =	shalt  }
0x66: {  	_ =	shalt  }
0x67: {  	_ =	shalt  }
0x68: {  	_ =	shalt  }
0x69: {  	_ =	shalt  }
0x6a: {  	_ =	shalt  }
0x6b: {  	_ =	shalt  }
0x6c: {  	_ =	shalt  }
0x6d: {  	_ =	shalt  }
0x6e: {  	_ =	shalt  }
0x6f: {  	_ =	shalt  }
0x70: {  	_ =	shalt  }
0x71: {  	_ =	shalt  }
0x72: {  	_ =	shalt  }
0x73: {  	_ =	shalt  }
0x74: {  	_ =	shalt  }
0x75: {  	_ =	shalt  }
0x76: {  	_ =	shalt  }
0x77: {  	_ =	shalt  }
0x78: {  	_ =	shalt  }
0x79: {  	_ =	shalt  }
0x7a: {  	_ =	shalt  }
0x7b: {  	_ =	shalt  }
0x7c: {  	_ =	shalt  }
0x7d: {  	_ =	shalt  }
0x7e: {  	_ =	shalt  }
0x7f: {  	_ =	shalt  }
0x80: {  	_ =	shalt  }
0x81: {  	_ =	shalt  }
0x82: {  	_ =	shalt  }
0x83: {  	_ =	shalt  }
0x84: {  	_ =	shalt  }
0x85: {  	_ =	shalt  }
0x86: {  	_ =	shalt  }
0x87: {  	_ =	shalt  }
.Lfunc_end0:
.L_simem_size_0:
called_computation.4_lowered:
.L_overlay_start_0:
0x88: {  	s2 =	sld [smem:$0x3FD9]  }
0x89: {  	s3 =	sld [smem:$0x3FFE];
	_ =	sdelay $0x1  }
0x8a: {  	s1 =	srdreg.scid  }
0x8b: {  	s0 =	sand.u32 $0x1, s1  }
0x8c: {  	s16 =	sshll.u32 s0, $0xA;
	s2 =	sadd.s32 s3, s2  }
0x8d: {  	s2 =	sadd.s32 s2, s16  }
0x8e: {  	[smem:$0x3FA3] =	sst s2  }
0x8f: {  	_ = 	snop  }
0x90: {  	(tm) =	ssettm $0x1  }
0x91: {  	s17 =	sld [smem:$0x3FFB];
	_ =	sdelay $0x3  }
0x92: {  	_ =	strace s17  }
0x93: {  	s2 =	sld [smem:$0x3FFC];
	_ =	sdelay $0x3  }
0x94: {  	_ =	strace s2  }
0x95: {  	s2 =	sld [smem:$0x3FFD];
	_ =	sdelay $0x3  }
0x96: {  	_ =	strace s2  }
0x97: {  	_ =	strace $0x8FFFFFFF  }
0x98: {  	s18 =	sld [smem:$0x3FDB];
	_ =	sdelay $0x1  }
0x99: {  	s19 =	simm.s32 $_scs_section_size  }
0x9a: {  	s4 =	simm.s32 $_size__tile_overlayer_lowered;
	s5 =	simm.s32 $_tile_overlayer_lowered  }
0x9b: {  	s22 =	simm.s32 $0x1BFF;
	s21 =	sshll.u32 s5, $0x1;
	s2 =	sadd.s32 s19, s18  }
0x9c: {  	s6 =	simm.s32 $0x0;
	s20 =	sshll.u32 s4, $0x1;
	s4 =	sadd.s32 s21, s2  }
0x9d: {  	[timem:s6], [sflag:s22] =	dma.local [hbm:s4], s20  }
0x9e: {  	_ =	swait.ge [sflag:s22], s20  }
0x9f: {  	s3 =	ssub.s32 $0x0, s20;
	[sflag:s22] =	ssyncset.done $0x0  }
0xa0: {  	[sflag:s22] =	ssyncadd.s32 s3;
	_ =	sdelay $0x1  }
0xa1: {  	s23 =	simm.s32 $0x1B8B  }
0xa2: {  	_ =	swait.ge [sflag:s23], $0x1  }
0xa3: {  	[sflag:s23] =	ssyncset.done $0x0  }
0xa4: {  	s25 =	simm.s32 $0x1B8E;
	s24 =	sld [smem:$0x3FFE];
	[sflag:s23] =	ssyncadd.s32 $0xFFFFFFFF  }
0xa5: {  	s26 =	simm.s32 $execute0_lowered;
	[smem:$0x3FD2] =	sst s25  }
0xa6: {  	s4 =	sshll.u32 s26, $0x1;
	_ =	strace $0x80000052;
	[dreg:$0x1] =	wrdreg $0xFFFFFFFF  }
0xa7: {  	s28 =	simm.s32 $_size_execute0_lowered;
	s2 =	sadd.s32 s2, s4;
	[dreg:$0x0] =	wrdreg $0x0  }
0xa8: {  	s4 =	sshll.u32 s28, $0x1;
	[dreg:$0x2] =	wrdreg s2  }
0xa9: {  	[dreg:$0x3] =	wrdreg s4  }
0xaa: {  	[dreg:$0x4] =	wrdreg $0xC0  }
0xab: {  	_ =	task [dreg:s6], $0x5FFFF  }
0xac: {  	[dreg:$0x1] =	wrdreg $0xFFFFFFFF  }
0xad: {  	[dreg:$0x0] =	wrdreg $0x60  }
0xae: {  	[dreg:$0x2] =	wrdreg s24  }
0xaf: {  	[dreg:$0x3] =	wrdreg $0x0  }
0xb0: {  	[dreg:$0x4] =	wrdreg $0x9  }
0xb1: {  	_ =	task.clear_ibuf [dreg:s6], $0x5FFFF;
	_ =	strace $0x90000052  }
0xb2: {  	s29 =	simm.s32 $0x9;
	_ =	strace $0x80000054  }
0xb3: {  	_ =	swait.ge [sflag:s29], $0x1  }
0xb4: {  	[sflag:s29] =	ssyncadd.s32 $0xFFFFFFFF  }
0xb5: {  	_ =	strace $0x90000054  }
0xb6: {  	_ =	sfence  }
0xb7: {  	s30 =	sld [smem:$0x0];
	_ =	sdelay $0x2  }
0xb8: {  	s31 =	sshll.u32 s1, $0xD;
	s1 =	sshrl.u32 s1, $0x2  }
0xb9: {  	s3 =	sand.u32 $0x4000, s31;
	s1 =	sadd.s32 s1, s30  }
0xba: {  	s0 =	sor.u32 s3, s0;
	s1 =	sshll.u32 s1, $0x11  }
0xbb: {  	s0 =	sor.u32 s1, s0  }
0xbc: {  	s0 =	sadd.s32 $0x8F2B, s0  }
0xbd: {  	[sflag:s0] =	ssyncadd.remote.s32 $0x1  }
0xbe: {  	_ =	sfence.sel $0xFFFF  }
0xbf: {  	[dreg:$0x0] =	wrdreg $0xFFFFFFFF;
	(pc) =	sbr.abs _section_cstart, $3  }
0xc0: {  	[dreg:$0x1] =	wrdreg $0xFFFFFFFF  }
0xc1: {  	_ =	task.clear_ibuf [dreg:s6], $0x2FFFF;
	_ =	strace $0x9FFFFFFF  }
0xc2: {  	(tm) =	ssettm $0x7FFFFFFF  }
0xc3: {  	_ =	shalt  }
tec
execute0_lowered:
.L_overlay_start_1:
0x0: {  	(tag) =	ssettag $0x1  }
0x1: {  	s8 =	rddreg [dreg:$0x0]  }
0x2: {  	s1 =	rddreg [dreg:$0x1]  }
0x3: {  	s0 =	rddreg [dreg:$0x2]  }
0x4: {  	s3 =	simm.s32 $0x0;
	s2 =	srdreg.scid;
	s17 =	simm.s32 $0xD120  }
0x5: {  	s18 =	simm.s32 $0x1;
	s19 =	simm.s32 $0xC350;
	s20 =	simm.s32 $0xC3D0  }
0x6: {  	s21 =	simm.s32 $0x80;
	s22 =	simm.s32 $0xCBD0;
	s23 =	simm.s32 $0xCC20  }
0x7: {  	s24 =	simm.s32 $0x50;
	[smem:$0x7FF] =	sst s3;
	s9 =	sand.u32 $0x1, s2  }
0x8: {  	s25 =	simm.s32 $0x0;
	s2 =	stileid.u32;
	s7 =	smul.u32 $0x186A0, s9  }
0x9: {  	s4 =	sadd.s32 $0x316400, s8;
	s5 =	sadd.s32 $0x39000, s8;
	s16 =	smul.u32 $0x186A, s2  }
0xa: {  	s6 =	sadd.s32 $0x20800, s8;
	_ =	strace $0x80000053;
	s12 =	smul.u32 $0xC350, s2  }
0xb: {  	s11 =	ssub.s32 $0x2, s9;
	s30 =	smul.u32 $0x30D40, s2;
	p0 =	seq.s32 s9, $0x1  }
0xc: {  	s15 =	smul.u32 $0x186A0, s2;
	s28 =	sshrl.u32 s11, $0x1;
	s10 =	sadd.s32 s16, s7  }
.Ltmp0:
0xd: {  	s7 =	sadd.s32 $0x8000, s8;
	s13 =	ssub.s32 s11, s28;
	(pc) =	sbr.rel .LBB2_1-.Ltmp0, $4  }
0xe: {  	s29 =	sadd.s32 $0xC300, s12;
	s31 =	sshrl.u32 s30, $0x2;
	s14 =	sadd.s32 s16, s6  }
0xf: {  	s10 =	sadd.s32 s10, s8;
	s8 =	sshrl.u32 s29, $0x3;
	s9 =	sshll.u32 s29, $0x1  }
0x10: {  	s11 =	sadd.s32 s31, s1;
	s12 =	smax.u32 s13, $0x1;
	s13 =	sadd.s32 s15, s4  }
0x11: {  	v0 =	vimm.f32 $0.0e+00;
	s15 =	sadd.s32 s15, s5;
	s16 =	sadd.s32 s16, s7;
	s10 =	sadd.s32 $0x1BFA00, s10  }
.LBB2_8:
0x12: {  	s28 =	sadd.s32 s28, s14;
	[sflag:s18] =	ssyncadd.s32 $0xFFFFF800  }
0x13: {  	[tilespmem:s19], [sflag:$0x1] =	stream.linear.gather [hbm4b:s28+s3], $0x80, $0x38;
	[tilespmem:$0xD8F0] =	vst v63  }
0x14: {  	_ =	swait.ge [sflag:s18], $0x80  }
0x15: {  	[sflag:s18] =	ssyncset.done $0x0  }
0x16: {  	[sflag:s18] =	ssyncadd.s32 $0xFFFFFF80  }
0x17: {  	[tilespmem:s20], [sflag:$0x1] =	stream.linear.gather [hbm4b:s26+s3], $0x800, $0x38;
	[tilespmem:$0xD8F0] =	vst v63  }
0x18: {  	_ =	swait.ge [sflag:s18], $0x800  }
0x19: {  	[sflag:s18] =	ssyncset.done $0x0  }
0x1a: {  	[sflag:s18] =	ssyncadd.s32 $0xFFFFF800  }
0x1b: {  	[spmem:s1] =	stream.indirect.scatter.add.f32 [tilespmem:s20], [sflag:$0x1], $0x10, s19, s21, $0xb8;
	[tilespmem:$0xD8F0] =	vst v63  }
0x1c: {  	_ =	swait.ge [sflag:s18], $0x800  }
0x1d: {  	[sflag:s18] =	ssyncset.done $0x0  }
0x1e: {  	s28 =	smov.u32 s6;
	s26 =	smov.u32 s4;
	[sflag:s18] =	ssyncadd.s32 $0xFFFFF800  }
.LBB2_12:
0x1f: {  	s28 =	sadd.s32 s28, s8  }
0x20: {  	[tilespmem:s22], [sflag:$0x1] =	stream.linear.gather [hbm4b:s28+s3], $0x50, $0x38;
	[tilespmem:$0xD8F0] =	vst v63  }
0x21: {  	_ =	swait.ge [sflag:s18], $0x50  }
0x22: {  	[sflag:s18] =	ssyncset.done $0x0  }
0x23: {  	s26 =	sadd.s32 s26, s9;
	[sflag:s18] =	ssyncadd.s32 $0xFFFFFFB0  }
0x24: {  	[tilespmem:s23], [sflag:$0x1] =	stream.linear.gather [hbm4b:s26+s3], $0x500, $0x38;
	[tilespmem:$0xD8F0] =	vst v63  }
0x25: {  	_ =	swait.ge [sflag:s18], $0x500  }
0x26: {  	[sflag:s18] =	ssyncset.done $0x0  }
0x27: {  	[sflag:s18] =	ssyncadd.s32 $0xFFFFFB00  }
0x28: {  	[spmem:s1] =	stream.indirect.scatter.add.f32 [tilespmem:s23], [sflag:$0x1], $0x10, s22, s24, $0xb8;
	[tilespmem:$0xD8F0] =	vst v63  }
0x29: {  	_ =	swait.ge [sflag:s18], $0x500  }
0x2a: {  	s30 =	sshll.u32 s2, $0x6;
	s25 =	sadd.s32 $0x1, s25;
	[sflag:s18] =	ssyncset.done $0x0  }
0x2b: {  	s31 =	sshrl.u32 s11, $0x3;
	p1 =	sne.s32 s25, s12;
	[sflag:s18] =	ssyncadd.s32 $0xFFFFFB00  }
.Ltmp1:
0x2c: {  	s26 =	sor.u32 $0x1C01, s30;
	[bflag:$0x0] =	sbarrier.arrive $0xFFFF;
	(pc) =	sbr.rel @!p1 .LBB2_13-.Ltmp1, $4  }
0x2d: {  	[hbm:s10], [sflag:s26] =	dma.local [spmem:s31], $0x186A  }
0x2e: {  	_ =	swait.ge [sflag:s18], $0x186A  }
0x2f: {  	[sflag:s18] =	ssyncset.done $0x0  }
0x30: {  	[sflag:s18] =	ssyncadd.s32 $0xFFFFE796  }
.LBB2_1:
0x31: {  	s26 =	simm.s32 $0x0  }
.LBB2_2:
0x32: {  	p1 =	sne.s32 s26, $0x1F00  }
.Ltmp2:
0x33: {  	_ = 	snop;
	(pc) =	sbr.rel @p1 .LBB2_2-.Ltmp2, $3  }
0x34: {  	_ =	sdelay $0x1  }
0x35: {  	s28 =	sshra.s32 s26, $0x2  }
0x36: {  	s26 =	sadd.s32 $0x40, s26;
	[tilespmem:s28+$0xD120] =	vst v0  }
0x37: {  	s26 =	sadd.s32 $0x0, s11  }
0x38: {  	[spmem:s26] =	stream.linear.scatter [tilespmem:s17], [sflag:$0x1], $0x7D0, $0x38;
	[tilespmem:$0xD8F0] =	vst v63  }
0x39: {  	s26 =	simm.s32 $0x1F40;
	_ =	swait.ge [sflag:s18], $0x7D0  }
.LBB2_4:
0x3a: {  	s28 =	sshra.s32 s26, $0x2;
	[sflag:s18] =	ssyncset.done $0x0;
	p1 =	sne.s32 s26, $0x2EE00  }
.Ltmp3:
0x3b: {  	s28 =	sadd.s32 s28, s11;
	[sflag:s18] =	ssyncadd.s32 $0xFFFFF830;
	(pc) =	sbr.rel @p1 .LBB2_4-.Ltmp3, $3  }
0x3c: {  	[spmem:s28] =	stream.linear.scatter [tilespmem:s17], [sflag:$0x1], $0x7D0, $0x38;
	[tilespmem:$0xD8F0] =	vst v63  }
0x3d: {  	s26 =	sadd.s32 $0x1F40, s26;
	_ =	sdelay $0x1  }
0x3e: {  	_ =	swait.ge [sflag:s18], $0x7D0  }
.Ltmp4:
0x3f: {  	(pc) =	sbr.rel @!p0 .LBB2_6-.Ltmp4, $3  }
0x40: {  	[sflag:s18] =	ssyncset.done $0x0  }
0x41: {  	[sflag:s18] =	ssyncadd.s32 $0xFFFFF830  }
0x42: {  	[bflag:$0x0] =	sbarrier.arrive $0xFFFF;
	_ =	sdelay $0x1  }
0x43: {  	s26 =	sadd.s32 $0x0, s16  }
0x44: {  	[tilespmem:s19], [sflag:$0x1] =	stream.linear.gather [hbm4b:s26+s3], $0x80, $0x38;
	[tilespmem:$0xD8F0] =	vst v63  }
0x45: {  	_ =	swait.ge [sflag:s18], $0x80  }
0x46: {  	[sflag:s18] =	ssyncset.done $0x0  }
0x47: {  	[sflag:s18] =	ssyncadd.s32 $0xFFFFFF80  }
0x48: {  	[tilespmem:s20], [sflag:$0x1] =	stream.linear.gather [hbm4b:s15+s3], $0x800, $0x38;
	[tilespmem:$0xD8F0] =	vst v63  }
0x49: {  	_ =	swait.ge [sflag:s18], $0x800  }
0x4a: {  	[sflag:s18] =	ssyncset.done $0x0  }
0x4b: {  	[sflag:s18] =	ssyncadd.s32 $0xFFFFF800  }
0x4c: {  	[spmem:s1] =	stream.indirect.scatter.add.f32 [tilespmem:s20], [sflag:$0x1], $0x10, s19, s21, $0xb8;
	[tilespmem:$0xD8F0] =	vst v63  }
0x4d: {  	s28 =	simm.s32 $0x10;
	_ =	swait.ge [sflag:s18], $0x800  }
0x4e: {  	s29 =	simm.s32 $0x20;
	s26 =	sadd.s32 $0x100, s15;
	[sflag:s18] =	ssyncset.done $0x0  }
.LBB2_10:
0x4f: {  	s30 =	sadd.s32 s28, s16  }
0x50: {  	[sflag:s18] =	ssyncadd.s32 $0xFFFFF800;
	s28 =	smov.u32 s29;
	s31 =	sadd.s32 $0x10, s29  }
0x51: {  	[tilespmem:s19], [sflag:$0x1] =	stream.linear.gather [hbm4b:s30+s3], $0x80, $0x38;
	[tilespmem:$0xD8F0] =	vst v63  }
0x52: {  	p1 =	sne.s32 s29, $0x1850;
	_ =	swait.ge [sflag:s18], $0x80  }
0x53: {  	[sflag:s18] =	ssyncset.done $0x0  }
0x54: {  	[sflag:s18] =	ssyncadd.s32 $0xFFFFFF80  }
0x55: {  	[tilespmem:s20], [sflag:$0x1] =	stream.linear.gather [hbm4b:s26+s3], $0x800, $0x38;
	[tilespmem:$0xD8F0] =	vst v63  }
0x56: {  	_ =	swait.ge [sflag:s18], $0x800  }
.Ltmp5:
0x57: {  	[sflag:s18] =	ssyncset.done $0x0;
	(pc) =	sbr.rel @p1 .LBB2_10-.Ltmp5, $4  }
0x58: {  	[sflag:s18] =	ssyncadd.s32 $0xFFFFF800  }
0x59: {  	[spmem:s1] =	stream.indirect.scatter.add.f32 [tilespmem:s20], [sflag:$0x1], $0x10, s19, s21, $0xb8;
	[tilespmem:$0xD8F0] =	vst v63  }
0x5a: {  	_ =	swait.ge [sflag:s18], $0x800  }
0x5b: {  	s29 =	smov.u32 s31;
	s26 =	sadd.s32 $0x100, s26;
	[sflag:s18] =	ssyncset.done $0x0  }
0x5c: {  	s28 =	sadd.s32 s28, s16;
	[sflag:s18] =	ssyncadd.s32 $0xFFFFF800  }
0x5d: {  	[tilespmem:s19], [sflag:$0x1] =	stream.linear.gather [hbm4b:s28+s3], $0x80, $0x38;
	[tilespmem:$0xD8F0] =	vst v63  }
0x5e: {  	_ =	swait.ge [sflag:s18], $0x80  }
0x5f: {  	[sflag:s18] =	ssyncset.done $0x0  }
0x60: {  	[sflag:s18] =	ssyncadd.s32 $0xFFFFFF80  }
0x61: {  	[tilespmem:s20], [sflag:$0x1] =	stream.linear.gather [hbm4b:s26+s3], $0x800, $0x38;
	[tilespmem:$0xD8F0] =	vst v63  }
0x62: {  	_ =	swait.ge [sflag:s18], $0x800  }
0x63: {  	[sflag:s18] =	ssyncset.done $0x0  }
.Ltmp6:
0x64: {  	[sflag:s18] =	ssyncadd.s32 $0xFFFFF800;
	(pc) =	sbr.rel .LBB2_12-.Ltmp6, $4  }
0x65: {  	[spmem:s1] =	stream.indirect.scatter.add.f32 [tilespmem:s20], [sflag:$0x1], $0x10, s19, s21, $0xb8;
	[tilespmem:$0xD8F0] =	vst v63  }
0x66: {  	_ =	swait.ge [sflag:s18], $0x800  }
0x67: {  	[sflag:s18] =	ssyncset.done $0x0  }
0x68: {  	s28 =	smov.u32 s7;
	s26 =	smov.u32 s5;
	[sflag:s18] =	ssyncadd.s32 $0xFFFFF800  }
.LBB2_6:
0x69: {  	s26 =	sadd.s32 $0x0, s14  }
0x6a: {  	[tilespmem:s19], [sflag:$0x1] =	stream.linear.gather [hbm4b:s26+s3], $0x80, $0x38;
	[tilespmem:$0xD8F0] =	vst v63  }
0x6b: {  	_ =	swait.ge [sflag:s18], $0x80  }
0x6c: {  	[sflag:s18] =	ssyncset.done $0x0  }
0x6d: {  	[sflag:s18] =	ssyncadd.s32 $0xFFFFFF80  }
0x6e: {  	[tilespmem:s20], [sflag:$0x1] =	stream.linear.gather [hbm4b:s13+s3], $0x800, $0x38;
	[tilespmem:$0xD8F0] =	vst v63  }
0x6f: {  	_ =	swait.ge [sflag:s18], $0x800  }
0x70: {  	[sflag:s18] =	ssyncset.done $0x0  }
0x71: {  	[sflag:s18] =	ssyncadd.s32 $0xFFFFF800  }
0x72: {  	[spmem:s1] =	stream.indirect.scatter.add.f32 [tilespmem:s20], [sflag:$0x1], $0x10, s19, s21, $0xb8;
	[tilespmem:$0xD8F0] =	vst v63  }
0x73: {  	s28 =	simm.s32 $0x10;
	_ =	swait.ge [sflag:s18], $0x800  }
0x74: {  	s29 =	simm.s32 $0x20;
	s26 =	sadd.s32 $0x100, s13;
	[sflag:s18] =	ssyncset.done $0x0  }
.LBB2_7:
0x75: {  	s30 =	sadd.s32 s28, s14  }
0x76: {  	[sflag:s18] =	ssyncadd.s32 $0xFFFFF800;
	s28 =	smov.u32 s29;
	s31 =	sadd.s32 $0x10, s29  }
0x77: {  	[tilespmem:s19], [sflag:$0x1] =	stream.linear.gather [hbm4b:s30+s3], $0x80, $0x38;
	[tilespmem:$0xD8F0] =	vst v63  }
0x78: {  	p1 =	seq.s32 s29, $0x1850;
	_ =	swait.ge [sflag:s18], $0x80  }
0x79: {  	[sflag:s18] =	ssyncset.done $0x0  }
0x7a: {  	[sflag:s18] =	ssyncadd.s32 $0xFFFFFF80  }
0x7b: {  	[tilespmem:s20], [sflag:$0x1] =	stream.linear.gather [hbm4b:s26+s3], $0x800, $0x38;
	[tilespmem:$0xD8F0] =	vst v63  }
0x7c: {  	_ =	swait.ge [sflag:s18], $0x800  }
.Ltmp7:
0x7d: {  	[sflag:s18] =	ssyncset.done $0x0;
	(pc) =	sbr.rel @!p1 .LBB2_7-.Ltmp7, $4  }
0x7e: {  	[sflag:s18] =	ssyncadd.s32 $0xFFFFF800  }
0x7f: {  	[spmem:s1] =	stream.indirect.scatter.add.f32 [tilespmem:s20], [sflag:$0x1], $0x10, s19, s21, $0xb8;
	[tilespmem:$0xD8F0] =	vst v63  }
0x80: {  	_ =	swait.ge [sflag:s18], $0x800  }
0x81: {  	s29 =	smov.u32 s31;
	s26 =	sadd.s32 $0x100, s26;
	[sflag:s18] =	ssyncset.done $0x0  }
.Ltmp8:
0x82: {  	_ = 	snop;
	(pc) =	sbr.rel .LBB2_8-.Ltmp8, $1  }
0x83: {  	_ =	sdelay $0x3  }
.LBB2_13:
0x84: {  	_ =	sfence.sel $0x180000  }
0x85: {  	[bflag:$0x0] =	sbarrier.arrive $0xFFFF  }
0x86: {  	p0 =	sne.s32 s2, $0x0;
	_ =	strace $0x90000053  }
0x87: {  	s0 =	sadd.s32 @!p0 $0x100000, s0;
	[bflag:$0x2] =	sbarrier.arrive $0xFFFF  }
0x88: {  	[sflag:s0] =	ssyncadd.tile.s32 @!p0 $0x1;
	_ =	shalt  }
.Lfunc_end2:
_tile_overlayer_lowered:
.L_overlay_start_2:
0x89: {  	(tag) =	ssettag $0x2  }
0x8a: {  	s0 =	rddreg [dreg:$0x0];
	s2 =	stileid.u32  }
0x8b: {  	s1 =	rddreg [dreg:$0x1];
	p0 =	sne.s32 s2, $0x0  }
0x8c: {  	s3 =	rddreg [dreg:$0x2];
	[bflag:$0x3] =	sbarrier.arrive $0xFFFF;
	s2 =	simm.s32 @!p0 $0x1C01  }
0x8d: {  	[timem:s3], [sflag:s2] =	dma.local @!p0 [hbm:s0], s1  }
0x8e: {  	s0 =	simm.s32 @!p0 $0x1  }
0x8f: {  	_ =	swait.ge @!p0 [sflag:s0], s1  }
0x90: {  	s1 =	ssub.s32 @!p0 $0x0, s1;
	[sflag:s0] =	ssyncset.done @!p0 $0x0  }
0x91: {  	[sflag:s0] =	ssyncadd.s32 @!p0 s1  }
0x92: {  	[bflag:$0x3] =	sbarrier.arrive $0xFFFF  }
0x93: {  	_ =	shalt  }

// kernel: kernel.30.cloned.1.call-start
scs
__scs_entry_jumppad:
0x0: {  	(pc) =	sbr.rel $0x88, $3  }
0x1: {  	(tag) =	ssettag $0x0;
	lr =	simm.s32 $0x1  }
0x2: {  	[smem:$0x3F7C] =	sst lr;
	_ =	strace $0xD0000000  }
0x3: {  	_ = 	snop  }
0x4: {  	_ = 	snop  }
0x5: {  	_ = 	snop  }
0x6: {  	_ = 	snop  }
0x7: {  	_ = 	snop  }
__scs_overlays_trampoline_lowered:
0x8: {  	[smem:$0x3F8B] =	sst s0  }
0x9: {  	[smem:$0x3F8C] =	sst s1  }
0xa: {  	[smem:$0x3F8D] =	sst s2  }
0xb: {  	[smem:$0x3F8E] =	sst s3  }
0xc: {  	[smem:$0x3F8F] =	sst s4  }
0xd: {  	[smem:$0x3F90] =	sst s5  }
0xe: {  	[smem:$0x3F91] =	sst s6  }
0xf: {  	[smem:$0x3F92] =	sst s7  }
0x10: {  	[smem:$0x3F93] =	sst s8  }
0x11: {  	[smem:$0x3F94] =	sst s9;
	s0 =	simm.s32 @!p0 $0x0  }
0x12: {  	s1 =	sld [smem:$0x3F7A];
	s0 =	simm.s32 @p0 $0x1  }
0x13: {  	[smem:$0x3F95] =	sst s0;
	s0 =	simm.s32 @!p1 $0x0  }
0x14: {  	s2 =	sld [smem:$0x3F79];
	s0 =	simm.s32 @p1 $0x1  }
0x15: {  	[smem:$0x3F96] =	sst s0;
	s0 =	simm.s32 @!p2 $0x0  }
0x16: {  	s3 =	sld [smem:$0x3FDB];
	s0 =	simm.s32 @p2 $0x1  }
0x17: {  	s4 =	simm.s32 $0x1BF5;
	[smem:$0x3F98] =	sst s0  }
0x18: {  	s0 =	sld [smem:$0x3F7B];
	_ =	swait.ge [sflag:s4], $0x0  }
0x19: {  	s7 =	sld [smem:$0x3F7C]  }
0x1a: {  	s8 =	sadd.s32 $0xFFFFE003, lr  }
0x1b: {  	s9 =	sadd.s32 $0xFFFFFEF7, lr;
	s5 =	simm.s32 $0xFFFFFFFF;
	p2 =	slt.u32 s8, $0xFFFFF086  }
0x1c: {  	p1 =	slt.u32 s9, $0xF7A;
	s5 =	simm.s32 @!p2 $0x0  }
0x1d: {  	s5 =	simm.s32 @p1 $0x1;
	p0 =	seq.s32 s7, s2  }
0x1e: {  	s7 =	smul.u32 @!p0 $0xF7A, s2;
	p2 =	seq.s32 @!p0 s5, $0x0  }
0x1f: {  	s9 =	smul.u32 $0xF7A, s1;
	s8 =	simm.s32 @!p0 $0x1BF5;
	p2 =	por !p2, p0  }
0x20: {  	[sflag:s8] =	ssyncset.s32 @!p0 $0xFFFFF086;
	s6 =	sadd.s32 @!p0 s3, s7;
	s7 =	simm.s32 @!p0 $0x108  }
0x21: {  	s3 =	sadd.s32 s3, s9;
	s6 =	sadd.s32 @!p0 $0x88, s6;
	s7 =	simm.s32 @p2 $0x1082  }
0x22: {  	[simem:s7], [sflag:s8] =	dma.local @!p0 [hbm:s6], $0xF7A  }
0x23: {  	s9 =	sor.u32 $0xD0000000, s2;
	s6 =	simm.s32 $0x108;
	_ =	swait.ge @!p0 [sflag:s8], $0x0  }
0x24: {  	s3 =	sadd.s32 $0x88, s3;
	s6 =	simm.s32 @!p1 $0x1082;
	[sflag:s4] =	ssyncset.s32 $0xFFFFF086  }
0x25: {  	[simem:s6], [sflag:s4] =	dma.local [hbm:s3], $0xF7A  }
0x26: {  	[smem:$0x3F7C] =	sst s1;
	(tag) =	ssettag s2;
	_ =	strace s9  }
0x27: {  	s1 =	sld [smem:$0x3F8C]  }
0x28: {  	s2 =	sld [smem:$0x3F8D]  }
0x29: {  	s4 =	sld [smem:$0x3F8F]  }
0x2a: {  	p0 =	seq.s32 s5, $0x0;
	s5 =	sld [smem:$0x3F90]  }
0x2b: {  	s6 =	sld [smem:$0x3F91]  }
0x2c: {  	s7 =	sld [smem:$0x3F92]  }
0x2d: {  	s3 =	simm.s32 $0x108;
	s8 =	sld [smem:$0x3F93]  }
0x2e: {  	s3 =	simm.s32 @!p0 $0x1082;
	s9 =	sld [smem:$0x3F94]  }
0x2f: {  	lr =	sadd.s32 s0, s3;
	s0 =	sld [smem:$0x3F8B]  }
0x30: {  	s3 =	sld [smem:$0x3F8E]  }
0x31: {  	[smem:$0x3F97] =	sst s10  }
0x32: {  	s10 =	sld [smem:$0x3F95];
	_ =	sdelay $0x3  }
0x33: {  	p0 =	seq.s32 s10, $0x1;
	s10 =	sld [smem:$0x3F97];
	_ =	sdelay $0x3  }
0x34: {  	[smem:$0x3F97] =	sst s10  }
0x35: {  	s10 =	sld [smem:$0x3F96];
	_ =	sdelay $0x3  }
0x36: {  	p1 =	seq.s32 s10, $0x1;
	s10 =	sld [smem:$0x3F97];
	_ =	sdelay $0x3  }
0x37: {  	[smem:$0x3F97] =	sst s10  }
0x38: {  	s10 =	sld [smem:$0x3F98]  }
0x39: {  	_ = 	snop;
	(pc) =	sbr.ind lr, $3  }
0x3a: {  	_ = 	snop  }
0x3b: {  	_ = 	snop  }
0x3c: {  	p2 =	seq.s32 s10, $0x1;
	s10 =	sld [smem:$0x3F97]  }
0x3d: {  	_ =	shalt  }
0x3e: {  	_ =	shalt  }
0x3f: {  	_ =	shalt  }
0x40: {  	_ =	shalt  }
0x41: {  	_ =	shalt  }
0x42: {  	_ =	shalt  }
0x43: {  	_ =	shalt  }
0x44: {  	_ =	shalt  }
0x45: {  	_ =	shalt  }
0x46: {  	_ =	shalt  }
0x47: {  	_ =	shalt  }
0x48: {  	_ =	shalt  }
0x49: {  	_ =	shalt  }
0x4a: {  	_ =	shalt  }
0x4b: {  	_ =	shalt  }
0x4c: {  	_ =	shalt  }
0x4d: {  	_ =	shalt  }
0x4e: {  	_ =	shalt  }
0x4f: {  	_ =	shalt  }
0x50: {  	_ =	shalt  }
0x51: {  	_ =	shalt  }
0x52: {  	_ =	shalt  }
0x53: {  	_ =	shalt  }
0x54: {  	_ =	shalt  }
0x55: {  	_ =	shalt  }
0x56: {  	_ =	shalt  }
0x57: {  	_ =	shalt  }
0x58: {  	_ =	shalt  }
0x59: {  	_ =	shalt  }
0x5a: {  	_ =	shalt  }
0x5b: {  	_ =	shalt  }
0x5c: {  	_ =	shalt  }
0x5d: {  	_ =	shalt  }
0x5e: {  	_ =	shalt  }
0x5f: {  	_ =	shalt  }
0x60: {  	_ =	shalt  }
0x61: {  	_ =	shalt  }
0x62: {  	_ =	shalt  }
0x63: {  	_ =	shalt  }
0x64: {  	_ =	shalt  }
0x65: {  	_ =	shalt  }
0x66: {  	_ =	shalt  }
0x67: {  	_ =	shalt  }
0x68: {  	_ =	shalt  }
0x69: {  	_ =	shalt  }
0x6a: {  	_ =	shalt  }
0x6b: {  	_ =	shalt  }
0x6c: {  	_ =	shalt  }
0x6d: {  	_ =	shalt  }
0x6e: {  	_ =	shalt  }
0x6f: {  	_ =	shalt  }
0x70: {  	_ =	shalt  }
0x71: {  	_ =	shalt  }
0x72: {  	_ =	shalt  }
0x73: {  	_ =	shalt  }
0x74: {  	_ =	shalt  }
0x75: {  	_ =	shalt  }
0x76: {  	_ =	shalt  }
0x77: {  	_ =	shalt  }
0x78: {  	_ =	shalt  }
0x79: {  	_ =	shalt  }
0x7a: {  	_ =	shalt  }
0x7b: {  	_ =	shalt  }
0x7c: {  	_ =	shalt  }
0x7d: {  	_ =	shalt  }
0x7e: {  	_ =	shalt  }
0x7f: {  	_ =	shalt  }
0x80: {  	_ =	shalt  }
0x81: {  	_ =	shalt  }
0x82: {  	_ =	shalt  }
0x83: {  	_ =	shalt  }
0x84: {  	_ =	shalt  }
0x85: {  	_ =	shalt  }
0x86: {  	_ =	shalt  }
0x87: {  	_ =	shalt  }
.Lfunc_end0:
.L_simem_size_0:
called_computation.5_lowered:
.L_overlay_start_0:
0x88: {  	s2 =	sld [smem:$0x3FD9]  }
0x89: {  	s3 =	sld [smem:$0x3FFE];
	_ =	sdelay $0x1  }
0x8a: {  	s1 =	srdreg.scid  }
0x8b: {  	s0 =	sand.u32 $0x1, s1  }
0x8c: {  	s16 =	sshll.u32 s0, $0xA;
	s2 =	sadd.s32 s3, s2  }
0x8d: {  	s2 =	sadd.s32 s2, s16  }
0x8e: {  	[smem:$0x3FA3] =	sst s2  }
0x8f: {  	_ = 	snop  }
0x90: {  	(tm) =	ssettm $0x1  }
0x91: {  	s17 =	sld [smem:$0x3FFB];
	_ =	sdelay $0x3  }
0x92: {  	_ =	strace s17  }
0x93: {  	s2 =	sld [smem:$0x3FFC];
	_ =	sdelay $0x3  }
0x94: {  	_ =	strace s2  }
0x95: {  	s2 =	sld [smem:$0x3FFD];
	_ =	sdelay $0x3  }
0x96: {  	_ =	strace s2  }
0x97: {  	_ =	strace $0x8FFFFFFF  }
0x98: {  	s18 =	sld [smem:$0x3FDB];
	_ =	sdelay $0x1  }
0x99: {  	s19 =	simm.s32 $_scs_section_size  }
0x9a: {  	s4 =	simm.s32 $_size__tile_overlayer_lowered;
	s5 =	simm.s32 $_tile_overlayer_lowered  }
0x9b: {  	s22 =	simm.s32 $0x1BFF;
	s21 =	sshll.u32 s5, $0x1;
	s2 =	sadd.s32 s19, s18  }
0x9c: {  	s6 =	simm.s32 $0x0;
	s20 =	sshll.u32 s4, $0x1;
	s4 =	sadd.s32 s21, s2  }
0x9d: {  	[timem:s6], [sflag:s22] =	dma.local [hbm:s4], s20  }
0x9e: {  	_ =	swait.ge [sflag:s22], s20  }
0x9f: {  	s3 =	ssub.s32 $0x0, s20;
	[sflag:s22] =	ssyncset.done $0x0  }
0xa0: {  	[sflag:s22] =	ssyncadd.s32 s3;
	_ =	sdelay $0x1  }
0xa1: {  	s23 =	simm.s32 $0x1B8B  }
0xa2: {  	_ =	swait.ge [sflag:s23], $0x1  }
0xa3: {  	[sflag:s23] =	ssyncset.done $0x0  }
0xa4: {  	s25 =	simm.s32 $0x1B8E;
	s24 =	sld [smem:$0x3FFE];
	[sflag:s23] =	ssyncadd.s32 $0xFFFFFFFF  }
0xa5: {  	s26 =	simm.s32 $execute0_lowered;
	[smem:$0x3FD2] =	sst s25  }
0xa6: {  	s4 =	sshll.u32 s26, $0x1;
	_ =	strace $0x80000055;
	[dreg:$0x1] =	wrdreg $0xFFFFFFFF  }
0xa7: {  	s28 =	simm.s32 $_size_execute0_lowered;
	s2 =	sadd.s32 s2, s4;
	[dreg:$0x0] =	wrdreg $0x0  }
0xa8: {  	s4 =	sshll.u32 s28, $0x1;
	[dreg:$0x2] =	wrdreg s2  }
0xa9: {  	[dreg:$0x3] =	wrdreg s4  }
0xaa: {  	[dreg:$0x4] =	wrdreg $0xC0  }
0xab: {  	_ =	task [dreg:s6], $0x5FFFF  }
0xac: {  	[dreg:$0x1] =	wrdreg $0xFFFFFFFF  }
0xad: {  	[dreg:$0x0] =	wrdreg $0x60  }
0xae: {  	[dreg:$0x2] =	wrdreg s24  }
0xaf: {  	[dreg:$0x3] =	wrdreg $0x9  }
0xb0: {  	_ =	task.clear_ibuf [dreg:s6], $0x4FFFF;
	_ =	strace $0x90000055  }
0xb1: {  	s29 =	simm.s32 $0x9;
	_ =	strace $0x80000057  }
0xb2: {  	_ =	swait.ge [sflag:s29], $0x1  }
0xb3: {  	[sflag:s29] =	ssyncadd.s32 $0xFFFFFFFF  }
0xb4: {  	_ =	strace $0x90000057  }
0xb5: {  	_ =	sfence  }
0xb6: {  	s30 =	sld [smem:$0x0];
	_ =	sdelay $0x2  }
0xb7: {  	s31 =	sshll.u32 s1, $0xD;
	s1 =	sshrl.u32 s1, $0x2  }
0xb8: {  	s3 =	sand.u32 $0x4000, s31;
	s1 =	sadd.s32 s1, s30  }
0xb9: {  	s0 =	sor.u32 s3, s0;
	s1 =	sshll.u32 s1, $0x11  }
0xba: {  	s0 =	sor.u32 s1, s0  }
0xbb: {  	s0 =	sadd.s32 $0x8F2B, s0  }
0xbc: {  	[sflag:s0] =	ssyncadd.remote.s32 $0x1  }
0xbd: {  	_ =	sfence.sel $0xFFFF  }
0xbe: {  	[dreg:$0x0] =	wrdreg $0xFFFFFFFF;
	(pc) =	sbr.abs _section_cstart, $3  }
0xbf: {  	[dreg:$0x1] =	wrdreg $0xFFFFFFFF  }
0xc0: {  	_ =	task.clear_ibuf [dreg:s6], $0x2FFFF;
	_ =	strace $0x9FFFFFFF  }
0xc1: {  	(tm) =	ssettm $0x7FFFFFFF  }
tec
execute0_lowered:
.L_overlay_start_1:
0x0: {  	(tag) =	ssettag $0x1  }
0x1: {  	s6 =	rddreg [dreg:$0x0]  }
0x2: {  	s0 =	rddreg [dreg:$0x1];
	s1 =	simm.s32 $0x0;
	s4 =	srdreg.scid  }
0x3: {  	s2 =	stileid.u32;
	s16 =	simm.s32 $0x880;
	s17 =	simm.s32 $0x50  }
0x4: {  	s18 =	simm.s32 $0x8D0;
	s19 =	simm.s32 $0x0;
	s9 =	smul.u32 $0xC350, s2  }
0x5: {  	[smem:$0x7FF] =	sst s1;
	s3 =	sadd.s32 $0x39000, s6;
	s29 =	smul.u32 $0xC3500, s2  }
0x6: {  	s8 =	sand.u32 $0x1, s4;
	s4 =	sadd.s32 $0x20800, s6;
	s13 =	smul.u32 $0x186A0, s2  }
0x7: {  	s5 =	sadd.s32 $0x8000, s6;
	s12 =	sadd.s32 $0x51800, s6;
	s14 =	smul.u32 $0x186A, s2  }
0x8: {  	_ =	strace $0x80000056;
	s7 =	ssub.s32 $0x2, s8;
	s11 =	smul.u32 $0xC3500, s8  }
0x9: {  	p0 =	seq.s32 s8, $0x1;
	s15 =	smul.u32 $0x186A00, s8;
	s10 =	sshrl.u32 s7, $0x1  }
0xa: {  	s30 =	sshrl.u32 s9, $0x3;
	s10 =	ssub.s32 s7, s10;
	s11 =	sadd.s32 s9, s11  }
.Ltmp0:
0xb: {  	s7 =	sshrl.u32 s29, $0x3;
	s31 =	sshll.u32 s11, $0x1;
	(pc) =	sbr.rel .LBB2_1-.Ltmp0, $4  }
0xc: {  	s6 =	sadd.s32 $0x1860, s30;
	s7 =	sadd.s32 s12, s7;
	s9 =	sadd.s32 s31, s12  }
0xd: {  	s11 =	sadd.s32 s14, s4;
	s7 =	sadd.s32 $0x18600, s7;
	s8 =	sadd.s32 $0x18600, s9  }
0xe: {  	s9 =	smax.u32 s10, $0x1;
	s10 =	sadd.s32 s13, s12;
	s12 =	sadd.s32 s14, s5  }
0xf: {  	s14 =	simm.s32 $0x1;
	s13 =	sadd.s32 s15, s10;
	s15 =	simm.s32 $0x80  }
.LBB2_7:
0x10: {  	s21 =	sadd.s32 s21, s12;
	[sflag:s14] =	ssyncadd.s32 $0xFFFFF800  }
0x11: {  	[tilespmem:s1], [sflag:$0x1] =	stream.linear.gather [hbm4b:s21+s1], $0x80, $0x38;
	[tilespmem:$0xDD0] =	vst v63  }
0x12: {  	_ =	swait.ge [sflag:s14], $0x80  }
0x13: {  	[sflag:s14] =	ssyncset.done $0x0  }
0x14: {  	[sflag:s14] =	ssyncadd.s32 $0xFFFFFF80  }
0x15: {  	[tilespmem:s15], [sflag:$0x1] =	stream.indirect.gather [hbm4b:s3+s15], $0x10, s1, s15, $0xb8;
	[tilespmem:$0xDD0] =	vst v63  }
0x16: {  	_ =	swait.ge [sflag:s14], $0x800  }
0x17: {  	[sflag:s14] =	ssyncset.done $0x0  }
0x18: {  	[sflag:s14] =	ssyncadd.s32 $0xFFFFF800  }
0x19: {  	[hbm4b:s20+s1] =	stream.linear.scatter [tilespmem:s15], [sflag:$0x1], $0x800, $0x38;
	[tilespmem:$0xDD0] =	vst v63  }
0x1a: {  	_ =	swait.ge [sflag:s14], $0x800  }
0x1b: {  	[sflag:s14] =	ssyncset.done $0x0  }
0x1c: {  	s21 =	smov.u32 s5;
	s20 =	smov.u32 s8;
	[sflag:s14] =	ssyncadd.s32 $0xFFFFF800  }
.LBB2_8:
0x1d: {  	s21 =	sadd.s32 s21, s6  }
0x1e: {  	[tilespmem:s16], [sflag:$0x1] =	stream.linear.gather [hbm4b:s21+s1], $0x50, $0x38;
	[tilespmem:$0xDD0] =	vst v63  }
0x1f: {  	_ =	swait.ge [sflag:s14], $0x50  }
0x20: {  	[sflag:s14] =	ssyncset.done $0x0  }
0x21: {  	[sflag:s14] =	ssyncadd.s32 $0xFFFFFFB0  }
0x22: {  	[tilespmem:s18], [sflag:$0x1] =	stream.indirect.gather [hbm4b:s3+s17], $0x10, s16, s17, $0xb8;
	[tilespmem:$0xDD0] =	vst v63  }
0x23: {  	s19 =	sadd.s32 $0x1, s19;
	_ =	swait.ge [sflag:s14], $0x500  }
0x24: {  	p1 =	sne.s32 s19, s9;
	[sflag:s14] =	ssyncset.done $0x0  }
.Ltmp1:
0x25: {  	[sflag:s14] =	ssyncadd.s32 $0xFFFFFB00;
	(pc) =	sbr.rel @!p1 .LBB2_9-.Ltmp1, $4  }
0x26: {  	[hbm4b:s20+s1] =	stream.linear.scatter [tilespmem:s18], [sflag:$0x1], $0x500, $0x38;
	[tilespmem:$0xDD0] =	vst v63  }
0x27: {  	_ =	swait.ge [sflag:s14], $0x500  }
0x28: {  	[sflag:s14] =	ssyncset.done $0x0  }
0x29: {  	[sflag:s14] =	ssyncadd.s32 $0xFFFFFB00  }
.LBB2_1:
.Ltmp2:
0x2a: {  	(pc) =	sbr.rel @!p0 .LBB2_2-.Ltmp2, $1  }
0x2b: {  	_ =	sdelay $0x3  }
0x2c: {  	s20 =	sadd.s32 $0x0, s12  }
0x2d: {  	[tilespmem:s1], [sflag:$0x1] =	stream.linear.gather [hbm4b:s20+s1], $0x80, $0x38;
	[tilespmem:$0xDD0] =	vst v63  }
0x2e: {  	_ =	swait.ge [sflag:s14], $0x80  }
0x2f: {  	[sflag:s14] =	ssyncset.done $0x0  }
0x30: {  	[sflag:s14] =	ssyncadd.s32 $0xFFFFFF80  }
0x31: {  	[tilespmem:s15], [sflag:$0x1] =	stream.indirect.gather [hbm4b:s3+s15], $0x10, s1, s15, $0xb8;
	[tilespmem:$0xDD0] =	vst v63  }
0x32: {  	_ =	swait.ge [sflag:s14], $0x800  }
0x33: {  	[sflag:s14] =	ssyncset.done $0x0  }
0x34: {  	[sflag:s14] =	ssyncadd.s32 $0xFFFFF800  }
0x35: {  	[hbm4b:s13+s1] =	stream.linear.scatter [tilespmem:s15], [sflag:$0x1], $0x800, $0x38;
	[tilespmem:$0xDD0] =	vst v63  }
0x36: {  	s21 =	simm.s32 $0x10;
	_ =	swait.ge [sflag:s14], $0x800  }
0x37: {  	s22 =	simm.s32 $0x20;
	s20 =	sadd.s32 $0x100, s13;
	[sflag:s14] =	ssyncset.done $0x0  }
.LBB2_6:
0x38: {  	s23 =	sadd.s32 s21, s12  }
0x39: {  	[sflag:s14] =	ssyncadd.s32 $0xFFFFF800;
	s21 =	smov.u32 s22;
	s24 =	sadd.s32 $0x10, s22  }
0x3a: {  	[tilespmem:s1], [sflag:$0x1] =	stream.linear.gather [hbm4b:s23+s1], $0x80, $0x38;
	[tilespmem:$0xDD0] =	vst v63  }
0x3b: {  	p1 =	sne.s32 s22, $0x1850;
	_ =	swait.ge [sflag:s14], $0x80  }
0x3c: {  	[sflag:s14] =	ssyncset.done $0x0  }
0x3d: {  	[sflag:s14] =	ssyncadd.s32 $0xFFFFFF80  }
0x3e: {  	[tilespmem:s15], [sflag:$0x1] =	stream.indirect.gather [hbm4b:s3+s15], $0x10, s1, s15, $0xb8;
	[tilespmem:$0xDD0] =	vst v63  }
0x3f: {  	_ =	swait.ge [sflag:s14], $0x800  }
.Ltmp3:
0x40: {  	[sflag:s14] =	ssyncset.done $0x0;
	(pc) =	sbr.rel @p1 .LBB2_6-.Ltmp3, $4  }
0x41: {  	[sflag:s14] =	ssyncadd.s32 $0xFFFFF800  }
0x42: {  	[hbm4b:s20+s1] =	stream.linear.scatter [tilespmem:s15], [sflag:$0x1], $0x800, $0x38;
	[tilespmem:$0xDD0] =	vst v63  }
0x43: {  	_ =	swait.ge [sflag:s14], $0x800  }
0x44: {  	s22 =	smov.u32 s24;
	s20 =	sadd.s32 $0x100, s20;
	[sflag:s14] =	ssyncset.done $0x0  }
.Ltmp4:
0x45: {  	_ = 	snop;
	(pc) =	sbr.rel .LBB2_7-.Ltmp4, $1  }
0x46: {  	_ =	sdelay $0x3  }
.LBB2_2:
0x47: {  	s20 =	sadd.s32 $0x0, s11  }
0x48: {  	[tilespmem:s1], [sflag:$0x1] =	stream.linear.gather [hbm4b:s20+s1], $0x80, $0x38;
	[tilespmem:$0xDD0] =	vst v63  }
0x49: {  	_ =	swait.ge [sflag:s14], $0x80  }
0x4a: {  	[sflag:s14] =	ssyncset.done $0x0  }
0x4b: {  	[sflag:s14] =	ssyncadd.s32 $0xFFFFFF80  }
0x4c: {  	[tilespmem:s15], [sflag:$0x1] =	stream.indirect.gather [hbm4b:s3+s15], $0x10, s1, s15, $0xb8;
	[tilespmem:$0xDD0] =	vst v63  }
0x4d: {  	_ =	swait.ge [sflag:s14], $0x800  }
0x4e: {  	[sflag:s14] =	ssyncset.done $0x0  }
0x4f: {  	[sflag:s14] =	ssyncadd.s32 $0xFFFFF800  }
0x50: {  	[hbm4b:s10+s1] =	stream.linear.scatter [tilespmem:s15], [sflag:$0x1], $0x800, $0x38;
	[tilespmem:$0xDD0] =	vst v63  }
0x51: {  	s21 =	simm.s32 $0x10;
	_ =	swait.ge [sflag:s14], $0x800  }
0x52: {  	s22 =	simm.s32 $0x20;
	s20 =	sadd.s32 $0x100, s10;
	[sflag:s14] =	ssyncset.done $0x0  }
.LBB2_3:
0x53: {  	s23 =	sadd.s32 s21, s11  }
0x54: {  	[sflag:s14] =	ssyncadd.s32 $0xFFFFF800;
	s21 =	smov.u32 s22;
	s24 =	sadd.s32 $0x10, s22  }
0x55: {  	[tilespmem:s1], [sflag:$0x1] =	stream.linear.gather [hbm4b:s23+s1], $0x80, $0x38;
	[tilespmem:$0xDD0] =	vst v63  }
0x56: {  	p1 =	seq.s32 s22, $0x1850;
	_ =	swait.ge [sflag:s14], $0x80  }
0x57: {  	[sflag:s14] =	ssyncset.done $0x0  }
0x58: {  	[sflag:s14] =	ssyncadd.s32 $0xFFFFFF80  }
0x59: {  	[tilespmem:s15], [sflag:$0x1] =	stream.indirect.gather [hbm4b:s3+s15], $0x10, s1, s15, $0xb8;
	[tilespmem:$0xDD0] =	vst v63  }
0x5a: {  	_ =	swait.ge [sflag:s14], $0x800  }
.Ltmp5:
0x5b: {  	[sflag:s14] =	ssyncset.done $0x0;
	(pc) =	sbr.rel @!p1 .LBB2_3-.Ltmp5, $4  }
0x5c: {  	[sflag:s14] =	ssyncadd.s32 $0xFFFFF800  }
0x5d: {  	[hbm4b:s20+s1] =	stream.linear.scatter [tilespmem:s15], [sflag:$0x1], $0x800, $0x38;
	[tilespmem:$0xDD0] =	vst v63  }
0x5e: {  	_ =	swait.ge [sflag:s14], $0x800  }
0x5f: {  	s22 =	smov.u32 s24;
	s20 =	sadd.s32 $0x100, s20;
	[sflag:s14] =	ssyncset.done $0x0  }
0x60: {  	s21 =	sadd.s32 s21, s11;
	[sflag:s14] =	ssyncadd.s32 $0xFFFFF800  }
0x61: {  	[tilespmem:s1], [sflag:$0x1] =	stream.linear.gather [hbm4b:s21+s1], $0x80, $0x38;
	[tilespmem:$0xDD0] =	vst v63  }
0x62: {  	_ =	swait.ge [sflag:s14], $0x80  }
0x63: {  	[sflag:s14] =	ssyncset.done $0x0  }
0x64: {  	[sflag:s14] =	ssyncadd.s32 $0xFFFFFF80  }
0x65: {  	[tilespmem:s15], [sflag:$0x1] =	stream.indirect.gather [hbm4b:s3+s15], $0x10, s1, s15, $0xb8;
	[tilespmem:$0xDD0] =	vst v63  }
0x66: {  	_ =	swait.ge [sflag:s14], $0x800  }
0x67: {  	[sflag:s14] =	ssyncset.done $0x0  }
.Ltmp6:
0x68: {  	[sflag:s14] =	ssyncadd.s32 $0xFFFFF800;
	(pc) =	sbr.rel .LBB2_8-.Ltmp6, $4  }
0x69: {  	[hbm4b:s20+s1] =	stream.linear.scatter [tilespmem:s15], [sflag:$0x1], $0x800, $0x38;
	[tilespmem:$0xDD0] =	vst v63  }
0x6a: {  	_ =	swait.ge [sflag:s14], $0x800  }
0x6b: {  	[sflag:s14] =	ssyncset.done $0x0  }
0x6c: {  	s21 =	smov.u32 s4;
	s20 =	smov.u32 s7;
	[sflag:s14] =	ssyncadd.s32 $0xFFFFF800  }
.LBB2_9:
0x6d: {  	_ =	sfence.sel $0x180000  }
0x6e: {  	[bflag:$0x0] =	sbarrier.arrive $0xFFFF  }
0x6f: {  	p0 =	sne.s32 s2, $0x0;
	_ =	strace $0x90000056  }
0x70: {  	s0 =	sadd.s32 @!p0 $0x100000, s0;
	[bflag:$0x2] =	sbarrier.arrive $0xFFFF  }
0x71: {  	[sflag:s0] =	ssyncadd.tile.s32 @!p0 $0x1;
	_ =	shalt  }
.Lfunc_end2:
_tile_overlayer_lowered:
.L_overlay_start_2:
0x72: {  	(tag) =	ssettag $0x2  }
0x73: {  	s0 =	rddreg [dreg:$0x0];
	s2 =	stileid.u32  }
0x74: {  	s1 =	rddreg [dreg:$0x1];
	p0 =	sne.s32 s2, $0x0  }
0x75: {  	s3 =	rddreg [dreg:$0x2];
	[bflag:$0x3] =	sbarrier.arrive $0xFFFF;
	s2 =	simm.s32 @!p0 $0x1C01  }
0x76: {  	[timem:s3], [sflag:s2] =	dma.local @!p0 [hbm:s0], s1  }
0x77: {  	s0 =	simm.s32 @!p0 $0x1  }
0x78: {  	_ =	swait.ge @!p0 [sflag:s0], s1  }
0x79: {  	s1 =	ssub.s32 @!p0 $0x0, s1;
	[sflag:s0] =	ssyncset.done @!p0 $0x0  }
0x7a: {  	[sflag:s0] =	ssyncadd.s32 @!p0 s1  }
0x7b: {  	[bflag:$0x3] =	sbarrier.arrive $0xFFFF  }
0x7c: {  	_ =	shalt  }

</sc_bundles>
